<compile_context>
chip_gen: v7x
topology: tpu7x:2x2x1
jax: 0.10.2.dev20260603
libtpu: 0.0.44.dev20260713+nightly
codegen_flags: <defaults>
</compile_context>

<pallas_src>
import dataclasses
import functools

import jax
import jax.numpy as jnp
from jax import lax
from jax.experimental import pallas as pl
from jax.experimental.pallas import tpu as pltpu
from jax.experimental.pallas import tpu_sc as plsc

F32 = jnp.float32

N = 10000
V = 320000
BV = 2560

NC = 2
NS = 16
W = NC * NS
SPW = 320
NPAD = W * SPW
CSR_PAD = NPAD + 16
CH = 64
NCH = V // CH
KFB = 64 * CH
XMB = 128 * CH



def _k_y1(xp_ref, w_ref, b_ref, y1_ref, st_ref):
    i = pl.program_id(0)
    y = jnp.dot(xp_ref[...], w_ref[...], preferred_element_type=F32) + b_ref[...]
    y1_ref[...] = y

    @pl.when(i == 0)
    def _():
        st_ref[...] = jnp.zeros_like(st_ref)

    s = jnp.sum(y, axis=0, keepdims=True)
    sq = jnp.sum(y * y, axis=0, keepdims=True)
    pad = jnp.zeros((6, s.shape[1]), F32)
    st_ref[...] = st_ref[...] + jnp.concatenate([s, sq, pad], axis=0)


def _bn_affine(st_ref, g_ref, b_ref):
    inv_v = F32(1.0 / V)
    mean = st_ref[0:1, :] * inv_v
    var = st_ref[1:2, :] * inv_v - mean * mean
    a = g_ref[...] * lax.rsqrt(var + 1e-5)
    c = b_ref[...] - mean * a
    return a, c


def _k_y2(y1_ref, st1_ref, g1_ref, bb1_ref, w_ref, b_ref, y2_ref, st_ref):
    i = pl.program_id(0)
    a, c = _bn_affine(st1_ref, g1_ref, bb1_ref)
    h = jnp.maximum(y1_ref[...] * a + c, 0.0)
    y2 = jnp.dot(h, w_ref[...], preferred_element_type=F32) + b_ref[...]
    y2_ref[...] = y2

    @pl.when(i == 0)
    def _():
        st_ref[...] = jnp.zeros_like(st_ref)

    s = jnp.sum(y2, axis=0, keepdims=True)
    sq = jnp.sum(y2 * y2, axis=0, keepdims=True)
    pad = jnp.zeros((6, s.shape[1]), F32)
    st_ref[...] = st_ref[...] + jnp.concatenate([s, sq, pad], axis=0)


def _k_kf(y2_ref, st2_ref, g2_ref, bb2_ref, xm_ref, wh_ref, wm_ref, kb_ref,
          kf_ref):
    a, c = _bn_affine(st2_ref, g2_ref, bb2_ref)
    h2 = jnp.maximum(y2_ref[...] * a + c, 0.0)
    kf = jnp.dot(h2, wh_ref[...], preferred_element_type=F32)
    kf = kf + jnp.dot(xm_ref[...], wm_ref[...], preferred_element_type=F32)
    kf = kf + kb_ref[...]
    kf_ref[...] = kf.reshape(BV // CH, CH, 64).transpose(0, 2, 1)


def _k_q(xmain_ref, w_ref, b_ref, q_ref):
    q_ref[...] = (jnp.dot(xmain_ref[...], w_ref[...],
                          preferred_element_type=F32) + b_ref[...])


def _dense_stage(x_main, x_mod, x_proj, Q_w, Q_b, p1_w, p1_b, bn1_g, bn1_b,
                 p2_w, p2_b, bn2_g, bn2_b, K_w, K_b):
    grid = (V // BV,)
    row = lambda i: (i, 0)
    const = lambda i: (0, 0)

    y1, st1 = pl.pallas_call(
        _k_y1,
        grid=grid,
        in_specs=[
            pl.BlockSpec((BV, 128), row),
            pl.BlockSpec((128, 128), const),
            pl.BlockSpec((1, 128), const),
        ],
        out_specs=[
            pl.BlockSpec((BV, 128), row),
            pl.BlockSpec((8, 128), const),
        ],
        out_shape=[
            jax.ShapeDtypeStruct((V, 128), F32),
            jax.ShapeDtypeStruct((8, 128), F32),
        ],
    )(x_proj, p1_w.T, p1_b.reshape(1, 128))

    y2, st2 = pl.pallas_call(
        _k_y2,
        grid=grid,
        in_specs=[
            pl.BlockSpec((BV, 128), row),
            pl.BlockSpec((8, 128), const),
            pl.BlockSpec((1, 128), const),
            pl.BlockSpec((1, 128), const),
            pl.BlockSpec((128, 64), const),
            pl.BlockSpec((1, 64), const),
        ],
        out_specs=[
            pl.BlockSpec((BV, 64), row),
            pl.BlockSpec((8, 64), const),
        ],
        out_shape=[
            jax.ShapeDtypeStruct((V, 64), F32),
            jax.ShapeDtypeStruct((8, 64), F32),
        ],
    )(y1, st1, bn1_g.reshape(1, 128), bn1_b.reshape(1, 128), p2_w.T,
      p2_b.reshape(1, 64))

    kf = pl.pallas_call(
        _k_kf,
        grid=grid,
        in_specs=[
            pl.BlockSpec((BV, 64), row),
            pl.BlockSpec((8, 64), const),
            pl.BlockSpec((1, 64), const),
            pl.BlockSpec((1, 64), const),
            pl.BlockSpec((BV, 128), row),
            pl.BlockSpec((64, 64), const),
            pl.BlockSpec((128, 64), const),
            pl.BlockSpec((1, 64), const),
        ],
        out_specs=pl.BlockSpec((BV // CH, 64, CH), lambda i: (i, 0, 0)),
        out_shape=jax.ShapeDtypeStruct((NCH, 64, CH), F32),
    )(y2, st2, bn2_g.reshape(1, 64), bn2_b.reshape(1, 64), x_mod,
      K_w[:, :64].T, K_w[:, 64:].T, K_b.reshape(1, 64))

    q = pl.pallas_call(
        _k_q,
        grid=(1,),
        in_specs=[
            pl.BlockSpec((N, 128), const),
            pl.BlockSpec((128, 64), const),
            pl.BlockSpec((1, 64), const),
        ],
        out_specs=pl.BlockSpec((N, 64), const),
        out_shape=jax.ShapeDtypeStruct((N, 64), F32),
    )(x_main, Q_w.T, Q_b.reshape(1, 64))

    return kf, q



def _sc_body(kft_hbm, xm_hbm, q_hbm, csr_hbm, invs_hbm, out_hbm,
             csr_v, invs_v, q_v, qs_v, kf_b, xm_b, out_v, m_v, s_v, mx_v, e_v,
             sem_kf0, sem_kf1, sem_xm0, sem_xm1):
    wid = lax.axis_index("s") * NC + lax.axis_index("c")
    n0 = wid * SPW
    pltpu.sync_copy(csr_hbm.at[pl.ds(n0, SPW + 16)], csr_v)
    pltpu.sync_copy(invs_hbm.at[pl.ds(n0, SPW + 16)], invs_v)
    pltpu.sync_copy(q_hbm.at[pl.ds(n0 * 64, SPW * 64)], q_v)

    zeros16 = jnp.zeros((16,), F32)
    ones16 = jnp.ones((16,), F32)
    NEG = F32(-3.4e38)
    negv = jnp.full((16,), NEG)
    iota16 = jnp.arange(16, dtype=jnp.int32)

    def zo(i, carry):
        out_v[pl.ds(i * 16, 16)] = zeros16
        return carry

    lax.fori_loop(0, SPW * 8, zo, 0)

    m_v[...] = negv
    s_v[...] = zeros16
    for k in range(8):
        mx_v[pl.ds(16 * k, 16)] = negv

    lo_w = csr_v[pl.ds(0, 16)][0]
    hi_w = csr_v[pl.ds(SPW, 16)][0]
    c_lo = lo_w // CH
    c_hi = (hi_w - 1) // CH
    nch = jnp.maximum(c_hi - c_lo + 1, 0)

    def _issue(c, half):
        @pl.when(half == 0)
        def _():
            pltpu.async_copy(kft_hbm.at[pl.ds(c * KFB, KFB)],
                             kf_b.at[pl.ds(0, KFB)], sem_kf0)
            pltpu.async_copy(xm_hbm.at[pl.ds(c * XMB, XMB)],
                             xm_b.at[pl.ds(0, XMB)], sem_xm0)

        @pl.when(half == 1)
        def _():
            pltpu.async_copy(kft_hbm.at[pl.ds(c * KFB, KFB)],
                             kf_b.at[pl.ds(KFB, KFB)], sem_kf1)
            pltpu.async_copy(xm_hbm.at[pl.ds(c * XMB, XMB)],
                             xm_b.at[pl.ds(XMB, XMB)], sem_xm1)

    def _wait(half):
        @pl.when(half == 0)
        def _():
            pltpu.make_async_copy(kft_hbm.at[pl.ds(0, KFB)],
                                  kf_b.at[pl.ds(0, KFB)], sem_kf0).wait()
            pltpu.make_async_copy(xm_hbm.at[pl.ds(0, XMB)],
                                  xm_b.at[pl.ds(0, XMB)], sem_xm0).wait()

        @pl.when(half == 1)
        def _():
            pltpu.make_async_copy(kft_hbm.at[pl.ds(0, KFB)],
                                  kf_b.at[pl.ds(KFB, KFB)], sem_kf1).wait()
            pltpu.make_async_copy(xm_hbm.at[pl.ds(0, XMB)],
                                  xm_b.at[pl.ds(XMB, XMB)], sem_xm1).wait()

    @pl.when(nch > 0)
    def _():
        _issue(c_lo, 0)

    def chunk_body(c_rel, jseg):
        half = lax.rem(c_rel, 2)
        _wait(half)

        @pl.when(c_rel + 1 < nch)
        def _():
            _issue(c_lo + c_rel + 1, 1 - half)

        cbase = (c_lo + c_rel) * CH
        cend = cbase + CH
        kfo = half * KFB
        xmo = half * XMB

        def piece_cond(st):
            j, done = st
            return ((done == 0) & (j < SPW)
                    & (csr_v[pl.ds(j, 16)][0] < cend))

        def piece_body(st):
            j, done = st
            csr2 = csr_v[pl.ds(j, 16)]
            lo_s = csr2[0]
            hi_s = csr2[1]
            a = jnp.maximum(lo_s, cbase) - cbase
            b = jnp.minimum(hi_s, cend) - cbase
            iv16 = jnp.full((16,), invs_v[pl.ds(j, 16)][0])

            @pl.when(b > a)
            def _():
                for k4 in range(4):
                    q16 = q_v[pl.ds(j * 64 + 16 * k4, 16)]
                    for l in range(16):
                        qs_v[pl.ds((k4 * 16 + l) * 16, 16)] = (
                            jnp.full((16,), q16[l]))
                a16 = jnp.full((16,), a)
                b16 = jnp.full((16,), b)

                def grp_body(g, carry):
                    col = g * 16
                    col16 = iota16 + col
                    mask = (col16 >= a16) & (col16 < b16)
                    acc = [zeros16, zeros16, zeros16, zeros16]
                    for k in range(64):
                        acc[k % 4] = acc[k % 4] + (
                            kf_b[pl.ds(kfo + k * CH + col, 16)]
                            * qs_v[pl.ds(k * 16, 16)])
                    accs = (acc[0] + acc[1]) + (acc[2] + acc[3])
                    macc = jnp.where(mask, accs, negv)
                    gmx = jnp.full((16,), jnp.max(macc))
                    m16 = m_v[...]
                    mn = jnp.maximum(m16, gmx)
                    rho = jnp.exp((m16 - mn) * iv16)
                    rho = jnp.where(m16 < F32(-1e38), ones16, rho)
                    e16 = jnp.where(mask, jnp.exp((accs - mn) * iv16),
                                    zeros16)
                    s_v[...] = s_v[...] * rho + jnp.full((16,), jnp.sum(e16))
                    m_v[...] = mn
                    e_v[...] = e16
                    jlo = jnp.maximum(a, col)
                    jhi = jnp.minimum(b, col + 16)
                    ms = tuple(mx_v[pl.ds(16 * k, 16)] * rho
                               for k in range(8))

                    def it_body(jj, ms_):
                        es = plsc.load_gather(
                            e_v, [jnp.full((16,), jj - col, jnp.int32)])
                        xb = xmo + jj * 128
                        return tuple(
                            jnp.maximum(ms_[k],
                                        xm_b[pl.ds(xb + 16 * k, 16)] * es)
                            for k in range(8))

                    ms = lax.fori_loop(jlo, jhi, it_body, ms)
                    for k in range(8):
                        mx_v[pl.ds(16 * k, 16)] = ms[k]
                    return carry

                lax.fori_loop(a // 16, (b + 15) // 16, grp_body, 0)

            fin = hi_s <= cend

            @pl.when(fin)
            def _():
                t = jnp.maximum(m_v[...], zeros16)
                ex2 = jnp.exp(F32(-2.0) * t)
                gate = (ones16 - ex2) / (ones16 + ex2)
                factor = gate / (s_v[...] + F32(1e-12))
                ob = j * 128
                for k in range(8):
                    out_v[pl.ds(ob + 16 * k, 16)] = (
                        mx_v[pl.ds(16 * k, 16)] * factor)
                m_v[...] = negv
                s_v[...] = zeros16
                for k in range(8):
                    mx_v[pl.ds(16 * k, 16)] = negv

            j2 = jnp.where(fin, j + 1, j)
            done2 = jnp.where(fin, jnp.int32(0), jnp.int32(1))
            return (j2, done2)

        jseg2, _ = lax.while_loop(piece_cond, piece_body,
                                  (jseg, jnp.int32(0)))
        return jseg2

    lax.fori_loop(0, nch, chunk_body, jnp.int32(0))
    pltpu.sync_copy(out_v, out_hbm.at[pl.ds(n0 * 128, SPW * 128)])


def _sc_attend_pool(kf_flat, xm_flat, q_flat, csr_pad, invs_pad):
    mesh = plsc.VectorSubcoreMesh(core_axis_name="c", subcore_axis_name="s")
    cp = pltpu.CompilerParams()
    if "needs_layout_passes" in pltpu.CompilerParams.__dataclass_fields__:
        cp = dataclasses.replace(cp, needs_layout_passes=False)
    fn = pl.kernel(
        _sc_body,
        out_type=jax.ShapeDtypeStruct((NPAD * 128,), F32),
        mesh=mesh,
        compiler_params=cp,
        scratch_types=[
            pltpu.VMEM((SPW + 16,), jnp.int32),
            pltpu.VMEM((SPW + 16,), F32),
            pltpu.VMEM((SPW * 64,), F32),
            pltpu.VMEM((64 * 16,), F32),
            pltpu.VMEM((2 * KFB,), F32),
            pltpu.VMEM((2 * XMB,), F32),
            pltpu.VMEM((SPW * 128,), F32),
            pltpu.VMEM((16,), F32),
            pltpu.VMEM((16,), F32),
            pltpu.VMEM((128,), F32),
            pltpu.VMEM((16,), F32),
            pltpu.SemaphoreType.DMA,
            pltpu.SemaphoreType.DMA,
            pltpu.SemaphoreType.DMA,
            pltpu.SemaphoreType.DMA,
        ],
    )
    return fn(kf_flat, xm_flat, q_flat, csr_pad, invs_pad)



def kernel(x_main, x_mod, x_proj, csr_idx, Q_w, Q_b, p1_w, p1_b, bn1_g, bn1_b,
           p2_w, p2_b, bn2_g, bn2_b, K_w, K_b):
    csr = csr_idx.astype(jnp.int32)
    counts = csr[1:] - csr[:-1]
    seen = counts > 0
    invs = lax.rsqrt(jnp.maximum(counts, 1).astype(F32))

    kf, q = _dense_stage(x_main, x_mod, x_proj, Q_w, Q_b, p1_w, p1_b, bn1_g,
                         bn1_b, p2_w, p2_b, bn2_g, bn2_b, K_w, K_b)

    csr_pad = jnp.concatenate(
        [csr, jnp.full((CSR_PAD - (N + 1),), V, jnp.int32)])
    invs_pad = jnp.concatenate([invs, jnp.ones((NPAD + 16 - N,), F32)])
    q_pad = jnp.concatenate([q, jnp.zeros((NPAD - N, 64), F32)], axis=0)

    out_flat = _sc_attend_pool(kf.reshape(V * 64), x_mod.reshape(V * 128),
                               q_pad.reshape(NPAD * 64), csr_pad, invs_pad)
    x_pool = out_flat.reshape(NPAD, 128)[:N]
    return (x_pool, seen)

# --- scband reference (transcript-rebuilt; emitter-appended) ---
"""Pipeline reference for scband-attentive-bimodal-csrpool-55946243997764 (READ-ONLY COPY).

The authoritative reference and input builder live on the scoring server;
editing this copy changes nothing except your own understanding.
"""

import jax, jax.numpy as jnp
import numpy as np

N = 10000
V = 320000
F_MAIN = 128
F_MOD = 128
F_PROJ = 128
F_SCORE = 64
H1 = 128  # nearest_power_of_2((128+64)/2=96) -> 128
H2 = 64   # nearest_power_of_2(64) -> 64


def _linear_init(k, fan_in, fan_out):
    kw, kb = jax.random.split(k)
    bound = 1.0 / np.sqrt(fan_in)
    w = jax.random.uniform(kw, (fan_out, fan_in), jnp.float32, -bound, bound)
    b = jax.random.uniform(kb, (fan_out,), jnp.float32, -bound, bound)
    return w, b


def setup_inputs(seed: int = 0):
    key = jax.random.key(seed)
    ks = jax.random.split(key, 10)
    x_main = jax.random.normal(ks[0], (N, F_MAIN), jnp.float32)
    x_mod = jax.random.normal(ks[1], (V, F_MOD), jnp.float32)
    x_proj = jax.random.normal(ks[2], (V, F_PROJ), jnp.float32)
    inner = jnp.sort(jax.random.randint(ks[3], (N - 1,), 0, V + 1))
    csr_idx = jnp.concatenate([jnp.array([0], inner.dtype), inner, jnp.array([V], inner.dtype)])
    Q_w, Q_b = _linear_init(ks[4], F_MAIN, F_SCORE)
    p1_w, p1_b = _linear_init(ks[5], F_PROJ, H1)
    p2_w, p2_b = _linear_init(ks[6], H1, H2)
    K_w, K_b = _linear_init(ks[7], H2 + F_MOD, F_SCORE)
    bn1_g = jnp.ones((H1,), jnp.float32)
    bn1_b = jnp.zeros((H1,), jnp.float32)
    bn2_g = jnp.ones((H2,), jnp.float32)
    bn2_b = jnp.zeros((H2,), jnp.float32)
    return {
        'x_main': x_main, 'x_mod': x_mod, 'x_proj': x_proj, 'csr_idx': csr_idx,
        'Q_w': Q_w, 'Q_b': Q_b, 'p1_w': p1_w, 'p1_b': p1_b,
        'bn1_g': bn1_g, 'bn1_b': bn1_b, 'p2_w': p2_w, 'p2_b': p2_b,
        'bn2_g': bn2_g, 'bn2_b': bn2_b, 'K_w': K_w, 'K_b': K_b,
    }


def _bn(x, g, b, eps=1e-5):
    # BatchNorm1d in training mode: batch statistics (biased variance)
    m = x.mean(axis=0)
    v = x.var(axis=0)
    return (x - m) / jnp.sqrt(v + eps) * g + b


def reference(x_main, x_mod, x_proj, csr_idx, Q_w, Q_b, p1_w, p1_b, bn1_g, bn1_b, p2_w, p2_b, bn2_g, bn2_b, K_w, K_b):
    counts = csr_idx[1:] - csr_idx[:-1]
    seg = jnp.repeat(jnp.arange(N), counts, total_repeat_length=V)

    # MLP_proj: Linear -> BN -> ReLU -> Linear -> BN -> ReLU
    h = jnp.maximum(_bn(x_proj @ p1_w.T + p1_b, bn1_g, bn1_b), 0.0)
    h = jnp.maximum(_bn(h @ p2_w.T + p2_b, bn2_g, bn2_b), 0.0)

    # K from projection features + modality features (mod_in_key=True)
    Kf = jnp.concatenate([h, x_mod], axis=1) @ K_w.T + K_b

    # Q from main features, repeated per CSR group
    Q = x_main @ Q_w.T + Q_b
    Qr = jnp.take(Q, seg, axis=0)

    X = (Kf * Qr).sum(axis=1)  # [V]

    # segment_csr_softmax with scaling=True
    mx = jax.ops.segment_max(X, seg, num_segments=N)
    centered = X - jnp.take(mx, seg, axis=0)
    scale = jnp.take(jnp.sqrt(counts.astype(jnp.float32)), seg, axis=0)
    centered = centered / scale
    ex = jnp.exp(centered)
    ssum = jax.ops.segment_sum(ex, seg, num_segments=N) + 1e-12
    A = ex / jnp.take(ssum, seg, axis=0)

    seen = counts > 0
    x_pool = jax.ops.segment_max(x_mod * A[:, None], seg, num_segments=N)
    x_pool = jnp.where(seen[:, None], x_pool, 0.0)  # torch segment_csr fills empty groups with 0

    # gating
    G = jax.ops.segment_max(X, seg, num_segments=N)
    G = jnp.where(seen, G, 0.0)
    G = jnp.tanh(jnp.maximum(G, 0.0))
    x_pool = x_pool * G[:, None]

    return (x_pool, seen)


if False:  # reference __main__ guard neutralized (emitter)
    out = reference(**setup_inputs())
    print(out[0].shape, out[1].shape)

if __name__ == "__main__":
    import jax
    _d = setup_inputs()
    print(jax.jit(kernel)(*tuple(_d.values())))

</pallas_src>

<mosaic_0001>
#map = affine_map<(d0, d1) -> (0)>
module attributes {stable_mosaic.version = 14 : i64} {
  func.func @_sc_body(%arg0: i32, %arg1: i32, %arg2: memref<20480000xf32, #tpu.memory_space<hbm>>, %arg3: memref<40960000xf32, #tpu.memory_space<hbm>>, %arg4: memref<655360xf32, #tpu.memory_space<hbm>>, %arg5: memref<10256xi32, #tpu.memory_space<hbm>>, %arg6: memref<10256xf32, #tpu.memory_space<hbm>>, %arg7: memref<1310720xf32, #tpu.memory_space<hbm>>, %arg8: memref<336xi32, #tpu.memory_space<vmem>>, %arg9: memref<336xf32, #tpu.memory_space<vmem>>, %arg10: memref<20480xf32, #tpu.memory_space<vmem>>, %arg11: memref<1024xf32, #tpu.memory_space<vmem>>, %arg12: memref<8192xf32, #tpu.memory_space<vmem>>, %arg13: memref<16384xf32, #tpu.memory_space<vmem>>, %arg14: memref<40960xf32, #tpu.memory_space<vmem>>, %arg15: memref<16xf32, #tpu.memory_space<vmem>>, %arg16: memref<16xf32, #tpu.memory_space<vmem>>, %arg17: memref<128xf32, #tpu.memory_space<vmem>>, %arg18: memref<16xf32, #tpu.memory_space<vmem>>, %arg19: memref<!tpu.dma_semaphore, #tpu.memory_space<semaphore_mem>>, %arg20: memref<!tpu.dma_semaphore, #tpu.memory_space<semaphore_mem>>, %arg21: memref<!tpu.dma_semaphore, #tpu.memory_space<semaphore_mem>>, %arg22: memref<!tpu.dma_semaphore, #tpu.memory_space<semaphore_mem>>) attributes {dimension_semantics = [#tpu.dimension_semantics<core_parallel>, #tpu.dimension_semantics<subcore_parallel>], iteration_bounds = array<i64: 2, 16>, scalar_prefetch = 0 : i64, scratch_operands = 15 : i64, tpu.core_type = #tpu.core_type<sc_vector_subcore>, window_params = [{transform_indices = #map}, {transform_indices = #map}, {transform_indices = #map}, {transform_indices = #map}, {transform_indices = #map}, {transform_indices = #map}]} {
    %mul3A = arith.constant 2 : i32
    %mul3A_0 = arith.muli %arg1, %mul3A : i32
    %add3A = arith.addi %mul3A_0, %arg0 : i32
    %mul3A_1 = arith.constant 320 : i32
    %mul3A_2 = arith.muli %add3A, %mul3A_1 : i32
    "tpu.region"() ({
      %run_scoped3A = tpu.sem_alloc : memref<!tpu.dma_semaphore, #tpu.memory_space<semaphore_mem>>
      %dma_start3A = tpu.memref_slice %arg5[%mul3A_2] : memref<10256xi32, #tpu.memory_space<hbm>> -> memref<336xi32, #tpu.memory_space<hbm>>
      %dma_start3A_100 = tpu.memref_slice %arg5[%mul3A_2] : memref<10256xi32, #tpu.memory_space<hbm>> -> memref<336xi32, #tpu.memory_space<hbm>>
      tpu.enqueue_dma source(%dma_start3A_100 : memref<336xi32, #tpu.memory_space<hbm>>) target(%arg8 : memref<336xi32, #tpu.memory_space<vmem>>) target_semaphore(%run_scoped3A : memref<!tpu.dma_semaphore, #tpu.memory_space<semaphore_mem>>)
      %dma_wait3A = tpu.memref_slice %arg5[%mul3A_2] : memref<10256xi32, #tpu.memory_space<hbm>> -> memref<336xi32, #tpu.memory_space<hbm>>
      %dma_wait3A_101 = tpu.memref_slice %arg5[%mul3A_2] : memref<10256xi32, #tpu.memory_space<hbm>> -> memref<336xi32, #tpu.memory_space<hbm>>
      tpu.wait_dma2 semaphore(%run_scoped3A : memref<!tpu.dma_semaphore, #tpu.memory_space<semaphore_mem>>) src(%dma_wait3A_101 : memref<336xi32, #tpu.memory_space<hbm>>) dst(%arg8 : memref<336xi32, #tpu.memory_space<vmem>>)
      tpu.yield
    }) : () -> ()
    "tpu.region"() ({
      %run_scoped3A = tpu.sem_alloc : memref<!tpu.dma_semaphore, #tpu.memory_space<semaphore_mem>>
      %dma_start3A = tpu.memref_slice %arg6[%mul3A_2] : memref<10256xf32, #tpu.memory_space<hbm>> -> memref<336xf32, #tpu.memory_space<hbm>>
      %dma_start3A_100 = tpu.memref_slice %arg6[%mul3A_2] : memref<10256xf32, #tpu.memory_space<hbm>> -> memref<336xf32, #tpu.memory_space<hbm>>
      tpu.enqueue_dma source(%dma_start3A_100 : memref<336xf32, #tpu.memory_space<hbm>>) target(%arg9 : memref<336xf32, #tpu.memory_space<vmem>>) target_semaphore(%run_scoped3A : memref<!tpu.dma_semaphore, #tpu.memory_space<semaphore_mem>>)
      %dma_wait3A = tpu.memref_slice %arg6[%mul3A_2] : memref<10256xf32, #tpu.memory_space<hbm>> -> memref<336xf32, #tpu.memory_space<hbm>>
      %dma_wait3A_101 = tpu.memref_slice %arg6[%mul3A_2] : memref<10256xf32, #tpu.memory_space<hbm>> -> memref<336xf32, #tpu.memory_space<hbm>>
      tpu.wait_dma2 semaphore(%run_scoped3A : memref<!tpu.dma_semaphore, #tpu.memory_space<semaphore_mem>>) src(%dma_wait3A_101 : memref<336xf32, #tpu.memory_space<hbm>>) dst(%arg9 : memref<336xf32, #tpu.memory_space<vmem>>)
      tpu.yield
    }) : () -> ()
    %mul3A_3 = arith.constant 64 : i32
    %mul3A_4 = arith.muli %mul3A_2, %mul3A_3 : i32
    "tpu.region"() ({
      %run_scoped3A = tpu.sem_alloc : memref<!tpu.dma_semaphore, #tpu.memory_space<semaphore_mem>>
      %dma_start3A = tpu.memref_slice %arg4[%mul3A_4] : memref<655360xf32, #tpu.memory_space<hbm>> -> memref<20480xf32, #tpu.memory_space<hbm>>
      %dma_start3A_100 = tpu.memref_slice %arg4[%mul3A_4] : memref<655360xf32, #tpu.memory_space<hbm>> -> memref<20480xf32, #tpu.memory_space<hbm>>
      tpu.enqueue_dma source(%dma_start3A_100 : memref<20480xf32, #tpu.memory_space<hbm>>) target(%arg10 : memref<20480xf32, #tpu.memory_space<vmem>>) target_semaphore(%run_scoped3A : memref<!tpu.dma_semaphore, #tpu.memory_space<semaphore_mem>>)
      %dma_wait3A = tpu.memref_slice %arg4[%mul3A_4] : memref<655360xf32, #tpu.memory_space<hbm>> -> memref<20480xf32, #tpu.memory_space<hbm>>
      %dma_wait3A_101 = tpu.memref_slice %arg4[%mul3A_4] : memref<655360xf32, #tpu.memory_space<hbm>> -> memref<20480xf32, #tpu.memory_space<hbm>>
      tpu.wait_dma2 semaphore(%run_scoped3A : memref<!tpu.dma_semaphore, #tpu.memory_space<semaphore_mem>>) src(%dma_wait3A_101 : memref<20480xf32, #tpu.memory_space<hbm>>) dst(%arg10 : memref<20480xf32, #tpu.memory_space<vmem>>)
      tpu.yield
    }) : () -> ()
    %broadcast_in_dim3A = arith.constant 0.000000e+00 : f32
    %broadcast_in_dim3A_5 = vector.broadcast %broadcast_in_dim3A : f32 to vector<16xf32>
    %broadcast_in_dim3A_6 = arith.constant 1.000000e+00 : f32
    %broadcast_in_dim3A_7 = vector.broadcast %broadcast_in_dim3A_6 : f32 to vector<16xf32>
    %broadcast_in_dim3A_8 = arith.constant -3.400000e+38 : f32
    %broadcast_in_dim3A_9 = vector.broadcast %broadcast_in_dim3A_8 : f32 to vector<16xf32>
    %iota3A = tpu.iota {dimensions = array<i32: 0>} : vector<16xi32>
    %scan3A = arith.constant 0 : i32
    %scan3A_10 = arith.constant 0 : i32
    %scan3A_11 = arith.constant 2560 : i32
    %scan3A_12 = arith.addi %scan3A_10, %scan3A_11 : i32
    %scan3A_13 = arith.constant 1 : i32
    scf.for %scan3A_100 = %scan3A_10 to %scan3A_12 step %scan3A_13  : i32 {
      %mul3A_101 = arith.constant 16 : i32
      %mul3A_102 = arith.muli %scan3A_100, %mul3A_101 : i32
      %swap3A_103 = arith.index_cast %mul3A_102 : i32 to index
      %swap3A_104 = tpu.vector_load %arg14[%swap3A_103] {strides = array<i32>} : memref<40960xf32, #tpu.memory_space<vmem>>, vector<16xf32>,
      tpu.vector_store %arg14[%swap3A_103], %broadcast_in_dim3A_5 {strides = array<i32>} : memref<40960xf32, #tpu.memory_space<vmem>>, vector<16xf32>,
    }
    %scan3A_14 = arith.constant 2560 : i32
    %swap3A = arith.constant 0 : index
    %swap3A_15 = tpu.vector_load %arg15[%swap3A] {strides = array<i32>} : memref<16xf32, #tpu.memory_space<vmem>>, vector<16xf32>,
    tpu.vector_store %arg15[%swap3A], %broadcast_in_dim3A_9 {strides = array<i32>} : memref<16xf32, #tpu.memory_space<vmem>>, vector<16xf32>,
    %swap3A_16 = arith.constant 0 : index
    %swap3A_17 = tpu.vector_load %arg16[%swap3A_16] {strides = array<i32>} : memref<16xf32, #tpu.memory_space<vmem>>, vector<16xf32>,
    tpu.vector_store %arg16[%swap3A_16], %broadcast_in_dim3A_5 {strides = array<i32>} : memref<16xf32, #tpu.memory_space<vmem>>, vector<16xf32>,
    %swap3A_18 = arith.constant 0 : index
    %swap3A_19 = tpu.vector_load %arg17[%swap3A_18] {strides = array<i32>} : memref<128xf32, #tpu.memory_space<vmem>>, vector<16xf32>,
    tpu.vector_store %arg17[%swap3A_18], %broadcast_in_dim3A_9 {strides = array<i32>} : memref<128xf32, #tpu.memory_space<vmem>>, vector<16xf32>,
    %swap3A_20 = arith.constant 16 : index
    %swap3A_21 = tpu.vector_load %arg17[%swap3A_20] {strides = array<i32>} : memref<128xf32, #tpu.memory_space<vmem>>, vector<16xf32>,
    tpu.vector_store %arg17[%swap3A_20], %broadcast_in_dim3A_9 {strides = array<i32>} : memref<128xf32, #tpu.memory_space<vmem>>, vector<16xf32>,
    %swap3A_22 = arith.constant 32 : index
    %swap3A_23 = tpu.vector_load %arg17[%swap3A_22] {strides = array<i32>} : memref<128xf32, #tpu.memory_space<vmem>>, vector<16xf32>,
    tpu.vector_store %arg17[%swap3A_22], %broadcast_in_dim3A_9 {strides = array<i32>} : memref<128xf32, #tpu.memory_space<vmem>>, vector<16xf32>,
    %swap3A_24 = arith.constant 48 : index
    %swap3A_25 = tpu.vector_load %arg17[%swap3A_24] {strides = array<i32>} : memref<128xf32, #tpu.memory_space<vmem>>, vector<16xf32>,
    tpu.vector_store %arg17[%swap3A_24], %broadcast_in_dim3A_9 {strides = array<i32>} : memref<128xf32, #tpu.memory_space<vmem>>, vector<16xf32>,
    %swap3A_26 = arith.constant 64 : index
    %swap3A_27 = tpu.vector_load %arg17[%swap3A_26] {strides = array<i32>} : memref<128xf32, #tpu.memory_space<vmem>>, vector<16xf32>,
    tpu.vector_store %arg17[%swap3A_26], %broadcast_in_dim3A_9 {strides = array<i32>} : memref<128xf32, #tpu.memory_space<vmem>>, vector<16xf32>,
    %swap3A_28 = arith.constant 80 : index
    %swap3A_29 = tpu.vector_load %arg17[%swap3A_28] {strides = array<i32>} : memref<128xf32, #tpu.memory_space<vmem>>, vector<16xf32>,
    tpu.vector_store %arg17[%swap3A_28], %broadcast_in_dim3A_9 {strides = array<i32>} : memref<128xf32, #tpu.memory_space<vmem>>, vector<16xf32>,
    %swap3A_30 = arith.constant 96 : index
    %swap3A_31 = tpu.vector_load %arg17[%swap3A_30] {strides = array<i32>} : memref<128xf32, #tpu.memory_space<vmem>>, vector<16xf32>,
    tpu.vector_store %arg17[%swap3A_30], %broadcast_in_dim3A_9 {strides = array<i32>} : memref<128xf32, #tpu.memory_space<vmem>>, vector<16xf32>,
    %swap3A_32 = arith.constant 112 : index
    %swap3A_33 = tpu.vector_load %arg17[%swap3A_32] {strides = array<i32>} : memref<128xf32, #tpu.memory_space<vmem>>, vector<16xf32>,
    tpu.vector_store %arg17[%swap3A_32], %broadcast_in_dim3A_9 {strides = array<i32>} : memref<128xf32, #tpu.memory_space<vmem>>, vector<16xf32>,
    %get3A = arith.constant 0 : index
    %get3A_34 = tpu.vector_load %arg8[%get3A] {strides = array<i32>} : memref<336xi32, #tpu.memory_space<vmem>>, vector<16xi32>,
    %slice3A = vector.extract_strided_slice %get3A_34 {offsets = [0], sizes = [1], strides = [1]} : vector<16xi32> to vector<1xi32>
    %squeeze3A = vector.extract %slice3A[0] : i32 from vector<1xi32>
    %get3A_35 = arith.constant 320 : index
    %get3A_36 = tpu.vector_load %arg8[%get3A_35] {strides = array<i32>} : memref<336xi32, #tpu.memory_space<vmem>>, vector<16xi32>,
    %slice3A_37 = vector.extract_strided_slice %get3A_36 {offsets = [0], sizes = [1], strides = [1]} : vector<16xi32> to vector<1xi32>
    %squeeze3A_38 = vector.extract %slice3A_37[0] : i32 from vector<1xi32>
    %jit3A = arith.constant 64 : i32
    %div3A = arith.divsi %squeeze3A, %jit3A : i32
    %sign3A = arith.constant 0 : i32
    %sign3A_39 = arith.cmpi sgt, %squeeze3A, %sign3A : i32
    %sign3A_40 = arith.extui %sign3A_39 : i1 to i32
    %sign3A_41 = arith.constant 0 : i32
    %sign3A_42 = arith.cmpi slt, %squeeze3A, %sign3A_41 : i32
    %sign3A_43 = arith.extui %sign3A_42 : i1 to i32
    %sign3A_44 = arith.subi %sign3A_40, %sign3A_43 : i32
    %sign3A_45 = arith.constant 0 : i32
    %sign3A_46 = arith.cmpi sgt, %jit3A, %sign3A_45 : i32
    %sign3A_47 = arith.extui %sign3A_46 : i1 to i32
    %sign3A_48 = arith.constant 0 : i32
    %sign3A_49 = arith.cmpi slt, %jit3A, %sign3A_48 : i32
    %sign3A_50 = arith.extui %sign3A_49 : i1 to i32
    %sign3A_51 = arith.subi %sign3A_47, %sign3A_50 : i32
    %ne3A = arith.cmpi ne, %sign3A_44, %sign3A_51 : i32
    %rem3A = arith.remsi %squeeze3A, %jit3A : i32
    %ne3A_52 = arith.constant 0 : i32
    %ne3A_53 = arith.cmpi ne, %rem3A, %ne3A_52 : i32
    %and3A = arith.andi %ne3A, %ne3A_53 : i1
    %sub3A = arith.constant 1 : i32
    %sub3A_54 = arith.subi %div3A, %sub3A : i32
    %select_n3A = arith.select %and3A, %sub3A_54, %div3A : i32
    %sub3A_55 = arith.constant 1 : i32
    %sub3A_56 = arith.subi %squeeze3A_38, %sub3A_55 : i32
    %jit3A_57 = arith.constant 64 : i32
    %div3A_58 = arith.divsi %sub3A_56, %jit3A_57 : i32
    %sign3A_59 = arith.constant 0 : i32
    %sign3A_60 = arith.cmpi sgt, %sub3A_56, %sign3A_59 : i32
    %sign3A_61 = arith.extui %sign3A_60 : i1 to i32
    %sign3A_62 = arith.constant 0 : i32
    %sign3A_63 = arith.cmpi slt, %sub3A_56, %sign3A_62 : i32
    %sign3A_64 = arith.extui %sign3A_63 : i1 to i32
    %sign3A_65 = arith.subi %sign3A_61, %sign3A_64 : i32
    %sign3A_66 = arith.constant 0 : i32
    %sign3A_67 = arith.cmpi sgt, %jit3A_57, %sign3A_66 : i32
    %sign3A_68 = arith.extui %sign3A_67 : i1 to i32
    %sign3A_69 = arith.constant 0 : i32
    %sign3A_70 = arith.cmpi slt, %jit3A_57, %sign3A_69 : i32
    %sign3A_71 = arith.extui %sign3A_70 : i1 to i32
    %sign3A_72 = arith.subi %sign3A_68, %sign3A_71 : i32
    %ne3A_73 = arith.cmpi ne, %sign3A_65, %sign3A_72 : i32
    %rem3A_74 = arith.remsi %sub3A_56, %jit3A_57 : i32
    %ne3A_75 = arith.constant 0 : i32
    %ne3A_76 = arith.cmpi ne, %rem3A_74, %ne3A_75 : i32
    %and3A_77 = arith.andi %ne3A_73, %ne3A_76 : i1
    %sub3A_78 = arith.constant 1 : i32
    %sub3A_79 = arith.subi %div3A_58, %sub3A_78 : i32
    %select_n3A_80 = arith.select %and3A_77, %sub3A_79, %div3A_58 : i32
    %sub3A_81 = arith.subi %select_n3A_80, %select_n3A : i32
    %add3A_82 = arith.constant 1 : i32
    %add3A_83 = arith.addi %sub3A_81, %add3A_82 : i32
    %max3A = arith.constant 0 : i32
    %max3A_84 = arith.maxsi %add3A_83, %max3A : i32
    %gt3A = arith.constant 0 : i32
    %gt3A_85 = arith.cmpi sgt, %max3A_84, %gt3A : i32
    %convert_element_type3A = arith.extui %gt3A_85 : i1 to i32
    %cond3A = arith.constant 0 : i32
    %cond3A_86 = arith.cmpi ne, %convert_element_type3A, %cond3A : i32
    scf.if %cond3A_86 {
      %mul3A_100 = arith.constant 4096 : i32
      %mul3A_101 = arith.muli %select_n3A, %mul3A_100 : i32
      %dma_start3A = arith.constant 0 : i32
      %dma_start3A_102 = tpu.memref_slice %arg12[%dma_start3A] : memref<8192xf32, #tpu.memory_space<vmem>> -> memref<4096xf32, #tpu.memory_space<vmem>>
      %dma_start3A_103 = tpu.memref_slice %arg2[%mul3A_101] : memref<20480000xf32, #tpu.memory_space<hbm>> -> memref<4096xf32, #tpu.memory_space<hbm>>
      %dma_start3A_104 = arith.constant 0 : i32
      %dma_start3A_105 = tpu.memref_slice %arg12[%dma_start3A_104] : memref<8192xf32, #tpu.memory_space<vmem>> -> memref<4096xf32, #tpu.memory_space<vmem>>
      %dma_start3A_106 = tpu.memref_slice %arg2[%mul3A_101] : memref<20480000xf32, #tpu.memory_space<hbm>> -> memref<4096xf32, #tpu.memory_space<hbm>>
      tpu.enqueue_dma source(%dma_start3A_106 : memref<4096xf32, #tpu.memory_space<hbm>>) target(%dma_start3A_105 : memref<4096xf32, #tpu.memory_space<vmem>>) target_semaphore(%arg19 : memref<!tpu.dma_semaphore, #tpu.memory_space<semaphore_mem>>)
      %mul3A_107 = arith.constant 8192 : i32
      %mul3A_108 = arith.muli %select_n3A, %mul3A_107 : i32
      %dma_start3A_109 = arith.constant 0 : i32
      %dma_start3A_110 = tpu.memref_slice %arg13[%dma_start3A_109] : memref<16384xf32, #tpu.memory_space<vmem>> -> memref<8192xf32, #tpu.memory_space<vmem>>
      %dma_start3A_111 = tpu.memref_slice %arg3[%mul3A_108] : memref<40960000xf32, #tpu.memory_space<hbm>> -> memref<8192xf32, #tpu.memory_space<hbm>>
      %dma_start3A_112 = arith.constant 0 : i32
      %dma_start3A_113 = tpu.memref_slice %arg13[%dma_start3A_112] : memref<16384xf32, #tpu.memory_space<vmem>> -> memref<8192xf32, #tpu.memory_space<vmem>>
      %dma_start3A_114 = tpu.memref_slice %arg3[%mul3A_108] : memref<40960000xf32, #tpu.memory_space<hbm>> -> memref<8192xf32, #tpu.memory_space<hbm>>
      tpu.enqueue_dma source(%dma_start3A_114 : memref<8192xf32, #tpu.memory_space<hbm>>) target(%dma_start3A_113 : memref<8192xf32, #tpu.memory_space<vmem>>) target_semaphore(%arg21 : memref<!tpu.dma_semaphore, #tpu.memory_space<semaphore_mem>>)
    } else {
    }
    %while3A = arith.constant 0 : i32
    %while3A_87 = arith.constant 0 : i32
    %while3A_88 = arith.subi %max3A_84, %while3A : i32
    %while3A_89 = arith.addi %while3A, %while3A_88 : i32
    %while3A_90 = arith.constant 1 : i32
    %while3A_91 = arith.divsi %while3A_88, %while3A_90 : i32
    %while3A_92 = arith.muli %while3A_91, %while3A_90 : i32
    %while3A_93 = arith.addi %while3A, %while3A_92 : i32
    %while3A_94 = arith.constant 1 : i32
    %while3A_95 = scf.for %while3A_100 = %while3A to %while3A_93 step %while3A_94 iter_args(%while3A_101 = %while3A_87) -> (i32)  : i32 {
      %rem3A_102 = arith.constant 2 : i32
      %rem3A_103 = arith.remsi %while3A_100, %rem3A_102 : i32
      %eq3A = arith.constant 0 : i32
      %eq3A_104 = arith.cmpi eq, %rem3A_103, %eq3A : i32
      %convert_element_type3A_105 = arith.extui %eq3A_104 : i1 to i32
      %cond3A_106 = arith.constant 0 : i32
      %cond3A_107 = arith.cmpi ne, %convert_element_type3A_105, %cond3A_106 : i32
      scf.if %cond3A_107 {
        %dma_wait3A = arith.constant 0 : i32
        %dma_wait3A_129 = tpu.memref_slice %arg12[%dma_wait3A] : memref<8192xf32, #tpu.memory_space<vmem>> -> memref<4096xf32, #tpu.memory_space<vmem>>
        %dma_wait3A_130 = arith.constant 0 : i32
        %dma_wait3A_131 = tpu.memref_slice %arg2[%dma_wait3A_130] : memref<20480000xf32, #tpu.memory_space<hbm>> -> memref<4096xf32, #tpu.memory_space<hbm>>
        %dma_wait3A_132 = arith.constant 0 : i32
        %dma_wait3A_133 = tpu.memref_slice %arg12[%dma_wait3A_132] : memref<8192xf32, #tpu.memory_space<vmem>> -> memref<4096xf32, #tpu.memory_space<vmem>>
        %dma_wait3A_134 = arith.constant 0 : i32
        %dma_wait3A_135 = tpu.memref_slice %arg2[%dma_wait3A_134] : memref<20480000xf32, #tpu.memory_space<hbm>> -> memref<4096xf32, #tpu.memory_space<hbm>>
        tpu.wait_dma2 semaphore(%arg19 : memref<!tpu.dma_semaphore, #tpu.memory_space<semaphore_mem>>) src(%dma_wait3A_135 : memref<4096xf32, #tpu.memory_space<hbm>>) dst(%dma_wait3A_133 : memref<4096xf32, #tpu.memory_space<vmem>>)
        %dma_wait3A_136 = arith.constant 0 : i32
        %dma_wait3A_137 = tpu.memref_slice %arg13[%dma_wait3A_136] : memref<16384xf32, #tpu.memory_space<vmem>> -> memref<8192xf32, #tpu.memory_space<vmem>>
        %dma_wait3A_138 = arith.constant 0 : i32
        %dma_wait3A_139 = tpu.memref_slice %arg3[%dma_wait3A_138] : memref<40960000xf32, #tpu.memory_space<hbm>> -> memref<8192xf32, #tpu.memory_space<hbm>>
        %dma_wait3A_140 = arith.constant 0 : i32
        %dma_wait3A_141 = tpu.memref_slice %arg13[%dma_wait3A_140] : memref<16384xf32, #tpu.memory_space<vmem>> -> memref<8192xf32, #tpu.memory_space<vmem>>
        %dma_wait3A_142 = arith.constant 0 : i32
        %dma_wait3A_143 = tpu.memref_slice %arg3[%dma_wait3A_142] : memref<40960000xf32, #tpu.memory_space<hbm>> -> memref<8192xf32, #tpu.memory_space<hbm>>
        tpu.wait_dma2 semaphore(%arg21 : memref<!tpu.dma_semaphore, #tpu.memory_space<semaphore_mem>>) src(%dma_wait3A_143 : memref<8192xf32, #tpu.memory_space<hbm>>) dst(%dma_wait3A_141 : memref<8192xf32, #tpu.memory_space<vmem>>)
      } else {
      }
      %eq3A_108 = arith.constant 1 : i32
      %eq3A_109 = arith.cmpi eq, %rem3A_103, %eq3A_108 : i32
      %convert_element_type3A_110 = arith.extui %eq3A_109 : i1 to i32
      %cond3A_111 = arith.constant 0 : i32
      %cond3A_112 = arith.cmpi ne, %convert_element_type3A_110, %cond3A_111 : i32
      scf.if %cond3A_112 {
        %dma_wait3A = arith.constant 4096 : i32
        %dma_wait3A_129 = tpu.memref_slice %arg12[%dma_wait3A] : memref<8192xf32, #tpu.memory_space<vmem>> -> memref<4096xf32, #tpu.memory_space<vmem>>
        %dma_wait3A_130 = arith.constant 0 : i32
        %dma_wait3A_131 = tpu.memref_slice %arg2[%dma_wait3A_130] : memref<20480000xf32, #tpu.memory_space<hbm>> -> memref<4096xf32, #tpu.memory_space<hbm>>
        %dma_wait3A_132 = arith.constant 4096 : i32
        %dma_wait3A_133 = tpu.memref_slice %arg12[%dma_wait3A_132] : memref<8192xf32, #tpu.memory_space<vmem>> -> memref<4096xf32, #tpu.memory_space<vmem>>
        %dma_wait3A_134 = arith.constant 0 : i32
        %dma_wait3A_135 = tpu.memref_slice %arg2[%dma_wait3A_134] : memref<20480000xf32, #tpu.memory_space<hbm>> -> memref<4096xf32, #tpu.memory_space<hbm>>
        tpu.wait_dma2 semaphore(%arg20 : memref<!tpu.dma_semaphore, #tpu.memory_space<semaphore_mem>>) src(%dma_wait3A_135 : memref<4096xf32, #tpu.memory_space<hbm>>) dst(%dma_wait3A_133 : memref<4096xf32, #tpu.memory_space<vmem>>)
        %dma_wait3A_136 = arith.constant 8192 : i32
        %dma_wait3A_137 = tpu.memref_slice %arg13[%dma_wait3A_136] : memref<16384xf32, #tpu.memory_space<vmem>> -> memref<8192xf32, #tpu.memory_space<vmem>>
        %dma_wait3A_138 = arith.constant 0 : i32
        %dma_wait3A_139 = tpu.memref_slice %arg3[%dma_wait3A_138] : memref<40960000xf32, #tpu.memory_space<hbm>> -> memref<8192xf32, #tpu.memory_space<hbm>>
        %dma_wait3A_140 = arith.constant 8192 : i32
        %dma_wait3A_141 = tpu.memref_slice %arg13[%dma_wait3A_140] : memref<16384xf32, #tpu.memory_space<vmem>> -> memref<8192xf32, #tpu.memory_space<vmem>>
        %dma_wait3A_142 = arith.constant 0 : i32
        %dma_wait3A_143 = tpu.memref_slice %arg3[%dma_wait3A_142] : memref<40960000xf32, #tpu.memory_space<hbm>> -> memref<8192xf32, #tpu.memory_space<hbm>>
        tpu.wait_dma2 semaphore(%arg22 : memref<!tpu.dma_semaphore, #tpu.memory_space<semaphore_mem>>) src(%dma_wait3A_143 : memref<8192xf32, #tpu.memory_space<hbm>>) dst(%dma_wait3A_141 : memref<8192xf32, #tpu.memory_space<vmem>>)
      } else {
      }
      %add3A_113 = arith.constant 1 : i32
      %add3A_114 = arith.addi %while3A_100, %add3A_113 : i32
      %lt3A = arith.cmpi slt, %add3A_114, %max3A_84 : i32
      %convert_element_type3A_115 = arith.extui %lt3A : i1 to i32
      %cond3A_116 = arith.constant 0 : i32
      %cond3A_117 = arith.cmpi ne, %convert_element_type3A_115, %cond3A_116 : i32
      scf.if %cond3A_117 {
        %add3A_129 = arith.addi %select_n3A, %while3A_100 : i32
        %add3A_130 = arith.constant 1 : i32
        %add3A_131 = arith.addi %add3A_129, %add3A_130 : i32
        %sub3A_132 = arith.constant 1 : i32
        %sub3A_133 = arith.subi %sub3A_132, %rem3A_103 : i32
        %eq3A_134 = arith.constant 0 : i32
        %eq3A_135 = arith.cmpi eq, %sub3A_133, %eq3A_134 : i32
        %convert_element_type3A_136 = arith.extui %eq3A_135 : i1 to i32
        %cond3A_137 = arith.constant 0 : i32
        %cond3A_138 = arith.cmpi ne, %convert_element_type3A_136, %cond3A_137 : i32
        scf.if %cond3A_138 {
          %mul3A_144 = arith.constant 4096 : i32
          %mul3A_145 = arith.muli %add3A_131, %mul3A_144 : i32
          %dma_start3A = arith.constant 0 : i32
          %dma_start3A_146 = tpu.memref_slice %arg12[%dma_start3A] : memref<8192xf32, #tpu.memory_space<vmem>> -> memref<4096xf32, #tpu.memory_space<vmem>>
          %dma_start3A_147 = tpu.memref_slice %arg2[%mul3A_145] : memref<20480000xf32, #tpu.memory_space<hbm>> -> memref<4096xf32, #tpu.memory_space<hbm>>
          %dma_start3A_148 = arith.constant 0 : i32
          %dma_start3A_149 = tpu.memref_slice %arg12[%dma_start3A_148] : memref<8192xf32, #tpu.memory_space<vmem>> -> memref<4096xf32, #tpu.memory_space<vmem>>
          %dma_start3A_150 = tpu.memref_slice %arg2[%mul3A_145] : memref<20480000xf32, #tpu.memory_space<hbm>> -> memref<4096xf32, #tpu.memory_space<hbm>>
          tpu.enqueue_dma source(%dma_start3A_150 : memref<4096xf32, #tpu.memory_space<hbm>>) target(%dma_start3A_149 : memref<4096xf32, #tpu.memory_space<vmem>>) target_semaphore(%arg19 : memref<!tpu.dma_semaphore, #tpu.memory_space<semaphore_mem>>)
          %mul3A_151 = arith.constant 8192 : i32
          %mul3A_152 = arith.muli %add3A_131, %mul3A_151 : i32
          %dma_start3A_153 = arith.constant 0 : i32
          %dma_start3A_154 = tpu.memref_slice %arg13[%dma_start3A_153] : memref<16384xf32, #tpu.memory_space<vmem>> -> memref<8192xf32, #tpu.memory_space<vmem>>
          %dma_start3A_155 = tpu.memref_slice %arg3[%mul3A_152] : memref<40960000xf32, #tpu.memory_space<hbm>> -> memref<8192xf32, #tpu.memory_space<hbm>>
          %dma_start3A_156 = arith.constant 0 : i32
          %dma_start3A_157 = tpu.memref_slice %arg13[%dma_start3A_156] : memref<16384xf32, #tpu.memory_space<vmem>> -> memref<8192xf32, #tpu.memory_space<vmem>>
          %dma_start3A_158 = tpu.memref_slice %arg3[%mul3A_152] : memref<40960000xf32, #tpu.memory_space<hbm>> -> memref<8192xf32, #tpu.memory_space<hbm>>
          tpu.enqueue_dma source(%dma_start3A_158 : memref<8192xf32, #tpu.memory_space<hbm>>) target(%dma_start3A_157 : memref<8192xf32, #tpu.memory_space<vmem>>) target_semaphore(%arg21 : memref<!tpu.dma_semaphore, #tpu.memory_space<semaphore_mem>>)
        } else {
        }
        %eq3A_139 = arith.constant 1 : i32
        %eq3A_140 = arith.cmpi eq, %sub3A_133, %eq3A_139 : i32
        %convert_element_type3A_141 = arith.extui %eq3A_140 : i1 to i32
        %cond3A_142 = arith.constant 0 : i32
        %cond3A_143 = arith.cmpi ne, %convert_element_type3A_141, %cond3A_142 : i32
        scf.if %cond3A_143 {
          %mul3A_144 = arith.constant 4096 : i32
          %mul3A_145 = arith.muli %add3A_131, %mul3A_144 : i32
          %dma_start3A = arith.constant 4096 : i32
          %dma_start3A_146 = tpu.memref_slice %arg12[%dma_start3A] : memref<8192xf32, #tpu.memory_space<vmem>> -> memref<4096xf32, #tpu.memory_space<vmem>>
          %dma_start3A_147 = tpu.memref_slice %arg2[%mul3A_145] : memref<20480000xf32, #tpu.memory_space<hbm>> -> memref<4096xf32, #tpu.memory_space<hbm>>
          %dma_start3A_148 = arith.constant 4096 : i32
          %dma_start3A_149 = tpu.memref_slice %arg12[%dma_start3A_148] : memref<8192xf32, #tpu.memory_space<vmem>> -> memref<4096xf32, #tpu.memory_space<vmem>>
          %dma_start3A_150 = tpu.memref_slice %arg2[%mul3A_145] : memref<20480000xf32, #tpu.memory_space<hbm>> -> memref<4096xf32, #tpu.memory_space<hbm>>
          tpu.enqueue_dma source(%dma_start3A_150 : memref<4096xf32, #tpu.memory_space<hbm>>) target(%dma_start3A_149 : memref<4096xf32, #tpu.memory_space<vmem>>) target_semaphore(%arg20 : memref<!tpu.dma_semaphore, #tpu.memory_space<semaphore_mem>>)
          %mul3A_151 = arith.constant 8192 : i32
          %mul3A_152 = arith.muli %add3A_131, %mul3A_151 : i32
          %dma_start3A_153 = arith.constant 8192 : i32
          %dma_start3A_154 = tpu.memref_slice %arg13[%dma_start3A_153] : memref<16384xf32, #tpu.memory_space<vmem>> -> memref<8192xf32, #tpu.memory_space<vmem>>
          %dma_start3A_155 = tpu.memref_slice %arg3[%mul3A_152] : memref<40960000xf32, #tpu.memory_space<hbm>> -> memref<8192xf32, #tpu.memory_space<hbm>>
          %dma_start3A_156 = arith.constant 8192 : i32
          %dma_start3A_157 = tpu.memref_slice %arg13[%dma_start3A_156] : memref<16384xf32, #tpu.memory_space<vmem>> -> memref<8192xf32, #tpu.memory_space<vmem>>
          %dma_start3A_158 = tpu.memref_slice %arg3[%mul3A_152] : memref<40960000xf32, #tpu.memory_space<hbm>> -> memref<8192xf32, #tpu.memory_space<hbm>>
          tpu.enqueue_dma source(%dma_start3A_158 : memref<8192xf32, #tpu.memory_space<hbm>>) target(%dma_start3A_157 : memref<8192xf32, #tpu.memory_space<vmem>>) target_semaphore(%arg22 : memref<!tpu.dma_semaphore, #tpu.memory_space<semaphore_mem>>)
        } else {
        }
      } else {
      }
      %add3A_118 = arith.addi %select_n3A, %while3A_100 : i32
      %mul3A_119 = arith.constant 64 : i32
      %mul3A_120 = arith.muli %add3A_118, %mul3A_119 : i32
      %add3A_121 = arith.constant 64 : i32
      %add3A_122 = arith.addi %mul3A_120, %add3A_121 : i32
      %mul3A_123 = arith.constant 4096 : i32
      %mul3A_124 = arith.muli %rem3A_103, %mul3A_123 : i32
      %mul3A_125 = arith.constant 8192 : i32
      %mul3A_126 = arith.muli %rem3A_103, %mul3A_125 : i32
      %while3A_127 = arith.constant 0 : i32
      %while3A_128:2 = scf.while (%while3A_129 = %while3A_101, %while3A_130 = %while3A_127) : (i32, i32) -> (i32, i32) {
        %eq3A_131 = arith.constant 0 : i32
        %eq3A_132 = arith.cmpi eq, %while3A_130, %eq3A_131 : i32
        %lt3A_133 = arith.constant 320 : i32
        %lt3A_134 = arith.cmpi slt, %while3A_129, %lt3A_133 : i32
        %and3A_135 = arith.andi %eq3A_132, %lt3A_134 : i1
        %get3A_136 = arith.index_cast %while3A_129 : i32 to index
        %get3A_137 = tpu.vector_load %arg8[%get3A_136] {strides = array<i32>} : memref<336xi32, #tpu.memory_space<vmem>>, vector<16xi32>,
        %slice3A_138 = vector.extract_strided_slice %get3A_137 {offsets = [0], sizes = [1], strides = [1]} : vector<16xi32> to vector<1xi32>
        %squeeze3A_139 = vector.extract %slice3A_138[0] : i32 from vector<1xi32>
        %lt3A_140 = arith.cmpi slt, %squeeze3A_139, %add3A_122 : i32
        %and3A_141 = arith.andi %and3A_135, %lt3A_140 : i1
        scf.condition(%and3A_141) %while3A_129, %while3A_130 : i32, i32
      } do {
      ^bb0(%while3A_129: i32, %while3A_130: i32):
        %get3A_131 = arith.index_cast %while3A_129 : i32 to index
        %get3A_132 = tpu.vector_load %arg8[%get3A_131] {strides = array<i32>} : memref<336xi32, #tpu.memory_space<vmem>>, vector<16xi32>,
        %slice3A_133 = vector.extract_strided_slice %get3A_132 {offsets = [0], sizes = [1], strides = [1]} : vector<16xi32> to vector<1xi32>
        %squeeze3A_134 = vector.extract %slice3A_133[0] : i32 from vector<1xi32>
        %slice3A_135 = vector.extract_strided_slice %get3A_132 {offsets = [1], sizes = [1], strides = [1]} : vector<16xi32> to vector<1xi32>
        %squeeze3A_136 = vector.extract %slice3A_135[0] : i32 from vector<1xi32>
        %max3A_137 = arith.maxsi %squeeze3A_134, %mul3A_120 : i32
        %sub3A_138 = arith.subi %max3A_137, %mul3A_120 : i32
        %min3A = arith.minsi %squeeze3A_136, %add3A_122 : i32
        %sub3A_139 = arith.subi %min3A, %mul3A_120 : i32
        %get3A_140 = arith.index_cast %while3A_129 : i32 to index
        %get3A_141 = tpu.vector_load %arg9[%get3A_140] {strides = array<i32>} : memref<336xf32, #tpu.memory_space<vmem>>, vector<16xf32>,
        %slice3A_142 = vector.extract_strided_slice %get3A_141 {offsets = [0], sizes = [1], strides = [1]} : vector<16xf32> to vector<1xf32>
        %squeeze3A_143 = vector.extract %slice3A_142[0] : f32 from vector<1xf32>
        %broadcast_in_dim3A_144 = vector.broadcast %squeeze3A_143 : f32 to vector<16xf32>
        %gt3A_145 = arith.cmpi sgt, %sub3A_139, %sub3A_138 : i32
        %convert_element_type3A_146 = arith.extui %gt3A_145 : i1 to i32
        %cond3A_147 = arith.constant 0 : i32
        %cond3A_148 = arith.cmpi ne, %convert_element_type3A_146, %cond3A_147 : i32
        scf.if %cond3A_148 {
          %mul3A_158 = arith.constant 64 : i32
          %mul3A_159 = arith.muli %while3A_129, %mul3A_158 : i32
          %add3A_160 = arith.constant 0 : i32
          %add3A_161 = arith.addi %mul3A_159, %add3A_160 : i32
          %get3A_162 = arith.index_cast %add3A_161 : i32 to index
          %get3A_163 = tpu.vector_load %arg10[%get3A_162] {strides = array<i32>} : memref<20480xf32, #tpu.memory_space<vmem>>, vector<16xf32>,
          %slice3A_164 = vector.extract_strided_slice %get3A_163 {offsets = [0], sizes = [1], strides = [1]} : vector<16xf32> to vector<1xf32>
          %squeeze3A_165 = vector.extract %slice3A_164[0] : f32 from vector<1xf32>
          %broadcast_in_dim3A_166 = vector.broadcast %squeeze3A_165 : f32 to vector<16xf32>
          %swap3A_167 = arith.constant 0 : index
          %swap3A_168 = tpu.vector_load %arg11[%swap3A_167] {strides = array<i32>} : memref<1024xf32, #tpu.memory_space<vmem>>, vector<16xf32>,
          tpu.vector_store %arg11[%swap3A_167], %broadcast_in_dim3A_166 {strides = array<i32>} : memref<1024xf32, #tpu.memory_space<vmem>>, vector<16xf32>,
          %slice3A_169 = vector.extract_strided_slice %get3A_163 {offsets = [1], sizes = [1], strides = [1]} : vector<16xf32> to vector<1xf32>
          %squeeze3A_170 = vector.extract %slice3A_169[0] : f32 from vector<1xf32>
          %broadcast_in_dim3A_171 = vector.broadcast %squeeze3A_170 : f32 to vector<16xf32>
          %swap3A_172 = arith.constant 16 : index
          %swap3A_173 = tpu.vector_load %arg11[%swap3A_172] {strides = array<i32>} : memref<1024xf32, #tpu.memory_space<vmem>>, vector<16xf32>,
          tpu.vector_store %arg11[%swap3A_172], %broadcast_in_dim3A_171 {strides = array<i32>} : memref<1024xf32, #tpu.memory_space<vmem>>, vector<16xf32>,
          %slice3A_174 = vector.extract_strided_slice %get3A_163 {offsets = [2], sizes = [1], strides = [1]} : vector<16xf32> to vector<1xf32>
          %squeeze3A_175 = vector.extract %slice3A_174[0] : f32 from vector<1xf32>
          %broadcast_in_dim3A_176 = vector.broadcast %squeeze3A_175 : f32 to vector<16xf32>
          %swap3A_177 = arith.constant 32 : index
          %swap3A_178 = tpu.vector_load %arg11[%swap3A_177] {strides = array<i32>} : memref<1024xf32, #tpu.memory_space<vmem>>, vector<16xf32>,
          tpu.vector_store %arg11[%swap3A_177], %broadcast_in_dim3A_176 {strides = array<i32>} : memref<1024xf32, #tpu.memory_space<vmem>>, vector<16xf32>,
          %slice3A_179 = vector.extract_strided_slice %get3A_163 {offsets = [3], sizes = [1], strides = [1]} : vector<16xf32> to vector<1xf32>
          %squeeze3A_180 = vector.extract %slice3A_179[0] : f32 from vector<1xf32>
          %broadcast_in_dim3A_181 = vector.broadcast %squeeze3A_180 : f32 to vector<16xf32>
          %swap3A_182 = arith.constant 48 : index
          %swap3A_183 = tpu.vector_load %arg11[%swap3A_182] {strides = array<i32>} : memref<1024xf32, #tpu.memory_space<vmem>>, vector<16xf32>,
          tpu.vector_store %arg11[%swap3A_182], %broadcast_in_dim3A_181 {strides = array<i32>} : memref<1024xf32, #tpu.memory_space<vmem>>, vector<16xf32>,
          %slice3A_184 = vector.extract_strided_slice %get3A_163 {offsets = [4], sizes = [1], strides = [1]} : vector<16xf32> to vector<1xf32>
          %squeeze3A_185 = vector.extract %slice3A_184[0] : f32 from vector<1xf32>
          %broadcast_in_dim3A_186 = vector.broadcast %squeeze3A_185 : f32 to vector<16xf32>
          %swap3A_187 = arith.constant 64 : index
          %swap3A_188 = tpu.vector_load %arg11[%swap3A_187] {strides = array<i32>} : memref<1024xf32, #tpu.memory_space<vmem>>, vector<16xf32>,
          tpu.vector_store %arg11[%swap3A_187], %broadcast_in_dim3A_186 {strides = array<i32>} : memref<1024xf32, #tpu.memory_space<vmem>>, vector<16xf32>,
          %slice3A_189 = vector.extract_strided_slice %get3A_163 {offsets = [5], sizes = [1], strides = [1]} : vector<16xf32> to vector<1xf32>
          %squeeze3A_190 = vector.extract %slice3A_189[0] : f32 from vector<1xf32>
          %broadcast_in_dim3A_191 = vector.broadcast %squeeze3A_190 : f32 to vector<16xf32>
          %swap3A_192 = arith.constant 80 : index
          %swap3A_193 = tpu.vector_load %arg11[%swap3A_192] {strides = array<i32>} : memref<1024xf32, #tpu.memory_space<vmem>>, vector<16xf32>,
          tpu.vector_store %arg11[%swap3A_192], %broadcast_in_dim3A_191 {strides = array<i32>} : memref<1024xf32, #tpu.memory_space<vmem>>, vector<16xf32>,
          %slice3A_194 = vector.extract_strided_slice %get3A_163 {offsets = [6], sizes = [1], strides = [1]} : vector<16xf32> to vector<1xf32>
          %squeeze3A_195 = vector.extract %slice3A_194[0] : f32 from vector<1xf32>
          %broadcast_in_dim3A_196 = vector.broadcast %squeeze3A_195 : f32 to vector<16xf32>
          %swap3A_197 = arith.constant 96 : index
          %swap3A_198 = tpu.vector_load %arg11[%swap3A_197] {strides = array<i32>} : memref<1024xf32, #tpu.memory_space<vmem>>, vector<16xf32>,
          tpu.vector_store %arg11[%swap3A_197], %broadcast_in_dim3A_196 {strides = array<i32>} : memref<1024xf32, #tpu.memory_space<vmem>>, vector<16xf32>,
          %slice3A_199 = vector.extract_strided_slice %get3A_163 {offsets = [7], sizes = [1], strides = [1]} : vector<16xf32> to vector<1xf32>
          %squeeze3A_200 = vector.extract %slice3A_199[0] : f32 from vector<1xf32>
          %broadcast_in_dim3A_201 = vector.broadcast %squeeze3A_200 : f32 to vector<16xf32>
          %swap3A_202 = arith.constant 112 : index
          %swap3A_203 = tpu.vector_load %arg11[%swap3A_202] {strides = array<i32>} : memref<1024xf32, #tpu.memory_space<vmem>>, vector<16xf32>,
          tpu.vector_store %arg11[%swap3A_202], %broadcast_in_dim3A_201 {strides = array<i32>} : memref<1024xf32, #tpu.memory_space<vmem>>, vector<16xf32>,
          %slice3A_204 = vector.extract_strided_slice %get3A_163 {offsets = [8], sizes = [1], strides = [1]} : vector<16xf32> to vector<1xf32>
          %squeeze3A_205 = vector.extract %slice3A_204[0] : f32 from vector<1xf32>
          %broadcast_in_dim3A_206 = vector.broadcast %squeeze3A_205 : f32 to vector<16xf32>
          %swap3A_207 = arith.constant 128 : index
          %swap3A_208 = tpu.vector_load %arg11[%swap3A_207] {strides = array<i32>} : memref<1024xf32, #tpu.memory_space<vmem>>, vector<16xf32>,
          tpu.vector_store %arg11[%swap3A_207], %broadcast_in_dim3A_206 {strides = array<i32>} : memref<1024xf32, #tpu.memory_space<vmem>>, vector<16xf32>,
          %slice3A_209 = vector.extract_strided_slice %get3A_163 {offsets = [9], sizes = [1], strides = [1]} : vector<16xf32> to vector<1xf32>
          %squeeze3A_210 = vector.extract %slice3A_209[0] : f32 from vector<1xf32>
          %broadcast_in_dim3A_211 = vector.broadcast %squeeze3A_210 : f32 to vector<16xf32>
          %swap3A_212 = arith.constant 144 : index
          %swap3A_213 = tpu.vector_load %arg11[%swap3A_212] {strides = array<i32>} : memref<1024xf32, #tpu.memory_space<vmem>>, vector<16xf32>,
          tpu.vector_store %arg11[%swap3A_212], %broadcast_in_dim3A_211 {strides = array<i32>} : memref<1024xf32, #tpu.memory_space<vmem>>, vector<16xf32>,
          %slice3A_214 = vector.extract_strided_slice %get3A_163 {offsets = [10], sizes = [1], strides = [1]} : vector<16xf32> to vector<1xf32>
          %squeeze3A_215 = vector.extract %slice3A_214[0] : f32 from vector<1xf32>
          %broadcast_in_dim3A_216 = vector.broadcast %squeeze3A_215 : f32 to vector<16xf32>
          %swap3A_217 = arith.constant 160 : index
          %swap3A_218 = tpu.vector_load %arg11[%swap3A_217] {strides = array<i32>} : memref<1024xf32, #tpu.memory_space<vmem>>, vector<16xf32>,
          tpu.vector_store %arg11[%swap3A_217], %broadcast_in_dim3A_216 {strides = array<i32>} : memref<1024xf32, #tpu.memory_space<vmem>>, vector<16xf32>,
          %slice3A_219 = vector.extract_strided_slice %get3A_163 {offsets = [11], sizes = [1], strides = [1]} : vector<16xf32> to vector<1xf32>
          %squeeze3A_220 = vector.extract %slice3A_219[0] : f32 from vector<1xf32>
          %broadcast_in_dim3A_221 = vector.broadcast %squeeze3A_220 : f32 to vector<16xf32>
          %swap3A_222 = arith.constant 176 : index
          %swap3A_223 = tpu.vector_load %arg11[%swap3A_222] {strides = array<i32>} : memref<1024xf32, #tpu.memory_space<vmem>>, vector<16xf32>,
          tpu.vector_store %arg11[%swap3A_222], %broadcast_in_dim3A_221 {strides = array<i32>} : memref<1024xf32, #tpu.memory_space<vmem>>, vector<16xf32>,
          %slice3A_224 = vector.extract_strided_slice %get3A_163 {offsets = [12], sizes = [1], strides = [1]} : vector<16xf32> to vector<1xf32>
          %squeeze3A_225 = vector.extract %slice3A_224[0] : f32 from vector<1xf32>
          %broadcast_in_dim3A_226 = vector.broadcast %squeeze3A_225 : f32 to vector<16xf32>
          %swap3A_227 = arith.constant 192 : index
          %swap3A_228 = tpu.vector_load %arg11[%swap3A_227] {strides = array<i32>} : memref<1024xf32, #tpu.memory_space<vmem>>, vector<16xf32>,
          tpu.vector_store %arg11[%swap3A_227], %broadcast_in_dim3A_226 {strides = array<i32>} : memref<1024xf32, #tpu.memory_space<vmem>>, vector<16xf32>,
          %slice3A_229 = vector.extract_strided_slice %get3A_163 {offsets = [13], sizes = [1], strides = [1]} : vector<16xf32> to vector<1xf32>
          %squeeze3A_230 = vector.extract %slice3A_229[0] : f32 from vector<1xf32>
          %broadcast_in_dim3A_231 = vector.broadcast %squeeze3A_230 : f32 to vector<16xf32>
          %swap3A_232 = arith.constant 208 : index
          %swap3A_233 = tpu.vector_load %arg11[%swap3A_232] {strides = array<i32>} : memref<1024xf32, #tpu.memory_space<vmem>>, vector<16xf32>,
          tpu.vector_store %arg11[%swap3A_232], %broadcast_in_dim3A_231 {strides = array<i32>} : memref<1024xf32, #tpu.memory_space<vmem>>, vector<16xf32>,
          %slice3A_234 = vector.extract_strided_slice %get3A_163 {offsets = [14], sizes = [1], strides = [1]} : vector<16xf32> to vector<1xf32>
          %squeeze3A_235 = vector.extract %slice3A_234[0] : f32 from vector<1xf32>
          %broadcast_in_dim3A_236 = vector.broadcast %squeeze3A_235 : f32 to vector<16xf32>
          %swap3A_237 = arith.constant 224 : index
          %swap3A_238 = tpu.vector_load %arg11[%swap3A_237] {strides = array<i32>} : memref<1024xf32, #tpu.memory_space<vmem>>, vector<16xf32>,
          tpu.vector_store %arg11[%swap3A_237], %broadcast_in_dim3A_236 {strides = array<i32>} : memref<1024xf32, #tpu.memory_space<vmem>>, vector<16xf32>,
          %slice3A_239 = vector.extract_strided_slice %get3A_163 {offsets = [15], sizes = [1], strides = [1]} : vector<16xf32> to vector<1xf32>
          %squeeze3A_240 = vector.extract %slice3A_239[0] : f32 from vector<1xf32>
          %broadcast_in_dim3A_241 = vector.broadcast %squeeze3A_240 : f32 to vector<16xf32>
          %swap3A_242 = arith.constant 240 : index
          %swap3A_243 = tpu.vector_load %arg11[%swap3A_242] {strides = array<i32>} : memref<1024xf32, #tpu.memory_space<vmem>>, vector<16xf32>,
          tpu.vector_store %arg11[%swap3A_242], %broadcast_in_dim3A_241 {strides = array<i32>} : memref<1024xf32, #tpu.memory_space<vmem>>, vector<16xf32>,
          %mul3A_244 = arith.constant 64 : i32
          %mul3A_245 = arith.muli %while3A_129, %mul3A_244 : i32
          %add3A_246 = arith.constant 16 : i32
          %add3A_247 = arith.addi %mul3A_245, %add3A_246 : i32
          %get3A_248 = arith.index_cast %add3A_247 : i32 to index
          %get3A_249 = tpu.vector_load %arg10[%get3A_248] {strides = array<i32>} : memref<20480xf32, #tpu.memory_space<vmem>>, vector<16xf32>,
          %slice3A_250 = vector.extract_strided_slice %get3A_249 {offsets = [0], sizes = [1], strides = [1]} : vector<16xf32> to vector<1xf32>
          %squeeze3A_251 = vector.extract %slice3A_250[0] : f32 from vector<1xf32>
          %broadcast_in_dim3A_252 = vector.broadcast %squeeze3A_251 : f32 to vector<16xf32>
          %swap3A_253 = arith.constant 256 : index
          %swap3A_254 = tpu.vector_load %arg11[%swap3A_253] {strides = array<i32>} : memref<1024xf32, #tpu.memory_space<vmem>>, vector<16xf32>,
          tpu.vector_store %arg11[%swap3A_253], %broadcast_in_dim3A_252 {strides = array<i32>} : memref<1024xf32, #tpu.memory_space<vmem>>, vector<16xf32>,
          %slice3A_255 = vector.extract_strided_slice %get3A_249 {offsets = [1], sizes = [1], strides = [1]} : vector<16xf32> to vector<1xf32>
          %squeeze3A_256 = vector.extract %slice3A_255[0] : f32 from vector<1xf32>
          %broadcast_in_dim3A_257 = vector.broadcast %squeeze3A_256 : f32 to vector<16xf32>
          %swap3A_258 = arith.constant 272 : index
          %swap3A_259 = tpu.vector_load %arg11[%swap3A_258] {strides = array<i32>} : memref<1024xf32, #tpu.memory_space<vmem>>, vector<16xf32>,
          tpu.vector_store %arg11[%swap3A_258], %broadcast_in_dim3A_257 {strides = array<i32>} : memref<1024xf32, #tpu.memory_space<vmem>>, vector<16xf32>,
          %slice3A_260 = vector.extract_strided_slice %get3A_249 {offsets = [2], sizes = [1], strides = [1]} : vector<16xf32> to vector<1xf32>
          %squeeze3A_261 = vector.extract %slice3A_260[0] : f32 from vector<1xf32>
          %broadcast_in_dim3A_262 = vector.broadcast %squeeze3A_261 : f32 to vector<16xf32>
          %swap3A_263 = arith.constant 288 : index
          %swap3A_264 = tpu.vector_load %arg11[%swap3A_263] {strides = array<i32>} : memref<1024xf32, #tpu.memory_space<vmem>>, vector<16xf32>,
          tpu.vector_store %arg11[%swap3A_263], %broadcast_in_dim3A_262 {strides = array<i32>} : memref<1024xf32, #tpu.memory_space<vmem>>, vector<16xf32>,
          %slice3A_265 = vector.extract_strided_slice %get3A_249 {offsets = [3], sizes = [1], strides = [1]} : vector<16xf32> to vector<1xf32>
          %squeeze3A_266 = vector.extract %slice3A_265[0] : f32 from vector<1xf32>
          %broadcast_in_dim3A_267 = vector.broadcast %squeeze3A_266 : f32 to vector<16xf32>
          %swap3A_268 = arith.constant 304 : index
          %swap3A_269 = tpu.vector_load %arg11[%swap3A_268] {strides = array<i32>} : memref<1024xf32, #tpu.memory_space<vmem>>, vector<16xf32>,
          tpu.vector_store %arg11[%swap3A_268], %broadcast_in_dim3A_267 {strides = array<i32>} : memref<1024xf32, #tpu.memory_space<vmem>>, vector<16xf32>,
          %slice3A_270 = vector.extract_strided_slice %get3A_249 {offsets = [4], sizes = [1], strides = [1]} : vector<16xf32> to vector<1xf32>
          %squeeze3A_271 = vector.extract %slice3A_270[0] : f32 from vector<1xf32>
          %broadcast_in_dim3A_272 = vector.broadcast %squeeze3A_271 : f32 to vector<16xf32>
          %swap3A_273 = arith.constant 320 : index
          %swap3A_274 = tpu.vector_load %arg11[%swap3A_273] {strides = array<i32>} : memref<1024xf32, #tpu.memory_space<vmem>>, vector<16xf32>,
          tpu.vector_store %arg11[%swap3A_273], %broadcast_in_dim3A_272 {strides = array<i32>} : memref<1024xf32, #tpu.memory_space<vmem>>, vector<16xf32>,
          %slice3A_275 = vector.extract_strided_slice %get3A_249 {offsets = [5], sizes = [1], strides = [1]} : vector<16xf32> to vector<1xf32>
          %squeeze3A_276 = vector.extract %slice3A_275[0] : f32 from vector<1xf32>
          %broadcast_in_dim3A_277 = vector.broadcast %squeeze3A_276 : f32 to vector<16xf32>
          %swap3A_278 = arith.constant 336 : index
          %swap3A_279 = tpu.vector_load %arg11[%swap3A_278] {strides = array<i32>} : memref<1024xf32, #tpu.memory_space<vmem>>, vector<16xf32>,
          tpu.vector_store %arg11[%swap3A_278], %broadcast_in_dim3A_277 {strides = array<i32>} : memref<1024xf32, #tpu.memory_space<vmem>>, vector<16xf32>,
          %slice3A_280 = vector.extract_strided_slice %get3A_249 {offsets = [6], sizes = [1], strides = [1]} : vector<16xf32> to vector<1xf32>
          %squeeze3A_281 = vector.extract %slice3A_280[0] : f32 from vector<1xf32>
          %broadcast_in_dim3A_282 = vector.broadcast %squeeze3A_281 : f32 to vector<16xf32>
          %swap3A_283 = arith.constant 352 : index
          %swap3A_284 = tpu.vector_load %arg11[%swap3A_283] {strides = array<i32>} : memref<1024xf32, #tpu.memory_space<vmem>>, vector<16xf32>,
          tpu.vector_store %arg11[%swap3A_283], %broadcast_in_dim3A_282 {strides = array<i32>} : memref<1024xf32, #tpu.memory_space<vmem>>, vector<16xf32>,
          %slice3A_285 = vector.extract_strided_slice %get3A_249 {offsets = [7], sizes = [1], strides = [1]} : vector<16xf32> to vector<1xf32>
          %squeeze3A_286 = vector.extract %slice3A_285[0] : f32 from vector<1xf32>
          %broadcast_in_dim3A_287 = vector.broadcast %squeeze3A_286 : f32 to vector<16xf32>
          %swap3A_288 = arith.constant 368 : index
          %swap3A_289 = tpu.vector_load %arg11[%swap3A_288] {strides = array<i32>} : memref<1024xf32, #tpu.memory_space<vmem>>, vector<16xf32>,
          tpu.vector_store %arg11[%swap3A_288], %broadcast_in_dim3A_287 {strides = array<i32>} : memref<1024xf32, #tpu.memory_space<vmem>>, vector<16xf32>,
          %slice3A_290 = vector.extract_strided_slice %get3A_249 {offsets = [8], sizes = [1], strides = [1]} : vector<16xf32> to vector<1xf32>
          %squeeze3A_291 = vector.extract %slice3A_290[0] : f32 from vector<1xf32>
          %broadcast_in_dim3A_292 = vector.broadcast %squeeze3A_291 : f32 to vector<16xf32>
          %swap3A_293 = arith.constant 384 : index
          %swap3A_294 = tpu.vector_load %arg11[%swap3A_293] {strides = array<i32>} : memref<1024xf32, #tpu.memory_space<vmem>>, vector<16xf32>,
          tpu.vector_store %arg11[%swap3A_293], %broadcast_in_dim3A_292 {strides = array<i32>} : memref<1024xf32, #tpu.memory_space<vmem>>, vector<16xf32>,
          %slice3A_295 = vector.extract_strided_slice %get3A_249 {offsets = [9], sizes = [1], strides = [1]} : vector<16xf32> to vector<1xf32>
          %squeeze3A_296 = vector.extract %slice3A_295[0] : f32 from vector<1xf32>
          %broadcast_in_dim3A_297 = vector.broadcast %squeeze3A_296 : f32 to vector<16xf32>
          %swap3A_298 = arith.constant 400 : index
          %swap3A_299 = tpu.vector_load %arg11[%swap3A_298] {strides = array<i32>} : memref<1024xf32, #tpu.memory_space<vmem>>, vector<16xf32>,
          tpu.vector_store %arg11[%swap3A_298], %broadcast_in_dim3A_297 {strides = array<i32>} : memref<1024xf32, #tpu.memory_space<vmem>>, vector<16xf32>,
          %slice3A_300 = vector.extract_strided_slice %get3A_249 {offsets = [10], sizes = [1], strides = [1]} : vector<16xf32> to vector<1xf32>
          %squeeze3A_301 = vector.extract %slice3A_300[0] : f32 from vector<1xf32>
          %broadcast_in_dim3A_302 = vector.broadcast %squeeze3A_301 : f32 to vector<16xf32>
          %swap3A_303 = arith.constant 416 : index
          %swap3A_304 = tpu.vector_load %arg11[%swap3A_303] {strides = array<i32>} : memref<1024xf32, #tpu.memory_space<vmem>>, vector<16xf32>,
          tpu.vector_store %arg11[%swap3A_303], %broadcast_in_dim3A_302 {strides = array<i32>} : memref<1024xf32, #tpu.memory_space<vmem>>, vector<16xf32>,
          %slice3A_305 = vector.extract_strided_slice %get3A_249 {offsets = [11], sizes = [1], strides = [1]} : vector<16xf32> to vector<1xf32>
          %squeeze3A_306 = vector.extract %slice3A_305[0] : f32 from vector<1xf32>
          %broadcast_in_dim3A_307 = vector.broadcast %squeeze3A_306 : f32 to vector<16xf32>
          %swap3A_308 = arith.constant 432 : index
          %swap3A_309 = tpu.vector_load %arg11[%swap3A_308] {strides = array<i32>} : memref<1024xf32, #tpu.memory_space<vmem>>, vector<16xf32>,
          tpu.vector_store %arg11[%swap3A_308], %broadcast_in_dim3A_307 {strides = array<i32>} : memref<1024xf32, #tpu.memory_space<vmem>>, vector<16xf32>,
          %slice3A_310 = vector.extract_strided_slice %get3A_249 {offsets = [12], sizes = [1], strides = [1]} : vector<16xf32> to vector<1xf32>
          %squeeze3A_311 = vector.extract %slice3A_310[0] : f32 from vector<1xf32>
          %broadcast_in_dim3A_312 = vector.broadcast %squeeze3A_311 : f32 to vector<16xf32>
          %swap3A_313 = arith.constant 448 : index
          %swap3A_314 = tpu.vector_load %arg11[%swap3A_313] {strides = array<i32>} : memref<1024xf32, #tpu.memory_space<vmem>>, vector<16xf32>,
          tpu.vector_store %arg11[%swap3A_313], %broadcast_in_dim3A_312 {strides = array<i32>} : memref<1024xf32, #tpu.memory_space<vmem>>, vector<16xf32>,
          %slice3A_315 = vector.extract_strided_slice %get3A_249 {offsets = [13], sizes = [1], strides = [1]} : vector<16xf32> to vector<1xf32>
          %squeeze3A_316 = vector.extract %slice3A_315[0] : f32 from vector<1xf32>
          %broadcast_in_dim3A_317 = vector.broadcast %squeeze3A_316 : f32 to vector<16xf32>
          %swap3A_318 = arith.constant 464 : index
          %swap3A_319 = tpu.vector_load %arg11[%swap3A_318] {strides = array<i32>} : memref<1024xf32, #tpu.memory_space<vmem>>, vector<16xf32>,
          tpu.vector_store %arg11[%swap3A_318], %broadcast_in_dim3A_317 {strides = array<i32>} : memref<1024xf32, #tpu.memory_space<vmem>>, vector<16xf32>,
          %slice3A_320 = vector.extract_strided_slice %get3A_249 {offsets = [14], sizes = [1], strides = [1]} : vector<16xf32> to vector<1xf32>
          %squeeze3A_321 = vector.extract %slice3A_320[0] : f32 from vector<1xf32>
          %broadcast_in_dim3A_322 = vector.broadcast %squeeze3A_321 : f32 to vector<16xf32>
          %swap3A_323 = arith.constant 480 : index
          %swap3A_324 = tpu.vector_load %arg11[%swap3A_323] {strides = array<i32>} : memref<1024xf32, #tpu.memory_space<vmem>>, vector<16xf32>,
          tpu.vector_store %arg11[%swap3A_323], %broadcast_in_dim3A_322 {strides = array<i32>} : memref<1024xf32, #tpu.memory_space<vmem>>, vector<16xf32>,
          %slice3A_325 = vector.extract_strided_slice %get3A_249 {offsets = [15], sizes = [1], strides = [1]} : vector<16xf32> to vector<1xf32>
          %squeeze3A_326 = vector.extract %slice3A_325[0] : f32 from vector<1xf32>
          %broadcast_in_dim3A_327 = vector.broadcast %squeeze3A_326 : f32 to vector<16xf32>
          %swap3A_328 = arith.constant 496 : index
          %swap3A_329 = tpu.vector_load %arg11[%swap3A_328] {strides = array<i32>} : memref<1024xf32, #tpu.memory_space<vmem>>, vector<16xf32>,
          tpu.vector_store %arg11[%swap3A_328], %broadcast_in_dim3A_327 {strides = array<i32>} : memref<1024xf32, #tpu.memory_space<vmem>>, vector<16xf32>,
          %mul3A_330 = arith.constant 64 : i32
          %mul3A_331 = arith.muli %while3A_129, %mul3A_330 : i32
          %add3A_332 = arith.constant 32 : i32
          %add3A_333 = arith.addi %mul3A_331, %add3A_332 : i32
          %get3A_334 = arith.index_cast %add3A_333 : i32 to index
          %get3A_335 = tpu.vector_load %arg10[%get3A_334] {strides = array<i32>} : memref<20480xf32, #tpu.memory_space<vmem>>, vector<16xf32>,
          %slice3A_336 = vector.extract_strided_slice %get3A_335 {offsets = [0], sizes = [1], strides = [1]} : vector<16xf32> to vector<1xf32>
          %squeeze3A_337 = vector.extract %slice3A_336[0] : f32 from vector<1xf32>
          %broadcast_in_dim3A_338 = vector.broadcast %squeeze3A_337 : f32 to vector<16xf32>
          %swap3A_339 = arith.constant 512 : index
          %swap3A_340 = tpu.vector_load %arg11[%swap3A_339] {strides = array<i32>} : memref<1024xf32, #tpu.memory_space<vmem>>, vector<16xf32>,
          tpu.vector_store %arg11[%swap3A_339], %broadcast_in_dim3A_338 {strides = array<i32>} : memref<1024xf32, #tpu.memory_space<vmem>>, vector<16xf32>,
          %slice3A_341 = vector.extract_strided_slice %get3A_335 {offsets = [1], sizes = [1], strides = [1]} : vector<16xf32> to vector<1xf32>
          %squeeze3A_342 = vector.extract %slice3A_341[0] : f32 from vector<1xf32>
          %broadcast_in_dim3A_343 = vector.broadcast %squeeze3A_342 : f32 to vector<16xf32>
          %swap3A_344 = arith.constant 528 : index
          %swap3A_345 = tpu.vector_load %arg11[%swap3A_344] {strides = array<i32>} : memref<1024xf32, #tpu.memory_space<vmem>>, vector<16xf32>,
          tpu.vector_store %arg11[%swap3A_344], %broadcast_in_dim3A_343 {strides = array<i32>} : memref<1024xf32, #tpu.memory_space<vmem>>, vector<16xf32>,
          %slice3A_346 = vector.extract_strided_slice %get3A_335 {offsets = [2], sizes = [1], strides = [1]} : vector<16xf32> to vector<1xf32>
          %squeeze3A_347 = vector.extract %slice3A_346[0] : f32 from vector<1xf32>
          %broadcast_in_dim3A_348 = vector.broadcast %squeeze3A_347 : f32 to vector<16xf32>
          %swap3A_349 = arith.constant 544 : index
          %swap3A_350 = tpu.vector_load %arg11[%swap3A_349] {strides = array<i32>} : memref<1024xf32, #tpu.memory_space<vmem>>, vector<16xf32>,
          tpu.vector_store %arg11[%swap3A_349], %broadcast_in_dim3A_348 {strides = array<i32>} : memref<1024xf32, #tpu.memory_space<vmem>>, vector<16xf32>,
          %slice3A_351 = vector.extract_strided_slice %get3A_335 {offsets = [3], sizes = [1], strides = [1]} : vector<16xf32> to vector<1xf32>
          %squeeze3A_352 = vector.extract %slice3A_351[0] : f32 from vector<1xf32>
          %broadcast_in_dim3A_353 = vector.broadcast %squeeze3A_352 : f32 to vector<16xf32>
          %swap3A_354 = arith.constant 560 : index
          %swap3A_355 = tpu.vector_load %arg11[%swap3A_354] {strides = array<i32>} : memref<1024xf32, #tpu.memory_space<vmem>>, vector<16xf32>,
          tpu.vector_store %arg11[%swap3A_354], %broadcast_in_dim3A_353 {strides = array<i32>} : memref<1024xf32, #tpu.memory_space<vmem>>, vector<16xf32>,
          %slice3A_356 = vector.extract_strided_slice %get3A_335 {offsets = [4], sizes = [1], strides = [1]} : vector<16xf32> to vector<1xf32>
          %squeeze3A_357 = vector.extract %slice3A_356[0] : f32 from vector<1xf32>
          %broadcast_in_dim3A_358 = vector.broadcast %squeeze3A_357 : f32 to vector<16xf32>
          %swap3A_359 = arith.constant 576 : index
          %swap3A_360 = tpu.vector_load %arg11[%swap3A_359] {strides = array<i32>} : memref<1024xf32, #tpu.memory_space<vmem>>, vector<16xf32>,
          tpu.vector_store %arg11[%swap3A_359], %broadcast_in_dim3A_358 {strides = array<i32>} : memref<1024xf32, #tpu.memory_space<vmem>>, vector<16xf32>,
          %slice3A_361 = vector.extract_strided_slice %get3A_335 {offsets = [5], sizes = [1], strides = [1]} : vector<16xf32> to vector<1xf32>
          %squeeze3A_362 = vector.extract %slice3A_361[0] : f32 from vector<1xf32>
          %broadcast_in_dim3A_363 = vector.broadcast %squeeze3A_362 : f32 to vector<16xf32>
          %swap3A_364 = arith.constant 592 : index
          %swap3A_365 = tpu.vector_load %arg11[%swap3A_364] {strides = array<i32>} : memref<1024xf32, #tpu.memory_space<vmem>>, vector<16xf32>,
          tpu.vector_store %arg11[%swap3A_364], %broadcast_in_dim3A_363 {strides = array<i32>} : memref<1024xf32, #tpu.memory_space<vmem>>, vector<16xf32>,
          %slice3A_366 = vector.extract_strided_slice %get3A_335 {offsets = [6], sizes = [1], strides = [1]} : vector<16xf32> to vector<1xf32>
          %squeeze3A_367 = vector.extract %slice3A_366[0] : f32 from vector<1xf32>
          %broadcast_in_dim3A_368 = vector.broadcast %squeeze3A_367 : f32 to vector<16xf32>
          %swap3A_369 = arith.constant 608 : index
          %swap3A_370 = tpu.vector_load %arg11[%swap3A_369] {strides = array<i32>} : memref<1024xf32, #tpu.memory_space<vmem>>, vector<16xf32>,
          tpu.vector_store %arg11[%swap3A_369], %broadcast_in_dim3A_368 {strides = array<i32>} : memref<1024xf32, #tpu.memory_space<vmem>>, vector<16xf32>,
          %slice3A_371 = vector.extract_strided_slice %get3A_335 {offsets = [7], sizes = [1], strides = [1]} : vector<16xf32> to vector<1xf32>
          %squeeze3A_372 = vector.extract %slice3A_371[0] : f32 from vector<1xf32>
          %broadcast_in_dim3A_373 = vector.broadcast %squeeze3A_372 : f32 to vector<16xf32>
          %swap3A_374 = arith.constant 624 : index
          %swap3A_375 = tpu.vector_load %arg11[%swap3A_374] {strides = array<i32>} : memref<1024xf32, #tpu.memory_space<vmem>>, vector<16xf32>,
          tpu.vector_store %arg11[%swap3A_374], %broadcast_in_dim3A_373 {strides = array<i32>} : memref<1024xf32, #tpu.memory_space<vmem>>, vector<16xf32>,
          %slice3A_376 = vector.extract_strided_slice %get3A_335 {offsets = [8], sizes = [1], strides = [1]} : vector<16xf32> to vector<1xf32>
          %squeeze3A_377 = vector.extract %slice3A_376[0] : f32 from vector<1xf32>
          %broadcast_in_dim3A_378 = vector.broadcast %squeeze3A_377 : f32 to vector<16xf32>
          %swap3A_379 = arith.constant 640 : index
          %swap3A_380 = tpu.vector_load %arg11[%swap3A_379] {strides = array<i32>} : memref<1024xf32, #tpu.memory_space<vmem>>, vector<16xf32>,
          tpu.vector_store %arg11[%swap3A_379], %broadcast_in_dim3A_378 {strides = array<i32>} : memref<1024xf32, #tpu.memory_space<vmem>>, vector<16xf32>,
          %slice3A_381 = vector.extract_strided_slice %get3A_335 {offsets = [9], sizes = [1], strides = [1]} : vector<16xf32> to vector<1xf32>
          %squeeze3A_382 = vector.extract %slice3A_381[0] : f32 from vector<1xf32>
          %broadcast_in_dim3A_383 = vector.broadcast %squeeze3A_382 : f32 to vector<16xf32>
          %swap3A_384 = arith.constant 656 : index
          %swap3A_385 = tpu.vector_load %arg11[%swap3A_384] {strides = array<i32>} : memref<1024xf32, #tpu.memory_space<vmem>>, vector<16xf32>,
          tpu.vector_store %arg11[%swap3A_384], %broadcast_in_dim3A_383 {strides = array<i32>} : memref<1024xf32, #tpu.memory_space<vmem>>, vector<16xf32>,
          %slice3A_386 = vector.extract_strided_slice %get3A_335 {offsets = [10], sizes = [1], strides = [1]} : vector<16xf32> to vector<1xf32>
          %squeeze3A_387 = vector.extract %slice3A_386[0] : f32 from vector<1xf32>
          %broadcast_in_dim3A_388 = vector.broadcast %squeeze3A_387 : f32 to vector<16xf32>
          %swap3A_389 = arith.constant 672 : index
          %swap3A_390 = tpu.vector_load %arg11[%swap3A_389] {strides = array<i32>} : memref<1024xf32, #tpu.memory_space<vmem>>, vector<16xf32>,
          tpu.vector_store %arg11[%swap3A_389], %broadcast_in_dim3A_388 {strides = array<i32>} : memref<1024xf32, #tpu.memory_space<vmem>>, vector<16xf32>,
          %slice3A_391 = vector.extract_strided_slice %get3A_335 {offsets = [11], sizes = [1], strides = [1]} : vector<16xf32> to vector<1xf32>
          %squeeze3A_392 = vector.extract %slice3A_391[0] : f32 from vector<1xf32>
          %broadcast_in_dim3A_393 = vector.broadcast %squeeze3A_392 : f32 to vector<16xf32>
          %swap3A_394 = arith.constant 688 : index
          %swap3A_395 = tpu.vector_load %arg11[%swap3A_394] {strides = array<i32>} : memref<1024xf32, #tpu.memory_space<vmem>>, vector<16xf32>,
          tpu.vector_store %arg11[%swap3A_394], %broadcast_in_dim3A_393 {strides = array<i32>} : memref<1024xf32, #tpu.memory_space<vmem>>, vector<16xf32>,
          %slice3A_396 = vector.extract_strided_slice %get3A_335 {offsets = [12], sizes = [1], strides = [1]} : vector<16xf32> to vector<1xf32>
          %squeeze3A_397 = vector.extract %slice3A_396[0] : f32 from vector<1xf32>
          %broadcast_in_dim3A_398 = vector.broadcast %squeeze3A_397 : f32 to vector<16xf32>
          %swap3A_399 = arith.constant 704 : index
          %swap3A_400 = tpu.vector_load %arg11[%swap3A_399] {strides = array<i32>} : memref<1024xf32, #tpu.memory_space<vmem>>, vector<16xf32>,
          tpu.vector_store %arg11[%swap3A_399], %broadcast_in_dim3A_398 {strides = array<i32>} : memref<1024xf32, #tpu.memory_space<vmem>>, vector<16xf32>,
          %slice3A_401 = vector.extract_strided_slice %get3A_335 {offsets = [13], sizes = [1], strides = [1]} : vector<16xf32> to vector<1xf32>
          %squeeze3A_402 = vector.extract %slice3A_401[0] : f32 from vector<1xf32>
          %broadcast_in_dim3A_403 = vector.broadcast %squeeze3A_402 : f32 to vector<16xf32>
          %swap3A_404 = arith.constant 720 : index
          %swap3A_405 = tpu.vector_load %arg11[%swap3A_404] {strides = array<i32>} : memref<1024xf32, #tpu.memory_space<vmem>>, vector<16xf32>,
          tpu.vector_store %arg11[%swap3A_404], %broadcast_in_dim3A_403 {strides = array<i32>} : memref<1024xf32, #tpu.memory_space<vmem>>, vector<16xf32>,
          %slice3A_406 = vector.extract_strided_slice %get3A_335 {offsets = [14], sizes = [1], strides = [1]} : vector<16xf32> to vector<1xf32>
          %squeeze3A_407 = vector.extract %slice3A_406[0] : f32 from vector<1xf32>
          %broadcast_in_dim3A_408 = vector.broadcast %squeeze3A_407 : f32 to vector<16xf32>
          %swap3A_409 = arith.constant 736 : index
          %swap3A_410 = tpu.vector_load %arg11[%swap3A_409] {strides = array<i32>} : memref<1024xf32, #tpu.memory_space<vmem>>, vector<16xf32>,
          tpu.vector_store %arg11[%swap3A_409], %broadcast_in_dim3A_408 {strides = array<i32>} : memref<1024xf32, #tpu.memory_space<vmem>>, vector<16xf32>,
          %slice3A_411 = vector.extract_strided_slice %get3A_335 {offsets = [15], sizes = [1], strides = [1]} : vector<16xf32> to vector<1xf32>
          %squeeze3A_412 = vector.extract %slice3A_411[0] : f32 from vector<1xf32>
          %broadcast_in_dim3A_413 = vector.broadcast %squeeze3A_412 : f32 to vector<16xf32>
          %swap3A_414 = arith.constant 752 : index
          %swap3A_415 = tpu.vector_load %arg11[%swap3A_414] {strides = array<i32>} : memref<1024xf32, #tpu.memory_space<vmem>>, vector<16xf32>,
          tpu.vector_store %arg11[%swap3A_414], %broadcast_in_dim3A_413 {strides = array<i32>} : memref<1024xf32, #tpu.memory_space<vmem>>, vector<16xf32>,
          %mul3A_416 = arith.constant 64 : i32
          %mul3A_417 = arith.muli %while3A_129, %mul3A_416 : i32
          %add3A_418 = arith.constant 48 : i32
          %add3A_419 = arith.addi %mul3A_417, %add3A_418 : i32
          %get3A_420 = arith.index_cast %add3A_419 : i32 to index
          %get3A_421 = tpu.vector_load %arg10[%get3A_420] {strides = array<i32>} : memref<20480xf32, #tpu.memory_space<vmem>>, vector<16xf32>,
          %slice3A_422 = vector.extract_strided_slice %get3A_421 {offsets = [0], sizes = [1], strides = [1]} : vector<16xf32> to vector<1xf32>
          %squeeze3A_423 = vector.extract %slice3A_422[0] : f32 from vector<1xf32>
          %broadcast_in_dim3A_424 = vector.broadcast %squeeze3A_423 : f32 to vector<16xf32>
          %swap3A_425 = arith.constant 768 : index
          %swap3A_426 = tpu.vector_load %arg11[%swap3A_425] {strides = array<i32>} : memref<1024xf32, #tpu.memory_space<vmem>>, vector<16xf32>,
          tpu.vector_store %arg11[%swap3A_425], %broadcast_in_dim3A_424 {strides = array<i32>} : memref<1024xf32, #tpu.memory_space<vmem>>, vector<16xf32>,
          %slice3A_427 = vector.extract_strided_slice %get3A_421 {offsets = [1], sizes = [1], strides = [1]} : vector<16xf32> to vector<1xf32>
          %squeeze3A_428 = vector.extract %slice3A_427[0] : f32 from vector<1xf32>
          %broadcast_in_dim3A_429 = vector.broadcast %squeeze3A_428 : f32 to vector<16xf32>
          %swap3A_430 = arith.constant 784 : index
          %swap3A_431 = tpu.vector_load %arg11[%swap3A_430] {strides = array<i32>} : memref<1024xf32, #tpu.memory_space<vmem>>, vector<16xf32>,
          tpu.vector_store %arg11[%swap3A_430], %broadcast_in_dim3A_429 {strides = array<i32>} : memref<1024xf32, #tpu.memory_space<vmem>>, vector<16xf32>,
          %slice3A_432 = vector.extract_strided_slice %get3A_421 {offsets = [2], sizes = [1], strides = [1]} : vector<16xf32> to vector<1xf32>
          %squeeze3A_433 = vector.extract %slice3A_432[0] : f32 from vector<1xf32>
          %broadcast_in_dim3A_434 = vector.broadcast %squeeze3A_433 : f32 to vector<16xf32>
          %swap3A_435 = arith.constant 800 : index
          %swap3A_436 = tpu.vector_load %arg11[%swap3A_435] {strides = array<i32>} : memref<1024xf32, #tpu.memory_space<vmem>>, vector<16xf32>,
          tpu.vector_store %arg11[%swap3A_435], %broadcast_in_dim3A_434 {strides = array<i32>} : memref<1024xf32, #tpu.memory_space<vmem>>, vector<16xf32>,
          %slice3A_437 = vector.extract_strided_slice %get3A_421 {offsets = [3], sizes = [1], strides = [1]} : vector<16xf32> to vector<1xf32>
          %squeeze3A_438 = vector.extract %slice3A_437[0] : f32 from vector<1xf32>
          %broadcast_in_dim3A_439 = vector.broadcast %squeeze3A_438 : f32 to vector<16xf32>
          %swap3A_440 = arith.constant 816 : index
          %swap3A_441 = tpu.vector_load %arg11[%swap3A_440] {strides = array<i32>} : memref<1024xf32, #tpu.memory_space<vmem>>, vector<16xf32>,
          tpu.vector_store %arg11[%swap3A_440], %broadcast_in_dim3A_439 {strides = array<i32>} : memref<1024xf32, #tpu.memory_space<vmem>>, vector<16xf32>,
          %slice3A_442 = vector.extract_strided_slice %get3A_421 {offsets = [4], sizes = [1], strides = [1]} : vector<16xf32> to vector<1xf32>
          %squeeze3A_443 = vector.extract %slice3A_442[0] : f32 from vector<1xf32>
          %broadcast_in_dim3A_444 = vector.broadcast %squeeze3A_443 : f32 to vector<16xf32>
          %swap3A_445 = arith.constant 832 : index
          %swap3A_446 = tpu.vector_load %arg11[%swap3A_445] {strides = array<i32>} : memref<1024xf32, #tpu.memory_space<vmem>>, vector<16xf32>,
          tpu.vector_store %arg11[%swap3A_445], %broadcast_in_dim3A_444 {strides = array<i32>} : memref<1024xf32, #tpu.memory_space<vmem>>, vector<16xf32>,
          %slice3A_447 = vector.extract_strided_slice %get3A_421 {offsets = [5], sizes = [1], strides = [1]} : vector<16xf32> to vector<1xf32>
          %squeeze3A_448 = vector.extract %slice3A_447[0] : f32 from vector<1xf32>
          %broadcast_in_dim3A_449 = vector.broadcast %squeeze3A_448 : f32 to vector<16xf32>
          %swap3A_450 = arith.constant 848 : index
          %swap3A_451 = tpu.vector_load %arg11[%swap3A_450] {strides = array<i32>} : memref<1024xf32, #tpu.memory_space<vmem>>, vector<16xf32>,
          tpu.vector_store %arg11[%swap3A_450], %broadcast_in_dim3A_449 {strides = array<i32>} : memref<1024xf32, #tpu.memory_space<vmem>>, vector<16xf32>,
          %slice3A_452 = vector.extract_strided_slice %get3A_421 {offsets = [6], sizes = [1], strides = [1]} : vector<16xf32> to vector<1xf32>
          %squeeze3A_453 = vector.extract %slice3A_452[0] : f32 from vector<1xf32>
          %broadcast_in_dim3A_454 = vector.broadcast %squeeze3A_453 : f32 to vector<16xf32>
          %swap3A_455 = arith.constant 864 : index
          %swap3A_456 = tpu.vector_load %arg11[%swap3A_455] {strides = array<i32>} : memref<1024xf32, #tpu.memory_space<vmem>>, vector<16xf32>,
          tpu.vector_store %arg11[%swap3A_455], %broadcast_in_dim3A_454 {strides = array<i32>} : memref<1024xf32, #tpu.memory_space<vmem>>, vector<16xf32>,
          %slice3A_457 = vector.extract_strided_slice %get3A_421 {offsets = [7], sizes = [1], strides = [1]} : vector<16xf32> to vector<1xf32>
          %squeeze3A_458 = vector.extract %slice3A_457[0] : f32 from vector<1xf32>
          %broadcast_in_dim3A_459 = vector.broadcast %squeeze3A_458 : f32 to vector<16xf32>
          %swap3A_460 = arith.constant 880 : index
          %swap3A_461 = tpu.vector_load %arg11[%swap3A_460] {strides = array<i32>} : memref<1024xf32, #tpu.memory_space<vmem>>, vector<16xf32>,
          tpu.vector_store %arg11[%swap3A_460], %broadcast_in_dim3A_459 {strides = array<i32>} : memref<1024xf32, #tpu.memory_space<vmem>>, vector<16xf32>,
          %slice3A_462 = vector.extract_strided_slice %get3A_421 {offsets = [8], sizes = [1], strides = [1]} : vector<16xf32> to vector<1xf32>
          %squeeze3A_463 = vector.extract %slice3A_462[0] : f32 from vector<1xf32>
          %broadcast_in_dim3A_464 = vector.broadcast %squeeze3A_463 : f32 to vector<16xf32>
          %swap3A_465 = arith.constant 896 : index
          %swap3A_466 = tpu.vector_load %arg11[%swap3A_465] {strides = array<i32>} : memref<1024xf32, #tpu.memory_space<vmem>>, vector<16xf32>,
          tpu.vector_store %arg11[%swap3A_465], %broadcast_in_dim3A_464 {strides = array<i32>} : memref<1024xf32, #tpu.memory_space<vmem>>, vector<16xf32>,
          %slice3A_467 = vector.extract_strided_slice %get3A_421 {offsets = [9], sizes = [1], strides = [1]} : vector<16xf32> to vector<1xf32>
          %squeeze3A_468 = vector.extract %slice3A_467[0] : f32 from vector<1xf32>
          %broadcast_in_dim3A_469 = vector.broadcast %squeeze3A_468 : f32 to vector<16xf32>
          %swap3A_470 = arith.constant 912 : index
          %swap3A_471 = tpu.vector_load %arg11[%swap3A_470] {strides = array<i32>} : memref<1024xf32, #tpu.memory_space<vmem>>, vector<16xf32>,
          tpu.vector_store %arg11[%swap3A_470], %broadcast_in_dim3A_469 {strides = array<i32>} : memref<1024xf32, #tpu.memory_space<vmem>>, vector<16xf32>,
          %slice3A_472 = vector.extract_strided_slice %get3A_421 {offsets = [10], sizes = [1], strides = [1]} : vector<16xf32> to vector<1xf32>
          %squeeze3A_473 = vector.extract %slice3A_472[0] : f32 from vector<1xf32>
          %broadcast_in_dim3A_474 = vector.broadcast %squeeze3A_473 : f32 to vector<16xf32>
          %swap3A_475 = arith.constant 928 : index
          %swap3A_476 = tpu.vector_load %arg11[%swap3A_475] {strides = array<i32>} : memref<1024xf32, #tpu.memory_space<vmem>>, vector<16xf32>,
          tpu.vector_store %arg11[%swap3A_475], %broadcast_in_dim3A_474 {strides = array<i32>} : memref<1024xf32, #tpu.memory_space<vmem>>, vector<16xf32>,
          %slice3A_477 = vector.extract_strided_slice %get3A_421 {offsets = [11], sizes = [1], strides = [1]} : vector<16xf32> to vector<1xf32>
          %squeeze3A_478 = vector.extract %slice3A_477[0] : f32 from vector<1xf32>
          %broadcast_in_dim3A_479 = vector.broadcast %squeeze3A_478 : f32 to vector<16xf32>
          %swap3A_480 = arith.constant 944 : index
          %swap3A_481 = tpu.vector_load %arg11[%swap3A_480] {strides = array<i32>} : memref<1024xf32, #tpu.memory_space<vmem>>, vector<16xf32>,
          tpu.vector_store %arg11[%swap3A_480], %broadcast_in_dim3A_479 {strides = array<i32>} : memref<1024xf32, #tpu.memory_space<vmem>>, vector<16xf32>,
          %slice3A_482 = vector.extract_strided_slice %get3A_421 {offsets = [12], sizes = [1], strides = [1]} : vector<16xf32> to vector<1xf32>
          %squeeze3A_483 = vector.extract %slice3A_482[0] : f32 from vector<1xf32>
          %broadcast_in_dim3A_484 = vector.broadcast %squeeze3A_483 : f32 to vector<16xf32>
          %swap3A_485 = arith.constant 960 : index
          %swap3A_486 = tpu.vector_load %arg11[%swap3A_485] {strides = array<i32>} : memref<1024xf32, #tpu.memory_space<vmem>>, vector<16xf32>,
          tpu.vector_store %arg11[%swap3A_485], %broadcast_in_dim3A_484 {strides = array<i32>} : memref<1024xf32, #tpu.memory_space<vmem>>, vector<16xf32>,
          %slice3A_487 = vector.extract_strided_slice %get3A_421 {offsets = [13], sizes = [1], strides = [1]} : vector<16xf32> to vector<1xf32>
          %squeeze3A_488 = vector.extract %slice3A_487[0] : f32 from vector<1xf32>
          %broadcast_in_dim3A_489 = vector.broadcast %squeeze3A_488 : f32 to vector<16xf32>
          %swap3A_490 = arith.constant 976 : index
          %swap3A_491 = tpu.vector_load %arg11[%swap3A_490] {strides = array<i32>} : memref<1024xf32, #tpu.memory_space<vmem>>, vector<16xf32>,
          tpu.vector_store %arg11[%swap3A_490], %broadcast_in_dim3A_489 {strides = array<i32>} : memref<1024xf32, #tpu.memory_space<vmem>>, vector<16xf32>,
          %slice3A_492 = vector.extract_strided_slice %get3A_421 {offsets = [14], sizes = [1], strides = [1]} : vector<16xf32> to vector<1xf32>
          %squeeze3A_493 = vector.extract %slice3A_492[0] : f32 from vector<1xf32>
          %broadcast_in_dim3A_494 = vector.broadcast %squeeze3A_493 : f32 to vector<16xf32>
          %swap3A_495 = arith.constant 992 : index
          %swap3A_496 = tpu.vector_load %arg11[%swap3A_495] {strides = array<i32>} : memref<1024xf32, #tpu.memory_space<vmem>>, vector<16xf32>,
          tpu.vector_store %arg11[%swap3A_495], %broadcast_in_dim3A_494 {strides = array<i32>} : memref<1024xf32, #tpu.memory_space<vmem>>, vector<16xf32>,
          %slice3A_497 = vector.extract_strided_slice %get3A_421 {offsets = [15], sizes = [1], strides = [1]} : vector<16xf32> to vector<1xf32>
          %squeeze3A_498 = vector.extract %slice3A_497[0] : f32 from vector<1xf32>
          %broadcast_in_dim3A_499 = vector.broadcast %squeeze3A_498 : f32 to vector<16xf32>
          %swap3A_500 = arith.constant 1008 : index
          %swap3A_501 = tpu.vector_load %arg11[%swap3A_500] {strides = array<i32>} : memref<1024xf32, #tpu.memory_space<vmem>>, vector<16xf32>,
          tpu.vector_store %arg11[%swap3A_500], %broadcast_in_dim3A_499 {strides = array<i32>} : memref<1024xf32, #tpu.memory_space<vmem>>, vector<16xf32>,
          %broadcast_in_dim3A_502 = vector.broadcast %sub3A_138 : i32 to vector<16xi32>
          %broadcast_in_dim3A_503 = vector.broadcast %sub3A_139 : i32 to vector<16xi32>
          %jit3A_504 = arith.constant 16 : i32
          %div3A_505 = arith.divsi %sub3A_138, %jit3A_504 : i32
          %sign3A_506 = arith.constant 0 : i32
          %sign3A_507 = arith.cmpi sgt, %sub3A_138, %sign3A_506 : i32
          %sign3A_508 = arith.extui %sign3A_507 : i1 to i32
          %sign3A_509 = arith.constant 0 : i32
          %sign3A_510 = arith.cmpi slt, %sub3A_138, %sign3A_509 : i32
          %sign3A_511 = arith.extui %sign3A_510 : i1 to i32
          %sign3A_512 = arith.subi %sign3A_508, %sign3A_511 : i32
          %sign3A_513 = arith.constant 0 : i32
          %sign3A_514 = arith.cmpi sgt, %jit3A_504, %sign3A_513 : i32
          %sign3A_515 = arith.extui %sign3A_514 : i1 to i32
          %sign3A_516 = arith.constant 0 : i32
          %sign3A_517 = arith.cmpi slt, %jit3A_504, %sign3A_516 : i32
          %sign3A_518 = arith.extui %sign3A_517 : i1 to i32
          %sign3A_519 = arith.subi %sign3A_515, %sign3A_518 : i32
          %ne3A_520 = arith.cmpi ne, %sign3A_512, %sign3A_519 : i32
          %rem3A_521 = arith.remsi %sub3A_138, %jit3A_504 : i32
          %ne3A_522 = arith.constant 0 : i32
          %ne3A_523 = arith.cmpi ne, %rem3A_521, %ne3A_522 : i32
          %and3A_524 = arith.andi %ne3A_520, %ne3A_523 : i1
          %sub3A_525 = arith.constant 1 : i32
          %sub3A_526 = arith.subi %div3A_505, %sub3A_525 : i32
          %select_n3A_527 = arith.select %and3A_524, %sub3A_526, %div3A_505 : i32
          %add3A_528 = arith.constant 15 : i32
          %add3A_529 = arith.addi %sub3A_139, %add3A_528 : i32
          %jit3A_530 = arith.constant 16 : i32
          %div3A_531 = arith.divsi %add3A_529, %jit3A_530 : i32
          %sign3A_532 = arith.constant 0 : i32
          %sign3A_533 = arith.cmpi sgt, %add3A_529, %sign3A_532 : i32
          %sign3A_534 = arith.extui %sign3A_533 : i1 to i32
          %sign3A_535 = arith.constant 0 : i32
          %sign3A_536 = arith.cmpi slt, %add3A_529, %sign3A_535 : i32
          %sign3A_537 = arith.extui %sign3A_536 : i1 to i32
          %sign3A_538 = arith.subi %sign3A_534, %sign3A_537 : i32
          %sign3A_539 = arith.constant 0 : i32
          %sign3A_540 = arith.cmpi sgt, %jit3A_530, %sign3A_539 : i32
          %sign3A_541 = arith.extui %sign3A_540 : i1 to i32
          %sign3A_542 = arith.constant 0 : i32
          %sign3A_543 = arith.cmpi slt, %jit3A_530, %sign3A_542 : i32
          %sign3A_544 = arith.extui %sign3A_543 : i1 to i32
          %sign3A_545 = arith.subi %sign3A_541, %sign3A_544 : i32
          %ne3A_546 = arith.cmpi ne, %sign3A_538, %sign3A_545 : i32
          %rem3A_547 = arith.remsi %add3A_529, %jit3A_530 : i32
          %ne3A_548 = arith.constant 0 : i32
          %ne3A_549 = arith.cmpi ne, %rem3A_547, %ne3A_548 : i32
          %and3A_550 = arith.andi %ne3A_546, %ne3A_549 : i1
          %sub3A_551 = arith.constant 1 : i32
          %sub3A_552 = arith.subi %div3A_531, %sub3A_551 : i32
          %select_n3A_553 = arith.select %and3A_550, %sub3A_552, %div3A_531 : i32
          %while3A_554 = arith.constant 0 : i32
          %while3A_555 = arith.subi %select_n3A_553, %select_n3A_527 : i32
          %while3A_556 = arith.addi %select_n3A_527, %while3A_555 : i32
          %while3A_557 = arith.constant 1 : i32
          %while3A_558 = arith.divsi %while3A_555, %while3A_557 : i32
          %while3A_559 = arith.muli %while3A_558, %while3A_557 : i32
          %while3A_560 = arith.addi %select_n3A_527, %while3A_559 : i32
          %while3A_561 = arith.constant 1 : i32
          scf.for %while3A_563 = %select_n3A_527 to %while3A_560 step %while3A_561  : i32 {
            %mul3A_564 = arith.constant 16 : i32
            %mul3A_565 = arith.muli %while3A_563, %mul3A_564 : i32
            %add3A_566 = vector.broadcast %mul3A_565 : i32 to vector<16xi32>
            %add3A_567 = arith.addi %iota3A, %add3A_566 : vector<16xi32>
            %ge3A = arith.cmpi sge, %add3A_567, %broadcast_in_dim3A_502 : vector<16xi32>
            %lt3A_568 = arith.cmpi slt, %add3A_567, %broadcast_in_dim3A_503 : vector<16xi32>
            %and3A_569 = arith.andi %ge3A, %lt3A_568 : vector<16xi1>
            %add3A_570 = arith.constant 0 : i32
            %add3A_571 = arith.addi %mul3A_124, %add3A_570 : i32
            %add3A_572 = arith.addi %add3A_571, %mul3A_565 : i32
            %get3A_573 = arith.index_cast %add3A_572 : i32 to index
            %get3A_574 = tpu.vector_load %arg12[%get3A_573] {strides = array<i32>} : memref<8192xf32, #tpu.memory_space<vmem>>, vector<16xf32>,
            %get3A_575 = arith.constant 0 : index
            %get3A_576 = tpu.vector_load %arg11[%get3A_575] {strides = array<i32>} : memref<1024xf32, #tpu.memory_space<vmem>>, vector<16xf32>,
            %mul3A_577 = arith.mulf %get3A_574, %get3A_576 : vector<16xf32>
            %add3A_578 = arith.addf %broadcast_in_dim3A_5, %mul3A_577 : vector<16xf32>
            %add3A_579 = arith.constant 64 : i32
            %add3A_580 = arith.addi %mul3A_124, %add3A_579 : i32
            %add3A_581 = arith.addi %add3A_580, %mul3A_565 : i32
            %get3A_582 = arith.index_cast %add3A_581 : i32 to index
            %get3A_583 = tpu.vector_load %arg12[%get3A_582] {strides = array<i32>} : memref<8192xf32, #tpu.memory_space<vmem>>, vector<16xf32>,
            %get3A_584 = arith.constant 16 : index
            %get3A_585 = tpu.vector_load %arg11[%get3A_584] {strides = array<i32>} : memref<1024xf32, #tpu.memory_space<vmem>>, vector<16xf32>,
            %mul3A_586 = arith.mulf %get3A_583, %get3A_585 : vector<16xf32>
            %add3A_587 = arith.addf %broadcast_in_dim3A_5, %mul3A_586 : vector<16xf32>
            %add3A_588 = arith.constant 128 : i32
            %add3A_589 = arith.addi %mul3A_124, %add3A_588 : i32
            %add3A_590 = arith.addi %add3A_589, %mul3A_565 : i32
            %get3A_591 = arith.index_cast %add3A_590 : i32 to index
            %get3A_592 = tpu.vector_load %arg12[%get3A_591] {strides = array<i32>} : memref<8192xf32, #tpu.memory_space<vmem>>, vector<16xf32>,
            %get3A_593 = arith.constant 32 : index
            %get3A_594 = tpu.vector_load %arg11[%get3A_593] {strides = array<i32>} : memref<1024xf32, #tpu.memory_space<vmem>>, vector<16xf32>,
            %mul3A_595 = arith.mulf %get3A_592, %get3A_594 : vector<16xf32>
            %add3A_596 = arith.addf %broadcast_in_dim3A_5, %mul3A_595 : vector<16xf32>
            %add3A_597 = arith.constant 192 : i32
            %add3A_598 = arith.addi %mul3A_124, %add3A_597 : i32
            %add3A_599 = arith.addi %add3A_598, %mul3A_565 : i32
            %get3A_600 = arith.index_cast %add3A_599 : i32 to index
            %get3A_601 = tpu.vector_load %arg12[%get3A_600] {strides = array<i32>} : memref<8192xf32, #tpu.memory_space<vmem>>, vector<16xf32>,
            %get3A_602 = arith.constant 48 : index
            %get3A_603 = tpu.vector_load %arg11[%get3A_602] {strides = array<i32>} : memref<1024xf32, #tpu.memory_space<vmem>>, vector<16xf32>,
            %mul3A_604 = arith.mulf %get3A_601, %get3A_603 : vector<16xf32>
            %add3A_605 = arith.addf %broadcast_in_dim3A_5, %mul3A_604 : vector<16xf32>
            %add3A_606 = arith.constant 256 : i32
            %add3A_607 = arith.addi %mul3A_124, %add3A_606 : i32
            %add3A_608 = arith.addi %add3A_607, %mul3A_565 : i32
            %get3A_609 = arith.index_cast %add3A_608 : i32 to index
            %get3A_610 = tpu.vector_load %arg12[%get3A_609] {strides = array<i32>} : memref<8192xf32, #tpu.memory_space<vmem>>, vector<16xf32>,
            %get3A_611 = arith.constant 64 : index
            %get3A_612 = tpu.vector_load %arg11[%get3A_611] {strides = array<i32>} : memref<1024xf32, #tpu.memory_space<vmem>>, vector<16xf32>,
            %mul3A_613 = arith.mulf %get3A_610, %get3A_612 : vector<16xf32>
            %add3A_614 = arith.addf %add3A_578, %mul3A_613 : vector<16xf32>
            %add3A_615 = arith.constant 320 : i32
            %add3A_616 = arith.addi %mul3A_124, %add3A_615 : i32
            %add3A_617 = arith.addi %add3A_616, %mul3A_565 : i32
            %get3A_618 = arith.index_cast %add3A_617 : i32 to index
            %get3A_619 = tpu.vector_load %arg12[%get3A_618] {strides = array<i32>} : memref<8192xf32, #tpu.memory_space<vmem>>, vector<16xf32>,
            %get3A_620 = arith.constant 80 : index
            %get3A_621 = tpu.vector_load %arg11[%get3A_620] {strides = array<i32>} : memref<1024xf32, #tpu.memory_space<vmem>>, vector<16xf32>,
            %mul3A_622 = arith.mulf %get3A_619, %get3A_621 : vector<16xf32>
            %add3A_623 = arith.addf %add3A_587, %mul3A_622 : vector<16xf32>
            %add3A_624 = arith.constant 384 : i32
            %add3A_625 = arith.addi %mul3A_124, %add3A_624 : i32
            %add3A_626 = arith.addi %add3A_625, %mul3A_565 : i32
            %get3A_627 = arith.index_cast %add3A_626 : i32 to index
            %get3A_628 = tpu.vector_load %arg12[%get3A_627] {strides = array<i32>} : memref<8192xf32, #tpu.memory_space<vmem>>, vector<16xf32>,
            %get3A_629 = arith.constant 96 : index
            %get3A_630 = tpu.vector_load %arg11[%get3A_629] {strides = array<i32>} : memref<1024xf32, #tpu.memory_space<vmem>>, vector<16xf32>,
            %mul3A_631 = arith.mulf %get3A_628, %get3A_630 : vector<16xf32>
            %add3A_632 = arith.addf %add3A_596, %mul3A_631 : vector<16xf32>
            %add3A_633 = arith.constant 448 : i32
            %add3A_634 = arith.addi %mul3A_124, %add3A_633 : i32
            %add3A_635 = arith.addi %add3A_634, %mul3A_565 : i32
            %get3A_636 = arith.index_cast %add3A_635 : i32 to index
            %get3A_637 = tpu.vector_load %arg12[%get3A_636] {strides = array<i32>} : memref<8192xf32, #tpu.memory_space<vmem>>, vector<16xf32>,
            %get3A_638 = arith.constant 112 : index
            %get3A_639 = tpu.vector_load %arg11[%get3A_638] {strides = array<i32>} : memref<1024xf32, #tpu.memory_space<vmem>>, vector<16xf32>,
            %mul3A_640 = arith.mulf %get3A_637, %get3A_639 : vector<16xf32>
            %add3A_641 = arith.addf %add3A_605, %mul3A_640 : vector<16xf32>
            %add3A_642 = arith.constant 512 : i32
            %add3A_643 = arith.addi %mul3A_124, %add3A_642 : i32
            %add3A_644 = arith.addi %add3A_643, %mul3A_565 : i32
            %get3A_645 = arith.index_cast %add3A_644 : i32 to index
            %get3A_646 = tpu.vector_load %arg12[%get3A_645] {strides = array<i32>} : memref<8192xf32, #tpu.memory_space<vmem>>, vector<16xf32>,
            %get3A_647 = arith.constant 128 : index
            %get3A_648 = tpu.vector_load %arg11[%get3A_647] {strides = array<i32>} : memref<1024xf32, #tpu.memory_space<vmem>>, vector<16xf32>,
            %mul3A_649 = arith.mulf %get3A_646, %get3A_648 : vector<16xf32>
            %add3A_650 = arith.addf %add3A_614, %mul3A_649 : vector<16xf32>
            %add3A_651 = arith.constant 576 : i32
            %add3A_652 = arith.addi %mul3A_124, %add3A_651 : i32
            %add3A_653 = arith.addi %add3A_652, %mul3A_565 : i32
            %get3A_654 = arith.index_cast %add3A_653 : i32 to index
            %get3A_655 = tpu.vector_load %arg12[%get3A_654] {strides = array<i32>} : memref<8192xf32, #tpu.memory_space<vmem>>, vector<16xf32>,
            %get3A_656 = arith.constant 144 : index
            %get3A_657 = tpu.vector_load %arg11[%get3A_656] {strides = array<i32>} : memref<1024xf32, #tpu.memory_space<vmem>>, vector<16xf32>,
            %mul3A_658 = arith.mulf %get3A_655, %get3A_657 : vector<16xf32>
            %add3A_659 = arith.addf %add3A_623, %mul3A_658 : vector<16xf32>
            %add3A_660 = arith.constant 640 : i32
            %add3A_661 = arith.addi %mul3A_124, %add3A_660 : i32
            %add3A_662 = arith.addi %add3A_661, %mul3A_565 : i32
            %get3A_663 = arith.index_cast %add3A_662 : i32 to index
            %get3A_664 = tpu.vector_load %arg12[%get3A_663] {strides = array<i32>} : memref<8192xf32, #tpu.memory_space<vmem>>, vector<16xf32>,
            %get3A_665 = arith.constant 160 : index
            %get3A_666 = tpu.vector_load %arg11[%get3A_665] {strides = array<i32>} : memref<1024xf32, #tpu.memory_space<vmem>>, vector<16xf32>,
            %mul3A_667 = arith.mulf %get3A_664, %get3A_666 : vector<16xf32>
            %add3A_668 = arith.addf %add3A_632, %mul3A_667 : vector<16xf32>
            %add3A_669 = arith.constant 704 : i32
            %add3A_670 = arith.addi %mul3A_124, %add3A_669 : i32
            %add3A_671 = arith.addi %add3A_670, %mul3A_565 : i32
            %get3A_672 = arith.index_cast %add3A_671 : i32 to index
            %get3A_673 = tpu.vector_load %arg12[%get3A_672] {strides = array<i32>} : memref<8192xf32, #tpu.memory_space<vmem>>, vector<16xf32>,
            %get3A_674 = arith.constant 176 : index
            %get3A_675 = tpu.vector_load %arg11[%get3A_674] {strides = array<i32>} : memref<1024xf32, #tpu.memory_space<vmem>>, vector<16xf32>,
            %mul3A_676 = arith.mulf %get3A_673, %get3A_675 : vector<16xf32>
            %add3A_677 = arith.addf %add3A_641, %mul3A_676 : vector<16xf32>
            %add3A_678 = arith.constant 768 : i32
            %add3A_679 = arith.addi %mul3A_124, %add3A_678 : i32
            %add3A_680 = arith.addi %add3A_679, %mul3A_565 : i32
            %get3A_681 = arith.index_cast %add3A_680 : i32 to index
            %get3A_682 = tpu.vector_load %arg12[%get3A_681] {strides = array<i32>} : memref<8192xf32, #tpu.memory_space<vmem>>, vector<16xf32>,
            %get3A_683 = arith.constant 192 : index
            %get3A_684 = tpu.vector_load %arg11[%get3A_683] {strides = array<i32>} : memref<1024xf32, #tpu.memory_space<vmem>>, vector<16xf32>,
            %mul3A_685 = arith.mulf %get3A_682, %get3A_684 : vector<16xf32>
            %add3A_686 = arith.addf %add3A_650, %mul3A_685 : vector<16xf32>
            %add3A_687 = arith.constant 832 : i32
            %add3A_688 = arith.addi %mul3A_124, %add3A_687 : i32
            %add3A_689 = arith.addi %add3A_688, %mul3A_565 : i32
            %get3A_690 = arith.index_cast %add3A_689 : i32 to index
            %get3A_691 = tpu.vector_load %arg12[%get3A_690] {strides = array<i32>} : memref<8192xf32, #tpu.memory_space<vmem>>, vector<16xf32>,
            %get3A_692 = arith.constant 208 : index
            %get3A_693 = tpu.vector_load %arg11[%get3A_692] {strides = array<i32>} : memref<1024xf32, #tpu.memory_space<vmem>>, vector<16xf32>,
            %mul3A_694 = arith.mulf %get3A_691, %get3A_693 : vector<16xf32>
            %add3A_695 = arith.addf %add3A_659, %mul3A_694 : vector<16xf32>
            %add3A_696 = arith.constant 896 : i32
            %add3A_697 = arith.addi %mul3A_124, %add3A_696 : i32
            %add3A_698 = arith.addi %add3A_697, %mul3A_565 : i32
            %get3A_699 = arith.index_cast %add3A_698 : i32 to index
            %get3A_700 = tpu.vector_load %arg12[%get3A_699] {strides = array<i32>} : memref<8192xf32, #tpu.memory_space<vmem>>, vector<16xf32>,
            %get3A_701 = arith.constant 224 : index
            %get3A_702 = tpu.vector_load %arg11[%get3A_701] {strides = array<i32>} : memref<1024xf32, #tpu.memory_space<vmem>>, vector<16xf32>,
            %mul3A_703 = arith.mulf %get3A_700, %get3A_702 : vector<16xf32>
            %add3A_704 = arith.addf %add3A_668, %mul3A_703 : vector<16xf32>
            %add3A_705 = arith.constant 960 : i32
            %add3A_706 = arith.addi %mul3A_124, %add3A_705 : i32
            %add3A_707 = arith.addi %add3A_706, %mul3A_565 : i32
            %get3A_708 = arith.index_cast %add3A_707 : i32 to index
            %get3A_709 = tpu.vector_load %arg12[%get3A_708] {strides = array<i32>} : memref<8192xf32, #tpu.memory_space<vmem>>, vector<16xf32>,
            %get3A_710 = arith.constant 240 : index
            %get3A_711 = tpu.vector_load %arg11[%get3A_710] {strides = array<i32>} : memref<1024xf32, #tpu.memory_space<vmem>>, vector<16xf32>,
            %mul3A_712 = arith.mulf %get3A_709, %get3A_711 : vector<16xf32>
            %add3A_713 = arith.addf %add3A_677, %mul3A_712 : vector<16xf32>
            %add3A_714 = arith.constant 1024 : i32
            %add3A_715 = arith.addi %mul3A_124, %add3A_714 : i32
            %add3A_716 = arith.addi %add3A_715, %mul3A_565 : i32
            %get3A_717 = arith.index_cast %add3A_716 : i32 to index
            %get3A_718 = tpu.vector_load %arg12[%get3A_717] {strides = array<i32>} : memref<8192xf32, #tpu.memory_space<vmem>>, vector<16xf32>,
            %get3A_719 = arith.constant 256 : index
            %get3A_720 = tpu.vector_load %arg11[%get3A_719] {strides = array<i32>} : memref<1024xf32, #tpu.memory_space<vmem>>, vector<16xf32>,
            %mul3A_721 = arith.mulf %get3A_718, %get3A_720 : vector<16xf32>
            %add3A_722 = arith.addf %add3A_686, %mul3A_721 : vector<16xf32>
            %add3A_723 = arith.constant 1088 : i32
            %add3A_724 = arith.addi %mul3A_124, %add3A_723 : i32
            %add3A_725 = arith.addi %add3A_724, %mul3A_565 : i32
            %get3A_726 = arith.index_cast %add3A_725 : i32 to index
            %get3A_727 = tpu.vector_load %arg12[%get3A_726] {strides = array<i32>} : memref<8192xf32, #tpu.memory_space<vmem>>, vector<16xf32>,
            %get3A_728 = arith.constant 272 : index
            %get3A_729 = tpu.vector_load %arg11[%get3A_728] {strides = array<i32>} : memref<1024xf32, #tpu.memory_space<vmem>>, vector<16xf32>,
            %mul3A_730 = arith.mulf %get3A_727, %get3A_729 : vector<16xf32>
            %add3A_731 = arith.addf %add3A_695, %mul3A_730 : vector<16xf32>
            %add3A_732 = arith.constant 1152 : i32
            %add3A_733 = arith.addi %mul3A_124, %add3A_732 : i32
            %add3A_734 = arith.addi %add3A_733, %mul3A_565 : i32
            %get3A_735 = arith.index_cast %add3A_734 : i32 to index
            %get3A_736 = tpu.vector_load %arg12[%get3A_735] {strides = array<i32>} : memref<8192xf32, #tpu.memory_space<vmem>>, vector<16xf32>,
            %get3A_737 = arith.constant 288 : index
            %get3A_738 = tpu.vector_load %arg11[%get3A_737] {strides = array<i32>} : memref<1024xf32, #tpu.memory_space<vmem>>, vector<16xf32>,
            %mul3A_739 = arith.mulf %get3A_736, %get3A_738 : vector<16xf32>
            %add3A_740 = arith.addf %add3A_704, %mul3A_739 : vector<16xf32>
            %add3A_741 = arith.constant 1216 : i32
            %add3A_742 = arith.addi %mul3A_124, %add3A_741 : i32
            %add3A_743 = arith.addi %add3A_742, %mul3A_565 : i32
            %get3A_744 = arith.index_cast %add3A_743 : i32 to index
            %get3A_745 = tpu.vector_load %arg12[%get3A_744] {strides = array<i32>} : memref<8192xf32, #tpu.memory_space<vmem>>, vector<16xf32>,
            %get3A_746 = arith.constant 304 : index
            %get3A_747 = tpu.vector_load %arg11[%get3A_746] {strides = array<i32>} : memref<1024xf32, #tpu.memory_space<vmem>>, vector<16xf32>,
            %mul3A_748 = arith.mulf %get3A_745, %get3A_747 : vector<16xf32>
            %add3A_749 = arith.addf %add3A_713, %mul3A_748 : vector<16xf32>
            %add3A_750 = arith.constant 1280 : i32
            %add3A_751 = arith.addi %mul3A_124, %add3A_750 : i32
            %add3A_752 = arith.addi %add3A_751, %mul3A_565 : i32
            %get3A_753 = arith.index_cast %add3A_752 : i32 to index
            %get3A_754 = tpu.vector_load %arg12[%get3A_753] {strides = array<i32>} : memref<8192xf32, #tpu.memory_space<vmem>>, vector<16xf32>,
            %get3A_755 = arith.constant 320 : index
            %get3A_756 = tpu.vector_load %arg11[%get3A_755] {strides = array<i32>} : memref<1024xf32, #tpu.memory_space<vmem>>, vector<16xf32>,
            %mul3A_757 = arith.mulf %get3A_754, %get3A_756 : vector<16xf32>
            %add3A_758 = arith.addf %add3A_722, %mul3A_757 : vector<16xf32>
            %add3A_759 = arith.constant 1344 : i32
            %add3A_760 = arith.addi %mul3A_124, %add3A_759 : i32
            %add3A_761 = arith.addi %add3A_760, %mul3A_565 : i32
            %get3A_762 = arith.index_cast %add3A_761 : i32 to index
            %get3A_763 = tpu.vector_load %arg12[%get3A_762] {strides = array<i32>} : memref<8192xf32, #tpu.memory_space<vmem>>, vector<16xf32>,
            %get3A_764 = arith.constant 336 : index
            %get3A_765 = tpu.vector_load %arg11[%get3A_764] {strides = array<i32>} : memref<1024xf32, #tpu.memory_space<vmem>>, vector<16xf32>,
            %mul3A_766 = arith.mulf %get3A_763, %get3A_765 : vector<16xf32>
            %add3A_767 = arith.addf %add3A_731, %mul3A_766 : vector<16xf32>
            %add3A_768 = arith.constant 1408 : i32
            %add3A_769 = arith.addi %mul3A_124, %add3A_768 : i32
            %add3A_770 = arith.addi %add3A_769, %mul3A_565 : i32
            %get3A_771 = arith.index_cast %add3A_770 : i32 to index
            %get3A_772 = tpu.vector_load %arg12[%get3A_771] {strides = array<i32>} : memref<8192xf32, #tpu.memory_space<vmem>>, vector<16xf32>,
            %get3A_773 = arith.constant 352 : index
            %get3A_774 = tpu.vector_load %arg11[%get3A_773] {strides = array<i32>} : memref<1024xf32, #tpu.memory_space<vmem>>, vector<16xf32>,
            %mul3A_775 = arith.mulf %get3A_772, %get3A_774 : vector<16xf32>
            %add3A_776 = arith.addf %add3A_740, %mul3A_775 : vector<16xf32>
            %add3A_777 = arith.constant 1472 : i32
            %add3A_778 = arith.addi %mul3A_124, %add3A_777 : i32
            %add3A_779 = arith.addi %add3A_778, %mul3A_565 : i32
            %get3A_780 = arith.index_cast %add3A_779 : i32 to index
            %get3A_781 = tpu.vector_load %arg12[%get3A_780] {strides = array<i32>} : memref<8192xf32, #tpu.memory_space<vmem>>, vector<16xf32>,
            %get3A_782 = arith.constant 368 : index
            %get3A_783 = tpu.vector_load %arg11[%get3A_782] {strides = array<i32>} : memref<1024xf32, #tpu.memory_space<vmem>>, vector<16xf32>,
            %mul3A_784 = arith.mulf %get3A_781, %get3A_783 : vector<16xf32>
            %add3A_785 = arith.addf %add3A_749, %mul3A_784 : vector<16xf32>
            %add3A_786 = arith.constant 1536 : i32
            %add3A_787 = arith.addi %mul3A_124, %add3A_786 : i32
            %add3A_788 = arith.addi %add3A_787, %mul3A_565 : i32
            %get3A_789 = arith.index_cast %add3A_788 : i32 to index
            %get3A_790 = tpu.vector_load %arg12[%get3A_789] {strides = array<i32>} : memref<8192xf32, #tpu.memory_space<vmem>>, vector<16xf32>,
            %get3A_791 = arith.constant 384 : index
            %get3A_792 = tpu.vector_load %arg11[%get3A_791] {strides = array<i32>} : memref<1024xf32, #tpu.memory_space<vmem>>, vector<16xf32>,
            %mul3A_793 = arith.mulf %get3A_790, %get3A_792 : vector<16xf32>
            %add3A_794 = arith.addf %add3A_758, %mul3A_793 : vector<16xf32>
            %add3A_795 = arith.constant 1600 : i32
            %add3A_796 = arith.addi %mul3A_124, %add3A_795 : i32
            %add3A_797 = arith.addi %add3A_796, %mul3A_565 : i32
            %get3A_798 = arith.index_cast %add3A_797 : i32 to index
            %get3A_799 = tpu.vector_load %arg12[%get3A_798] {strides = array<i32>} : memref<8192xf32, #tpu.memory_space<vmem>>, vector<16xf32>,
            %get3A_800 = arith.constant 400 : index
            %get3A_801 = tpu.vector_load %arg11[%get3A_800] {strides = array<i32>} : memref<1024xf32, #tpu.memory_space<vmem>>, vector<16xf32>,
            %mul3A_802 = arith.mulf %get3A_799, %get3A_801 : vector<16xf32>
            %add3A_803 = arith.addf %add3A_767, %mul3A_802 : vector<16xf32>
            %add3A_804 = arith.constant 1664 : i32
            %add3A_805 = arith.addi %mul3A_124, %add3A_804 : i32
            %add3A_806 = arith.addi %add3A_805, %mul3A_565 : i32
            %get3A_807 = arith.index_cast %add3A_806 : i32 to index
            %get3A_808 = tpu.vector_load %arg12[%get3A_807] {strides = array<i32>} : memref<8192xf32, #tpu.memory_space<vmem>>, vector<16xf32>,
            %get3A_809 = arith.constant 416 : index
            %get3A_810 = tpu.vector_load %arg11[%get3A_809] {strides = array<i32>} : memref<1024xf32, #tpu.memory_space<vmem>>, vector<16xf32>,
            %mul3A_811 = arith.mulf %get3A_808, %get3A_810 : vector<16xf32>
            %add3A_812 = arith.addf %add3A_776, %mul3A_811 : vector<16xf32>
            %add3A_813 = arith.constant 1728 : i32
            %add3A_814 = arith.addi %mul3A_124, %add3A_813 : i32
            %add3A_815 = arith.addi %add3A_814, %mul3A_565 : i32
            %get3A_816 = arith.index_cast %add3A_815 : i32 to index
            %get3A_817 = tpu.vector_load %arg12[%get3A_816] {strides = array<i32>} : memref<8192xf32, #tpu.memory_space<vmem>>, vector<16xf32>,
            %get3A_818 = arith.constant 432 : index
            %get3A_819 = tpu.vector_load %arg11[%get3A_818] {strides = array<i32>} : memref<1024xf32, #tpu.memory_space<vmem>>, vector<16xf32>,
            %mul3A_820 = arith.mulf %get3A_817, %get3A_819 : vector<16xf32>
            %add3A_821 = arith.addf %add3A_785, %mul3A_820 : vector<16xf32>
            %add3A_822 = arith.constant 1792 : i32
            %add3A_823 = arith.addi %mul3A_124, %add3A_822 : i32
            %add3A_824 = arith.addi %add3A_823, %mul3A_565 : i32
            %get3A_825 = arith.index_cast %add3A_824 : i32 to index
            %get3A_826 = tpu.vector_load %arg12[%get3A_825] {strides = array<i32>} : memref<8192xf32, #tpu.memory_space<vmem>>, vector<16xf32>,
            %get3A_827 = arith.constant 448 : index
            %get3A_828 = tpu.vector_load %arg11[%get3A_827] {strides = array<i32>} : memref<1024xf32, #tpu.memory_space<vmem>>, vector<16xf32>,
            %mul3A_829 = arith.mulf %get3A_826, %get3A_828 : vector<16xf32>
            %add3A_830 = arith.addf %add3A_794, %mul3A_829 : vector<16xf32>
            %add3A_831 = arith.constant 1856 : i32
            %add3A_832 = arith.addi %mul3A_124, %add3A_831 : i32
            %add3A_833 = arith.addi %add3A_832, %mul3A_565 : i32
            %get3A_834 = arith.index_cast %add3A_833 : i32 to index
            %get3A_835 = tpu.vector_load %arg12[%get3A_834] {strides = array<i32>} : memref<8192xf32, #tpu.memory_space<vmem>>, vector<16xf32>,
            %get3A_836 = arith.constant 464 : index
            %get3A_837 = tpu.vector_load %arg11[%get3A_836] {strides = array<i32>} : memref<1024xf32, #tpu.memory_space<vmem>>, vector<16xf32>,
            %mul3A_838 = arith.mulf %get3A_835, %get3A_837 : vector<16xf32>
            %add3A_839 = arith.addf %add3A_803, %mul3A_838 : vector<16xf32>
            %add3A_840 = arith.constant 1920 : i32
            %add3A_841 = arith.addi %mul3A_124, %add3A_840 : i32
            %add3A_842 = arith.addi %add3A_841, %mul3A_565 : i32
            %get3A_843 = arith.index_cast %add3A_842 : i32 to index
            %get3A_844 = tpu.vector_load %arg12[%get3A_843] {strides = array<i32>} : memref<8192xf32, #tpu.memory_space<vmem>>, vector<16xf32>,
            %get3A_845 = arith.constant 480 : index
            %get3A_846 = tpu.vector_load %arg11[%get3A_845] {strides = array<i32>} : memref<1024xf32, #tpu.memory_space<vmem>>, vector<16xf32>,
            %mul3A_847 = arith.mulf %get3A_844, %get3A_846 : vector<16xf32>
            %add3A_848 = arith.addf %add3A_812, %mul3A_847 : vector<16xf32>
            %add3A_849 = arith.constant 1984 : i32
            %add3A_850 = arith.addi %mul3A_124, %add3A_849 : i32
            %add3A_851 = arith.addi %add3A_850, %mul3A_565 : i32
            %get3A_852 = arith.index_cast %add3A_851 : i32 to index
            %get3A_853 = tpu.vector_load %arg12[%get3A_852] {strides = array<i32>} : memref<8192xf32, #tpu.memory_space<vmem>>, vector<16xf32>,
            %get3A_854 = arith.constant 496 : index
            %get3A_855 = tpu.vector_load %arg11[%get3A_854] {strides = array<i32>} : memref<1024xf32, #tpu.memory_space<vmem>>, vector<16xf32>,
            %mul3A_856 = arith.mulf %get3A_853, %get3A_855 : vector<16xf32>
            %add3A_857 = arith.addf %add3A_821, %mul3A_856 : vector<16xf32>
            %add3A_858 = arith.constant 2048 : i32
            %add3A_859 = arith.addi %mul3A_124, %add3A_858 : i32
            %add3A_860 = arith.addi %add3A_859, %mul3A_565 : i32
            %get3A_861 = arith.index_cast %add3A_860 : i32 to index
            %get3A_862 = tpu.vector_load %arg12[%get3A_861] {strides = array<i32>} : memref<8192xf32, #tpu.memory_space<vmem>>, vector<16xf32>,
            %get3A_863 = arith.constant 512 : index
            %get3A_864 = tpu.vector_load %arg11[%get3A_863] {strides = array<i32>} : memref<1024xf32, #tpu.memory_space<vmem>>, vector<16xf32>,
            %mul3A_865 = arith.mulf %get3A_862, %get3A_864 : vector<16xf32>
            %add3A_866 = arith.addf %add3A_830, %mul3A_865 : vector<16xf32>
            %add3A_867 = arith.constant 2112 : i32
            %add3A_868 = arith.addi %mul3A_124, %add3A_867 : i32
            %add3A_869 = arith.addi %add3A_868, %mul3A_565 : i32
            %get3A_870 = arith.index_cast %add3A_869 : i32 to index
            %get3A_871 = tpu.vector_load %arg12[%get3A_870] {strides = array<i32>} : memref<8192xf32, #tpu.memory_space<vmem>>, vector<16xf32>,
            %get3A_872 = arith.constant 528 : index
            %get3A_873 = tpu.vector_load %arg11[%get3A_872] {strides = array<i32>} : memref<1024xf32, #tpu.memory_space<vmem>>, vector<16xf32>,
            %mul3A_874 = arith.mulf %get3A_871, %get3A_873 : vector<16xf32>
            %add3A_875 = arith.addf %add3A_839, %mul3A_874 : vector<16xf32>
            %add3A_876 = arith.constant 2176 : i32
            %add3A_877 = arith.addi %mul3A_124, %add3A_876 : i32
            %add3A_878 = arith.addi %add3A_877, %mul3A_565 : i32
            %get3A_879 = arith.index_cast %add3A_878 : i32 to index
            %get3A_880 = tpu.vector_load %arg12[%get3A_879] {strides = array<i32>} : memref<8192xf32, #tpu.memory_space<vmem>>, vector<16xf32>,
            %get3A_881 = arith.constant 544 : index
            %get3A_882 = tpu.vector_load %arg11[%get3A_881] {strides = array<i32>} : memref<1024xf32, #tpu.memory_space<vmem>>, vector<16xf32>,
            %mul3A_883 = arith.mulf %get3A_880, %get3A_882 : vector<16xf32>
            %add3A_884 = arith.addf %add3A_848, %mul3A_883 : vector<16xf32>
            %add3A_885 = arith.constant 2240 : i32
            %add3A_886 = arith.addi %mul3A_124, %add3A_885 : i32
            %add3A_887 = arith.addi %add3A_886, %mul3A_565 : i32
            %get3A_888 = arith.index_cast %add3A_887 : i32 to index
            %get3A_889 = tpu.vector_load %arg12[%get3A_888] {strides = array<i32>} : memref<8192xf32, #tpu.memory_space<vmem>>, vector<16xf32>,
            %get3A_890 = arith.constant 560 : index
            %get3A_891 = tpu.vector_load %arg11[%get3A_890] {strides = array<i32>} : memref<1024xf32, #tpu.memory_space<vmem>>, vector<16xf32>,
            %mul3A_892 = arith.mulf %get3A_889, %get3A_891 : vector<16xf32>
            %add3A_893 = arith.addf %add3A_857, %mul3A_892 : vector<16xf32>
            %add3A_894 = arith.constant 2304 : i32
            %add3A_895 = arith.addi %mul3A_124, %add3A_894 : i32
            %add3A_896 = arith.addi %add3A_895, %mul3A_565 : i32
            %get3A_897 = arith.index_cast %add3A_896 : i32 to index
            %get3A_898 = tpu.vector_load %arg12[%get3A_897] {strides = array<i32>} : memref<8192xf32, #tpu.memory_space<vmem>>, vector<16xf32>,
            %get3A_899 = arith.constant 576 : index
            %get3A_900 = tpu.vector_load %arg11[%get3A_899] {strides = array<i32>} : memref<1024xf32, #tpu.memory_space<vmem>>, vector<16xf32>,
            %mul3A_901 = arith.mulf %get3A_898, %get3A_900 : vector<16xf32>
            %add3A_902 = arith.addf %add3A_866, %mul3A_901 : vector<16xf32>
            %add3A_903 = arith.constant 2368 : i32
            %add3A_904 = arith.addi %mul3A_124, %add3A_903 : i32
            %add3A_905 = arith.addi %add3A_904, %mul3A_565 : i32
            %get3A_906 = arith.index_cast %add3A_905 : i32 to index
            %get3A_907 = tpu.vector_load %arg12[%get3A_906] {strides = array<i32>} : memref<8192xf32, #tpu.memory_space<vmem>>, vector<16xf32>,
            %get3A_908 = arith.constant 592 : index
            %get3A_909 = tpu.vector_load %arg11[%get3A_908] {strides = array<i32>} : memref<1024xf32, #tpu.memory_space<vmem>>, vector<16xf32>,
            %mul3A_910 = arith.mulf %get3A_907, %get3A_909 : vector<16xf32>
            %add3A_911 = arith.addf %add3A_875, %mul3A_910 : vector<16xf32>
            %add3A_912 = arith.constant 2432 : i32
            %add3A_913 = arith.addi %mul3A_124, %add3A_912 : i32
            %add3A_914 = arith.addi %add3A_913, %mul3A_565 : i32
            %get3A_915 = arith.index_cast %add3A_914 : i32 to index
            %get3A_916 = tpu.vector_load %arg12[%get3A_915] {strides = array<i32>} : memref<8192xf32, #tpu.memory_space<vmem>>, vector<16xf32>,
            %get3A_917 = arith.constant 608 : index
            %get3A_918 = tpu.vector_load %arg11[%get3A_917] {strides = array<i32>} : memref<1024xf32, #tpu.memory_space<vmem>>, vector<16xf32>,
            %mul3A_919 = arith.mulf %get3A_916, %get3A_918 : vector<16xf32>
            %add3A_920 = arith.addf %add3A_884, %mul3A_919 : vector<16xf32>
            %add3A_921 = arith.constant 2496 : i32
            %add3A_922 = arith.addi %mul3A_124, %add3A_921 : i32
            %add3A_923 = arith.addi %add3A_922, %mul3A_565 : i32
            %get3A_924 = arith.index_cast %add3A_923 : i32 to index
            %get3A_925 = tpu.vector_load %arg12[%get3A_924] {strides = array<i32>} : memref<8192xf32, #tpu.memory_space<vmem>>, vector<16xf32>,
            %get3A_926 = arith.constant 624 : index
            %get3A_927 = tpu.vector_load %arg11[%get3A_926] {strides = array<i32>} : memref<1024xf32, #tpu.memory_space<vmem>>, vector<16xf32>,
            %mul3A_928 = arith.mulf %get3A_925, %get3A_927 : vector<16xf32>
            %add3A_929 = arith.addf %add3A_893, %mul3A_928 : vector<16xf32>
            %add3A_930 = arith.constant 2560 : i32
            %add3A_931 = arith.addi %mul3A_124, %add3A_930 : i32
            %add3A_932 = arith.addi %add3A_931, %mul3A_565 : i32
            %get3A_933 = arith.index_cast %add3A_932 : i32 to index
            %get3A_934 = tpu.vector_load %arg12[%get3A_933] {strides = array<i32>} : memref<8192xf32, #tpu.memory_space<vmem>>, vector<16xf32>,
            %get3A_935 = arith.constant 640 : index
            %get3A_936 = tpu.vector_load %arg11[%get3A_935] {strides = array<i32>} : memref<1024xf32, #tpu.memory_space<vmem>>, vector<16xf32>,
            %mul3A_937 = arith.mulf %get3A_934, %get3A_936 : vector<16xf32>
            %add3A_938 = arith.addf %add3A_902, %mul3A_937 : vector<16xf32>
            %add3A_939 = arith.constant 2624 : i32
            %add3A_940 = arith.addi %mul3A_124, %add3A_939 : i32
            %add3A_941 = arith.addi %add3A_940, %mul3A_565 : i32
            %get3A_942 = arith.index_cast %add3A_941 : i32 to index
            %get3A_943 = tpu.vector_load %arg12[%get3A_942] {strides = array<i32>} : memref<8192xf32, #tpu.memory_space<vmem>>, vector<16xf32>,
            %get3A_944 = arith.constant 656 : index
            %get3A_945 = tpu.vector_load %arg11[%get3A_944] {strides = array<i32>} : memref<1024xf32, #tpu.memory_space<vmem>>, vector<16xf32>,
            %mul3A_946 = arith.mulf %get3A_943, %get3A_945 : vector<16xf32>
            %add3A_947 = arith.addf %add3A_911, %mul3A_946 : vector<16xf32>
            %add3A_948 = arith.constant 2688 : i32
            %add3A_949 = arith.addi %mul3A_124, %add3A_948 : i32
            %add3A_950 = arith.addi %add3A_949, %mul3A_565 : i32
            %get3A_951 = arith.index_cast %add3A_950 : i32 to index
            %get3A_952 = tpu.vector_load %arg12[%get3A_951] {strides = array<i32>} : memref<8192xf32, #tpu.memory_space<vmem>>, vector<16xf32>,
            %get3A_953 = arith.constant 672 : index
            %get3A_954 = tpu.vector_load %arg11[%get3A_953] {strides = array<i32>} : memref<1024xf32, #tpu.memory_space<vmem>>, vector<16xf32>,
            %mul3A_955 = arith.mulf %get3A_952, %get3A_954 : vector<16xf32>
            %add3A_956 = arith.addf %add3A_920, %mul3A_955 : vector<16xf32>
            %add3A_957 = arith.constant 2752 : i32
            %add3A_958 = arith.addi %mul3A_124, %add3A_957 : i32
            %add3A_959 = arith.addi %add3A_958, %mul3A_565 : i32
            %get3A_960 = arith.index_cast %add3A_959 : i32 to index
            %get3A_961 = tpu.vector_load %arg12[%get3A_960] {strides = array<i32>} : memref<8192xf32, #tpu.memory_space<vmem>>, vector<16xf32>,
            %get3A_962 = arith.constant 688 : index
            %get3A_963 = tpu.vector_load %arg11[%get3A_962] {strides = array<i32>} : memref<1024xf32, #tpu.memory_space<vmem>>, vector<16xf32>,
            %mul3A_964 = arith.mulf %get3A_961, %get3A_963 : vector<16xf32>
            %add3A_965 = arith.addf %add3A_929, %mul3A_964 : vector<16xf32>
            %add3A_966 = arith.constant 2816 : i32
            %add3A_967 = arith.addi %mul3A_124, %add3A_966 : i32
            %add3A_968 = arith.addi %add3A_967, %mul3A_565 : i32
            %get3A_969 = arith.index_cast %add3A_968 : i32 to index
            %get3A_970 = tpu.vector_load %arg12[%get3A_969] {strides = array<i32>} : memref<8192xf32, #tpu.memory_space<vmem>>, vector<16xf32>,
            %get3A_971 = arith.constant 704 : index
            %get3A_972 = tpu.vector_load %arg11[%get3A_971] {strides = array<i32>} : memref<1024xf32, #tpu.memory_space<vmem>>, vector<16xf32>,
            %mul3A_973 = arith.mulf %get3A_970, %get3A_972 : vector<16xf32>
            %add3A_974 = arith.addf %add3A_938, %mul3A_973 : vector<16xf32>
            %add3A_975 = arith.constant 2880 : i32
            %add3A_976 = arith.addi %mul3A_124, %add3A_975 : i32
            %add3A_977 = arith.addi %add3A_976, %mul3A_565 : i32
            %get3A_978 = arith.index_cast %add3A_977 : i32 to index
            %get3A_979 = tpu.vector_load %arg12[%get3A_978] {strides = array<i32>} : memref<8192xf32, #tpu.memory_space<vmem>>, vector<16xf32>,
            %get3A_980 = arith.constant 720 : index
            %get3A_981 = tpu.vector_load %arg11[%get3A_980] {strides = array<i32>} : memref<1024xf32, #tpu.memory_space<vmem>>, vector<16xf32>,
            %mul3A_982 = arith.mulf %get3A_979, %get3A_981 : vector<16xf32>
            %add3A_983 = arith.addf %add3A_947, %mul3A_982 : vector<16xf32>
            %add3A_984 = arith.constant 2944 : i32
            %add3A_985 = arith.addi %mul3A_124, %add3A_984 : i32
            %add3A_986 = arith.addi %add3A_985, %mul3A_565 : i32
            %get3A_987 = arith.index_cast %add3A_986 : i32 to index
            %get3A_988 = tpu.vector_load %arg12[%get3A_987] {strides = array<i32>} : memref<8192xf32, #tpu.memory_space<vmem>>, vector<16xf32>,
            %get3A_989 = arith.constant 736 : index
            %get3A_990 = tpu.vector_load %arg11[%get3A_989] {strides = array<i32>} : memref<1024xf32, #tpu.memory_space<vmem>>, vector<16xf32>,
            %mul3A_991 = arith.mulf %get3A_988, %get3A_990 : vector<16xf32>
            %add3A_992 = arith.addf %add3A_956, %mul3A_991 : vector<16xf32>
            %add3A_993 = arith.constant 3008 : i32
            %add3A_994 = arith.addi %mul3A_124, %add3A_993 : i32
            %add3A_995 = arith.addi %add3A_994, %mul3A_565 : i32
            %get3A_996 = arith.index_cast %add3A_995 : i32 to index
            %get3A_997 = tpu.vector_load %arg12[%get3A_996] {strides = array<i32>} : memref<8192xf32, #tpu.memory_space<vmem>>, vector<16xf32>,
            %get3A_998 = arith.constant 752 : index
            %get3A_999 = tpu.vector_load %arg11[%get3A_998] {strides = array<i32>} : memref<1024xf32, #tpu.memory_space<vmem>>, vector<16xf32>,
            %mul3A_1000 = arith.mulf %get3A_997, %get3A_999 : vector<16xf32>
            %add3A_1001 = arith.addf %add3A_965, %mul3A_1000 : vector<16xf32>
            %add3A_1002 = arith.constant 3072 : i32
            %add3A_1003 = arith.addi %mul3A_124, %add3A_1002 : i32
            %add3A_1004 = arith.addi %add3A_1003, %mul3A_565 : i32
            %get3A_1005 = arith.index_cast %add3A_1004 : i32 to index
            %get3A_1006 = tpu.vector_load %arg12[%get3A_1005] {strides = array<i32>} : memref<8192xf32, #tpu.memory_space<vmem>>, vector<16xf32>,
            %get3A_1007 = arith.constant 768 : index
            %get3A_1008 = tpu.vector_load %arg11[%get3A_1007] {strides = array<i32>} : memref<1024xf32, #tpu.memory_space<vmem>>, vector<16xf32>,
            %mul3A_1009 = arith.mulf %get3A_1006, %get3A_1008 : vector<16xf32>
            %add3A_1010 = arith.addf %add3A_974, %mul3A_1009 : vector<16xf32>
            %add3A_1011 = arith.constant 3136 : i32
            %add3A_1012 = arith.addi %mul3A_124, %add3A_1011 : i32
            %add3A_1013 = arith.addi %add3A_1012, %mul3A_565 : i32
            %get3A_1014 = arith.index_cast %add3A_1013 : i32 to index
            %get3A_1015 = tpu.vector_load %arg12[%get3A_1014] {strides = array<i32>} : memref<8192xf32, #tpu.memory_space<vmem>>, vector<16xf32>,
            %get3A_1016 = arith.constant 784 : index
            %get3A_1017 = tpu.vector_load %arg11[%get3A_1016] {strides = array<i32>} : memref<1024xf32, #tpu.memory_space<vmem>>, vector<16xf32>,
            %mul3A_1018 = arith.mulf %get3A_1015, %get3A_1017 : vector<16xf32>
            %add3A_1019 = arith.addf %add3A_983, %mul3A_1018 : vector<16xf32>
            %add3A_1020 = arith.constant 3200 : i32
            %add3A_1021 = arith.addi %mul3A_124, %add3A_1020 : i32
            %add3A_1022 = arith.addi %add3A_1021, %mul3A_565 : i32
            %get3A_1023 = arith.index_cast %add3A_1022 : i32 to index
            %get3A_1024 = tpu.vector_load %arg12[%get3A_1023] {strides = array<i32>} : memref<8192xf32, #tpu.memory_space<vmem>>, vector<16xf32>,
            %get3A_1025 = arith.constant 800 : index
            %get3A_1026 = tpu.vector_load %arg11[%get3A_1025] {strides = array<i32>} : memref<1024xf32, #tpu.memory_space<vmem>>, vector<16xf32>,
            %mul3A_1027 = arith.mulf %get3A_1024, %get3A_1026 : vector<16xf32>
            %add3A_1028 = arith.addf %add3A_992, %mul3A_1027 : vector<16xf32>
            %add3A_1029 = arith.constant 3264 : i32
            %add3A_1030 = arith.addi %mul3A_124, %add3A_1029 : i32
            %add3A_1031 = arith.addi %add3A_1030, %mul3A_565 : i32
            %get3A_1032 = arith.index_cast %add3A_1031 : i32 to index
            %get3A_1033 = tpu.vector_load %arg12[%get3A_1032] {strides = array<i32>} : memref<8192xf32, #tpu.memory_space<vmem>>, vector<16xf32>,
            %get3A_1034 = arith.constant 816 : index
            %get3A_1035 = tpu.vector_load %arg11[%get3A_1034] {strides = array<i32>} : memref<1024xf32, #tpu.memory_space<vmem>>, vector<16xf32>,
            %mul3A_1036 = arith.mulf %get3A_1033, %get3A_1035 : vector<16xf32>
            %add3A_1037 = arith.addf %add3A_1001, %mul3A_1036 : vector<16xf32>
            %add3A_1038 = arith.constant 3328 : i32
            %add3A_1039 = arith.addi %mul3A_124, %add3A_1038 : i32
            %add3A_1040 = arith.addi %add3A_1039, %mul3A_565 : i32
            %get3A_1041 = arith.index_cast %add3A_1040 : i32 to index
            %get3A_1042 = tpu.vector_load %arg12[%get3A_1041] {strides = array<i32>} : memref<8192xf32, #tpu.memory_space<vmem>>, vector<16xf32>,
            %get3A_1043 = arith.constant 832 : index
            %get3A_1044 = tpu.vector_load %arg11[%get3A_1043] {strides = array<i32>} : memref<1024xf32, #tpu.memory_space<vmem>>, vector<16xf32>,
            %mul3A_1045 = arith.mulf %get3A_1042, %get3A_1044 : vector<16xf32>
            %add3A_1046 = arith.addf %add3A_1010, %mul3A_1045 : vector<16xf32>
            %add3A_1047 = arith.constant 3392 : i32
            %add3A_1048 = arith.addi %mul3A_124, %add3A_1047 : i32
            %add3A_1049 = arith.addi %add3A_1048, %mul3A_565 : i32
            %get3A_1050 = arith.index_cast %add3A_1049 : i32 to index
            %get3A_1051 = tpu.vector_load %arg12[%get3A_1050] {strides = array<i32>} : memref<8192xf32, #tpu.memory_space<vmem>>, vector<16xf32>,
            %get3A_1052 = arith.constant 848 : index
            %get3A_1053 = tpu.vector_load %arg11[%get3A_1052] {strides = array<i32>} : memref<1024xf32, #tpu.memory_space<vmem>>, vector<16xf32>,
            %mul3A_1054 = arith.mulf %get3A_1051, %get3A_1053 : vector<16xf32>
            %add3A_1055 = arith.addf %add3A_1019, %mul3A_1054 : vector<16xf32>
            %add3A_1056 = arith.constant 3456 : i32
            %add3A_1057 = arith.addi %mul3A_124, %add3A_1056 : i32
            %add3A_1058 = arith.addi %add3A_1057, %mul3A_565 : i32
            %get3A_1059 = arith.index_cast %add3A_1058 : i32 to index
            %get3A_1060 = tpu.vector_load %arg12[%get3A_1059] {strides = array<i32>} : memref<8192xf32, #tpu.memory_space<vmem>>, vector<16xf32>,
            %get3A_1061 = arith.constant 864 : index
            %get3A_1062 = tpu.vector_load %arg11[%get3A_1061] {strides = array<i32>} : memref<1024xf32, #tpu.memory_space<vmem>>, vector<16xf32>,
            %mul3A_1063 = arith.mulf %get3A_1060, %get3A_1062 : vector<16xf32>
            %add3A_1064 = arith.addf %add3A_1028, %mul3A_1063 : vector<16xf32>
            %add3A_1065 = arith.constant 3520 : i32
            %add3A_1066 = arith.addi %mul3A_124, %add3A_1065 : i32
            %add3A_1067 = arith.addi %add3A_1066, %mul3A_565 : i32
            %get3A_1068 = arith.index_cast %add3A_1067 : i32 to index
            %get3A_1069 = tpu.vector_load %arg12[%get3A_1068] {strides = array<i32>} : memref<8192xf32, #tpu.memory_space<vmem>>, vector<16xf32>,
            %get3A_1070 = arith.constant 880 : index
            %get3A_1071 = tpu.vector_load %arg11[%get3A_1070] {strides = array<i32>} : memref<1024xf32, #tpu.memory_space<vmem>>, vector<16xf32>,
            %mul3A_1072 = arith.mulf %get3A_1069, %get3A_1071 : vector<16xf32>
            %add3A_1073 = arith.addf %add3A_1037, %mul3A_1072 : vector<16xf32>
            %add3A_1074 = arith.constant 3584 : i32
            %add3A_1075 = arith.addi %mul3A_124, %add3A_1074 : i32
            %add3A_1076 = arith.addi %add3A_1075, %mul3A_565 : i32
            %get3A_1077 = arith.index_cast %add3A_1076 : i32 to index
            %get3A_1078 = tpu.vector_load %arg12[%get3A_1077] {strides = array<i32>} : memref<8192xf32, #tpu.memory_space<vmem>>, vector<16xf32>,
            %get3A_1079 = arith.constant 896 : index
            %get3A_1080 = tpu.vector_load %arg11[%get3A_1079] {strides = array<i32>} : memref<1024xf32, #tpu.memory_space<vmem>>, vector<16xf32>,
            %mul3A_1081 = arith.mulf %get3A_1078, %get3A_1080 : vector<16xf32>
            %add3A_1082 = arith.addf %add3A_1046, %mul3A_1081 : vector<16xf32>
            %add3A_1083 = arith.constant 3648 : i32
            %add3A_1084 = arith.addi %mul3A_124, %add3A_1083 : i32
            %add3A_1085 = arith.addi %add3A_1084, %mul3A_565 : i32
            %get3A_1086 = arith.index_cast %add3A_1085 : i32 to index
            %get3A_1087 = tpu.vector_load %arg12[%get3A_1086] {strides = array<i32>} : memref<8192xf32, #tpu.memory_space<vmem>>, vector<16xf32>,
            %get3A_1088 = arith.constant 912 : index
            %get3A_1089 = tpu.vector_load %arg11[%get3A_1088] {strides = array<i32>} : memref<1024xf32, #tpu.memory_space<vmem>>, vector<16xf32>,
            %mul3A_1090 = arith.mulf %get3A_1087, %get3A_1089 : vector<16xf32>
            %add3A_1091 = arith.addf %add3A_1055, %mul3A_1090 : vector<16xf32>
            %add3A_1092 = arith.constant 3712 : i32
            %add3A_1093 = arith.addi %mul3A_124, %add3A_1092 : i32
            %add3A_1094 = arith.addi %add3A_1093, %mul3A_565 : i32
            %get3A_1095 = arith.index_cast %add3A_1094 : i32 to index
            %get3A_1096 = tpu.vector_load %arg12[%get3A_1095] {strides = array<i32>} : memref<8192xf32, #tpu.memory_space<vmem>>, vector<16xf32>,
            %get3A_1097 = arith.constant 928 : index
            %get3A_1098 = tpu.vector_load %arg11[%get3A_1097] {strides = array<i32>} : memref<1024xf32, #tpu.memory_space<vmem>>, vector<16xf32>,
            %mul3A_1099 = arith.mulf %get3A_1096, %get3A_1098 : vector<16xf32>
            %add3A_1100 = arith.addf %add3A_1064, %mul3A_1099 : vector<16xf32>
            %add3A_1101 = arith.constant 3776 : i32
            %add3A_1102 = arith.addi %mul3A_124, %add3A_1101 : i32
            %add3A_1103 = arith.addi %add3A_1102, %mul3A_565 : i32
            %get3A_1104 = arith.index_cast %add3A_1103 : i32 to index
            %get3A_1105 = tpu.vector_load %arg12[%get3A_1104] {strides = array<i32>} : memref<8192xf32, #tpu.memory_space<vmem>>, vector<16xf32>,
            %get3A_1106 = arith.constant 944 : index
            %get3A_1107 = tpu.vector_load %arg11[%get3A_1106] {strides = array<i32>} : memref<1024xf32, #tpu.memory_space<vmem>>, vector<16xf32>,
            %mul3A_1108 = arith.mulf %get3A_1105, %get3A_1107 : vector<16xf32>
            %add3A_1109 = arith.addf %add3A_1073, %mul3A_1108 : vector<16xf32>
            %add3A_1110 = arith.constant 3840 : i32
            %add3A_1111 = arith.addi %mul3A_124, %add3A_1110 : i32
            %add3A_1112 = arith.addi %add3A_1111, %mul3A_565 : i32
            %get3A_1113 = arith.index_cast %add3A_1112 : i32 to index
            %get3A_1114 = tpu.vector_load %arg12[%get3A_1113] {strides = array<i32>} : memref<8192xf32, #tpu.memory_space<vmem>>, vector<16xf32>,
            %get3A_1115 = arith.constant 960 : index
            %get3A_1116 = tpu.vector_load %arg11[%get3A_1115] {strides = array<i32>} : memref<1024xf32, #tpu.memory_space<vmem>>, vector<16xf32>,
            %mul3A_1117 = arith.mulf %get3A_1114, %get3A_1116 : vector<16xf32>
            %add3A_1118 = arith.addf %add3A_1082, %mul3A_1117 : vector<16xf32>
            %add3A_1119 = arith.constant 3904 : i32
            %add3A_1120 = arith.addi %mul3A_124, %add3A_1119 : i32
            %add3A_1121 = arith.addi %add3A_1120, %mul3A_565 : i32
            %get3A_1122 = arith.index_cast %add3A_1121 : i32 to index
            %get3A_1123 = tpu.vector_load %arg12[%get3A_1122] {strides = array<i32>} : memref<8192xf32, #tpu.memory_space<vmem>>, vector<16xf32>,
            %get3A_1124 = arith.constant 976 : index
            %get3A_1125 = tpu.vector_load %arg11[%get3A_1124] {strides = array<i32>} : memref<1024xf32, #tpu.memory_space<vmem>>, vector<16xf32>,
            %mul3A_1126 = arith.mulf %get3A_1123, %get3A_1125 : vector<16xf32>
            %add3A_1127 = arith.addf %add3A_1091, %mul3A_1126 : vector<16xf32>
            %add3A_1128 = arith.constant 3968 : i32
            %add3A_1129 = arith.addi %mul3A_124, %add3A_1128 : i32
            %add3A_1130 = arith.addi %add3A_1129, %mul3A_565 : i32
            %get3A_1131 = arith.index_cast %add3A_1130 : i32 to index
            %get3A_1132 = tpu.vector_load %arg12[%get3A_1131] {strides = array<i32>} : memref<8192xf32, #tpu.memory_space<vmem>>, vector<16xf32>,
            %get3A_1133 = arith.constant 992 : index
            %get3A_1134 = tpu.vector_load %arg11[%get3A_1133] {strides = array<i32>} : memref<1024xf32, #tpu.memory_space<vmem>>, vector<16xf32>,
            %mul3A_1135 = arith.mulf %get3A_1132, %get3A_1134 : vector<16xf32>
            %add3A_1136 = arith.addf %add3A_1100, %mul3A_1135 : vector<16xf32>
            %add3A_1137 = arith.constant 4032 : i32
            %add3A_1138 = arith.addi %mul3A_124, %add3A_1137 : i32
            %add3A_1139 = arith.addi %add3A_1138, %mul3A_565 : i32
            %get3A_1140 = arith.index_cast %add3A_1139 : i32 to index
            %get3A_1141 = tpu.vector_load %arg12[%get3A_1140] {strides = array<i32>} : memref<8192xf32, #tpu.memory_space<vmem>>, vector<16xf32>,
            %get3A_1142 = arith.constant 1008 : index
            %get3A_1143 = tpu.vector_load %arg11[%get3A_1142] {strides = array<i32>} : memref<1024xf32, #tpu.memory_space<vmem>>, vector<16xf32>,
            %mul3A_1144 = arith.mulf %get3A_1141, %get3A_1143 : vector<16xf32>
            %add3A_1145 = arith.addf %add3A_1109, %mul3A_1144 : vector<16xf32>
            %add3A_1146 = arith.addf %add3A_1118, %add3A_1127 : vector<16xf32>
            %add3A_1147 = arith.addf %add3A_1136, %add3A_1145 : vector<16xf32>
            %add3A_1148 = arith.addf %add3A_1146, %add3A_1147 : vector<16xf32>
            %select_n3A_1149 = arith.select %and3A_569, %add3A_1148, %broadcast_in_dim3A_9 : vector<16xi1>, vector<16xf32>
            %reduce_max3A = arith.constant true
            %reduce_max3A_1150 = vector.broadcast %reduce_max3A : i1 to vector<16xi1>
            %reduce_max3A_1151 = tpu.scan <max>, %select_n3A_1149 masked %reduce_max3A_1150 : vector<16xf32>, vector<16xi1> -> vector<16xf32>
            %reduce_max3A_1152 = vector.extract %reduce_max3A_1151[15] : f32 from vector<16xf32>
            %broadcast_in_dim3A_1153 = vector.broadcast %reduce_max3A_1152 : f32 to vector<16xf32>
            %get3A_1154 = arith.constant 0 : index
            %get3A_1155 = tpu.vector_load %arg15[%get3A_1154] {strides = array<i32>} : memref<16xf32, #tpu.memory_space<vmem>>, vector<16xf32>,
            %max3A_1156 = arith.maximumf %get3A_1155, %broadcast_in_dim3A_1153 : vector<16xf32>
            %sub3A_1157 = arith.subf %get3A_1155, %max3A_1156 : vector<16xf32>
            %mul3A_1158 = arith.mulf %sub3A_1157, %broadcast_in_dim3A_144 : vector<16xf32>
            %exp3A = math.exp %mul3A_1158 : vector<16xf32>
            %lt3A_1159 = arith.constant -9.99999968E+37 : f32
            %lt3A_1160 = vector.broadcast %lt3A_1159 : f32 to vector<16xf32>
            %lt3A_1161 = arith.cmpf olt, %get3A_1155, %lt3A_1160 : vector<16xf32>
            %select_n3A_1162 = arith.select %lt3A_1161, %broadcast_in_dim3A_7, %exp3A : vector<16xi1>, vector<16xf32>
            %sub3A_1163 = arith.subf %add3A_1148, %max3A_1156 : vector<16xf32>
            %mul3A_1164 = arith.mulf %sub3A_1163, %broadcast_in_dim3A_144 : vector<16xf32>
            %exp3A_1165 = math.exp %mul3A_1164 : vector<16xf32>
            %select_n3A_1166 = arith.select %and3A_569, %exp3A_1165, %broadcast_in_dim3A_5 : vector<16xi1>, vector<16xf32>
            %get3A_1167 = arith.constant 0 : index
            %get3A_1168 = tpu.vector_load %arg16[%get3A_1167] {strides = array<i32>} : memref<16xf32, #tpu.memory_space<vmem>>, vector<16xf32>,
            %mul3A_1169 = arith.mulf %get3A_1168, %select_n3A_1162 : vector<16xf32>
            %reduce_sum3A = arith.constant true
            %reduce_sum3A_1170 = vector.broadcast %reduce_sum3A : i1 to vector<16xi1>
            %reduce_sum3A_1171 = tpu.scan <sum>, %select_n3A_1166 masked %reduce_sum3A_1170 : vector<16xf32>, vector<16xi1> -> vector<16xf32>
            %reduce_sum3A_1172 = vector.extract %reduce_sum3A_1171[15] : f32 from vector<16xf32>
            %broadcast_in_dim3A_1173 = vector.broadcast %reduce_sum3A_1172 : f32 to vector<16xf32>
            %add3A_1174 = arith.addf %mul3A_1169, %broadcast_in_dim3A_1173 : vector<16xf32>
            %swap3A_1175 = arith.constant 0 : index
            %swap3A_1176 = tpu.vector_load %arg16[%swap3A_1175] {strides = array<i32>} : memref<16xf32, #tpu.memory_space<vmem>>, vector<16xf32>,
            tpu.vector_store %arg16[%swap3A_1175], %add3A_1174 {strides = array<i32>} : memref<16xf32, #tpu.memory_space<vmem>>, vector<16xf32>,
            %swap3A_1177 = arith.constant 0 : index
            %swap3A_1178 = tpu.vector_load %arg15[%swap3A_1177] {strides = array<i32>} : memref<16xf32, #tpu.memory_space<vmem>>, vector<16xf32>,
            tpu.vector_store %arg15[%swap3A_1177], %max3A_1156 {strides = array<i32>} : memref<16xf32, #tpu.memory_space<vmem>>, vector<16xf32>,
            %swap3A_1179 = arith.constant 0 : index
            %swap3A_1180 = tpu.vector_load %arg18[%swap3A_1179] {strides = array<i32>} : memref<16xf32, #tpu.memory_space<vmem>>, vector<16xf32>,
            tpu.vector_store %arg18[%swap3A_1179], %select_n3A_1166 {strides = array<i32>} : memref<16xf32, #tpu.memory_space<vmem>>, vector<16xf32>,
            %max3A_1181 = arith.maxsi %sub3A_138, %mul3A_565 : i32
            %add3A_1182 = arith.constant 16 : i32
            %add3A_1183 = arith.addi %mul3A_565, %add3A_1182 : i32
            %min3A_1184 = arith.minsi %sub3A_139, %add3A_1183 : i32
            %get3A_1185 = arith.constant 0 : index
            %get3A_1186 = tpu.vector_load %arg17[%get3A_1185] {strides = array<i32>} : memref<128xf32, #tpu.memory_space<vmem>>, vector<16xf32>,
            %mul3A_1187 = arith.mulf %get3A_1186, %select_n3A_1162 : vector<16xf32>
            %get3A_1188 = arith.constant 16 : index
            %get3A_1189 = tpu.vector_load %arg17[%get3A_1188] {strides = array<i32>} : memref<128xf32, #tpu.memory_space<vmem>>, vector<16xf32>,
            %mul3A_1190 = arith.mulf %get3A_1189, %select_n3A_1162 : vector<16xf32>
            %get3A_1191 = arith.constant 32 : index
            %get3A_1192 = tpu.vector_load %arg17[%get3A_1191] {strides = array<i32>} : memref<128xf32, #tpu.memory_space<vmem>>, vector<16xf32>,
            %mul3A_1193 = arith.mulf %get3A_1192, %select_n3A_1162 : vector<16xf32>
            %get3A_1194 = arith.constant 48 : index
            %get3A_1195 = tpu.vector_load %arg17[%get3A_1194] {strides = array<i32>} : memref<128xf32, #tpu.memory_space<vmem>>, vector<16xf32>,
            %mul3A_1196 = arith.mulf %get3A_1195, %select_n3A_1162 : vector<16xf32>
            %get3A_1197 = arith.constant 64 : index
            %get3A_1198 = tpu.vector_load %arg17[%get3A_1197] {strides = array<i32>} : memref<128xf32, #tpu.memory_space<vmem>>, vector<16xf32>,
            %mul3A_1199 = arith.mulf %get3A_1198, %select_n3A_1162 : vector<16xf32>
            %get3A_1200 = arith.constant 80 : index
            %get3A_1201 = tpu.vector_load %arg17[%get3A_1200] {strides = array<i32>} : memref<128xf32, #tpu.memory_space<vmem>>, vector<16xf32>,
            %mul3A_1202 = arith.mulf %get3A_1201, %select_n3A_1162 : vector<16xf32>
            %get3A_1203 = arith.constant 96 : index
            %get3A_1204 = tpu.vector_load %arg17[%get3A_1203] {strides = array<i32>} : memref<128xf32, #tpu.memory_space<vmem>>, vector<16xf32>,
            %mul3A_1205 = arith.mulf %get3A_1204, %select_n3A_1162 : vector<16xf32>
            %get3A_1206 = arith.constant 112 : index
            %get3A_1207 = tpu.vector_load %arg17[%get3A_1206] {strides = array<i32>} : memref<128xf32, #tpu.memory_space<vmem>>, vector<16xf32>,
            %mul3A_1208 = arith.mulf %get3A_1207, %select_n3A_1162 : vector<16xf32>
            %while3A_1209 = arith.subi %min3A_1184, %max3A_1181 : i32
            %while3A_1210 = arith.addi %max3A_1181, %while3A_1209 : i32
            %while3A_1211 = arith.constant 1 : i32
            %while3A_1212 = arith.divsi %while3A_1209, %while3A_1211 : i32
            %while3A_1213 = arith.muli %while3A_1212, %while3A_1211 : i32
            %while3A_1214 = arith.addi %max3A_1181, %while3A_1213 : i32
            %while3A_1215 = arith.constant 1 : i32
            %while3A_1216:8 = scf.for %while3A_1235 = %max3A_1181 to %while3A_1214 step %while3A_1215 iter_args(%while3A_1236 = %mul3A_1187, %while3A_1237 = %mul3A_1190, %while3A_1238 = %mul3A_1193, %while3A_1239 = %mul3A_1196, %while3A_1240 = %mul3A_1199, %while3A_1241 = %mul3A_1202, %while3A_1242 = %mul3A_1205, %while3A_1243 = %mul3A_1208) -> (vector<16xf32>, vector<16xf32>, vector<16xf32>, vector<16xf32>, vector<16xf32>, vector<16xf32>, vector<16xf32>, vector<16xf32>)  : i32 {
              %sub3A_1244 = arith.subi %while3A_1235, %mul3A_565 : i32
              %broadcast_in_dim3A_1245 = vector.broadcast %sub3A_1244 : i32 to vector<16xi32>
              %gather3A = tpu.vector_load_idx %arg18[%broadcast_in_dim3A_1245] : memref<16xf32, #tpu.memory_space<vmem>>[vector<16xi32>], vector<16xf32>,
              %mul3A_1246 = arith.constant 128 : i32
              %mul3A_1247 = arith.muli %while3A_1235, %mul3A_1246 : i32
              %add3A_1248 = arith.addi %mul3A_126, %mul3A_1247 : i32
              %add3A_1249 = arith.constant 0 : i32
              %add3A_1250 = arith.addi %add3A_1248, %add3A_1249 : i32
              %get3A_1251 = arith.index_cast %add3A_1250 : i32 to index
              %get3A_1252 = tpu.vector_load %arg13[%get3A_1251] {strides = array<i32>} : memref<16384xf32, #tpu.memory_space<vmem>>, vector<16xf32>,
              %mul3A_1253 = arith.mulf %get3A_1252, %gather3A : vector<16xf32>
              %max3A_1254 = arith.maximumf %while3A_1236, %mul3A_1253 : vector<16xf32>
              %add3A_1255 = arith.constant 16 : i32
              %add3A_1256 = arith.addi %add3A_1248, %add3A_1255 : i32
              %get3A_1257 = arith.index_cast %add3A_1256 : i32 to index
              %get3A_1258 = tpu.vector_load %arg13[%get3A_1257] {strides = array<i32>} : memref<16384xf32, #tpu.memory_space<vmem>>, vector<16xf32>,
              %mul3A_1259 = arith.mulf %get3A_1258, %gather3A : vector<16xf32>
              %max3A_1260 = arith.maximumf %while3A_1237, %mul3A_1259 : vector<16xf32>
              %add3A_1261 = arith.constant 32 : i32
              %add3A_1262 = arith.addi %add3A_1248, %add3A_1261 : i32
              %get3A_1263 = arith.index_cast %add3A_1262 : i32 to index
              %get3A_1264 = tpu.vector_load %arg13[%get3A_1263] {strides = array<i32>} : memref<16384xf32, #tpu.memory_space<vmem>>, vector<16xf32>,
              %mul3A_1265 = arith.mulf %get3A_1264, %gather3A : vector<16xf32>
              %max3A_1266 = arith.maximumf %while3A_1238, %mul3A_1265 : vector<16xf32>
              %add3A_1267 = arith.constant 48 : i32
              %add3A_1268 = arith.addi %add3A_1248, %add3A_1267 : i32
              %get3A_1269 = arith.index_cast %add3A_1268 : i32 to index
              %get3A_1270 = tpu.vector_load %arg13[%get3A_1269] {strides = array<i32>} : memref<16384xf32, #tpu.memory_space<vmem>>, vector<16xf32>,
              %mul3A_1271 = arith.mulf %get3A_1270, %gather3A : vector<16xf32>
              %max3A_1272 = arith.maximumf %while3A_1239, %mul3A_1271 : vector<16xf32>
              %add3A_1273 = arith.constant 64 : i32
              %add3A_1274 = arith.addi %add3A_1248, %add3A_1273 : i32
              %get3A_1275 = arith.index_cast %add3A_1274 : i32 to index
              %get3A_1276 = tpu.vector_load %arg13[%get3A_1275] {strides = array<i32>} : memref<16384xf32, #tpu.memory_space<vmem>>, vector<16xf32>,
              %mul3A_1277 = arith.mulf %get3A_1276, %gather3A : vector<16xf32>
              %max3A_1278 = arith.maximumf %while3A_1240, %mul3A_1277 : vector<16xf32>
              %add3A_1279 = arith.constant 80 : i32
              %add3A_1280 = arith.addi %add3A_1248, %add3A_1279 : i32
              %get3A_1281 = arith.index_cast %add3A_1280 : i32 to index
              %get3A_1282 = tpu.vector_load %arg13[%get3A_1281] {strides = array<i32>} : memref<16384xf32, #tpu.memory_space<vmem>>, vector<16xf32>,
              %mul3A_1283 = arith.mulf %get3A_1282, %gather3A : vector<16xf32>
              %max3A_1284 = arith.maximumf %while3A_1241, %mul3A_1283 : vector<16xf32>
              %add3A_1285 = arith.constant 96 : i32
              %add3A_1286 = arith.addi %add3A_1248, %add3A_1285 : i32
              %get3A_1287 = arith.index_cast %add3A_1286 : i32 to index
              %get3A_1288 = tpu.vector_load %arg13[%get3A_1287] {strides = array<i32>} : memref<16384xf32, #tpu.memory_space<vmem>>, vector<16xf32>,
              %mul3A_1289 = arith.mulf %get3A_1288, %gather3A : vector<16xf32>
              %max3A_1290 = arith.maximumf %while3A_1242, %mul3A_1289 : vector<16xf32>
              %add3A_1291 = arith.constant 112 : i32
              %add3A_1292 = arith.addi %add3A_1248, %add3A_1291 : i32
              %get3A_1293 = arith.index_cast %add3A_1292 : i32 to index
              %get3A_1294 = tpu.vector_load %arg13[%get3A_1293] {strides = array<i32>} : memref<16384xf32, #tpu.memory_space<vmem>>, vector<16xf32>,
              %mul3A_1295 = arith.mulf %get3A_1294, %gather3A : vector<16xf32>
              %max3A_1296 = arith.maximumf %while3A_1243, %mul3A_1295 : vector<16xf32>
              scf.yield %max3A_1254, %max3A_1260, %max3A_1266, %max3A_1272, %max3A_1278, %max3A_1284, %max3A_1290, %max3A_1296 : vector<16xf32>, vector<16xf32>, vector<16xf32>, vector<16xf32>, vector<16xf32>, vector<16xf32>, vector<16xf32>, vector<16xf32>
            }
            %while3A_1217 = arith.constant 1 : i32
            %while3A_1218:8 = scf.for %while3A_1235 = %while3A_1214 to %while3A_1210 step %while3A_1217 iter_args(%while3A_1236 = %while3A_1216#0, %while3A_1237 = %while3A_1216#1, %while3A_1238 = %while3A_1216#2, %while3A_1239 = %while3A_1216#3, %while3A_1240 = %while3A_1216#4, %while3A_1241 = %while3A_1216#5, %while3A_1242 = %while3A_1216#6, %while3A_1243 = %while3A_1216#7) -> (vector<16xf32>, vector<16xf32>, vector<16xf32>, vector<16xf32>, vector<16xf32>, vector<16xf32>, vector<16xf32>, vector<16xf32>)  : i32 {
              %sub3A_1244 = arith.subi %while3A_1235, %mul3A_565 : i32
              %broadcast_in_dim3A_1245 = vector.broadcast %sub3A_1244 : i32 to vector<16xi32>
              %gather3A = tpu.vector_load_idx %arg18[%broadcast_in_dim3A_1245] : memref<16xf32, #tpu.memory_space<vmem>>[vector<16xi32>], vector<16xf32>,
              %mul3A_1246 = arith.constant 128 : i32
              %mul3A_1247 = arith.muli %while3A_1235, %mul3A_1246 : i32
              %add3A_1248 = arith.addi %mul3A_126, %mul3A_1247 : i32
              %add3A_1249 = arith.constant 0 : i32
              %add3A_1250 = arith.addi %add3A_1248, %add3A_1249 : i32
              %get3A_1251 = arith.index_cast %add3A_1250 : i32 to index
              %get3A_1252 = tpu.vector_load %arg13[%get3A_1251] {strides = array<i32>} : memref<16384xf32, #tpu.memory_space<vmem>>, vector<16xf32>,
              %mul3A_1253 = arith.mulf %get3A_1252, %gather3A : vector<16xf32>
              %max3A_1254 = arith.maximumf %while3A_1236, %mul3A_1253 : vector<16xf32>
              %add3A_1255 = arith.constant 16 : i32
              %add3A_1256 = arith.addi %add3A_1248, %add3A_1255 : i32
              %get3A_1257 = arith.index_cast %add3A_1256 : i32 to index
              %get3A_1258 = tpu.vector_load %arg13[%get3A_1257] {strides = array<i32>} : memref<16384xf32, #tpu.memory_space<vmem>>, vector<16xf32>,
              %mul3A_1259 = arith.mulf %get3A_1258, %gather3A : vector<16xf32>
              %max3A_1260 = arith.maximumf %while3A_1237, %mul3A_1259 : vector<16xf32>
              %add3A_1261 = arith.constant 32 : i32
              %add3A_1262 = arith.addi %add3A_1248, %add3A_1261 : i32
              %get3A_1263 = arith.index_cast %add3A_1262 : i32 to index
              %get3A_1264 = tpu.vector_load %arg13[%get3A_1263] {strides = array<i32>} : memref<16384xf32, #tpu.memory_space<vmem>>, vector<16xf32>,
              %mul3A_1265 = arith.mulf %get3A_1264, %gather3A : vector<16xf32>
              %max3A_1266 = arith.maximumf %while3A_1238, %mul3A_1265 : vector<16xf32>
              %add3A_1267 = arith.constant 48 : i32
              %add3A_1268 = arith.addi %add3A_1248, %add3A_1267 : i32
              %get3A_1269 = arith.index_cast %add3A_1268 : i32 to index
              %get3A_1270 = tpu.vector_load %arg13[%get3A_1269] {strides = array<i32>} : memref<16384xf32, #tpu.memory_space<vmem>>, vector<16xf32>,
              %mul3A_1271 = arith.mulf %get3A_1270, %gather3A : vector<16xf32>
              %max3A_1272 = arith.maximumf %while3A_1239, %mul3A_1271 : vector<16xf32>
              %add3A_1273 = arith.constant 64 : i32
              %add3A_1274 = arith.addi %add3A_1248, %add3A_1273 : i32
              %get3A_1275 = arith.index_cast %add3A_1274 : i32 to index
              %get3A_1276 = tpu.vector_load %arg13[%get3A_1275] {strides = array<i32>} : memref<16384xf32, #tpu.memory_space<vmem>>, vector<16xf32>,
              %mul3A_1277 = arith.mulf %get3A_1276, %gather3A : vector<16xf32>
              %max3A_1278 = arith.maximumf %while3A_1240, %mul3A_1277 : vector<16xf32>
              %add3A_1279 = arith.constant 80 : i32
              %add3A_1280 = arith.addi %add3A_1248, %add3A_1279 : i32
              %get3A_1281 = arith.index_cast %add3A_1280 : i32 to index
              %get3A_1282 = tpu.vector_load %arg13[%get3A_1281] {strides = array<i32>} : memref<16384xf32, #tpu.memory_space<vmem>>, vector<16xf32>,
              %mul3A_1283 = arith.mulf %get3A_1282, %gather3A : vector<16xf32>
              %max3A_1284 = arith.maximumf %while3A_1241, %mul3A_1283 : vector<16xf32>
              %add3A_1285 = arith.constant 96 : i32
              %add3A_1286 = arith.addi %add3A_1248, %add3A_1285 : i32
              %get3A_1287 = arith.index_cast %add3A_1286 : i32 to index
              %get3A_1288 = tpu.vector_load %arg13[%get3A_1287] {strides = array<i32>} : memref<16384xf32, #tpu.memory_space<vmem>>, vector<16xf32>,
              %mul3A_1289 = arith.mulf %get3A_1288, %gather3A : vector<16xf32>
              %max3A_1290 = arith.maximumf %while3A_1242, %mul3A_1289 : vector<16xf32>
              %add3A_1291 = arith.constant 112 : i32
              %add3A_1292 = arith.addi %add3A_1248, %add3A_1291 : i32
              %get3A_1293 = arith.index_cast %add3A_1292 : i32 to index
              %get3A_1294 = tpu.vector_load %arg13[%get3A_1293] {strides = array<i32>} : memref<16384xf32, #tpu.memory_space<vmem>>, vector<16xf32>,
              %mul3A_1295 = arith.mulf %get3A_1294, %gather3A : vector<16xf32>
              %max3A_1296 = arith.maximumf %while3A_1243, %mul3A_1295 : vector<16xf32>
              scf.yield %max3A_1254, %max3A_1260, %max3A_1266, %max3A_1272, %max3A_1278, %max3A_1284, %max3A_1290, %max3A_1296 : vector<16xf32>, vector<16xf32>, vector<16xf32>, vector<16xf32>, vector<16xf32>, vector<16xf32>, vector<16xf32>, vector<16xf32>
            }
            %swap3A_1219 = arith.constant 0 : index
            %swap3A_1220 = tpu.vector_load %arg17[%swap3A_1219] {strides = array<i32>} : memref<128xf32, #tpu.memory_space<vmem>>, vector<16xf32>,
            tpu.vector_store %arg17[%swap3A_1219], %while3A_1218#0 {strides = array<i32>} : memref<128xf32, #tpu.memory_space<vmem>>, vector<16xf32>,
            %swap3A_1221 = arith.constant 16 : index
            %swap3A_1222 = tpu.vector_load %arg17[%swap3A_1221] {strides = array<i32>} : memref<128xf32, #tpu.memory_space<vmem>>, vector<16xf32>,
            tpu.vector_store %arg17[%swap3A_1221], %while3A_1218#1 {strides = array<i32>} : memref<128xf32, #tpu.memory_space<vmem>>, vector<16xf32>,
            %swap3A_1223 = arith.constant 32 : index
            %swap3A_1224 = tpu.vector_load %arg17[%swap3A_1223] {strides = array<i32>} : memref<128xf32, #tpu.memory_space<vmem>>, vector<16xf32>,
            tpu.vector_store %arg17[%swap3A_1223], %while3A_1218#2 {strides = array<i32>} : memref<128xf32, #tpu.memory_space<vmem>>, vector<16xf32>,
            %swap3A_1225 = arith.constant 48 : index
            %swap3A_1226 = tpu.vector_load %arg17[%swap3A_1225] {strides = array<i32>} : memref<128xf32, #tpu.memory_space<vmem>>, vector<16xf32>,
            tpu.vector_store %arg17[%swap3A_1225], %while3A_1218#3 {strides = array<i32>} : memref<128xf32, #tpu.memory_space<vmem>>, vector<16xf32>,
            %swap3A_1227 = arith.constant 64 : index
            %swap3A_1228 = tpu.vector_load %arg17[%swap3A_1227] {strides = array<i32>} : memref<128xf32, #tpu.memory_space<vmem>>, vector<16xf32>,
            tpu.vector_store %arg17[%swap3A_1227], %while3A_1218#4 {strides = array<i32>} : memref<128xf32, #tpu.memory_space<vmem>>, vector<16xf32>,
            %swap3A_1229 = arith.constant 80 : index
            %swap3A_1230 = tpu.vector_load %arg17[%swap3A_1229] {strides = array<i32>} : memref<128xf32, #tpu.memory_space<vmem>>, vector<16xf32>,
            tpu.vector_store %arg17[%swap3A_1229], %while3A_1218#5 {strides = array<i32>} : memref<128xf32, #tpu.memory_space<vmem>>, vector<16xf32>,
            %swap3A_1231 = arith.constant 96 : index
            %swap3A_1232 = tpu.vector_load %arg17[%swap3A_1231] {strides = array<i32>} : memref<128xf32, #tpu.memory_space<vmem>>, vector<16xf32>,
            tpu.vector_store %arg17[%swap3A_1231], %while3A_1218#6 {strides = array<i32>} : memref<128xf32, #tpu.memory_space<vmem>>, vector<16xf32>,
            %swap3A_1233 = arith.constant 112 : index
            %swap3A_1234 = tpu.vector_load %arg17[%swap3A_1233] {strides = array<i32>} : memref<128xf32, #tpu.memory_space<vmem>>, vector<16xf32>,
            tpu.vector_store %arg17[%swap3A_1233], %while3A_1218#7 {strides = array<i32>} : memref<128xf32, #tpu.memory_space<vmem>>, vector<16xf32>,
          }
          %while3A_562 = arith.constant 1 : i32
          scf.for %while3A_563 = %while3A_560 to %while3A_556 step %while3A_562  : i32 {
            %mul3A_564 = arith.constant 16 : i32
            %mul3A_565 = arith.muli %while3A_563, %mul3A_564 : i32
            %add3A_566 = vector.broadcast %mul3A_565 : i32 to vector<16xi32>
            %add3A_567 = arith.addi %iota3A, %add3A_566 : vector<16xi32>
            %ge3A = arith.cmpi sge, %add3A_567, %broadcast_in_dim3A_502 : vector<16xi32>
            %lt3A_568 = arith.cmpi slt, %add3A_567, %broadcast_in_dim3A_503 : vector<16xi32>
            %and3A_569 = arith.andi %ge3A, %lt3A_568 : vector<16xi1>
            %add3A_570 = arith.constant 0 : i32
            %add3A_571 = arith.addi %mul3A_124, %add3A_570 : i32
            %add3A_572 = arith.addi %add3A_571, %mul3A_565 : i32
            %get3A_573 = arith.index_cast %add3A_572 : i32 to index
            %get3A_574 = tpu.vector_load %arg12[%get3A_573] {strides = array<i32>} : memref<8192xf32, #tpu.memory_space<vmem>>, vector<16xf32>,
            %get3A_575 = arith.constant 0 : index
            %get3A_576 = tpu.vector_load %arg11[%get3A_575] {strides = array<i32>} : memref<1024xf32, #tpu.memory_space<vmem>>, vector<16xf32>,
            %mul3A_577 = arith.mulf %get3A_574, %get3A_576 : vector<16xf32>
            %add3A_578 = arith.addf %broadcast_in_dim3A_5, %mul3A_577 : vector<16xf32>
            %add3A_579 = arith.constant 64 : i32
            %add3A_580 = arith.addi %mul3A_124, %add3A_579 : i32
            %add3A_581 = arith.addi %add3A_580, %mul3A_565 : i32
            %get3A_582 = arith.index_cast %add3A_581 : i32 to index
            %get3A_583 = tpu.vector_load %arg12[%get3A_582] {strides = array<i32>} : memref<8192xf32, #tpu.memory_space<vmem>>, vector<16xf32>,
            %get3A_584 = arith.constant 16 : index
            %get3A_585 = tpu.vector_load %arg11[%get3A_584] {strides = array<i32>} : memref<1024xf32, #tpu.memory_space<vmem>>, vector<16xf32>,
            %mul3A_586 = arith.mulf %get3A_583, %get3A_585 : vector<16xf32>
            %add3A_587 = arith.addf %broadcast_in_dim3A_5, %mul3A_586 : vector<16xf32>
            %add3A_588 = arith.constant 128 : i32
            %add3A_589 = arith.addi %mul3A_124, %add3A_588 : i32
            %add3A_590 = arith.addi %add3A_589, %mul3A_565 : i32
            %get3A_591 = arith.index_cast %add3A_590 : i32 to index
            %get3A_592 = tpu.vector_load %arg12[%get3A_591] {strides = array<i32>} : memref<8192xf32, #tpu.memory_space<vmem>>, vector<16xf32>,
            %get3A_593 = arith.constant 32 : index
            %get3A_594 = tpu.vector_load %arg11[%get3A_593] {strides = array<i32>} : memref<1024xf32, #tpu.memory_space<vmem>>, vector<16xf32>,
            %mul3A_595 = arith.mulf %get3A_592, %get3A_594 : vector<16xf32>
            %add3A_596 = arith.addf %broadcast_in_dim3A_5, %mul3A_595 : vector<16xf32>
            %add3A_597 = arith.constant 192 : i32
            %add3A_598 = arith.addi %mul3A_124, %add3A_597 : i32
            %add3A_599 = arith.addi %add3A_598, %mul3A_565 : i32
            %get3A_600 = arith.index_cast %add3A_599 : i32 to index
            %get3A_601 = tpu.vector_load %arg12[%get3A_600] {strides = array<i32>} : memref<8192xf32, #tpu.memory_space<vmem>>, vector<16xf32>,
            %get3A_602 = arith.constant 48 : index
            %get3A_603 = tpu.vector_load %arg11[%get3A_602] {strides = array<i32>} : memref<1024xf32, #tpu.memory_space<vmem>>, vector<16xf32>,
            %mul3A_604 = arith.mulf %get3A_601, %get3A_603 : vector<16xf32>
            %add3A_605 = arith.addf %broadcast_in_dim3A_5, %mul3A_604 : vector<16xf32>
            %add3A_606 = arith.constant 256 : i32
            %add3A_607 = arith.addi %mul3A_124, %add3A_606 : i32
            %add3A_608 = arith.addi %add3A_607, %mul3A_565 : i32
            %get3A_609 = arith.index_cast %add3A_608 : i32 to index
            %get3A_610 = tpu.vector_load %arg12[%get3A_609] {strides = array<i32>} : memref<8192xf32, #tpu.memory_space<vmem>>, vector<16xf32>,
            %get3A_611 = arith.constant 64 : index
            %get3A_612 = tpu.vector_load %arg11[%get3A_611] {strides = array<i32>} : memref<1024xf32, #tpu.memory_space<vmem>>, vector<16xf32>,
            %mul3A_613 = arith.mulf %get3A_610, %get3A_612 : vector<16xf32>
            %add3A_614 = arith.addf %add3A_578, %mul3A_613 : vector<16xf32>
            %add3A_615 = arith.constant 320 : i32
            %add3A_616 = arith.addi %mul3A_124, %add3A_615 : i32
            %add3A_617 = arith.addi %add3A_616, %mul3A_565 : i32
            %get3A_618 = arith.index_cast %add3A_617 : i32 to index
            %get3A_619 = tpu.vector_load %arg12[%get3A_618] {strides = array<i32>} : memref<8192xf32, #tpu.memory_space<vmem>>, vector<16xf32>,
            %get3A_620 = arith.constant 80 : index
            %get3A_621 = tpu.vector_load %arg11[%get3A_620] {strides = array<i32>} : memref<1024xf32, #tpu.memory_space<vmem>>, vector<16xf32>,
            %mul3A_622 = arith.mulf %get3A_619, %get3A_621 : vector<16xf32>
            %add3A_623 = arith.addf %add3A_587, %mul3A_622 : vector<16xf32>
            %add3A_624 = arith.constant 384 : i32
            %add3A_625 = arith.addi %mul3A_124, %add3A_624 : i32
            %add3A_626 = arith.addi %add3A_625, %mul3A_565 : i32
            %get3A_627 = arith.index_cast %add3A_626 : i32 to index
            %get3A_628 = tpu.vector_load %arg12[%get3A_627] {strides = array<i32>} : memref<8192xf32, #tpu.memory_space<vmem>>, vector<16xf32>,
            %get3A_629 = arith.constant 96 : index
            %get3A_630 = tpu.vector_load %arg11[%get3A_629] {strides = array<i32>} : memref<1024xf32, #tpu.memory_space<vmem>>, vector<16xf32>,
            %mul3A_631 = arith.mulf %get3A_628, %get3A_630 : vector<16xf32>
            %add3A_632 = arith.addf %add3A_596, %mul3A_631 : vector<16xf32>
            %add3A_633 = arith.constant 448 : i32
            %add3A_634 = arith.addi %mul3A_124, %add3A_633 : i32
            %add3A_635 = arith.addi %add3A_634, %mul3A_565 : i32
            %get3A_636 = arith.index_cast %add3A_635 : i32 to index
            %get3A_637 = tpu.vector_load %arg12[%get3A_636] {strides = array<i32>} : memref<8192xf32, #tpu.memory_space<vmem>>, vector<16xf32>,
            %get3A_638 = arith.constant 112 : index
            %get3A_639 = tpu.vector_load %arg11[%get3A_638] {strides = array<i32>} : memref<1024xf32, #tpu.memory_space<vmem>>, vector<16xf32>,
            %mul3A_640 = arith.mulf %get3A_637, %get3A_639 : vector<16xf32>
            %add3A_641 = arith.addf %add3A_605, %mul3A_640 : vector<16xf32>
            %add3A_642 = arith.constant 512 : i32
            %add3A_643 = arith.addi %mul3A_124, %add3A_642 : i32
            %add3A_644 = arith.addi %add3A_643, %mul3A_565 : i32
            %get3A_645 = arith.index_cast %add3A_644 : i32 to index
            %get3A_646 = tpu.vector_load %arg12[%get3A_645] {strides = array<i32>} : memref<8192xf32, #tpu.memory_space<vmem>>, vector<16xf32>,
            %get3A_647 = arith.constant 128 : index
            %get3A_648 = tpu.vector_load %arg11[%get3A_647] {strides = array<i32>} : memref<1024xf32, #tpu.memory_space<vmem>>, vector<16xf32>,
            %mul3A_649 = arith.mulf %get3A_646, %get3A_648 : vector<16xf32>
            %add3A_650 = arith.addf %add3A_614, %mul3A_649 : vector<16xf32>
            %add3A_651 = arith.constant 576 : i32
            %add3A_652 = arith.addi %mul3A_124, %add3A_651 : i32
            %add3A_653 = arith.addi %add3A_652, %mul3A_565 : i32
            %get3A_654 = arith.index_cast %add3A_653 : i32 to index
            %get3A_655 = tpu.vector_load %arg12[%get3A_654] {strides = array<i32>} : memref<8192xf32, #tpu.memory_space<vmem>>, vector<16xf32>,
            %get3A_656 = arith.constant 144 : index
            %get3A_657 = tpu.vector_load %arg11[%get3A_656] {strides = array<i32>} : memref<1024xf32, #tpu.memory_space<vmem>>, vector<16xf32>,
            %mul3A_658 = arith.mulf %get3A_655, %get3A_657 : vector<16xf32>
            %add3A_659 = arith.addf %add3A_623, %mul3A_658 : vector<16xf32>
            %add3A_660 = arith.constant 640 : i32
            %add3A_661 = arith.addi %mul3A_124, %add3A_660 : i32
            %add3A_662 = arith.addi %add3A_661, %mul3A_565 : i32
            %get3A_663 = arith.index_cast %add3A_662 : i32 to index
            %get3A_664 = tpu.vector_load %arg12[%get3A_663] {strides = array<i32>} : memref<8192xf32, #tpu.memory_space<vmem>>, vector<16xf32>,
            %get3A_665 = arith.constant 160 : index
            %get3A_666 = tpu.vector_load %arg11[%get3A_665] {strides = array<i32>} : memref<1024xf32, #tpu.memory_space<vmem>>, vector<16xf32>,
            %mul3A_667 = arith.mulf %get3A_664, %get3A_666 : vector<16xf32>
            %add3A_668 = arith.addf %add3A_632, %mul3A_667 : vector<16xf32>
            %add3A_669 = arith.constant 704 : i32
            %add3A_670 = arith.addi %mul3A_124, %add3A_669 : i32
            %add3A_671 = arith.addi %add3A_670, %mul3A_565 : i32
            %get3A_672 = arith.index_cast %add3A_671 : i32 to index
            %get3A_673 = tpu.vector_load %arg12[%get3A_672] {strides = array<i32>} : memref<8192xf32, #tpu.memory_space<vmem>>, vector<16xf32>,
            %get3A_674 = arith.constant 176 : index
            %get3A_675 = tpu.vector_load %arg11[%get3A_674] {strides = array<i32>} : memref<1024xf32, #tpu.memory_space<vmem>>, vector<16xf32>,
            %mul3A_676 = arith.mulf %get3A_673, %get3A_675 : vector<16xf32>
            %add3A_677 = arith.addf %add3A_641, %mul3A_676 : vector<16xf32>
            %add3A_678 = arith.constant 768 : i32
            %add3A_679 = arith.addi %mul3A_124, %add3A_678 : i32
            %add3A_680 = arith.addi %add3A_679, %mul3A_565 : i32
            %get3A_681 = arith.index_cast %add3A_680 : i32 to index
            %get3A_682 = tpu.vector_load %arg12[%get3A_681] {strides = array<i32>} : memref<8192xf32, #tpu.memory_space<vmem>>, vector<16xf32>,
            %get3A_683 = arith.constant 192 : index
            %get3A_684 = tpu.vector_load %arg11[%get3A_683] {strides = array<i32>} : memref<1024xf32, #tpu.memory_space<vmem>>, vector<16xf32>,
            %mul3A_685 = arith.mulf %get3A_682, %get3A_684 : vector<16xf32>
            %add3A_686 = arith.addf %add3A_650, %mul3A_685 : vector<16xf32>
            %add3A_687 = arith.constant 832 : i32
            %add3A_688 = arith.addi %mul3A_124, %add3A_687 : i32
            %add3A_689 = arith.addi %add3A_688, %mul3A_565 : i32
            %get3A_690 = arith.index_cast %add3A_689 : i32 to index
            %get3A_691 = tpu.vector_load %arg12[%get3A_690] {strides = array<i32>} : memref<8192xf32, #tpu.memory_space<vmem>>, vector<16xf32>,
            %get3A_692 = arith.constant 208 : index
            %get3A_693 = tpu.vector_load %arg11[%get3A_692] {strides = array<i32>} : memref<1024xf32, #tpu.memory_space<vmem>>, vector<16xf32>,
            %mul3A_694 = arith.mulf %get3A_691, %get3A_693 : vector<16xf32>
            %add3A_695 = arith.addf %add3A_659, %mul3A_694 : vector<16xf32>
            %add3A_696 = arith.constant 896 : i32
            %add3A_697 = arith.addi %mul3A_124, %add3A_696 : i32
            %add3A_698 = arith.addi %add3A_697, %mul3A_565 : i32
            %get3A_699 = arith.index_cast %add3A_698 : i32 to index
            %get3A_700 = tpu.vector_load %arg12[%get3A_699] {strides = array<i32>} : memref<8192xf32, #tpu.memory_space<vmem>>, vector<16xf32>,
            %get3A_701 = arith.constant 224 : index
            %get3A_702 = tpu.vector_load %arg11[%get3A_701] {strides = array<i32>} : memref<1024xf32, #tpu.memory_space<vmem>>, vector<16xf32>,
            %mul3A_703 = arith.mulf %get3A_700, %get3A_702 : vector<16xf32>
            %add3A_704 = arith.addf %add3A_668, %mul3A_703 : vector<16xf32>
            %add3A_705 = arith.constant 960 : i32
            %add3A_706 = arith.addi %mul3A_124, %add3A_705 : i32
            %add3A_707 = arith.addi %add3A_706, %mul3A_565 : i32
            %get3A_708 = arith.index_cast %add3A_707 : i32 to index
            %get3A_709 = tpu.vector_load %arg12[%get3A_708] {strides = array<i32>} : memref<8192xf32, #tpu.memory_space<vmem>>, vector<16xf32>,
            %get3A_710 = arith.constant 240 : index
            %get3A_711 = tpu.vector_load %arg11[%get3A_710] {strides = array<i32>} : memref<1024xf32, #tpu.memory_space<vmem>>, vector<16xf32>,
            %mul3A_712 = arith.mulf %get3A_709, %get3A_711 : vector<16xf32>
            %add3A_713 = arith.addf %add3A_677, %mul3A_712 : vector<16xf32>
            %add3A_714 = arith.constant 1024 : i32
            %add3A_715 = arith.addi %mul3A_124, %add3A_714 : i32
            %add3A_716 = arith.addi %add3A_715, %mul3A_565 : i32
            %get3A_717 = arith.index_cast %add3A_716 : i32 to index
            %get3A_718 = tpu.vector_load %arg12[%get3A_717] {strides = array<i32>} : memref<8192xf32, #tpu.memory_space<vmem>>, vector<16xf32>,
            %get3A_719 = arith.constant 256 : index
            %get3A_720 = tpu.vector_load %arg11[%get3A_719] {strides = array<i32>} : memref<1024xf32, #tpu.memory_space<vmem>>, vector<16xf32>,
            %mul3A_721 = arith.mulf %get3A_718, %get3A_720 : vector<16xf32>
            %add3A_722 = arith.addf %add3A_686, %mul3A_721 : vector<16xf32>
            %add3A_723 = arith.constant 1088 : i32
            %add3A_724 = arith.addi %mul3A_124, %add3A_723 : i32
            %add3A_725 = arith.addi %add3A_724, %mul3A_565 : i32
            %get3A_726 = arith.index_cast %add3A_725 : i32 to index
            %get3A_727 = tpu.vector_load %arg12[%get3A_726] {strides = array<i32>} : memref<8192xf32, #tpu.memory_space<vmem>>, vector<16xf32>,
            %get3A_728 = arith.constant 272 : index
            %get3A_729 = tpu.vector_load %arg11[%get3A_728] {strides = array<i32>} : memref<1024xf32, #tpu.memory_space<vmem>>, vector<16xf32>,
            %mul3A_730 = arith.mulf %get3A_727, %get3A_729 : vector<16xf32>
            %add3A_731 = arith.addf %add3A_695, %mul3A_730 : vector<16xf32>
            %add3A_732 = arith.constant 1152 : i32
            %add3A_733 = arith.addi %mul3A_124, %add3A_732 : i32
            %add3A_734 = arith.addi %add3A_733, %mul3A_565 : i32
            %get3A_735 = arith.index_cast %add3A_734 : i32 to index
            %get3A_736 = tpu.vector_load %arg12[%get3A_735] {strides = array<i32>} : memref<8192xf32, #tpu.memory_space<vmem>>, vector<16xf32>,
            %get3A_737 = arith.constant 288 : index
            %get3A_738 = tpu.vector_load %arg11[%get3A_737] {strides = array<i32>} : memref<1024xf32, #tpu.memory_space<vmem>>, vector<16xf32>,
            %mul3A_739 = arith.mulf %get3A_736, %get3A_738 : vector<16xf32>
            %add3A_740 = arith.addf %add3A_704, %mul3A_739 : vector<16xf32>
            %add3A_741 = arith.constant 1216 : i32
            %add3A_742 = arith.addi %mul3A_124, %add3A_741 : i32
            %add3A_743 = arith.addi %add3A_742, %mul3A_565 : i32
            %get3A_744 = arith.index_cast %add3A_743 : i32 to index
            %get3A_745 = tpu.vector_load %arg12[%get3A_744] {strides = array<i32>} : memref<8192xf32, #tpu.memory_space<vmem>>, vector<16xf32>,
            %get3A_746 = arith.constant 304 : index
            %get3A_747 = tpu.vector_load %arg11[%get3A_746] {strides = array<i32>} : memref<1024xf32, #tpu.memory_space<vmem>>, vector<16xf32>,
            %mul3A_748 = arith.mulf %get3A_745, %get3A_747 : vector<16xf32>
            %add3A_749 = arith.addf %add3A_713, %mul3A_748 : vector<16xf32>
            %add3A_750 = arith.constant 1280 : i32
            %add3A_751 = arith.addi %mul3A_124, %add3A_750 : i32
            %add3A_752 = arith.addi %add3A_751, %mul3A_565 : i32
            %get3A_753 = arith.index_cast %add3A_752 : i32 to index
            %get3A_754 = tpu.vector_load %arg12[%get3A_753] {strides = array<i32>} : memref<8192xf32, #tpu.memory_space<vmem>>, vector<16xf32>,
            %get3A_755 = arith.constant 320 : index
            %get3A_756 = tpu.vector_load %arg11[%get3A_755] {strides = array<i32>} : memref<1024xf32, #tpu.memory_space<vmem>>, vector<16xf32>,
            %mul3A_757 = arith.mulf %get3A_754, %get3A_756 : vector<16xf32>
            %add3A_758 = arith.addf %add3A_722, %mul3A_757 : vector<16xf32>
            %add3A_759 = arith.constant 1344 : i32
            %add3A_760 = arith.addi %mul3A_124, %add3A_759 : i32
            %add3A_761 = arith.addi %add3A_760, %mul3A_565 : i32
            %get3A_762 = arith.index_cast %add3A_761 : i32 to index
            %get3A_763 = tpu.vector_load %arg12[%get3A_762] {strides = array<i32>} : memref<8192xf32, #tpu.memory_space<vmem>>, vector<16xf32>,
            %get3A_764 = arith.constant 336 : index
            %get3A_765 = tpu.vector_load %arg11[%get3A_764] {strides = array<i32>} : memref<1024xf32, #tpu.memory_space<vmem>>, vector<16xf32>,
            %mul3A_766 = arith.mulf %get3A_763, %get3A_765 : vector<16xf32>
            %add3A_767 = arith.addf %add3A_731, %mul3A_766 : vector<16xf32>
            %add3A_768 = arith.constant 1408 : i32
            %add3A_769 = arith.addi %mul3A_124, %add3A_768 : i32
            %add3A_770 = arith.addi %add3A_769, %mul3A_565 : i32
            %get3A_771 = arith.index_cast %add3A_770 : i32 to index
            %get3A_772 = tpu.vector_load %arg12[%get3A_771] {strides = array<i32>} : memref<8192xf32, #tpu.memory_space<vmem>>, vector<16xf32>,
            %get3A_773 = arith.constant 352 : index
            %get3A_774 = tpu.vector_load %arg11[%get3A_773] {strides = array<i32>} : memref<1024xf32, #tpu.memory_space<vmem>>, vector<16xf32>,
            %mul3A_775 = arith.mulf %get3A_772, %get3A_774 : vector<16xf32>
            %add3A_776 = arith.addf %add3A_740, %mul3A_775 : vector<16xf32>
            %add3A_777 = arith.constant 1472 : i32
            %add3A_778 = arith.addi %mul3A_124, %add3A_777 : i32
            %add3A_779 = arith.addi %add3A_778, %mul3A_565 : i32
            %get3A_780 = arith.index_cast %add3A_779 : i32 to index
            %get3A_781 = tpu.vector_load %arg12[%get3A_780] {strides = array<i32>} : memref<8192xf32, #tpu.memory_space<vmem>>, vector<16xf32>,
            %get3A_782 = arith.constant 368 : index
            %get3A_783 = tpu.vector_load %arg11[%get3A_782] {strides = array<i32>} : memref<1024xf32, #tpu.memory_space<vmem>>, vector<16xf32>,
            %mul3A_784 = arith.mulf %get3A_781, %get3A_783 : vector<16xf32>
            %add3A_785 = arith.addf %add3A_749, %mul3A_784 : vector<16xf32>
            %add3A_786 = arith.constant 1536 : i32
            %add3A_787 = arith.addi %mul3A_124, %add3A_786 : i32
            %add3A_788 = arith.addi %add3A_787, %mul3A_565 : i32
            %get3A_789 = arith.index_cast %add3A_788 : i32 to index
            %get3A_790 = tpu.vector_load %arg12[%get3A_789] {strides = array<i32>} : memref<8192xf32, #tpu.memory_space<vmem>>, vector<16xf32>,
            %get3A_791 = arith.constant 384 : index
            %get3A_792 = tpu.vector_load %arg11[%get3A_791] {strides = array<i32>} : memref<1024xf32, #tpu.memory_space<vmem>>, vector<16xf32>,
            %mul3A_793 = arith.mulf %get3A_790, %get3A_792 : vector<16xf32>
            %add3A_794 = arith.addf %add3A_758, %mul3A_793 : vector<16xf32>
            %add3A_795 = arith.constant 1600 : i32
            %add3A_796 = arith.addi %mul3A_124, %add3A_795 : i32
            %add3A_797 = arith.addi %add3A_796, %mul3A_565 : i32
            %get3A_798 = arith.index_cast %add3A_797 : i32 to index
            %get3A_799 = tpu.vector_load %arg12[%get3A_798] {strides = array<i32>} : memref<8192xf32, #tpu.memory_space<vmem>>, vector<16xf32>,
            %get3A_800 = arith.constant 400 : index
            %get3A_801 = tpu.vector_load %arg11[%get3A_800] {strides = array<i32>} : memref<1024xf32, #tpu.memory_space<vmem>>, vector<16xf32>,
            %mul3A_802 = arith.mulf %get3A_799, %get3A_801 : vector<16xf32>
            %add3A_803 = arith.addf %add3A_767, %mul3A_802 : vector<16xf32>
            %add3A_804 = arith.constant 1664 : i32
            %add3A_805 = arith.addi %mul3A_124, %add3A_804 : i32
            %add3A_806 = arith.addi %add3A_805, %mul3A_565 : i32
            %get3A_807 = arith.index_cast %add3A_806 : i32 to index
            %get3A_808 = tpu.vector_load %arg12[%get3A_807] {strides = array<i32>} : memref<8192xf32, #tpu.memory_space<vmem>>, vector<16xf32>,
            %get3A_809 = arith.constant 416 : index
            %get3A_810 = tpu.vector_load %arg11[%get3A_809] {strides = array<i32>} : memref<1024xf32, #tpu.memory_space<vmem>>, vector<16xf32>,
            %mul3A_811 = arith.mulf %get3A_808, %get3A_810 : vector<16xf32>
            %add3A_812 = arith.addf %add3A_776, %mul3A_811 : vector<16xf32>
            %add3A_813 = arith.constant 1728 : i32
            %add3A_814 = arith.addi %mul3A_124, %add3A_813 : i32
            %add3A_815 = arith.addi %add3A_814, %mul3A_565 : i32
            %get3A_816 = arith.index_cast %add3A_815 : i32 to index
            %get3A_817 = tpu.vector_load %arg12[%get3A_816] {strides = array<i32>} : memref<8192xf32, #tpu.memory_space<vmem>>, vector<16xf32>,
            %get3A_818 = arith.constant 432 : index
            %get3A_819 = tpu.vector_load %arg11[%get3A_818] {strides = array<i32>} : memref<1024xf32, #tpu.memory_space<vmem>>, vector<16xf32>,
            %mul3A_820 = arith.mulf %get3A_817, %get3A_819 : vector<16xf32>
            %add3A_821 = arith.addf %add3A_785, %mul3A_820 : vector<16xf32>
            %add3A_822 = arith.constant 1792 : i32
            %add3A_823 = arith.addi %mul3A_124, %add3A_822 : i32
            %add3A_824 = arith.addi %add3A_823, %mul3A_565 : i32
            %get3A_825 = arith.index_cast %add3A_824 : i32 to index
            %get3A_826 = tpu.vector_load %arg12[%get3A_825] {strides = array<i32>} : memref<8192xf32, #tpu.memory_space<vmem>>, vector<16xf32>,
            %get3A_827 = arith.constant 448 : index
            %get3A_828 = tpu.vector_load %arg11[%get3A_827] {strides = array<i32>} : memref<1024xf32, #tpu.memory_space<vmem>>, vector<16xf32>,
            %mul3A_829 = arith.mulf %get3A_826, %get3A_828 : vector<16xf32>
            %add3A_830 = arith.addf %add3A_794, %mul3A_829 : vector<16xf32>
            %add3A_831 = arith.constant 1856 : i32
            %add3A_832 = arith.addi %mul3A_124, %add3A_831 : i32
            %add3A_833 = arith.addi %add3A_832, %mul3A_565 : i32
            %get3A_834 = arith.index_cast %add3A_833 : i32 to index
            %get3A_835 = tpu.vector_load %arg12[%get3A_834] {strides = array<i32>} : memref<8192xf32, #tpu.memory_space<vmem>>, vector<16xf32>,
            %get3A_836 = arith.constant 464 : index
            %get3A_837 = tpu.vector_load %arg11[%get3A_836] {strides = array<i32>} : memref<1024xf32, #tpu.memory_space<vmem>>, vector<16xf32>,
            %mul3A_838 = arith.mulf %get3A_835, %get3A_837 : vector<16xf32>
            %add3A_839 = arith.addf %add3A_803, %mul3A_838 : vector<16xf32>
            %add3A_840 = arith.constant 1920 : i32
            %add3A_841 = arith.addi %mul3A_124, %add3A_840 : i32
            %add3A_842 = arith.addi %add3A_841, %mul3A_565 : i32
            %get3A_843 = arith.index_cast %add3A_842 : i32 to index
            %get3A_844 = tpu.vector_load %arg12[%get3A_843] {strides = array<i32>} : memref<8192xf32, #tpu.memory_space<vmem>>, vector<16xf32>,
            %get3A_845 = arith.constant 480 : index
            %get3A_846 = tpu.vector_load %arg11[%get3A_845] {strides = array<i32>} : memref<1024xf32, #tpu.memory_space<vmem>>, vector<16xf32>,
            %mul3A_847 = arith.mulf %get3A_844, %get3A_846 : vector<16xf32>
            %add3A_848 = arith.addf %add3A_812, %mul3A_847 : vector<16xf32>
            %add3A_849 = arith.constant 1984 : i32
            %add3A_850 = arith.addi %mul3A_124, %add3A_849 : i32
            %add3A_851 = arith.addi %add3A_850, %mul3A_565 : i32
            %get3A_852 = arith.index_cast %add3A_851 : i32 to index
            %get3A_853 = tpu.vector_load %arg12[%get3A_852] {strides = array<i32>} : memref<8192xf32, #tpu.memory_space<vmem>>, vector<16xf32>,
            %get3A_854 = arith.constant 496 : index
            %get3A_855 = tpu.vector_load %arg11[%get3A_854] {strides = array<i32>} : memref<1024xf32, #tpu.memory_space<vmem>>, vector<16xf32>,
            %mul3A_856 = arith.mulf %get3A_853, %get3A_855 : vector<16xf32>
            %add3A_857 = arith.addf %add3A_821, %mul3A_856 : vector<16xf32>
            %add3A_858 = arith.constant 2048 : i32
            %add3A_859 = arith.addi %mul3A_124, %add3A_858 : i32
            %add3A_860 = arith.addi %add3A_859, %mul3A_565 : i32
            %get3A_861 = arith.index_cast %add3A_860 : i32 to index
            %get3A_862 = tpu.vector_load %arg12[%get3A_861] {strides = array<i32>} : memref<8192xf32, #tpu.memory_space<vmem>>, vector<16xf32>,
            %get3A_863 = arith.constant 512 : index
            %get3A_864 = tpu.vector_load %arg11[%get3A_863] {strides = array<i32>} : memref<1024xf32, #tpu.memory_space<vmem>>, vector<16xf32>,
            %mul3A_865 = arith.mulf %get3A_862, %get3A_864 : vector<16xf32>
            %add3A_866 = arith.addf %add3A_830, %mul3A_865 : vector<16xf32>
            %add3A_867 = arith.constant 2112 : i32
            %add3A_868 = arith.addi %mul3A_124, %add3A_867 : i32
            %add3A_869 = arith.addi %add3A_868, %mul3A_565 : i32
            %get3A_870 = arith.index_cast %add3A_869 : i32 to index
            %get3A_871 = tpu.vector_load %arg12[%get3A_870] {strides = array<i32>} : memref<8192xf32, #tpu.memory_space<vmem>>, vector<16xf32>,
            %get3A_872 = arith.constant 528 : index
            %get3A_873 = tpu.vector_load %arg11[%get3A_872] {strides = array<i32>} : memref<1024xf32, #tpu.memory_space<vmem>>, vector<16xf32>,
            %mul3A_874 = arith.mulf %get3A_871, %get3A_873 : vector<16xf32>
            %add3A_875 = arith.addf %add3A_839, %mul3A_874 : vector<16xf32>
            %add3A_876 = arith.constant 2176 : i32
            %add3A_877 = arith.addi %mul3A_124, %add3A_876 : i32
            %add3A_878 = arith.addi %add3A_877, %mul3A_565 : i32
            %get3A_879 = arith.index_cast %add3A_878 : i32 to index
            %get3A_880 = tpu.vector_load %arg12[%get3A_879] {strides = array<i32>} : memref<8192xf32, #tpu.memory_space<vmem>>, vector<16xf32>,
            %get3A_881 = arith.constant 544 : index
            %get3A_882 = tpu.vector_load %arg11[%get3A_881] {strides = array<i32>} : memref<1024xf32, #tpu.memory_space<vmem>>, vector<16xf32>,
            %mul3A_883 = arith.mulf %get3A_880, %get3A_882 : vector<16xf32>
            %add3A_884 = arith.addf %add3A_848, %mul3A_883 : vector<16xf32>
            %add3A_885 = arith.constant 2240 : i32
            %add3A_886 = arith.addi %mul3A_124, %add3A_885 : i32
            %add3A_887 = arith.addi %add3A_886, %mul3A_565 : i32
            %get3A_888 = arith.index_cast %add3A_887 : i32 to index
            %get3A_889 = tpu.vector_load %arg12[%get3A_888] {strides = array<i32>} : memref<8192xf32, #tpu.memory_space<vmem>>, vector<16xf32>,
            %get3A_890 = arith.constant 560 : index
            %get3A_891 = tpu.vector_load %arg11[%get3A_890] {strides = array<i32>} : memref<1024xf32, #tpu.memory_space<vmem>>, vector<16xf32>,
            %mul3A_892 = arith.mulf %get3A_889, %get3A_891 : vector<16xf32>
            %add3A_893 = arith.addf %add3A_857, %mul3A_892 : vector<16xf32>
            %add3A_894 = arith.constant 2304 : i32
            %add3A_895 = arith.addi %mul3A_124, %add3A_894 : i32
            %add3A_896 = arith.addi %add3A_895, %mul3A_565 : i32
            %get3A_897 = arith.index_cast %add3A_896 : i32 to index
            %get3A_898 = tpu.vector_load %arg12[%get3A_897] {strides = array<i32>} : memref<8192xf32, #tpu.memory_space<vmem>>, vector<16xf32>,
            %get3A_899 = arith.constant 576 : index
            %get3A_900 = tpu.vector_load %arg11[%get3A_899] {strides = array<i32>} : memref<1024xf32, #tpu.memory_space<vmem>>, vector<16xf32>,
            %mul3A_901 = arith.mulf %get3A_898, %get3A_900 : vector<16xf32>
            %add3A_902 = arith.addf %add3A_866, %mul3A_901 : vector<16xf32>
            %add3A_903 = arith.constant 2368 : i32
            %add3A_904 = arith.addi %mul3A_124, %add3A_903 : i32
            %add3A_905 = arith.addi %add3A_904, %mul3A_565 : i32
            %get3A_906 = arith.index_cast %add3A_905 : i32 to index
            %get3A_907 = tpu.vector_load %arg12[%get3A_906] {strides = array<i32>} : memref<8192xf32, #tpu.memory_space<vmem>>, vector<16xf32>,
            %get3A_908 = arith.constant 592 : index
            %get3A_909 = tpu.vector_load %arg11[%get3A_908] {strides = array<i32>} : memref<1024xf32, #tpu.memory_space<vmem>>, vector<16xf32>,
            %mul3A_910 = arith.mulf %get3A_907, %get3A_909 : vector<16xf32>
            %add3A_911 = arith.addf %add3A_875, %mul3A_910 : vector<16xf32>
            %add3A_912 = arith.constant 2432 : i32
            %add3A_913 = arith.addi %mul3A_124, %add3A_912 : i32
            %add3A_914 = arith.addi %add3A_913, %mul3A_565 : i32
            %get3A_915 = arith.index_cast %add3A_914 : i32 to index
            %get3A_916 = tpu.vector_load %arg12[%get3A_915] {strides = array<i32>} : memref<8192xf32, #tpu.memory_space<vmem>>, vector<16xf32>,
            %get3A_917 = arith.constant 608 : index
            %get3A_918 = tpu.vector_load %arg11[%get3A_917] {strides = array<i32>} : memref<1024xf32, #tpu.memory_space<vmem>>, vector<16xf32>,
            %mul3A_919 = arith.mulf %get3A_916, %get3A_918 : vector<16xf32>
            %add3A_920 = arith.addf %add3A_884, %mul3A_919 : vector<16xf32>
            %add3A_921 = arith.constant 2496 : i32
            %add3A_922 = arith.addi %mul3A_124, %add3A_921 : i32
            %add3A_923 = arith.addi %add3A_922, %mul3A_565 : i32
            %get3A_924 = arith.index_cast %add3A_923 : i32 to index
            %get3A_925 = tpu.vector_load %arg12[%get3A_924] {strides = array<i32>} : memref<8192xf32, #tpu.memory_space<vmem>>, vector<16xf32>,
            %get3A_926 = arith.constant 624 : index
            %get3A_927 = tpu.vector_load %arg11[%get3A_926] {strides = array<i32>} : memref<1024xf32, #tpu.memory_space<vmem>>, vector<16xf32>,
            %mul3A_928 = arith.mulf %get3A_925, %get3A_927 : vector<16xf32>
            %add3A_929 = arith.addf %add3A_893, %mul3A_928 : vector<16xf32>
            %add3A_930 = arith.constant 2560 : i32
            %add3A_931 = arith.addi %mul3A_124, %add3A_930 : i32
            %add3A_932 = arith.addi %add3A_931, %mul3A_565 : i32
            %get3A_933 = arith.index_cast %add3A_932 : i32 to index
            %get3A_934 = tpu.vector_load %arg12[%get3A_933] {strides = array<i32>} : memref<8192xf32, #tpu.memory_space<vmem>>, vector<16xf32>,
            %get3A_935 = arith.constant 640 : index
            %get3A_936 = tpu.vector_load %arg11[%get3A_935] {strides = array<i32>} : memref<1024xf32, #tpu.memory_space<vmem>>, vector<16xf32>,
            %mul3A_937 = arith.mulf %get3A_934, %get3A_936 : vector<16xf32>
            %add3A_938 = arith.addf %add3A_902, %mul3A_937 : vector<16xf32>
            %add3A_939 = arith.constant 2624 : i32
            %add3A_940 = arith.addi %mul3A_124, %add3A_939 : i32
            %add3A_941 = arith.addi %add3A_940, %mul3A_565 : i32
            %get3A_942 = arith.index_cast %add3A_941 : i32 to index
            %get3A_943 = tpu.vector_load %arg12[%get3A_942] {strides = array<i32>} : memref<8192xf32, #tpu.memory_space<vmem>>, vector<16xf32>,
            %get3A_944 = arith.constant 656 : index
            %get3A_945 = tpu.vector_load %arg11[%get3A_944] {strides = array<i32>} : memref<1024xf32, #tpu.memory_space<vmem>>, vector<16xf32>,
            %mul3A_946 = arith.mulf %get3A_943, %get3A_945 : vector<16xf32>
            %add3A_947 = arith.addf %add3A_911, %mul3A_946 : vector<16xf32>
            %add3A_948 = arith.constant 2688 : i32
            %add3A_949 = arith.addi %mul3A_124, %add3A_948 : i32
            %add3A_950 = arith.addi %add3A_949, %mul3A_565 : i32
            %get3A_951 = arith.index_cast %add3A_950 : i32 to index
            %get3A_952 = tpu.vector_load %arg12[%get3A_951] {strides = array<i32>} : memref<8192xf32, #tpu.memory_space<vmem>>, vector<16xf32>,
            %get3A_953 = arith.constant 672 : index
            %get3A_954 = tpu.vector_load %arg11[%get3A_953] {strides = array<i32>} : memref<1024xf32, #tpu.memory_space<vmem>>, vector<16xf32>,
            %mul3A_955 = arith.mulf %get3A_952, %get3A_954 : vector<16xf32>
            %add3A_956 = arith.addf %add3A_920, %mul3A_955 : vector<16xf32>
            %add3A_957 = arith.constant 2752 : i32
            %add3A_958 = arith.addi %mul3A_124, %add3A_957 : i32
            %add3A_959 = arith.addi %add3A_958, %mul3A_565 : i32
            %get3A_960 = arith.index_cast %add3A_959 : i32 to index
            %get3A_961 = tpu.vector_load %arg12[%get3A_960] {strides = array<i32>} : memref<8192xf32, #tpu.memory_space<vmem>>, vector<16xf32>,
            %get3A_962 = arith.constant 688 : index
            %get3A_963 = tpu.vector_load %arg11[%get3A_962] {strides = array<i32>} : memref<1024xf32, #tpu.memory_space<vmem>>, vector<16xf32>,
            %mul3A_964 = arith.mulf %get3A_961, %get3A_963 : vector<16xf32>
            %add3A_965 = arith.addf %add3A_929, %mul3A_964 : vector<16xf32>
            %add3A_966 = arith.constant 2816 : i32
            %add3A_967 = arith.addi %mul3A_124, %add3A_966 : i32
            %add3A_968 = arith.addi %add3A_967, %mul3A_565 : i32
            %get3A_969 = arith.index_cast %add3A_968 : i32 to index
            %get3A_970 = tpu.vector_load %arg12[%get3A_969] {strides = array<i32>} : memref<8192xf32, #tpu.memory_space<vmem>>, vector<16xf32>,
            %get3A_971 = arith.constant 704 : index
            %get3A_972 = tpu.vector_load %arg11[%get3A_971] {strides = array<i32>} : memref<1024xf32, #tpu.memory_space<vmem>>, vector<16xf32>,
            %mul3A_973 = arith.mulf %get3A_970, %get3A_972 : vector<16xf32>
            %add3A_974 = arith.addf %add3A_938, %mul3A_973 : vector<16xf32>
            %add3A_975 = arith.constant 2880 : i32
            %add3A_976 = arith.addi %mul3A_124, %add3A_975 : i32
            %add3A_977 = arith.addi %add3A_976, %mul3A_565 : i32
            %get3A_978 = arith.index_cast %add3A_977 : i32 to index
            %get3A_979 = tpu.vector_load %arg12[%get3A_978] {strides = array<i32>} : memref<8192xf32, #tpu.memory_space<vmem>>, vector<16xf32>,
            %get3A_980 = arith.constant 720 : index
            %get3A_981 = tpu.vector_load %arg11[%get3A_980] {strides = array<i32>} : memref<1024xf32, #tpu.memory_space<vmem>>, vector<16xf32>,
            %mul3A_982 = arith.mulf %get3A_979, %get3A_981 : vector<16xf32>
            %add3A_983 = arith.addf %add3A_947, %mul3A_982 : vector<16xf32>
            %add3A_984 = arith.constant 2944 : i32
            %add3A_985 = arith.addi %mul3A_124, %add3A_984 : i32
            %add3A_986 = arith.addi %add3A_985, %mul3A_565 : i32
            %get3A_987 = arith.index_cast %add3A_986 : i32 to index
            %get3A_988 = tpu.vector_load %arg12[%get3A_987] {strides = array<i32>} : memref<8192xf32, #tpu.memory_space<vmem>>, vector<16xf32>,
            %get3A_989 = arith.constant 736 : index
            %get3A_990 = tpu.vector_load %arg11[%get3A_989] {strides = array<i32>} : memref<1024xf32, #tpu.memory_space<vmem>>, vector<16xf32>,
            %mul3A_991 = arith.mulf %get3A_988, %get3A_990 : vector<16xf32>
            %add3A_992 = arith.addf %add3A_956, %mul3A_991 : vector<16xf32>
            %add3A_993 = arith.constant 3008 : i32
            %add3A_994 = arith.addi %mul3A_124, %add3A_993 : i32
            %add3A_995 = arith.addi %add3A_994, %mul3A_565 : i32
            %get3A_996 = arith.index_cast %add3A_995 : i32 to index
            %get3A_997 = tpu.vector_load %arg12[%get3A_996] {strides = array<i32>} : memref<8192xf32, #tpu.memory_space<vmem>>, vector<16xf32>,
            %get3A_998 = arith.constant 752 : index
            %get3A_999 = tpu.vector_load %arg11[%get3A_998] {strides = array<i32>} : memref<1024xf32, #tpu.memory_space<vmem>>, vector<16xf32>,
            %mul3A_1000 = arith.mulf %get3A_997, %get3A_999 : vector<16xf32>
            %add3A_1001 = arith.addf %add3A_965, %mul3A_1000 : vector<16xf32>
            %add3A_1002 = arith.constant 3072 : i32
            %add3A_1003 = arith.addi %mul3A_124, %add3A_1002 : i32
            %add3A_1004 = arith.addi %add3A_1003, %mul3A_565 : i32
            %get3A_1005 = arith.index_cast %add3A_1004 : i32 to index
            %get3A_1006 = tpu.vector_load %arg12[%get3A_1005] {strides = array<i32>} : memref<8192xf32, #tpu.memory_space<vmem>>, vector<16xf32>,
            %get3A_1007 = arith.constant 768 : index
            %get3A_1008 = tpu.vector_load %arg11[%get3A_1007] {strides = array<i32>} : memref<1024xf32, #tpu.memory_space<vmem>>, vector<16xf32>,
            %mul3A_1009 = arith.mulf %get3A_1006, %get3A_1008 : vector<16xf32>
            %add3A_1010 = arith.addf %add3A_974, %mul3A_1009 : vector<16xf32>
            %add3A_1011 = arith.constant 3136 : i32
            %add3A_1012 = arith.addi %mul3A_124, %add3A_1011 : i32
            %add3A_1013 = arith.addi %add3A_1012, %mul3A_565 : i32
            %get3A_1014 = arith.index_cast %add3A_1013 : i32 to index
            %get3A_1015 = tpu.vector_load %arg12[%get3A_1014] {strides = array<i32>} : memref<8192xf32, #tpu.memory_space<vmem>>, vector<16xf32>,
            %get3A_1016 = arith.constant 784 : index
            %get3A_1017 = tpu.vector_load %arg11[%get3A_1016] {strides = array<i32>} : memref<1024xf32, #tpu.memory_space<vmem>>, vector<16xf32>,
            %mul3A_1018 = arith.mulf %get3A_1015, %get3A_1017 : vector<16xf32>
            %add3A_1019 = arith.addf %add3A_983, %mul3A_1018 : vector<16xf32>
            %add3A_1020 = arith.constant 3200 : i32
            %add3A_1021 = arith.addi %mul3A_124, %add3A_1020 : i32
            %add3A_1022 = arith.addi %add3A_1021, %mul3A_565 : i32
            %get3A_1023 = arith.index_cast %add3A_1022 : i32 to index
            %get3A_1024 = tpu.vector_load %arg12[%get3A_1023] {strides = array<i32>} : memref<8192xf32, #tpu.memory_space<vmem>>, vector<16xf32>,
            %get3A_1025 = arith.constant 800 : index
            %get3A_1026 = tpu.vector_load %arg11[%get3A_1025] {strides = array<i32>} : memref<1024xf32, #tpu.memory_space<vmem>>, vector<16xf32>,
            %mul3A_1027 = arith.mulf %get3A_1024, %get3A_1026 : vector<16xf32>
            %add3A_1028 = arith.addf %add3A_992, %mul3A_1027 : vector<16xf32>
            %add3A_1029 = arith.constant 3264 : i32
            %add3A_1030 = arith.addi %mul3A_124, %add3A_1029 : i32
            %add3A_1031 = arith.addi %add3A_1030, %mul3A_565 : i32
            %get3A_1032 = arith.index_cast %add3A_1031 : i32 to index
            %get3A_1033 = tpu.vector_load %arg12[%get3A_1032] {strides = array<i32>} : memref<8192xf32, #tpu.memory_space<vmem>>, vector<16xf32>,
            %get3A_1034 = arith.constant 816 : index
            %get3A_1035 = tpu.vector_load %arg11[%get3A_1034] {strides = array<i32>} : memref<1024xf32, #tpu.memory_space<vmem>>, vector<16xf32>,
            %mul3A_1036 = arith.mulf %get3A_1033, %get3A_1035 : vector<16xf32>
            %add3A_1037 = arith.addf %add3A_1001, %mul3A_1036 : vector<16xf32>
            %add3A_1038 = arith.constant 3328 : i32
            %add3A_1039 = arith.addi %mul3A_124, %add3A_1038 : i32
            %add3A_1040 = arith.addi %add3A_1039, %mul3A_565 : i32
            %get3A_1041 = arith.index_cast %add3A_1040 : i32 to index
            %get3A_1042 = tpu.vector_load %arg12[%get3A_1041] {strides = array<i32>} : memref<8192xf32, #tpu.memory_space<vmem>>, vector<16xf32>,
            %get3A_1043 = arith.constant 832 : index
            %get3A_1044 = tpu.vector_load %arg11[%get3A_1043] {strides = array<i32>} : memref<1024xf32, #tpu.memory_space<vmem>>, vector<16xf32>,
            %mul3A_1045 = arith.mulf %get3A_1042, %get3A_1044 : vector<16xf32>
            %add3A_1046 = arith.addf %add3A_1010, %mul3A_1045 : vector<16xf32>
            %add3A_1047 = arith.constant 3392 : i32
            %add3A_1048 = arith.addi %mul3A_124, %add3A_1047 : i32
            %add3A_1049 = arith.addi %add3A_1048, %mul3A_565 : i32
            %get3A_1050 = arith.index_cast %add3A_1049 : i32 to index
            %get3A_1051 = tpu.vector_load %arg12[%get3A_1050] {strides = array<i32>} : memref<8192xf32, #tpu.memory_space<vmem>>, vector<16xf32>,
            %get3A_1052 = arith.constant 848 : index
            %get3A_1053 = tpu.vector_load %arg11[%get3A_1052] {strides = array<i32>} : memref<1024xf32, #tpu.memory_space<vmem>>, vector<16xf32>,
            %mul3A_1054 = arith.mulf %get3A_1051, %get3A_1053 : vector<16xf32>
            %add3A_1055 = arith.addf %add3A_1019, %mul3A_1054 : vector<16xf32>
            %add3A_1056 = arith.constant 3456 : i32
            %add3A_1057 = arith.addi %mul3A_124, %add3A_1056 : i32
            %add3A_1058 = arith.addi %add3A_1057, %mul3A_565 : i32
            %get3A_1059 = arith.index_cast %add3A_1058 : i32 to index
            %get3A_1060 = tpu.vector_load %arg12[%get3A_1059] {strides = array<i32>} : memref<8192xf32, #tpu.memory_space<vmem>>, vector<16xf32>,
            %get3A_1061 = arith.constant 864 : index
            %get3A_1062 = tpu.vector_load %arg11[%get3A_1061] {strides = array<i32>} : memref<1024xf32, #tpu.memory_space<vmem>>, vector<16xf32>,
            %mul3A_1063 = arith.mulf %get3A_1060, %get3A_1062 : vector<16xf32>
            %add3A_1064 = arith.addf %add3A_1028, %mul3A_1063 : vector<16xf32>
            %add3A_1065 = arith.constant 3520 : i32
            %add3A_1066 = arith.addi %mul3A_124, %add3A_1065 : i32
            %add3A_1067 = arith.addi %add3A_1066, %mul3A_565 : i32
            %get3A_1068 = arith.index_cast %add3A_1067 : i32 to index
            %get3A_1069 = tpu.vector_load %arg12[%get3A_1068] {strides = array<i32>} : memref<8192xf32, #tpu.memory_space<vmem>>, vector<16xf32>,
            %get3A_1070 = arith.constant 880 : index
            %get3A_1071 = tpu.vector_load %arg11[%get3A_1070] {strides = array<i32>} : memref<1024xf32, #tpu.memory_space<vmem>>, vector<16xf32>,
            %mul3A_1072 = arith.mulf %get3A_1069, %get3A_1071 : vector<16xf32>
            %add3A_1073 = arith.addf %add3A_1037, %mul3A_1072 : vector<16xf32>
            %add3A_1074 = arith.constant 3584 : i32
            %add3A_1075 = arith.addi %mul3A_124, %add3A_1074 : i32
            %add3A_1076 = arith.addi %add3A_1075, %mul3A_565 : i32
            %get3A_1077 = arith.index_cast %add3A_1076 : i32 to index
            %get3A_1078 = tpu.vector_load %arg12[%get3A_1077] {strides = array<i32>} : memref<8192xf32, #tpu.memory_space<vmem>>, vector<16xf32>,
            %get3A_1079 = arith.constant 896 : index
            %get3A_1080 = tpu.vector_load %arg11[%get3A_1079] {strides = array<i32>} : memref<1024xf32, #tpu.memory_space<vmem>>, vector<16xf32>,
            %mul3A_1081 = arith.mulf %get3A_1078, %get3A_1080 : vector<16xf32>
            %add3A_1082 = arith.addf %add3A_1046, %mul3A_1081 : vector<16xf32>
            %add3A_1083 = arith.constant 3648 : i32
            %add3A_1084 = arith.addi %mul3A_124, %add3A_1083 : i32
            %add3A_1085 = arith.addi %add3A_1084, %mul3A_565 : i32
            %get3A_1086 = arith.index_cast %add3A_1085 : i32 to index
            %get3A_1087 = tpu.vector_load %arg12[%get3A_1086] {strides = array<i32>} : memref<8192xf32, #tpu.memory_space<vmem>>, vector<16xf32>,
            %get3A_1088 = arith.constant 912 : index
            %get3A_1089 = tpu.vector_load %arg11[%get3A_1088] {strides = array<i32>} : memref<1024xf32, #tpu.memory_space<vmem>>, vector<16xf32>,
            %mul3A_1090 = arith.mulf %get3A_1087, %get3A_1089 : vector<16xf32>
            %add3A_1091 = arith.addf %add3A_1055, %mul3A_1090 : vector<16xf32>
            %add3A_1092 = arith.constant 3712 : i32
            %add3A_1093 = arith.addi %mul3A_124, %add3A_1092 : i32
            %add3A_1094 = arith.addi %add3A_1093, %mul3A_565 : i32
            %get3A_1095 = arith.index_cast %add3A_1094 : i32 to index
            %get3A_1096 = tpu.vector_load %arg12[%get3A_1095] {strides = array<i32>} : memref<8192xf32, #tpu.memory_space<vmem>>, vector<16xf32>,
            %get3A_1097 = arith.constant 928 : index
            %get3A_1098 = tpu.vector_load %arg11[%get3A_1097] {strides = array<i32>} : memref<1024xf32, #tpu.memory_space<vmem>>, vector<16xf32>,
            %mul3A_1099 = arith.mulf %get3A_1096, %get3A_1098 : vector<16xf32>
            %add3A_1100 = arith.addf %add3A_1064, %mul3A_1099 : vector<16xf32>
            %add3A_1101 = arith.constant 3776 : i32
            %add3A_1102 = arith.addi %mul3A_124, %add3A_1101 : i32
            %add3A_1103 = arith.addi %add3A_1102, %mul3A_565 : i32
            %get3A_1104 = arith.index_cast %add3A_1103 : i32 to index
            %get3A_1105 = tpu.vector_load %arg12[%get3A_1104] {strides = array<i32>} : memref<8192xf32, #tpu.memory_space<vmem>>, vector<16xf32>,
            %get3A_1106 = arith.constant 944 : index
            %get3A_1107 = tpu.vector_load %arg11[%get3A_1106] {strides = array<i32>} : memref<1024xf32, #tpu.memory_space<vmem>>, vector<16xf32>,
            %mul3A_1108 = arith.mulf %get3A_1105, %get3A_1107 : vector<16xf32>
            %add3A_1109 = arith.addf %add3A_1073, %mul3A_1108 : vector<16xf32>
            %add3A_1110 = arith.constant 3840 : i32
            %add3A_1111 = arith.addi %mul3A_124, %add3A_1110 : i32
            %add3A_1112 = arith.addi %add3A_1111, %mul3A_565 : i32
            %get3A_1113 = arith.index_cast %add3A_1112 : i32 to index
            %get3A_1114 = tpu.vector_load %arg12[%get3A_1113] {strides = array<i32>} : memref<8192xf32, #tpu.memory_space<vmem>>, vector<16xf32>,
            %get3A_1115 = arith.constant 960 : index
            %get3A_1116 = tpu.vector_load %arg11[%get3A_1115] {strides = array<i32>} : memref<1024xf32, #tpu.memory_space<vmem>>, vector<16xf32>,
            %mul3A_1117 = arith.mulf %get3A_1114, %get3A_1116 : vector<16xf32>
            %add3A_1118 = arith.addf %add3A_1082, %mul3A_1117 : vector<16xf32>
            %add3A_1119 = arith.constant 3904 : i32
            %add3A_1120 = arith.addi %mul3A_124, %add3A_1119 : i32
            %add3A_1121 = arith.addi %add3A_1120, %mul3A_565 : i32
            %get3A_1122 = arith.index_cast %add3A_1121 : i32 to index
            %get3A_1123 = tpu.vector_load %arg12[%get3A_1122] {strides = array<i32>} : memref<8192xf32, #tpu.memory_space<vmem>>, vector<16xf32>,
            %get3A_1124 = arith.constant 976 : index
            %get3A_1125 = tpu.vector_load %arg11[%get3A_1124] {strides = array<i32>} : memref<1024xf32, #tpu.memory_space<vmem>>, vector<16xf32>,
            %mul3A_1126 = arith.mulf %get3A_1123, %get3A_1125 : vector<16xf32>
            %add3A_1127 = arith.addf %add3A_1091, %mul3A_1126 : vector<16xf32>
            %add3A_1128 = arith.constant 3968 : i32
            %add3A_1129 = arith.addi %mul3A_124, %add3A_1128 : i32
            %add3A_1130 = arith.addi %add3A_1129, %mul3A_565 : i32
            %get3A_1131 = arith.index_cast %add3A_1130 : i32 to index
            %get3A_1132 = tpu.vector_load %arg12[%get3A_1131] {strides = array<i32>} : memref<8192xf32, #tpu.memory_space<vmem>>, vector<16xf32>,
            %get3A_1133 = arith.constant 992 : index
            %get3A_1134 = tpu.vector_load %arg11[%get3A_1133] {strides = array<i32>} : memref<1024xf32, #tpu.memory_space<vmem>>, vector<16xf32>,
            %mul3A_1135 = arith.mulf %get3A_1132, %get3A_1134 : vector<16xf32>
            %add3A_1136 = arith.addf %add3A_1100, %mul3A_1135 : vector<16xf32>
            %add3A_1137 = arith.constant 4032 : i32
            %add3A_1138 = arith.addi %mul3A_124, %add3A_1137 : i32
            %add3A_1139 = arith.addi %add3A_1138, %mul3A_565 : i32
            %get3A_1140 = arith.index_cast %add3A_1139 : i32 to index
            %get3A_1141 = tpu.vector_load %arg12[%get3A_1140] {strides = array<i32>} : memref<8192xf32, #tpu.memory_space<vmem>>, vector<16xf32>,
            %get3A_1142 = arith.constant 1008 : index
            %get3A_1143 = tpu.vector_load %arg11[%get3A_1142] {strides = array<i32>} : memref<1024xf32, #tpu.memory_space<vmem>>, vector<16xf32>,
            %mul3A_1144 = arith.mulf %get3A_1141, %get3A_1143 : vector<16xf32>
            %add3A_1145 = arith.addf %add3A_1109, %mul3A_1144 : vector<16xf32>
            %add3A_1146 = arith.addf %add3A_1118, %add3A_1127 : vector<16xf32>
            %add3A_1147 = arith.addf %add3A_1136, %add3A_1145 : vector<16xf32>
            %add3A_1148 = arith.addf %add3A_1146, %add3A_1147 : vector<16xf32>
            %select_n3A_1149 = arith.select %and3A_569, %add3A_1148, %broadcast_in_dim3A_9 : vector<16xi1>, vector<16xf32>
            %reduce_max3A = arith.constant true
            %reduce_max3A_1150 = vector.broadcast %reduce_max3A : i1 to vector<16xi1>
            %reduce_max3A_1151 = tpu.scan <max>, %select_n3A_1149 masked %reduce_max3A_1150 : vector<16xf32>, vector<16xi1> -> vector<16xf32>
            %reduce_max3A_1152 = vector.extract %reduce_max3A_1151[15] : f32 from vector<16xf32>
            %broadcast_in_dim3A_1153 = vector.broadcast %reduce_max3A_1152 : f32 to vector<16xf32>
            %get3A_1154 = arith.constant 0 : index
            %get3A_1155 = tpu.vector_load %arg15[%get3A_1154] {strides = array<i32>} : memref<16xf32, #tpu.memory_space<vmem>>, vector<16xf32>,
            %max3A_1156 = arith.maximumf %get3A_1155, %broadcast_in_dim3A_1153 : vector<16xf32>
            %sub3A_1157 = arith.subf %get3A_1155, %max3A_1156 : vector<16xf32>
            %mul3A_1158 = arith.mulf %sub3A_1157, %broadcast_in_dim3A_144 : vector<16xf32>
            %exp3A = math.exp %mul3A_1158 : vector<16xf32>
            %lt3A_1159 = arith.constant -9.99999968E+37 : f32
            %lt3A_1160 = vector.broadcast %lt3A_1159 : f32 to vector<16xf32>
            %lt3A_1161 = arith.cmpf olt, %get3A_1155, %lt3A_1160 : vector<16xf32>
            %select_n3A_1162 = arith.select %lt3A_1161, %broadcast_in_dim3A_7, %exp3A : vector<16xi1>, vector<16xf32>
            %sub3A_1163 = arith.subf %add3A_1148, %max3A_1156 : vector<16xf32>
            %mul3A_1164 = arith.mulf %sub3A_1163, %broadcast_in_dim3A_144 : vector<16xf32>
            %exp3A_1165 = math.exp %mul3A_1164 : vector<16xf32>
            %select_n3A_1166 = arith.select %and3A_569, %exp3A_1165, %broadcast_in_dim3A_5 : vector<16xi1>, vector<16xf32>
            %get3A_1167 = arith.constant 0 : index
            %get3A_1168 = tpu.vector_load %arg16[%get3A_1167] {strides = array<i32>} : memref<16xf32, #tpu.memory_space<vmem>>, vector<16xf32>,
            %mul3A_1169 = arith.mulf %get3A_1168, %select_n3A_1162 : vector<16xf32>
            %reduce_sum3A = arith.constant true
            %reduce_sum3A_1170 = vector.broadcast %reduce_sum3A : i1 to vector<16xi1>
            %reduce_sum3A_1171 = tpu.scan <sum>, %select_n3A_1166 masked %reduce_sum3A_1170 : vector<16xf32>, vector<16xi1> -> vector<16xf32>
            %reduce_sum3A_1172 = vector.extract %reduce_sum3A_1171[15] : f32 from vector<16xf32>
            %broadcast_in_dim3A_1173 = vector.broadcast %reduce_sum3A_1172 : f32 to vector<16xf32>
            %add3A_1174 = arith.addf %mul3A_1169, %broadcast_in_dim3A_1173 : vector<16xf32>
            %swap3A_1175 = arith.constant 0 : index
            %swap3A_1176 = tpu.vector_load %arg16[%swap3A_1175] {strides = array<i32>} : memref<16xf32, #tpu.memory_space<vmem>>, vector<16xf32>,
            tpu.vector_store %arg16[%swap3A_1175], %add3A_1174 {strides = array<i32>} : memref<16xf32, #tpu.memory_space<vmem>>, vector<16xf32>,
            %swap3A_1177 = arith.constant 0 : index
            %swap3A_1178 = tpu.vector_load %arg15[%swap3A_1177] {strides = array<i32>} : memref<16xf32, #tpu.memory_space<vmem>>, vector<16xf32>,
            tpu.vector_store %arg15[%swap3A_1177], %max3A_1156 {strides = array<i32>} : memref<16xf32, #tpu.memory_space<vmem>>, vector<16xf32>,
            %swap3A_1179 = arith.constant 0 : index
            %swap3A_1180 = tpu.vector_load %arg18[%swap3A_1179] {strides = array<i32>} : memref<16xf32, #tpu.memory_space<vmem>>, vector<16xf32>,
            tpu.vector_store %arg18[%swap3A_1179], %select_n3A_1166 {strides = array<i32>} : memref<16xf32, #tpu.memory_space<vmem>>, vector<16xf32>,
            %max3A_1181 = arith.maxsi %sub3A_138, %mul3A_565 : i32
            %add3A_1182 = arith.constant 16 : i32
            %add3A_1183 = arith.addi %mul3A_565, %add3A_1182 : i32
            %min3A_1184 = arith.minsi %sub3A_139, %add3A_1183 : i32
            %get3A_1185 = arith.constant 0 : index
            %get3A_1186 = tpu.vector_load %arg17[%get3A_1185] {strides = array<i32>} : memref<128xf32, #tpu.memory_space<vmem>>, vector<16xf32>,
            %mul3A_1187 = arith.mulf %get3A_1186, %select_n3A_1162 : vector<16xf32>
            %get3A_1188 = arith.constant 16 : index
            %get3A_1189 = tpu.vector_load %arg17[%get3A_1188] {strides = array<i32>} : memref<128xf32, #tpu.memory_space<vmem>>, vector<16xf32>,
            %mul3A_1190 = arith.mulf %get3A_1189, %select_n3A_1162 : vector<16xf32>
            %get3A_1191 = arith.constant 32 : index
            %get3A_1192 = tpu.vector_load %arg17[%get3A_1191] {strides = array<i32>} : memref<128xf32, #tpu.memory_space<vmem>>, vector<16xf32>,
            %mul3A_1193 = arith.mulf %get3A_1192, %select_n3A_1162 : vector<16xf32>
            %get3A_1194 = arith.constant 48 : index
            %get3A_1195 = tpu.vector_load %arg17[%get3A_1194] {strides = array<i32>} : memref<128xf32, #tpu.memory_space<vmem>>, vector<16xf32>,
            %mul3A_1196 = arith.mulf %get3A_1195, %select_n3A_1162 : vector<16xf32>
            %get3A_1197 = arith.constant 64 : index
            %get3A_1198 = tpu.vector_load %arg17[%get3A_1197] {strides = array<i32>} : memref<128xf32, #tpu.memory_space<vmem>>, vector<16xf32>,
            %mul3A_1199 = arith.mulf %get3A_1198, %select_n3A_1162 : vector<16xf32>
            %get3A_1200 = arith.constant 80 : index
            %get3A_1201 = tpu.vector_load %arg17[%get3A_1200] {strides = array<i32>} : memref<128xf32, #tpu.memory_space<vmem>>, vector<16xf32>,
            %mul3A_1202 = arith.mulf %get3A_1201, %select_n3A_1162 : vector<16xf32>
            %get3A_1203 = arith.constant 96 : index
            %get3A_1204 = tpu.vector_load %arg17[%get3A_1203] {strides = array<i32>} : memref<128xf32, #tpu.memory_space<vmem>>, vector<16xf32>,
            %mul3A_1205 = arith.mulf %get3A_1204, %select_n3A_1162 : vector<16xf32>
            %get3A_1206 = arith.constant 112 : index
            %get3A_1207 = tpu.vector_load %arg17[%get3A_1206] {strides = array<i32>} : memref<128xf32, #tpu.memory_space<vmem>>, vector<16xf32>,
            %mul3A_1208 = arith.mulf %get3A_1207, %select_n3A_1162 : vector<16xf32>
            %while3A_1209 = arith.subi %min3A_1184, %max3A_1181 : i32
            %while3A_1210 = arith.addi %max3A_1181, %while3A_1209 : i32
            %while3A_1211 = arith.constant 1 : i32
            %while3A_1212 = arith.divsi %while3A_1209, %while3A_1211 : i32
            %while3A_1213 = arith.muli %while3A_1212, %while3A_1211 : i32
            %while3A_1214 = arith.addi %max3A_1181, %while3A_1213 : i32
            %while3A_1215 = arith.constant 1 : i32
            %while3A_1216:8 = scf.for %while3A_1235 = %max3A_1181 to %while3A_1214 step %while3A_1215 iter_args(%while3A_1236 = %mul3A_1187, %while3A_1237 = %mul3A_1190, %while3A_1238 = %mul3A_1193, %while3A_1239 = %mul3A_1196, %while3A_1240 = %mul3A_1199, %while3A_1241 = %mul3A_1202, %while3A_1242 = %mul3A_1205, %while3A_1243 = %mul3A_1208) -> (vector<16xf32>, vector<16xf32>, vector<16xf32>, vector<16xf32>, vector<16xf32>, vector<16xf32>, vector<16xf32>, vector<16xf32>)  : i32 {
              %sub3A_1244 = arith.subi %while3A_1235, %mul3A_565 : i32
              %broadcast_in_dim3A_1245 = vector.broadcast %sub3A_1244 : i32 to vector<16xi32>
              %gather3A = tpu.vector_load_idx %arg18[%broadcast_in_dim3A_1245] : memref<16xf32, #tpu.memory_space<vmem>>[vector<16xi32>], vector<16xf32>,
              %mul3A_1246 = arith.constant 128 : i32
              %mul3A_1247 = arith.muli %while3A_1235, %mul3A_1246 : i32
              %add3A_1248 = arith.addi %mul3A_126, %mul3A_1247 : i32
              %add3A_1249 = arith.constant 0 : i32
              %add3A_1250 = arith.addi %add3A_1248, %add3A_1249 : i32
              %get3A_1251 = arith.index_cast %add3A_1250 : i32 to index
              %get3A_1252 = tpu.vector_load %arg13[%get3A_1251] {strides = array<i32>} : memref<16384xf32, #tpu.memory_space<vmem>>, vector<16xf32>,
              %mul3A_1253 = arith.mulf %get3A_1252, %gather3A : vector<16xf32>
              %max3A_1254 = arith.maximumf %while3A_1236, %mul3A_1253 : vector<16xf32>
              %add3A_1255 = arith.constant 16 : i32
              %add3A_1256 = arith.addi %add3A_1248, %add3A_1255 : i32
              %get3A_1257 = arith.index_cast %add3A_1256 : i32 to index
              %get3A_1258 = tpu.vector_load %arg13[%get3A_1257] {strides = array<i32>} : memref<16384xf32, #tpu.memory_space<vmem>>, vector<16xf32>,
              %mul3A_1259 = arith.mulf %get3A_1258, %gather3A : vector<16xf32>
              %max3A_1260 = arith.maximumf %while3A_1237, %mul3A_1259 : vector<16xf32>
              %add3A_1261 = arith.constant 32 : i32
              %add3A_1262 = arith.addi %add3A_1248, %add3A_1261 : i32
              %get3A_1263 = arith.index_cast %add3A_1262 : i32 to index
              %get3A_1264 = tpu.vector_load %arg13[%get3A_1263] {strides = array<i32>} : memref<16384xf32, #tpu.memory_space<vmem>>, vector<16xf32>,
              %mul3A_1265 = arith.mulf %get3A_1264, %gather3A : vector<16xf32>
              %max3A_1266 = arith.maximumf %while3A_1238, %mul3A_1265 : vector<16xf32>
              %add3A_1267 = arith.constant 48 : i32
              %add3A_1268 = arith.addi %add3A_1248, %add3A_1267 : i32
              %get3A_1269 = arith.index_cast %add3A_1268 : i32 to index
              %get3A_1270 = tpu.vector_load %arg13[%get3A_1269] {strides = array<i32>} : memref<16384xf32, #tpu.memory_space<vmem>>, vector<16xf32>,
              %mul3A_1271 = arith.mulf %get3A_1270, %gather3A : vector<16xf32>
              %max3A_1272 = arith.maximumf %while3A_1239, %mul3A_1271 : vector<16xf32>
              %add3A_1273 = arith.constant 64 : i32
              %add3A_1274 = arith.addi %add3A_1248, %add3A_1273 : i32
              %get3A_1275 = arith.index_cast %add3A_1274 : i32 to index
              %get3A_1276 = tpu.vector_load %arg13[%get3A_1275] {strides = array<i32>} : memref<16384xf32, #tpu.memory_space<vmem>>, vector<16xf32>,
              %mul3A_1277 = arith.mulf %get3A_1276, %gather3A : vector<16xf32>
              %max3A_1278 = arith.maximumf %while3A_1240, %mul3A_1277 : vector<16xf32>
              %add3A_1279 = arith.constant 80 : i32
              %add3A_1280 = arith.addi %add3A_1248, %add3A_1279 : i32
              %get3A_1281 = arith.index_cast %add3A_1280 : i32 to index
              %get3A_1282 = tpu.vector_load %arg13[%get3A_1281] {strides = array<i32>} : memref<16384xf32, #tpu.memory_space<vmem>>, vector<16xf32>,
              %mul3A_1283 = arith.mulf %get3A_1282, %gather3A : vector<16xf32>
              %max3A_1284 = arith.maximumf %while3A_1241, %mul3A_1283 : vector<16xf32>
              %add3A_1285 = arith.constant 96 : i32
              %add3A_1286 = arith.addi %add3A_1248, %add3A_1285 : i32
              %get3A_1287 = arith.index_cast %add3A_1286 : i32 to index
              %get3A_1288 = tpu.vector_load %arg13[%get3A_1287] {strides = array<i32>} : memref<16384xf32, #tpu.memory_space<vmem>>, vector<16xf32>,
              %mul3A_1289 = arith.mulf %get3A_1288, %gather3A : vector<16xf32>
              %max3A_1290 = arith.maximumf %while3A_1242, %mul3A_1289 : vector<16xf32>
              %add3A_1291 = arith.constant 112 : i32
              %add3A_1292 = arith.addi %add3A_1248, %add3A_1291 : i32
              %get3A_1293 = arith.index_cast %add3A_1292 : i32 to index
              %get3A_1294 = tpu.vector_load %arg13[%get3A_1293] {strides = array<i32>} : memref<16384xf32, #tpu.memory_space<vmem>>, vector<16xf32>,
              %mul3A_1295 = arith.mulf %get3A_1294, %gather3A : vector<16xf32>
              %max3A_1296 = arith.maximumf %while3A_1243, %mul3A_1295 : vector<16xf32>
              scf.yield %max3A_1254, %max3A_1260, %max3A_1266, %max3A_1272, %max3A_1278, %max3A_1284, %max3A_1290, %max3A_1296 : vector<16xf32>, vector<16xf32>, vector<16xf32>, vector<16xf32>, vector<16xf32>, vector<16xf32>, vector<16xf32>, vector<16xf32>
            }
            %while3A_1217 = arith.constant 1 : i32
            %while3A_1218:8 = scf.for %while3A_1235 = %while3A_1214 to %while3A_1210 step %while3A_1217 iter_args(%while3A_1236 = %while3A_1216#0, %while3A_1237 = %while3A_1216#1, %while3A_1238 = %while3A_1216#2, %while3A_1239 = %while3A_1216#3, %while3A_1240 = %while3A_1216#4, %while3A_1241 = %while3A_1216#5, %while3A_1242 = %while3A_1216#6, %while3A_1243 = %while3A_1216#7) -> (vector<16xf32>, vector<16xf32>, vector<16xf32>, vector<16xf32>, vector<16xf32>, vector<16xf32>, vector<16xf32>, vector<16xf32>)  : i32 {
              %sub3A_1244 = arith.subi %while3A_1235, %mul3A_565 : i32
              %broadcast_in_dim3A_1245 = vector.broadcast %sub3A_1244 : i32 to vector<16xi32>
              %gather3A = tpu.vector_load_idx %arg18[%broadcast_in_dim3A_1245] : memref<16xf32, #tpu.memory_space<vmem>>[vector<16xi32>], vector<16xf32>,
              %mul3A_1246 = arith.constant 128 : i32
              %mul3A_1247 = arith.muli %while3A_1235, %mul3A_1246 : i32
              %add3A_1248 = arith.addi %mul3A_126, %mul3A_1247 : i32
              %add3A_1249 = arith.constant 0 : i32
              %add3A_1250 = arith.addi %add3A_1248, %add3A_1249 : i32
              %get3A_1251 = arith.index_cast %add3A_1250 : i32 to index
              %get3A_1252 = tpu.vector_load %arg13[%get3A_1251] {strides = array<i32>} : memref<16384xf32, #tpu.memory_space<vmem>>, vector<16xf32>,
              %mul3A_1253 = arith.mulf %get3A_1252, %gather3A : vector<16xf32>
              %max3A_1254 = arith.maximumf %while3A_1236, %mul3A_1253 : vector<16xf32>
              %add3A_1255 = arith.constant 16 : i32
              %add3A_1256 = arith.addi %add3A_1248, %add3A_1255 : i32
              %get3A_1257 = arith.index_cast %add3A_1256 : i32 to index
              %get3A_1258 = tpu.vector_load %arg13[%get3A_1257] {strides = array<i32>} : memref<16384xf32, #tpu.memory_space<vmem>>, vector<16xf32>,
              %mul3A_1259 = arith.mulf %get3A_1258, %gather3A : vector<16xf32>
              %max3A_1260 = arith.maximumf %while3A_1237, %mul3A_1259 : vector<16xf32>
              %add3A_1261 = arith.constant 32 : i32
              %add3A_1262 = arith.addi %add3A_1248, %add3A_1261 : i32
              %get3A_1263 = arith.index_cast %add3A_1262 : i32 to index
              %get3A_1264 = tpu.vector_load %arg13[%get3A_1263] {strides = array<i32>} : memref<16384xf32, #tpu.memory_space<vmem>>, vector<16xf32>,
              %mul3A_1265 = arith.mulf %get3A_1264, %gather3A : vector<16xf32>
              %max3A_1266 = arith.maximumf %while3A_1238, %mul3A_1265 : vector<16xf32>
              %add3A_1267 = arith.constant 48 : i32
              %add3A_1268 = arith.addi %add3A_1248, %add3A_1267 : i32
              %get3A_1269 = arith.index_cast %add3A_1268 : i32 to index
              %get3A_1270 = tpu.vector_load %arg13[%get3A_1269] {strides = array<i32>} : memref<16384xf32, #tpu.memory_space<vmem>>, vector<16xf32>,
              %mul3A_1271 = arith.mulf %get3A_1270, %gather3A : vector<16xf32>
              %max3A_1272 = arith.maximumf %while3A_1239, %mul3A_1271 : vector<16xf32>
              %add3A_1273 = arith.constant 64 : i32
              %add3A_1274 = arith.addi %add3A_1248, %add3A_1273 : i32
              %get3A_1275 = arith.index_cast %add3A_1274 : i32 to index
              %get3A_1276 = tpu.vector_load %arg13[%get3A_1275] {strides = array<i32>} : memref<16384xf32, #tpu.memory_space<vmem>>, vector<16xf32>,
              %mul3A_1277 = arith.mulf %get3A_1276, %gather3A : vector<16xf32>
              %max3A_1278 = arith.maximumf %while3A_1240, %mul3A_1277 : vector<16xf32>
              %add3A_1279 = arith.constant 80 : i32
              %add3A_1280 = arith.addi %add3A_1248, %add3A_1279 : i32
              %get3A_1281 = arith.index_cast %add3A_1280 : i32 to index
              %get3A_1282 = tpu.vector_load %arg13[%get3A_1281] {strides = array<i32>} : memref<16384xf32, #tpu.memory_space<vmem>>, vector<16xf32>,
              %mul3A_1283 = arith.mulf %get3A_1282, %gather3A : vector<16xf32>
              %max3A_1284 = arith.maximumf %while3A_1241, %mul3A_1283 : vector<16xf32>
              %add3A_1285 = arith.constant 96 : i32
              %add3A_1286 = arith.addi %add3A_1248, %add3A_1285 : i32
              %get3A_1287 = arith.index_cast %add3A_1286 : i32 to index
              %get3A_1288 = tpu.vector_load %arg13[%get3A_1287] {strides = array<i32>} : memref<16384xf32, #tpu.memory_space<vmem>>, vector<16xf32>,
              %mul3A_1289 = arith.mulf %get3A_1288, %gather3A : vector<16xf32>
              %max3A_1290 = arith.maximumf %while3A_1242, %mul3A_1289 : vector<16xf32>
              %add3A_1291 = arith.constant 112 : i32
              %add3A_1292 = arith.addi %add3A_1248, %add3A_1291 : i32
              %get3A_1293 = arith.index_cast %add3A_1292 : i32 to index
              %get3A_1294 = tpu.vector_load %arg13[%get3A_1293] {strides = array<i32>} : memref<16384xf32, #tpu.memory_space<vmem>>, vector<16xf32>,
              %mul3A_1295 = arith.mulf %get3A_1294, %gather3A : vector<16xf32>
              %max3A_1296 = arith.maximumf %while3A_1243, %mul3A_1295 : vector<16xf32>
              scf.yield %max3A_1254, %max3A_1260, %max3A_1266, %max3A_1272, %max3A_1278, %max3A_1284, %max3A_1290, %max3A_1296 : vector<16xf32>, vector<16xf32>, vector<16xf32>, vector<16xf32>, vector<16xf32>, vector<16xf32>, vector<16xf32>, vector<16xf32>
            }
            %swap3A_1219 = arith.constant 0 : index
            %swap3A_1220 = tpu.vector_load %arg17[%swap3A_1219] {strides = array<i32>} : memref<128xf32, #tpu.memory_space<vmem>>, vector<16xf32>,
            tpu.vector_store %arg17[%swap3A_1219], %while3A_1218#0 {strides = array<i32>} : memref<128xf32, #tpu.memory_space<vmem>>, vector<16xf32>,
            %swap3A_1221 = arith.constant 16 : index
            %swap3A_1222 = tpu.vector_load %arg17[%swap3A_1221] {strides = array<i32>} : memref<128xf32, #tpu.memory_space<vmem>>, vector<16xf32>,
            tpu.vector_store %arg17[%swap3A_1221], %while3A_1218#1 {strides = array<i32>} : memref<128xf32, #tpu.memory_space<vmem>>, vector<16xf32>,
            %swap3A_1223 = arith.constant 32 : index
            %swap3A_1224 = tpu.vector_load %arg17[%swap3A_1223] {strides = array<i32>} : memref<128xf32, #tpu.memory_space<vmem>>, vector<16xf32>,
            tpu.vector_store %arg17[%swap3A_1223], %while3A_1218#2 {strides = array<i32>} : memref<128xf32, #tpu.memory_space<vmem>>, vector<16xf32>,
            %swap3A_1225 = arith.constant 48 : index
            %swap3A_1226 = tpu.vector_load %arg17[%swap3A_1225] {strides = array<i32>} : memref<128xf32, #tpu.memory_space<vmem>>, vector<16xf32>,
            tpu.vector_store %arg17[%swap3A_1225], %while3A_1218#3 {strides = array<i32>} : memref<128xf32, #tpu.memory_space<vmem>>, vector<16xf32>,
            %swap3A_1227 = arith.constant 64 : index
            %swap3A_1228 = tpu.vector_load %arg17[%swap3A_1227] {strides = array<i32>} : memref<128xf32, #tpu.memory_space<vmem>>, vector<16xf32>,
            tpu.vector_store %arg17[%swap3A_1227], %while3A_1218#4 {strides = array<i32>} : memref<128xf32, #tpu.memory_space<vmem>>, vector<16xf32>,
            %swap3A_1229 = arith.constant 80 : index
            %swap3A_1230 = tpu.vector_load %arg17[%swap3A_1229] {strides = array<i32>} : memref<128xf32, #tpu.memory_space<vmem>>, vector<16xf32>,
            tpu.vector_store %arg17[%swap3A_1229], %while3A_1218#5 {strides = array<i32>} : memref<128xf32, #tpu.memory_space<vmem>>, vector<16xf32>,
            %swap3A_1231 = arith.constant 96 : index
            %swap3A_1232 = tpu.vector_load %arg17[%swap3A_1231] {strides = array<i32>} : memref<128xf32, #tpu.memory_space<vmem>>, vector<16xf32>,
            tpu.vector_store %arg17[%swap3A_1231], %while3A_1218#6 {strides = array<i32>} : memref<128xf32, #tpu.memory_space<vmem>>, vector<16xf32>,
            %swap3A_1233 = arith.constant 112 : index
            %swap3A_1234 = tpu.vector_load %arg17[%swap3A_1233] {strides = array<i32>} : memref<128xf32, #tpu.memory_space<vmem>>, vector<16xf32>,
            tpu.vector_store %arg17[%swap3A_1233], %while3A_1218#7 {strides = array<i32>} : memref<128xf32, #tpu.memory_space<vmem>>, vector<16xf32>,
          }
        } else {
        }
        %le3A = arith.cmpi sle, %squeeze3A_136, %add3A_122 : i32
        %convert_element_type3A_149 = arith.extui %le3A : i1 to i32
        %cond3A_150 = arith.constant 0 : i32
        %cond3A_151 = arith.cmpi ne, %convert_element_type3A_149, %cond3A_150 : i32
        scf.if %cond3A_151 {
          %get3A_158 = arith.constant 0 : index
          %get3A_159 = tpu.vector_load %arg15[%get3A_158] {strides = array<i32>} : memref<16xf32, #tpu.memory_space<vmem>>, vector<16xf32>,
          %max3A_160 = arith.maximumf %get3A_159, %broadcast_in_dim3A_5 : vector<16xf32>
          %mul3A_161 = arith.constant -2.000000e+00 : f32
          %mul3A_162 = vector.broadcast %mul3A_161 : f32 to vector<16xf32>
          %mul3A_163 = arith.mulf %mul3A_162, %max3A_160 : vector<16xf32>
          %exp3A = math.exp %mul3A_163 : vector<16xf32>
          %sub3A_164 = arith.subf %broadcast_in_dim3A_7, %exp3A : vector<16xf32>
          %add3A_165 = arith.addf %broadcast_in_dim3A_7, %exp3A : vector<16xf32>
          %div3A_166 = arith.divf %sub3A_164, %add3A_165 : vector<16xf32>
          %get3A_167 = arith.constant 0 : index
          %get3A_168 = tpu.vector_load %arg16[%get3A_167] {strides = array<i32>} : memref<16xf32, #tpu.memory_space<vmem>>, vector<16xf32>,
          %add3A_169 = arith.constant 9.99999996E-13 : f32
          %add3A_170 = vector.broadcast %add3A_169 : f32 to vector<16xf32>
          %add3A_171 = arith.addf %get3A_168, %add3A_170 : vector<16xf32>
          %div3A_172 = arith.divf %div3A_166, %add3A_171 : vector<16xf32>
          %mul3A_173 = arith.constant 128 : i32
          %mul3A_174 = arith.muli %while3A_129, %mul3A_173 : i32
          %get3A_175 = arith.constant 0 : index
          %get3A_176 = tpu.vector_load %arg17[%get3A_175] {strides = array<i32>} : memref<128xf32, #tpu.memory_space<vmem>>, vector<16xf32>,
          %mul3A_177 = arith.mulf %get3A_176, %div3A_172 : vector<16xf32>
          %add3A_178 = arith.constant 0 : i32
          %add3A_179 = arith.addi %mul3A_174, %add3A_178 : i32
          %swap3A_180 = arith.index_cast %add3A_179 : i32 to index
          %swap3A_181 = tpu.vector_load %arg14[%swap3A_180] {strides = array<i32>} : memref<40960xf32, #tpu.memory_space<vmem>>, vector<16xf32>,
          tpu.vector_store %arg14[%swap3A_180], %mul3A_177 {strides = array<i32>} : memref<40960xf32, #tpu.memory_space<vmem>>, vector<16xf32>,
          %get3A_182 = arith.constant 16 : index
          %get3A_183 = tpu.vector_load %arg17[%get3A_182] {strides = array<i32>} : memref<128xf32, #tpu.memory_space<vmem>>, vector<16xf32>,
          %mul3A_184 = arith.mulf %get3A_183, %div3A_172 : vector<16xf32>
          %add3A_185 = arith.constant 16 : i32
          %add3A_186 = arith.addi %mul3A_174, %add3A_185 : i32
          %swap3A_187 = arith.index_cast %add3A_186 : i32 to index
          %swap3A_188 = tpu.vector_load %arg14[%swap3A_187] {strides = array<i32>} : memref<40960xf32, #tpu.memory_space<vmem>>, vector<16xf32>,
          tpu.vector_store %arg14[%swap3A_187], %mul3A_184 {strides = array<i32>} : memref<40960xf32, #tpu.memory_space<vmem>>, vector<16xf32>,
          %get3A_189 = arith.constant 32 : index
          %get3A_190 = tpu.vector_load %arg17[%get3A_189] {strides = array<i32>} : memref<128xf32, #tpu.memory_space<vmem>>, vector<16xf32>,
          %mul3A_191 = arith.mulf %get3A_190, %div3A_172 : vector<16xf32>
          %add3A_192 = arith.constant 32 : i32
          %add3A_193 = arith.addi %mul3A_174, %add3A_192 : i32
          %swap3A_194 = arith.index_cast %add3A_193 : i32 to index
          %swap3A_195 = tpu.vector_load %arg14[%swap3A_194] {strides = array<i32>} : memref<40960xf32, #tpu.memory_space<vmem>>, vector<16xf32>,
          tpu.vector_store %arg14[%swap3A_194], %mul3A_191 {strides = array<i32>} : memref<40960xf32, #tpu.memory_space<vmem>>, vector<16xf32>,
          %get3A_196 = arith.constant 48 : index
          %get3A_197 = tpu.vector_load %arg17[%get3A_196] {strides = array<i32>} : memref<128xf32, #tpu.memory_space<vmem>>, vector<16xf32>,
          %mul3A_198 = arith.mulf %get3A_197, %div3A_172 : vector<16xf32>
          %add3A_199 = arith.constant 48 : i32
          %add3A_200 = arith.addi %mul3A_174, %add3A_199 : i32
          %swap3A_201 = arith.index_cast %add3A_200 : i32 to index
          %swap3A_202 = tpu.vector_load %arg14[%swap3A_201] {strides = array<i32>} : memref<40960xf32, #tpu.memory_space<vmem>>, vector<16xf32>,
          tpu.vector_store %arg14[%swap3A_201], %mul3A_198 {strides = array<i32>} : memref<40960xf32, #tpu.memory_space<vmem>>, vector<16xf32>,
          %get3A_203 = arith.constant 64 : index
          %get3A_204 = tpu.vector_load %arg17[%get3A_203] {strides = array<i32>} : memref<128xf32, #tpu.memory_space<vmem>>, vector<16xf32>,
          %mul3A_205 = arith.mulf %get3A_204, %div3A_172 : vector<16xf32>
          %add3A_206 = arith.constant 64 : i32
          %add3A_207 = arith.addi %mul3A_174, %add3A_206 : i32
          %swap3A_208 = arith.index_cast %add3A_207 : i32 to index
          %swap3A_209 = tpu.vector_load %arg14[%swap3A_208] {strides = array<i32>} : memref<40960xf32, #tpu.memory_space<vmem>>, vector<16xf32>,
          tpu.vector_store %arg14[%swap3A_208], %mul3A_205 {strides = array<i32>} : memref<40960xf32, #tpu.memory_space<vmem>>, vector<16xf32>,
          %get3A_210 = arith.constant 80 : index
          %get3A_211 = tpu.vector_load %arg17[%get3A_210] {strides = array<i32>} : memref<128xf32, #tpu.memory_space<vmem>>, vector<16xf32>,
          %mul3A_212 = arith.mulf %get3A_211, %div3A_172 : vector<16xf32>
          %add3A_213 = arith.constant 80 : i32
          %add3A_214 = arith.addi %mul3A_174, %add3A_213 : i32
          %swap3A_215 = arith.index_cast %add3A_214 : i32 to index
          %swap3A_216 = tpu.vector_load %arg14[%swap3A_215] {strides = array<i32>} : memref<40960xf32, #tpu.memory_space<vmem>>, vector<16xf32>,
          tpu.vector_store %arg14[%swap3A_215], %mul3A_212 {strides = array<i32>} : memref<40960xf32, #tpu.memory_space<vmem>>, vector<16xf32>,
          %get3A_217 = arith.constant 96 : index
          %get3A_218 = tpu.vector_load %arg17[%get3A_217] {strides = array<i32>} : memref<128xf32, #tpu.memory_space<vmem>>, vector<16xf32>,
          %mul3A_219 = arith.mulf %get3A_218, %div3A_172 : vector<16xf32>
          %add3A_220 = arith.constant 96 : i32
          %add3A_221 = arith.addi %mul3A_174, %add3A_220 : i32
          %swap3A_222 = arith.index_cast %add3A_221 : i32 to index
          %swap3A_223 = tpu.vector_load %arg14[%swap3A_222] {strides = array<i32>} : memref<40960xf32, #tpu.memory_space<vmem>>, vector<16xf32>,
          tpu.vector_store %arg14[%swap3A_222], %mul3A_219 {strides = array<i32>} : memref<40960xf32, #tpu.memory_space<vmem>>, vector<16xf32>,
          %get3A_224 = arith.constant 112 : index
          %get3A_225 = tpu.vector_load %arg17[%get3A_224] {strides = array<i32>} : memref<128xf32, #tpu.memory_space<vmem>>, vector<16xf32>,
          %mul3A_226 = arith.mulf %get3A_225, %div3A_172 : vector<16xf32>
          %add3A_227 = arith.constant 112 : i32
          %add3A_228 = arith.addi %mul3A_174, %add3A_227 : i32
          %swap3A_229 = arith.index_cast %add3A_228 : i32 to index
          %swap3A_230 = tpu.vector_load %arg14[%swap3A_229] {strides = array<i32>} : memref<40960xf32, #tpu.memory_space<vmem>>, vector<16xf32>,
          tpu.vector_store %arg14[%swap3A_229], %mul3A_226 {strides = array<i32>} : memref<40960xf32, #tpu.memory_space<vmem>>, vector<16xf32>,
          %swap3A_231 = arith.constant 0 : index
          %swap3A_232 = tpu.vector_load %arg15[%swap3A_231] {strides = array<i32>} : memref<16xf32, #tpu.memory_space<vmem>>, vector<16xf32>,
          tpu.vector_store %arg15[%swap3A_231], %broadcast_in_dim3A_9 {strides = array<i32>} : memref<16xf32, #tpu.memory_space<vmem>>, vector<16xf32>,
          %swap3A_233 = arith.constant 0 : index
          %swap3A_234 = tpu.vector_load %arg16[%swap3A_233] {strides = array<i32>} : memref<16xf32, #tpu.memory_space<vmem>>, vector<16xf32>,
          tpu.vector_store %arg16[%swap3A_233], %broadcast_in_dim3A_5 {strides = array<i32>} : memref<16xf32, #tpu.memory_space<vmem>>, vector<16xf32>,
          %swap3A_235 = arith.constant 0 : index
          %swap3A_236 = tpu.vector_load %arg17[%swap3A_235] {strides = array<i32>} : memref<128xf32, #tpu.memory_space<vmem>>, vector<16xf32>,
          tpu.vector_store %arg17[%swap3A_235], %broadcast_in_dim3A_9 {strides = array<i32>} : memref<128xf32, #tpu.memory_space<vmem>>, vector<16xf32>,
          %swap3A_237 = arith.constant 16 : index
          %swap3A_238 = tpu.vector_load %arg17[%swap3A_237] {strides = array<i32>} : memref<128xf32, #tpu.memory_space<vmem>>, vector<16xf32>,
          tpu.vector_store %arg17[%swap3A_237], %broadcast_in_dim3A_9 {strides = array<i32>} : memref<128xf32, #tpu.memory_space<vmem>>, vector<16xf32>,
          %swap3A_239 = arith.constant 32 : index
          %swap3A_240 = tpu.vector_load %arg17[%swap3A_239] {strides = array<i32>} : memref<128xf32, #tpu.memory_space<vmem>>, vector<16xf32>,
          tpu.vector_store %arg17[%swap3A_239], %broadcast_in_dim3A_9 {strides = array<i32>} : memref<128xf32, #tpu.memory_space<vmem>>, vector<16xf32>,
          %swap3A_241 = arith.constant 48 : index
          %swap3A_242 = tpu.vector_load %arg17[%swap3A_241] {strides = array<i32>} : memref<128xf32, #tpu.memory_space<vmem>>, vector<16xf32>,
          tpu.vector_store %arg17[%swap3A_241], %broadcast_in_dim3A_9 {strides = array<i32>} : memref<128xf32, #tpu.memory_space<vmem>>, vector<16xf32>,
          %swap3A_243 = arith.constant 64 : index
          %swap3A_244 = tpu.vector_load %arg17[%swap3A_243] {strides = array<i32>} : memref<128xf32, #tpu.memory_space<vmem>>, vector<16xf32>,
          tpu.vector_store %arg17[%swap3A_243], %broadcast_in_dim3A_9 {strides = array<i32>} : memref<128xf32, #tpu.memory_space<vmem>>, vector<16xf32>,
          %swap3A_245 = arith.constant 80 : index
          %swap3A_246 = tpu.vector_load %arg17[%swap3A_245] {strides = array<i32>} : memref<128xf32, #tpu.memory_space<vmem>>, vector<16xf32>,
          tpu.vector_store %arg17[%swap3A_245], %broadcast_in_dim3A_9 {strides = array<i32>} : memref<128xf32, #tpu.memory_space<vmem>>, vector<16xf32>,
          %swap3A_247 = arith.constant 96 : index
          %swap3A_248 = tpu.vector_load %arg17[%swap3A_247] {strides = array<i32>} : memref<128xf32, #tpu.memory_space<vmem>>, vector<16xf32>,
          tpu.vector_store %arg17[%swap3A_247], %broadcast_in_dim3A_9 {strides = array<i32>} : memref<128xf32, #tpu.memory_space<vmem>>, vector<16xf32>,
          %swap3A_249 = arith.constant 112 : index
          %swap3A_250 = tpu.vector_load %arg17[%swap3A_249] {strides = array<i32>} : memref<128xf32, #tpu.memory_space<vmem>>, vector<16xf32>,
          tpu.vector_store %arg17[%swap3A_249], %broadcast_in_dim3A_9 {strides = array<i32>} : memref<128xf32, #tpu.memory_space<vmem>>, vector<16xf32>,
        } else {
        }
        %add3A_152 = arith.constant 1 : i32
        %add3A_153 = arith.addi %while3A_129, %add3A_152 : i32
        %select_n3A_154 = arith.select %le3A, %add3A_153, %while3A_129 : i32
        %jit3A_155 = arith.constant 0 : i32
        %jit3A_156 = arith.constant 1 : i32
        %select_n3A_157 = arith.select %le3A, %jit3A_155, %jit3A_156 : i32
        scf.yield %select_n3A_154, %select_n3A_157 : i32, i32
      }
      scf.yield %while3A_128#0 : i32
    }
    %while3A_96 = arith.constant 1 : i32
    %while3A_97 = scf.for %while3A_100 = %while3A_93 to %while3A_89 step %while3A_96 iter_args(%while3A_101 = %while3A_95) -> (i32)  : i32 {
      %rem3A_102 = arith.constant 2 : i32
      %rem3A_103 = arith.remsi %while3A_100, %rem3A_102 : i32
      %eq3A = arith.constant 0 : i32
      %eq3A_104 = arith.cmpi eq, %rem3A_103, %eq3A : i32
      %convert_element_type3A_105 = arith.extui %eq3A_104 : i1 to i32
      %cond3A_106 = arith.constant 0 : i32
      %cond3A_107 = arith.cmpi ne, %convert_element_type3A_105, %cond3A_106 : i32
      scf.if %cond3A_107 {
        %dma_wait3A = arith.constant 0 : i32
        %dma_wait3A_129 = tpu.memref_slice %arg12[%dma_wait3A] : memref<8192xf32, #tpu.memory_space<vmem>> -> memref<4096xf32, #tpu.memory_space<vmem>>
        %dma_wait3A_130 = arith.constant 0 : i32
        %dma_wait3A_131 = tpu.memref_slice %arg2[%dma_wait3A_130] : memref<20480000xf32, #tpu.memory_space<hbm>> -> memref<4096xf32, #tpu.memory_space<hbm>>
        %dma_wait3A_132 = arith.constant 0 : i32
        %dma_wait3A_133 = tpu.memref_slice %arg12[%dma_wait3A_132] : memref<8192xf32, #tpu.memory_space<vmem>> -> memref<4096xf32, #tpu.memory_space<vmem>>
        %dma_wait3A_134 = arith.constant 0 : i32
        %dma_wait3A_135 = tpu.memref_slice %arg2[%dma_wait3A_134] : memref<20480000xf32, #tpu.memory_space<hbm>> -> memref<4096xf32, #tpu.memory_space<hbm>>
        tpu.wait_dma2 semaphore(%arg19 : memref<!tpu.dma_semaphore, #tpu.memory_space<semaphore_mem>>) src(%dma_wait3A_135 : memref<4096xf32, #tpu.memory_space<hbm>>) dst(%dma_wait3A_133 : memref<4096xf32, #tpu.memory_space<vmem>>)
        %dma_wait3A_136 = arith.constant 0 : i32
        %dma_wait3A_137 = tpu.memref_slice %arg13[%dma_wait3A_136] : memref<16384xf32, #tpu.memory_space<vmem>> -> memref<8192xf32, #tpu.memory_space<vmem>>
        %dma_wait3A_138 = arith.constant 0 : i32
        %dma_wait3A_139 = tpu.memref_slice %arg3[%dma_wait3A_138] : memref<40960000xf32, #tpu.memory_space<hbm>> -> memref<8192xf32, #tpu.memory_space<hbm>>
        %dma_wait3A_140 = arith.constant 0 : i32
        %dma_wait3A_141 = tpu.memref_slice %arg13[%dma_wait3A_140] : memref<16384xf32, #tpu.memory_space<vmem>> -> memref<8192xf32, #tpu.memory_space<vmem>>
        %dma_wait3A_142 = arith.constant 0 : i32
        %dma_wait3A_143 = tpu.memref_slice %arg3[%dma_wait3A_142] : memref<40960000xf32, #tpu.memory_space<hbm>> -> memref<8192xf32, #tpu.memory_space<hbm>>
        tpu.wait_dma2 semaphore(%arg21 : memref<!tpu.dma_semaphore, #tpu.memory_space<semaphore_mem>>) src(%dma_wait3A_143 : memref<8192xf32, #tpu.memory_space<hbm>>) dst(%dma_wait3A_141 : memref<8192xf32, #tpu.memory_space<vmem>>)
      } else {
      }
      %eq3A_108 = arith.constant 1 : i32
      %eq3A_109 = arith.cmpi eq, %rem3A_103, %eq3A_108 : i32
      %convert_element_type3A_110 = arith.extui %eq3A_109 : i1 to i32
      %cond3A_111 = arith.constant 0 : i32
      %cond3A_112 = arith.cmpi ne, %convert_element_type3A_110, %cond3A_111 : i32
      scf.if %cond3A_112 {
        %dma_wait3A = arith.constant 4096 : i32
        %dma_wait3A_129 = tpu.memref_slice %arg12[%dma_wait3A] : memref<8192xf32, #tpu.memory_space<vmem>> -> memref<4096xf32, #tpu.memory_space<vmem>>
        %dma_wait3A_130 = arith.constant 0 : i32
        %dma_wait3A_131 = tpu.memref_slice %arg2[%dma_wait3A_130] : memref<20480000xf32, #tpu.memory_space<hbm>> -> memref<4096xf32, #tpu.memory_space<hbm>>
        %dma_wait3A_132 = arith.constant 4096 : i32
        %dma_wait3A_133 = tpu.memref_slice %arg12[%dma_wait3A_132] : memref<8192xf32, #tpu.memory_space<vmem>> -> memref<4096xf32, #tpu.memory_space<vmem>>
        %dma_wait3A_134 = arith.constant 0 : i32
        %dma_wait3A_135 = tpu.memref_slice %arg2[%dma_wait3A_134] : memref<20480000xf32, #tpu.memory_space<hbm>> -> memref<4096xf32, #tpu.memory_space<hbm>>
        tpu.wait_dma2 semaphore(%arg20 : memref<!tpu.dma_semaphore, #tpu.memory_space<semaphore_mem>>) src(%dma_wait3A_135 : memref<4096xf32, #tpu.memory_space<hbm>>) dst(%dma_wait3A_133 : memref<4096xf32, #tpu.memory_space<vmem>>)
        %dma_wait3A_136 = arith.constant 8192 : i32
        %dma_wait3A_137 = tpu.memref_slice %arg13[%dma_wait3A_136] : memref<16384xf32, #tpu.memory_space<vmem>> -> memref<8192xf32, #tpu.memory_space<vmem>>
        %dma_wait3A_138 = arith.constant 0 : i32
        %dma_wait3A_139 = tpu.memref_slice %arg3[%dma_wait3A_138] : memref<40960000xf32, #tpu.memory_space<hbm>> -> memref<8192xf32, #tpu.memory_space<hbm>>
        %dma_wait3A_140 = arith.constant 8192 : i32
        %dma_wait3A_141 = tpu.memref_slice %arg13[%dma_wait3A_140] : memref<16384xf32, #tpu.memory_space<vmem>> -> memref<8192xf32, #tpu.memory_space<vmem>>
        %dma_wait3A_142 = arith.constant 0 : i32
        %dma_wait3A_143 = tpu.memref_slice %arg3[%dma_wait3A_142] : memref<40960000xf32, #tpu.memory_space<hbm>> -> memref<8192xf32, #tpu.memory_space<hbm>>
        tpu.wait_dma2 semaphore(%arg22 : memref<!tpu.dma_semaphore, #tpu.memory_space<semaphore_mem>>) src(%dma_wait3A_143 : memref<8192xf32, #tpu.memory_space<hbm>>) dst(%dma_wait3A_141 : memref<8192xf32, #tpu.memory_space<vmem>>)
      } else {
      }
      %add3A_113 = arith.constant 1 : i32
      %add3A_114 = arith.addi %while3A_100, %add3A_113 : i32
      %lt3A = arith.cmpi slt, %add3A_114, %max3A_84 : i32
      %convert_element_type3A_115 = arith.extui %lt3A : i1 to i32
      %cond3A_116 = arith.constant 0 : i32
      %cond3A_117 = arith.cmpi ne, %convert_element_type3A_115, %cond3A_116 : i32
      scf.if %cond3A_117 {
        %add3A_129 = arith.addi %select_n3A, %while3A_100 : i32
        %add3A_130 = arith.constant 1 : i32
        %add3A_131 = arith.addi %add3A_129, %add3A_130 : i32
        %sub3A_132 = arith.constant 1 : i32
        %sub3A_133 = arith.subi %sub3A_132, %rem3A_103 : i32
        %eq3A_134 = arith.constant 0 : i32
        %eq3A_135 = arith.cmpi eq, %sub3A_133, %eq3A_134 : i32
        %convert_element_type3A_136 = arith.extui %eq3A_135 : i1 to i32
        %cond3A_137 = arith.constant 0 : i32
        %cond3A_138 = arith.cmpi ne, %convert_element_type3A_136, %cond3A_137 : i32
        scf.if %cond3A_138 {
          %mul3A_144 = arith.constant 4096 : i32
          %mul3A_145 = arith.muli %add3A_131, %mul3A_144 : i32
          %dma_start3A = arith.constant 0 : i32
          %dma_start3A_146 = tpu.memref_slice %arg12[%dma_start3A] : memref<8192xf32, #tpu.memory_space<vmem>> -> memref<4096xf32, #tpu.memory_space<vmem>>
          %dma_start3A_147 = tpu.memref_slice %arg2[%mul3A_145] : memref<20480000xf32, #tpu.memory_space<hbm>> -> memref<4096xf32, #tpu.memory_space<hbm>>
          %dma_start3A_148 = arith.constant 0 : i32
          %dma_start3A_149 = tpu.memref_slice %arg12[%dma_start3A_148] : memref<8192xf32, #tpu.memory_space<vmem>> -> memref<4096xf32, #tpu.memory_space<vmem>>
          %dma_start3A_150 = tpu.memref_slice %arg2[%mul3A_145] : memref<20480000xf32, #tpu.memory_space<hbm>> -> memref<4096xf32, #tpu.memory_space<hbm>>
          tpu.enqueue_dma source(%dma_start3A_150 : memref<4096xf32, #tpu.memory_space<hbm>>) target(%dma_start3A_149 : memref<4096xf32, #tpu.memory_space<vmem>>) target_semaphore(%arg19 : memref<!tpu.dma_semaphore, #tpu.memory_space<semaphore_mem>>)
          %mul3A_151 = arith.constant 8192 : i32
          %mul3A_152 = arith.muli %add3A_131, %mul3A_151 : i32
          %dma_start3A_153 = arith.constant 0 : i32
          %dma_start3A_154 = tpu.memref_slice %arg13[%dma_start3A_153] : memref<16384xf32, #tpu.memory_space<vmem>> -> memref<8192xf32, #tpu.memory_space<vmem>>
          %dma_start3A_155 = tpu.memref_slice %arg3[%mul3A_152] : memref<40960000xf32, #tpu.memory_space<hbm>> -> memref<8192xf32, #tpu.memory_space<hbm>>
          %dma_start3A_156 = arith.constant 0 : i32
          %dma_start3A_157 = tpu.memref_slice %arg13[%dma_start3A_156] : memref<16384xf32, #tpu.memory_space<vmem>> -> memref<8192xf32, #tpu.memory_space<vmem>>
          %dma_start3A_158 = tpu.memref_slice %arg3[%mul3A_152] : memref<40960000xf32, #tpu.memory_space<hbm>> -> memref<8192xf32, #tpu.memory_space<hbm>>
          tpu.enqueue_dma source(%dma_start3A_158 : memref<8192xf32, #tpu.memory_space<hbm>>) target(%dma_start3A_157 : memref<8192xf32, #tpu.memory_space<vmem>>) target_semaphore(%arg21 : memref<!tpu.dma_semaphore, #tpu.memory_space<semaphore_mem>>)
        } else {
        }
        %eq3A_139 = arith.constant 1 : i32
        %eq3A_140 = arith.cmpi eq, %sub3A_133, %eq3A_139 : i32
        %convert_element_type3A_141 = arith.extui %eq3A_140 : i1 to i32
        %cond3A_142 = arith.constant 0 : i32
        %cond3A_143 = arith.cmpi ne, %convert_element_type3A_141, %cond3A_142 : i32
        scf.if %cond3A_143 {
          %mul3A_144 = arith.constant 4096 : i32
          %mul3A_145 = arith.muli %add3A_131, %mul3A_144 : i32
          %dma_start3A = arith.constant 4096 : i32
          %dma_start3A_146 = tpu.memref_slice %arg12[%dma_start3A] : memref<8192xf32, #tpu.memory_space<vmem>> -> memref<4096xf32, #tpu.memory_space<vmem>>
          %dma_start3A_147 = tpu.memref_slice %arg2[%mul3A_145] : memref<20480000xf32, #tpu.memory_space<hbm>> -> memref<4096xf32, #tpu.memory_space<hbm>>
          %dma_start3A_148 = arith.constant 4096 : i32
          %dma_start3A_149 = tpu.memref_slice %arg12[%dma_start3A_148] : memref<8192xf32, #tpu.memory_space<vmem>> -> memref<4096xf32, #tpu.memory_space<vmem>>
          %dma_start3A_150 = tpu.memref_slice %arg2[%mul3A_145] : memref<20480000xf32, #tpu.memory_space<hbm>> -> memref<4096xf32, #tpu.memory_space<hbm>>
          tpu.enqueue_dma source(%dma_start3A_150 : memref<4096xf32, #tpu.memory_space<hbm>>) target(%dma_start3A_149 : memref<4096xf32, #tpu.memory_space<vmem>>) target_semaphore(%arg20 : memref<!tpu.dma_semaphore, #tpu.memory_space<semaphore_mem>>)
          %mul3A_151 = arith.constant 8192 : i32
          %mul3A_152 = arith.muli %add3A_131, %mul3A_151 : i32
          %dma_start3A_153 = arith.constant 8192 : i32
          %dma_start3A_154 = tpu.memref_slice %arg13[%dma_start3A_153] : memref<16384xf32, #tpu.memory_space<vmem>> -> memref<8192xf32, #tpu.memory_space<vmem>>
          %dma_start3A_155 = tpu.memref_slice %arg3[%mul3A_152] : memref<40960000xf32, #tpu.memory_space<hbm>> -> memref<8192xf32, #tpu.memory_space<hbm>>
          %dma_start3A_156 = arith.constant 8192 : i32
          %dma_start3A_157 = tpu.memref_slice %arg13[%dma_start3A_156] : memref<16384xf32, #tpu.memory_space<vmem>> -> memref<8192xf32, #tpu.memory_space<vmem>>
          %dma_start3A_158 = tpu.memref_slice %arg3[%mul3A_152] : memref<40960000xf32, #tpu.memory_space<hbm>> -> memref<8192xf32, #tpu.memory_space<hbm>>
          tpu.enqueue_dma source(%dma_start3A_158 : memref<8192xf32, #tpu.memory_space<hbm>>) target(%dma_start3A_157 : memref<8192xf32, #tpu.memory_space<vmem>>) target_semaphore(%arg22 : memref<!tpu.dma_semaphore, #tpu.memory_space<semaphore_mem>>)
        } else {
        }
      } else {
      }
      %add3A_118 = arith.addi %select_n3A, %while3A_100 : i32
      %mul3A_119 = arith.constant 64 : i32
      %mul3A_120 = arith.muli %add3A_118, %mul3A_119 : i32
      %add3A_121 = arith.constant 64 : i32
      %add3A_122 = arith.addi %mul3A_120, %add3A_121 : i32
      %mul3A_123 = arith.constant 4096 : i32
      %mul3A_124 = arith.muli %rem3A_103, %mul3A_123 : i32
      %mul3A_125 = arith.constant 8192 : i32
      %mul3A_126 = arith.muli %rem3A_103, %mul3A_125 : i32
      %while3A_127 = arith.constant 0 : i32
      %while3A_128:2 = scf.while (%while3A_129 = %while3A_101, %while3A_130 = %while3A_127) : (i32, i32) -> (i32, i32) {
        %eq3A_131 = arith.constant 0 : i32
        %eq3A_132 = arith.cmpi eq, %while3A_130, %eq3A_131 : i32
        %lt3A_133 = arith.constant 320 : i32
        %lt3A_134 = arith.cmpi slt, %while3A_129, %lt3A_133 : i32
        %and3A_135 = arith.andi %eq3A_132, %lt3A_134 : i1
        %get3A_136 = arith.index_cast %while3A_129 : i32 to index
        %get3A_137 = tpu.vector_load %arg8[%get3A_136] {strides = array<i32>} : memref<336xi32, #tpu.memory_space<vmem>>, vector<16xi32>,
        %slice3A_138 = vector.extract_strided_slice %get3A_137 {offsets = [0], sizes = [1], strides = [1]} : vector<16xi32> to vector<1xi32>
        %squeeze3A_139 = vector.extract %slice3A_138[0] : i32 from vector<1xi32>
        %lt3A_140 = arith.cmpi slt, %squeeze3A_139, %add3A_122 : i32
        %and3A_141 = arith.andi %and3A_135, %lt3A_140 : i1
        scf.condition(%and3A_141) %while3A_129, %while3A_130 : i32, i32
      } do {
      ^bb0(%while3A_129: i32, %while3A_130: i32):
        %get3A_131 = arith.index_cast %while3A_129 : i32 to index
        %get3A_132 = tpu.vector_load %arg8[%get3A_131] {strides = array<i32>} : memref<336xi32, #tpu.memory_space<vmem>>, vector<16xi32>,
        %slice3A_133 = vector.extract_strided_slice %get3A_132 {offsets = [0], sizes = [1], strides = [1]} : vector<16xi32> to vector<1xi32>
        %squeeze3A_134 = vector.extract %slice3A_133[0] : i32 from vector<1xi32>
        %slice3A_135 = vector.extract_strided_slice %get3A_132 {offsets = [1], sizes = [1], strides = [1]} : vector<16xi32> to vector<1xi32>
        %squeeze3A_136 = vector.extract %slice3A_135[0] : i32 from vector<1xi32>
        %max3A_137 = arith.maxsi %squeeze3A_134, %mul3A_120 : i32
        %sub3A_138 = arith.subi %max3A_137, %mul3A_120 : i32
        %min3A = arith.minsi %squeeze3A_136, %add3A_122 : i32
        %sub3A_139 = arith.subi %min3A, %mul3A_120 : i32
        %get3A_140 = arith.index_cast %while3A_129 : i32 to index
        %get3A_141 = tpu.vector_load %arg9[%get3A_140] {strides = array<i32>} : memref<336xf32, #tpu.memory_space<vmem>>, vector<16xf32>,
        %slice3A_142 = vector.extract_strided_slice %get3A_141 {offsets = [0], sizes = [1], strides = [1]} : vector<16xf32> to vector<1xf32>
        %squeeze3A_143 = vector.extract %slice3A_142[0] : f32 from vector<1xf32>
        %broadcast_in_dim3A_144 = vector.broadcast %squeeze3A_143 : f32 to vector<16xf32>
        %gt3A_145 = arith.cmpi sgt, %sub3A_139, %sub3A_138 : i32
        %convert_element_type3A_146 = arith.extui %gt3A_145 : i1 to i32
        %cond3A_147 = arith.constant 0 : i32
        %cond3A_148 = arith.cmpi ne, %convert_element_type3A_146, %cond3A_147 : i32
        scf.if %cond3A_148 {
          %mul3A_158 = arith.constant 64 : i32
          %mul3A_159 = arith.muli %while3A_129, %mul3A_158 : i32
          %add3A_160 = arith.constant 0 : i32
          %add3A_161 = arith.addi %mul3A_159, %add3A_160 : i32
          %get3A_162 = arith.index_cast %add3A_161 : i32 to index
          %get3A_163 = tpu.vector_load %arg10[%get3A_162] {strides = array<i32>} : memref<20480xf32, #tpu.memory_space<vmem>>, vector<16xf32>,
          %slice3A_164 = vector.extract_strided_slice %get3A_163 {offsets = [0], sizes = [1], strides = [1]} : vector<16xf32> to vector<1xf32>
          %squeeze3A_165 = vector.extract %slice3A_164[0] : f32 from vector<1xf32>
          %broadcast_in_dim3A_166 = vector.broadcast %squeeze3A_165 : f32 to vector<16xf32>
          %swap3A_167 = arith.constant 0 : index
          %swap3A_168 = tpu.vector_load %arg11[%swap3A_167] {strides = array<i32>} : memref<1024xf32, #tpu.memory_space<vmem>>, vector<16xf32>,
          tpu.vector_store %arg11[%swap3A_167], %broadcast_in_dim3A_166 {strides = array<i32>} : memref<1024xf32, #tpu.memory_space<vmem>>, vector<16xf32>,
          %slice3A_169 = vector.extract_strided_slice %get3A_163 {offsets = [1], sizes = [1], strides = [1]} : vector<16xf32> to vector<1xf32>
          %squeeze3A_170 = vector.extract %slice3A_169[0] : f32 from vector<1xf32>
          %broadcast_in_dim3A_171 = vector.broadcast %squeeze3A_170 : f32 to vector<16xf32>
          %swap3A_172 = arith.constant 16 : index
          %swap3A_173 = tpu.vector_load %arg11[%swap3A_172] {strides = array<i32>} : memref<1024xf32, #tpu.memory_space<vmem>>, vector<16xf32>,
          tpu.vector_store %arg11[%swap3A_172], %broadcast_in_dim3A_171 {strides = array<i32>} : memref<1024xf32, #tpu.memory_space<vmem>>, vector<16xf32>,
          %slice3A_174 = vector.extract_strided_slice %get3A_163 {offsets = [2], sizes = [1], strides = [1]} : vector<16xf32> to vector<1xf32>
          %squeeze3A_175 = vector.extract %slice3A_174[0] : f32 from vector<1xf32>
          %broadcast_in_dim3A_176 = vector.broadcast %squeeze3A_175 : f32 to vector<16xf32>
          %swap3A_177 = arith.constant 32 : index
          %swap3A_178 = tpu.vector_load %arg11[%swap3A_177] {strides = array<i32>} : memref<1024xf32, #tpu.memory_space<vmem>>, vector<16xf32>,
          tpu.vector_store %arg11[%swap3A_177], %broadcast_in_dim3A_176 {strides = array<i32>} : memref<1024xf32, #tpu.memory_space<vmem>>, vector<16xf32>,
          %slice3A_179 = vector.extract_strided_slice %get3A_163 {offsets = [3], sizes = [1], strides = [1]} : vector<16xf32> to vector<1xf32>
          %squeeze3A_180 = vector.extract %slice3A_179[0] : f32 from vector<1xf32>
          %broadcast_in_dim3A_181 = vector.broadcast %squeeze3A_180 : f32 to vector<16xf32>
          %swap3A_182 = arith.constant 48 : index
          %swap3A_183 = tpu.vector_load %arg11[%swap3A_182] {strides = array<i32>} : memref<1024xf32, #tpu.memory_space<vmem>>, vector<16xf32>,
          tpu.vector_store %arg11[%swap3A_182], %broadcast_in_dim3A_181 {strides = array<i32>} : memref<1024xf32, #tpu.memory_space<vmem>>, vector<16xf32>,
          %slice3A_184 = vector.extract_strided_slice %get3A_163 {offsets = [4], sizes = [1], strides = [1]} : vector<16xf32> to vector<1xf32>
          %squeeze3A_185 = vector.extract %slice3A_184[0] : f32 from vector<1xf32>
          %broadcast_in_dim3A_186 = vector.broadcast %squeeze3A_185 : f32 to vector<16xf32>
          %swap3A_187 = arith.constant 64 : index
          %swap3A_188 = tpu.vector_load %arg11[%swap3A_187] {strides = array<i32>} : memref<1024xf32, #tpu.memory_space<vmem>>, vector<16xf32>,
          tpu.vector_store %arg11[%swap3A_187], %broadcast_in_dim3A_186 {strides = array<i32>} : memref<1024xf32, #tpu.memory_space<vmem>>, vector<16xf32>,
          %slice3A_189 = vector.extract_strided_slice %get3A_163 {offsets = [5], sizes = [1], strides = [1]} : vector<16xf32> to vector<1xf32>
          %squeeze3A_190 = vector.extract %slice3A_189[0] : f32 from vector<1xf32>
          %broadcast_in_dim3A_191 = vector.broadcast %squeeze3A_190 : f32 to vector<16xf32>
          %swap3A_192 = arith.constant 80 : index
          %swap3A_193 = tpu.vector_load %arg11[%swap3A_192] {strides = array<i32>} : memref<1024xf32, #tpu.memory_space<vmem>>, vector<16xf32>,
          tpu.vector_store %arg11[%swap3A_192], %broadcast_in_dim3A_191 {strides = array<i32>} : memref<1024xf32, #tpu.memory_space<vmem>>, vector<16xf32>,
          %slice3A_194 = vector.extract_strided_slice %get3A_163 {offsets = [6], sizes = [1], strides = [1]} : vector<16xf32> to vector<1xf32>
          %squeeze3A_195 = vector.extract %slice3A_194[0] : f32 from vector<1xf32>
          %broadcast_in_dim3A_196 = vector.broadcast %squeeze3A_195 : f32 to vector<16xf32>
          %swap3A_197 = arith.constant 96 : index
          %swap3A_198 = tpu.vector_load %arg11[%swap3A_197] {strides = array<i32>} : memref<1024xf32, #tpu.memory_space<vmem>>, vector<16xf32>,
          tpu.vector_store %arg11[%swap3A_197], %broadcast_in_dim3A_196 {strides = array<i32>} : memref<1024xf32, #tpu.memory_space<vmem>>, vector<16xf32>,
          %slice3A_199 = vector.extract_strided_slice %get3A_163 {offsets = [7], sizes = [1], strides = [1]} : vector<16xf32> to vector<1xf32>
          %squeeze3A_200 = vector.extract %slice3A_199[0] : f32 from vector<1xf32>
          %broadcast_in_dim3A_201 = vector.broadcast %squeeze3A_200 : f32 to vector<16xf32>
          %swap3A_202 = arith.constant 112 : index
          %swap3A_203 = tpu.vector_load %arg11[%swap3A_202] {strides = array<i32>} : memref<1024xf32, #tpu.memory_space<vmem>>, vector<16xf32>,
          tpu.vector_store %arg11[%swap3A_202], %broadcast_in_dim3A_201 {strides = array<i32>} : memref<1024xf32, #tpu.memory_space<vmem>>, vector<16xf32>,
          %slice3A_204 = vector.extract_strided_slice %get3A_163 {offsets = [8], sizes = [1], strides = [1]} : vector<16xf32> to vector<1xf32>
          %squeeze3A_205 = vector.extract %slice3A_204[0] : f32 from vector<1xf32>
          %broadcast_in_dim3A_206 = vector.broadcast %squeeze3A_205 : f32 to vector<16xf32>
          %swap3A_207 = arith.constant 128 : index
          %swap3A_208 = tpu.vector_load %arg11[%swap3A_207] {strides = array<i32>} : memref<1024xf32, #tpu.memory_space<vmem>>, vector<16xf32>,
          tpu.vector_store %arg11[%swap3A_207], %broadcast_in_dim3A_206 {strides = array<i32>} : memref<1024xf32, #tpu.memory_space<vmem>>, vector<16xf32>,
          %slice3A_209 = vector.extract_strided_slice %get3A_163 {offsets = [9], sizes = [1], strides = [1]} : vector<16xf32> to vector<1xf32>
          %squeeze3A_210 = vector.extract %slice3A_209[0] : f32 from vector<1xf32>
          %broadcast_in_dim3A_211 = vector.broadcast %squeeze3A_210 : f32 to vector<16xf32>
          %swap3A_212 = arith.constant 144 : index
          %swap3A_213 = tpu.vector_load %arg11[%swap3A_212] {strides = array<i32>} : memref<1024xf32, #tpu.memory_space<vmem>>, vector<16xf32>,
          tpu.vector_store %arg11[%swap3A_212], %broadcast_in_dim3A_211 {strides = array<i32>} : memref<1024xf32, #tpu.memory_space<vmem>>, vector<16xf32>,
          %slice3A_214 = vector.extract_strided_slice %get3A_163 {offsets = [10], sizes = [1], strides = [1]} : vector<16xf32> to vector<1xf32>
          %squeeze3A_215 = vector.extract %slice3A_214[0] : f32 from vector<1xf32>
          %broadcast_in_dim3A_216 = vector.broadcast %squeeze3A_215 : f32 to vector<16xf32>
          %swap3A_217 = arith.constant 160 : index
          %swap3A_218 = tpu.vector_load %arg11[%swap3A_217] {strides = array<i32>} : memref<1024xf32, #tpu.memory_space<vmem>>, vector<16xf32>,
          tpu.vector_store %arg11[%swap3A_217], %broadcast_in_dim3A_216 {strides = array<i32>} : memref<1024xf32, #tpu.memory_space<vmem>>, vector<16xf32>,
          %slice3A_219 = vector.extract_strided_slice %get3A_163 {offsets = [11], sizes = [1], strides = [1]} : vector<16xf32> to vector<1xf32>
          %squeeze3A_220 = vector.extract %slice3A_219[0] : f32 from vector<1xf32>
          %broadcast_in_dim3A_221 = vector.broadcast %squeeze3A_220 : f32 to vector<16xf32>
          %swap3A_222 = arith.constant 176 : index
          %swap3A_223 = tpu.vector_load %arg11[%swap3A_222] {strides = array<i32>} : memref<1024xf32, #tpu.memory_space<vmem>>, vector<16xf32>,
          tpu.vector_store %arg11[%swap3A_222], %broadcast_in_dim3A_221 {strides = array<i32>} : memref<1024xf32, #tpu.memory_space<vmem>>, vector<16xf32>,
          %slice3A_224 = vector.extract_strided_slice %get3A_163 {offsets = [12], sizes = [1], strides = [1]} : vector<16xf32> to vector<1xf32>
          %squeeze3A_225 = vector.extract %slice3A_224[0] : f32 from vector<1xf32>
          %broadcast_in_dim3A_226 = vector.broadcast %squeeze3A_225 : f32 to vector<16xf32>
          %swap3A_227 = arith.constant 192 : index
          %swap3A_228 = tpu.vector_load %arg11[%swap3A_227] {strides = array<i32>} : memref<1024xf32, #tpu.memory_space<vmem>>, vector<16xf32>,
          tpu.vector_store %arg11[%swap3A_227], %broadcast_in_dim3A_226 {strides = array<i32>} : memref<1024xf32, #tpu.memory_space<vmem>>, vector<16xf32>,
          %slice3A_229 = vector.extract_strided_slice %get3A_163 {offsets = [13], sizes = [1], strides = [1]} : vector<16xf32> to vector<1xf32>
          %squeeze3A_230 = vector.extract %slice3A_229[0] : f32 from vector<1xf32>
          %broadcast_in_dim3A_231 = vector.broadcast %squeeze3A_230 : f32 to vector<16xf32>
          %swap3A_232 = arith.constant 208 : index
          %swap3A_233 = tpu.vector_load %arg11[%swap3A_232] {strides = array<i32>} : memref<1024xf32, #tpu.memory_space<vmem>>, vector<16xf32>,
          tpu.vector_store %arg11[%swap3A_232], %broadcast_in_dim3A_231 {strides = array<i32>} : memref<1024xf32, #tpu.memory_space<vmem>>, vector<16xf32>,
          %slice3A_234 = vector.extract_strided_slice %get3A_163 {offsets = [14], sizes = [1], strides = [1]} : vector<16xf32> to vector<1xf32>
          %squeeze3A_235 = vector.extract %slice3A_234[0] : f32 from vector<1xf32>
          %broadcast_in_dim3A_236 = vector.broadcast %squeeze3A_235 : f32 to vector<16xf32>
          %swap3A_237 = arith.constant 224 : index
          %swap3A_238 = tpu.vector_load %arg11[%swap3A_237] {strides = array<i32>} : memref<1024xf32, #tpu.memory_space<vmem>>, vector<16xf32>,
          tpu.vector_store %arg11[%swap3A_237], %broadcast_in_dim3A_236 {strides = array<i32>} : memref<1024xf32, #tpu.memory_space<vmem>>, vector<16xf32>,
          %slice3A_239 = vector.extract_strided_slice %get3A_163 {offsets = [15], sizes = [1], strides = [1]} : vector<16xf32> to vector<1xf32>
          %squeeze3A_240 = vector.extract %slice3A_239[0] : f32 from vector<1xf32>
          %broadcast_in_dim3A_241 = vector.broadcast %squeeze3A_240 : f32 to vector<16xf32>
          %swap3A_242 = arith.constant 240 : index
          %swap3A_243 = tpu.vector_load %arg11[%swap3A_242] {strides = array<i32>} : memref<1024xf32, #tpu.memory_space<vmem>>, vector<16xf32>,
          tpu.vector_store %arg11[%swap3A_242], %broadcast_in_dim3A_241 {strides = array<i32>} : memref<1024xf32, #tpu.memory_space<vmem>>, vector<16xf32>,
          %mul3A_244 = arith.constant 64 : i32
          %mul3A_245 = arith.muli %while3A_129, %mul3A_244 : i32
          %add3A_246 = arith.constant 16 : i32
          %add3A_247 = arith.addi %mul3A_245, %add3A_246 : i32
          %get3A_248 = arith.index_cast %add3A_247 : i32 to index
          %get3A_249 = tpu.vector_load %arg10[%get3A_248] {strides = array<i32>} : memref<20480xf32, #tpu.memory_space<vmem>>, vector<16xf32>,
          %slice3A_250 = vector.extract_strided_slice %get3A_249 {offsets = [0], sizes = [1], strides = [1]} : vector<16xf32> to vector<1xf32>
          %squeeze3A_251 = vector.extract %slice3A_250[0] : f32 from vector<1xf32>
          %broadcast_in_dim3A_252 = vector.broadcast %squeeze3A_251 : f32 to vector<16xf32>
          %swap3A_253 = arith.constant 256 : index
          %swap3A_254 = tpu.vector_load %arg11[%swap3A_253] {strides = array<i32>} : memref<1024xf32, #tpu.memory_space<vmem>>, vector<16xf32>,
          tpu.vector_store %arg11[%swap3A_253], %broadcast_in_dim3A_252 {strides = array<i32>} : memref<1024xf32, #tpu.memory_space<vmem>>, vector<16xf32>,
          %slice3A_255 = vector.extract_strided_slice %get3A_249 {offsets = [1], sizes = [1], strides = [1]} : vector<16xf32> to vector<1xf32>
          %squeeze3A_256 = vector.extract %slice3A_255[0] : f32 from vector<1xf32>
          %broadcast_in_dim3A_257 = vector.broadcast %squeeze3A_256 : f32 to vector<16xf32>
          %swap3A_258 = arith.constant 272 : index
          %swap3A_259 = tpu.vector_load %arg11[%swap3A_258] {strides = array<i32>} : memref<1024xf32, #tpu.memory_space<vmem>>, vector<16xf32>,
          tpu.vector_store %arg11[%swap3A_258], %broadcast_in_dim3A_257 {strides = array<i32>} : memref<1024xf32, #tpu.memory_space<vmem>>, vector<16xf32>,
          %slice3A_260 = vector.extract_strided_slice %get3A_249 {offsets = [2], sizes = [1], strides = [1]} : vector<16xf32> to vector<1xf32>
          %squeeze3A_261 = vector.extract %slice3A_260[0] : f32 from vector<1xf32>
          %broadcast_in_dim3A_262 = vector.broadcast %squeeze3A_261 : f32 to vector<16xf32>
          %swap3A_263 = arith.constant 288 : index
          %swap3A_264 = tpu.vector_load %arg11[%swap3A_263] {strides = array<i32>} : memref<1024xf32, #tpu.memory_space<vmem>>, vector<16xf32>,
          tpu.vector_store %arg11[%swap3A_263], %broadcast_in_dim3A_262 {strides = array<i32>} : memref<1024xf32, #tpu.memory_space<vmem>>, vector<16xf32>,
          %slice3A_265 = vector.extract_strided_slice %get3A_249 {offsets = [3], sizes = [1], strides = [1]} : vector<16xf32> to vector<1xf32>
          %squeeze3A_266 = vector.extract %slice3A_265[0] : f32 from vector<1xf32>
          %broadcast_in_dim3A_267 = vector.broadcast %squeeze3A_266 : f32 to vector<16xf32>
          %swap3A_268 = arith.constant 304 : index
          %swap3A_269 = tpu.vector_load %arg11[%swap3A_268] {strides = array<i32>} : memref<1024xf32, #tpu.memory_space<vmem>>, vector<16xf32>,
          tpu.vector_store %arg11[%swap3A_268], %broadcast_in_dim3A_267 {strides = array<i32>} : memref<1024xf32, #tpu.memory_space<vmem>>, vector<16xf32>,
          %slice3A_270 = vector.extract_strided_slice %get3A_249 {offsets = [4], sizes = [1], strides = [1]} : vector<16xf32> to vector<1xf32>
          %squeeze3A_271 = vector.extract %slice3A_270[0] : f32 from vector<1xf32>
          %broadcast_in_dim3A_272 = vector.broadcast %squeeze3A_271 : f32 to vector<16xf32>
          %swap3A_273 = arith.constant 320 : index
          %swap3A_274 = tpu.vector_load %arg11[%swap3A_273] {strides = array<i32>} : memref<1024xf32, #tpu.memory_space<vmem>>, vector<16xf32>,
          tpu.vector_store %arg11[%swap3A_273], %broadcast_in_dim3A_272 {strides = array<i32>} : memref<1024xf32, #tpu.memory_space<vmem>>, vector<16xf32>,
          %slice3A_275 = vector.extract_strided_slice %get3A_249 {offsets = [5], sizes = [1], strides = [1]} : vector<16xf32> to vector<1xf32>
          %squeeze3A_276 = vector.extract %slice3A_275[0] : f32 from vector<1xf32>
          %broadcast_in_dim3A_277 = vector.broadcast %squeeze3A_276 : f32 to vector<16xf32>
          %swap3A_278 = arith.constant 336 : index
          %swap3A_279 = tpu.vector_load %arg11[%swap3A_278] {strides = array<i32>} : memref<1024xf32, #tpu.memory_space<vmem>>, vector<16xf32>,
          tpu.vector_store %arg11[%swap3A_278], %broadcast_in_dim3A_277 {strides = array<i32>} : memref<1024xf32, #tpu.memory_space<vmem>>, vector<16xf32>,
          %slice3A_280 = vector.extract_strided_slice %get3A_249 {offsets = [6], sizes = [1], strides = [1]} : vector<16xf32> to vector<1xf32>
          %squeeze3A_281 = vector.extract %slice3A_280[0] : f32 from vector<1xf32>
          %broadcast_in_dim3A_282 = vector.broadcast %squeeze3A_281 : f32 to vector<16xf32>
          %swap3A_283 = arith.constant 352 : index
          %swap3A_284 = tpu.vector_load %arg11[%swap3A_283] {strides = array<i32>} : memref<1024xf32, #tpu.memory_space<vmem>>, vector<16xf32>,
          tpu.vector_store %arg11[%swap3A_283], %broadcast_in_dim3A_282 {strides = array<i32>} : memref<1024xf32, #tpu.memory_space<vmem>>, vector<16xf32>,
          %slice3A_285 = vector.extract_strided_slice %get3A_249 {offsets = [7], sizes = [1], strides = [1]} : vector<16xf32> to vector<1xf32>
          %squeeze3A_286 = vector.extract %slice3A_285[0] : f32 from vector<1xf32>
          %broadcast_in_dim3A_287 = vector.broadcast %squeeze3A_286 : f32 to vector<16xf32>
          %swap3A_288 = arith.constant 368 : index
          %swap3A_289 = tpu.vector_load %arg11[%swap3A_288] {strides = array<i32>} : memref<1024xf32, #tpu.memory_space<vmem>>, vector<16xf32>,
          tpu.vector_store %arg11[%swap3A_288], %broadcast_in_dim3A_287 {strides = array<i32>} : memref<1024xf32, #tpu.memory_space<vmem>>, vector<16xf32>,
          %slice3A_290 = vector.extract_strided_slice %get3A_249 {offsets = [8], sizes = [1], strides = [1]} : vector<16xf32> to vector<1xf32>
          %squeeze3A_291 = vector.extract %slice3A_290[0] : f32 from vector<1xf32>
          %broadcast_in_dim3A_292 = vector.broadcast %squeeze3A_291 : f32 to vector<16xf32>
          %swap3A_293 = arith.constant 384 : index
          %swap3A_294 = tpu.vector_load %arg11[%swap3A_293] {strides = array<i32>} : memref<1024xf32, #tpu.memory_space<vmem>>, vector<16xf32>,
          tpu.vector_store %arg11[%swap3A_293], %broadcast_in_dim3A_292 {strides = array<i32>} : memref<1024xf32, #tpu.memory_space<vmem>>, vector<16xf32>,
          %slice3A_295 = vector.extract_strided_slice %get3A_249 {offsets = [9], sizes = [1], strides = [1]} : vector<16xf32> to vector<1xf32>
          %squeeze3A_296 = vector.extract %slice3A_295[0] : f32 from vector<1xf32>
          %broadcast_in_dim3A_297 = vector.broadcast %squeeze3A_296 : f32 to vector<16xf32>
          %swap3A_298 = arith.constant 400 : index
          %swap3A_299 = tpu.vector_load %arg11[%swap3A_298] {strides = array<i32>} : memref<1024xf32, #tpu.memory_space<vmem>>, vector<16xf32>,
          tpu.vector_store %arg11[%swap3A_298], %broadcast_in_dim3A_297 {strides = array<i32>} : memref<1024xf32, #tpu.memory_space<vmem>>, vector<16xf32>,
          %slice3A_300 = vector.extract_strided_slice %get3A_249 {offsets = [10], sizes = [1], strides = [1]} : vector<16xf32> to vector<1xf32>
          %squeeze3A_301 = vector.extract %slice3A_300[0] : f32 from vector<1xf32>
          %broadcast_in_dim3A_302 = vector.broadcast %squeeze3A_301 : f32 to vector<16xf32>
          %swap3A_303 = arith.constant 416 : index
          %swap3A_304 = tpu.vector_load %arg11[%swap3A_303] {strides = array<i32>} : memref<1024xf32, #tpu.memory_space<vmem>>, vector<16xf32>,
          tpu.vector_store %arg11[%swap3A_303], %broadcast_in_dim3A_302 {strides = array<i32>} : memref<1024xf32, #tpu.memory_space<vmem>>, vector<16xf32>,
          %slice3A_305 = vector.extract_strided_slice %get3A_249 {offsets = [11], sizes = [1], strides = [1]} : vector<16xf32> to vector<1xf32>
          %squeeze3A_306 = vector.extract %slice3A_305[0] : f32 from vector<1xf32>
          %broadcast_in_dim3A_307 = vector.broadcast %squeeze3A_306 : f32 to vector<16xf32>
          %swap3A_308 = arith.constant 432 : index
          %swap3A_309 = tpu.vector_load %arg11[%swap3A_308] {strides = array<i32>} : memref<1024xf32, #tpu.memory_space<vmem>>, vector<16xf32>,
          tpu.vector_store %arg11[%swap3A_308], %broadcast_in_dim3A_307 {strides = array<i32>} : memref<1024xf32, #tpu.memory_space<vmem>>, vector<16xf32>,
          %slice3A_310 = vector.extract_strided_slice %get3A_249 {offsets = [12], sizes = [1], strides = [1]} : vector<16xf32> to vector<1xf32>
          %squeeze3A_311 = vector.extract %slice3A_310[0] : f32 from vector<1xf32>
          %broadcast_in_dim3A_312 = vector.broadcast %squeeze3A_311 : f32 to vector<16xf32>
          %swap3A_313 = arith.constant 448 : index
          %swap3A_314 = tpu.vector_load %arg11[%swap3A_313] {strides = array<i32>} : memref<1024xf32, #tpu.memory_space<vmem>>, vector<16xf32>,
          tpu.vector_store %arg11[%swap3A_313], %broadcast_in_dim3A_312 {strides = array<i32>} : memref<1024xf32, #tpu.memory_space<vmem>>, vector<16xf32>,
          %slice3A_315 = vector.extract_strided_slice %get3A_249 {offsets = [13], sizes = [1], strides = [1]} : vector<16xf32> to vector<1xf32>
          %squeeze3A_316 = vector.extract %slice3A_315[0] : f32 from vector<1xf32>
          %broadcast_in_dim3A_317 = vector.broadcast %squeeze3A_316 : f32 to vector<16xf32>
          %swap3A_318 = arith.constant 464 : index
          %swap3A_319 = tpu.vector_load %arg11[%swap3A_318] {strides = array<i32>} : memref<1024xf32, #tpu.memory_space<vmem>>, vector<16xf32>,
          tpu.vector_store %arg11[%swap3A_318], %broadcast_in_dim3A_317 {strides = array<i32>} : memref<1024xf32, #tpu.memory_space<vmem>>, vector<16xf32>,
          %slice3A_320 = vector.extract_strided_slice %get3A_249 {offsets = [14], sizes = [1], strides = [1]} : vector<16xf32> to vector<1xf32>
          %squeeze3A_321 = vector.extract %slice3A_320[0] : f32 from vector<1xf32>
          %broadcast_in_dim3A_322 = vector.broadcast %squeeze3A_321 : f32 to vector<16xf32>
          %swap3A_323 = arith.constant 480 : index
          %swap3A_324 = tpu.vector_load %arg11[%swap3A_323] {strides = array<i32>} : memref<1024xf32, #tpu.memory_space<vmem>>, vector<16xf32>,
          tpu.vector_store %arg11[%swap3A_323], %broadcast_in_dim3A_322 {strides = array<i32>} : memref<1024xf32, #tpu.memory_space<vmem>>, vector<16xf32>,
          %slice3A_325 = vector.extract_strided_slice %get3A_249 {offsets = [15], sizes = [1], strides = [1]} : vector<16xf32> to vector<1xf32>
          %squeeze3A_326 = vector.extract %slice3A_325[0] : f32 from vector<1xf32>
          %broadcast_in_dim3A_327 = vector.broadcast %squeeze3A_326 : f32 to vector<16xf32>
          %swap3A_328 = arith.constant 496 : index
          %swap3A_329 = tpu.vector_load %arg11[%swap3A_328] {strides = array<i32>} : memref<1024xf32, #tpu.memory_space<vmem>>, vector<16xf32>,
          tpu.vector_store %arg11[%swap3A_328], %broadcast_in_dim3A_327 {strides = array<i32>} : memref<1024xf32, #tpu.memory_space<vmem>>, vector<16xf32>,
          %mul3A_330 = arith.constant 64 : i32
          %mul3A_331 = arith.muli %while3A_129, %mul3A_330 : i32
          %add3A_332 = arith.constant 32 : i32
          %add3A_333 = arith.addi %mul3A_331, %add3A_332 : i32
          %get3A_334 = arith.index_cast %add3A_333 : i32 to index
          %get3A_335 = tpu.vector_load %arg10[%get3A_334] {strides = array<i32>} : memref<20480xf32, #tpu.memory_space<vmem>>, vector<16xf32>,
          %slice3A_336 = vector.extract_strided_slice %get3A_335 {offsets = [0], sizes = [1], strides = [1]} : vector<16xf32> to vector<1xf32>
          %squeeze3A_337 = vector.extract %slice3A_336[0] : f32 from vector<1xf32>
          %broadcast_in_dim3A_338 = vector.broadcast %squeeze3A_337 : f32 to vector<16xf32>
          %swap3A_339 = arith.constant 512 : index
          %swap3A_340 = tpu.vector_load %arg11[%swap3A_339] {strides = array<i32>} : memref<1024xf32, #tpu.memory_space<vmem>>, vector<16xf32>,
          tpu.vector_store %arg11[%swap3A_339], %broadcast_in_dim3A_338 {strides = array<i32>} : memref<1024xf32, #tpu.memory_space<vmem>>, vector<16xf32>,
          %slice3A_341 = vector.extract_strided_slice %get3A_335 {offsets = [1], sizes = [1], strides = [1]} : vector<16xf32> to vector<1xf32>
          %squeeze3A_342 = vector.extract %slice3A_341[0] : f32 from vector<1xf32>
          %broadcast_in_dim3A_343 = vector.broadcast %squeeze3A_342 : f32 to vector<16xf32>
          %swap3A_344 = arith.constant 528 : index
          %swap3A_345 = tpu.vector_load %arg11[%swap3A_344] {strides = array<i32>} : memref<1024xf32, #tpu.memory_space<vmem>>, vector<16xf32>,
          tpu.vector_store %arg11[%swap3A_344], %broadcast_in_dim3A_343 {strides = array<i32>} : memref<1024xf32, #tpu.memory_space<vmem>>, vector<16xf32>,
          %slice3A_346 = vector.extract_strided_slice %get3A_335 {offsets = [2], sizes = [1], strides = [1]} : vector<16xf32> to vector<1xf32>
          %squeeze3A_347 = vector.extract %slice3A_346[0] : f32 from vector<1xf32>
          %broadcast_in_dim3A_348 = vector.broadcast %squeeze3A_347 : f32 to vector<16xf32>
          %swap3A_349 = arith.constant 544 : index
          %swap3A_350 = tpu.vector_load %arg11[%swap3A_349] {strides = array<i32>} : memref<1024xf32, #tpu.memory_space<vmem>>, vector<16xf32>,
          tpu.vector_store %arg11[%swap3A_349], %broadcast_in_dim3A_348 {strides = array<i32>} : memref<1024xf32, #tpu.memory_space<vmem>>, vector<16xf32>,
          %slice3A_351 = vector.extract_strided_slice %get3A_335 {offsets = [3], sizes = [1], strides = [1]} : vector<16xf32> to vector<1xf32>
          %squeeze3A_352 = vector.extract %slice3A_351[0] : f32 from vector<1xf32>
          %broadcast_in_dim3A_353 = vector.broadcast %squeeze3A_352 : f32 to vector<16xf32>
          %swap3A_354 = arith.constant 560 : index
          %swap3A_355 = tpu.vector_load %arg11[%swap3A_354] {strides = array<i32>} : memref<1024xf32, #tpu.memory_space<vmem>>, vector<16xf32>,
          tpu.vector_store %arg11[%swap3A_354], %broadcast_in_dim3A_353 {strides = array<i32>} : memref<1024xf32, #tpu.memory_space<vmem>>, vector<16xf32>,
          %slice3A_356 = vector.extract_strided_slice %get3A_335 {offsets = [4], sizes = [1], strides = [1]} : vector<16xf32> to vector<1xf32>
          %squeeze3A_357 = vector.extract %slice3A_356[0] : f32 from vector<1xf32>
          %broadcast_in_dim3A_358 = vector.broadcast %squeeze3A_357 : f32 to vector<16xf32>
          %swap3A_359 = arith.constant 576 : index
          %swap3A_360 = tpu.vector_load %arg11[%swap3A_359] {strides = array<i32>} : memref<1024xf32, #tpu.memory_space<vmem>>, vector<16xf32>,
          tpu.vector_store %arg11[%swap3A_359], %broadcast_in_dim3A_358 {strides = array<i32>} : memref<1024xf32, #tpu.memory_space<vmem>>, vector<16xf32>,
          %slice3A_361 = vector.extract_strided_slice %get3A_335 {offsets = [5], sizes = [1], strides = [1]} : vector<16xf32> to vector<1xf32>
          %squeeze3A_362 = vector.extract %slice3A_361[0] : f32 from vector<1xf32>
          %broadcast_in_dim3A_363 = vector.broadcast %squeeze3A_362 : f32 to vector<16xf32>
          %swap3A_364 = arith.constant 592 : index
          %swap3A_365 = tpu.vector_load %arg11[%swap3A_364] {strides = array<i32>} : memref<1024xf32, #tpu.memory_space<vmem>>, vector<16xf32>,
          tpu.vector_store %arg11[%swap3A_364], %broadcast_in_dim3A_363 {strides = array<i32>} : memref<1024xf32, #tpu.memory_space<vmem>>, vector<16xf32>,
          %slice3A_366 = vector.extract_strided_slice %get3A_335 {offsets = [6], sizes = [1], strides = [1]} : vector<16xf32> to vector<1xf32>
          %squeeze3A_367 = vector.extract %slice3A_366[0] : f32 from vector<1xf32>
          %broadcast_in_dim3A_368 = vector.broadcast %squeeze3A_367 : f32 to vector<16xf32>
          %swap3A_369 = arith.constant 608 : index
          %swap3A_370 = tpu.vector_load %arg11[%swap3A_369] {strides = array<i32>} : memref<1024xf32, #tpu.memory_space<vmem>>, vector<16xf32>,
          tpu.vector_store %arg11[%swap3A_369], %broadcast_in_dim3A_368 {strides = array<i32>} : memref<1024xf32, #tpu.memory_space<vmem>>, vector<16xf32>,
          %slice3A_371 = vector.extract_strided_slice %get3A_335 {offsets = [7], sizes = [1], strides = [1]} : vector<16xf32> to vector<1xf32>
          %squeeze3A_372 = vector.extract %slice3A_371[0] : f32 from vector<1xf32>
          %broadcast_in_dim3A_373 = vector.broadcast %squeeze3A_372 : f32 to vector<16xf32>
          %swap3A_374 = arith.constant 624 : index
          %swap3A_375 = tpu.vector_load %arg11[%swap3A_374] {strides = array<i32>} : memref<1024xf32, #tpu.memory_space<vmem>>, vector<16xf32>,
          tpu.vector_store %arg11[%swap3A_374], %broadcast_in_dim3A_373 {strides = array<i32>} : memref<1024xf32, #tpu.memory_space<vmem>>, vector<16xf32>,
          %slice3A_376 = vector.extract_strided_slice %get3A_335 {offsets = [8], sizes = [1], strides = [1]} : vector<16xf32> to vector<1xf32>
          %squeeze3A_377 = vector.extract %slice3A_376[0] : f32 from vector<1xf32>
          %broadcast_in_dim3A_378 = vector.broadcast %squeeze3A_377 : f32 to vector<16xf32>
          %swap3A_379 = arith.constant 640 : index
          %swap3A_380 = tpu.vector_load %arg11[%swap3A_379] {strides = array<i32>} : memref<1024xf32, #tpu.memory_space<vmem>>, vector<16xf32>,
          tpu.vector_store %arg11[%swap3A_379], %broadcast_in_dim3A_378 {strides = array<i32>} : memref<1024xf32, #tpu.memory_space<vmem>>, vector<16xf32>,
          %slice3A_381 = vector.extract_strided_slice %get3A_335 {offsets = [9], sizes = [1], strides = [1]} : vector<16xf32> to vector<1xf32>
          %squeeze3A_382 = vector.extract %slice3A_381[0] : f32 from vector<1xf32>
          %broadcast_in_dim3A_383 = vector.broadcast %squeeze3A_382 : f32 to vector<16xf32>
          %swap3A_384 = arith.constant 656 : index
          %swap3A_385 = tpu.vector_load %arg11[%swap3A_384] {strides = array<i32>} : memref<1024xf32, #tpu.memory_space<vmem>>, vector<16xf32>,
          tpu.vector_store %arg11[%swap3A_384], %broadcast_in_dim3A_383 {strides = array<i32>} : memref<1024xf32, #tpu.memory_space<vmem>>, vector<16xf32>,
          %slice3A_386 = vector.extract_strided_slice %get3A_335 {offsets = [10], sizes = [1], strides = [1]} : vector<16xf32> to vector<1xf32>
          %squeeze3A_387 = vector.extract %slice3A_386[0] : f32 from vector<1xf32>
          %broadcast_in_dim3A_388 = vector.broadcast %squeeze3A_387 : f32 to vector<16xf32>
          %swap3A_389 = arith.constant 672 : index
          %swap3A_390 = tpu.vector_load %arg11[%swap3A_389] {strides = array<i32>} : memref<1024xf32, #tpu.memory_space<vmem>>, vector<16xf32>,
          tpu.vector_store %arg11[%swap3A_389], %broadcast_in_dim3A_388 {strides = array<i32>} : memref<1024xf32, #tpu.memory_space<vmem>>, vector<16xf32>,
          %slice3A_391 = vector.extract_strided_slice %get3A_335 {offsets = [11], sizes = [1], strides = [1]} : vector<16xf32> to vector<1xf32>
          %squeeze3A_392 = vector.extract %slice3A_391[0] : f32 from vector<1xf32>
          %broadcast_in_dim3A_393 = vector.broadcast %squeeze3A_392 : f32 to vector<16xf32>
          %swap3A_394 = arith.constant 688 : index
          %swap3A_395 = tpu.vector_load %arg11[%swap3A_394] {strides = array<i32>} : memref<1024xf32, #tpu.memory_space<vmem>>, vector<16xf32>,
          tpu.vector_store %arg11[%swap3A_394], %broadcast_in_dim3A_393 {strides = array<i32>} : memref<1024xf32, #tpu.memory_space<vmem>>, vector<16xf32>,
          %slice3A_396 = vector.extract_strided_slice %get3A_335 {offsets = [12], sizes = [1], strides = [1]} : vector<16xf32> to vector<1xf32>
          %squeeze3A_397 = vector.extract %slice3A_396[0] : f32 from vector<1xf32>
          %broadcast_in_dim3A_398 = vector.broadcast %squeeze3A_397 : f32 to vector<16xf32>
          %swap3A_399 = arith.constant 704 : index
          %swap3A_400 = tpu.vector_load %arg11[%swap3A_399] {strides = array<i32>} : memref<1024xf32, #tpu.memory_space<vmem>>, vector<16xf32>,
          tpu.vector_store %arg11[%swap3A_399], %broadcast_in_dim3A_398 {strides = array<i32>} : memref<1024xf32, #tpu.memory_space<vmem>>, vector<16xf32>,
          %slice3A_401 = vector.extract_strided_slice %get3A_335 {offsets = [13], sizes = [1], strides = [1]} : vector<16xf32> to vector<1xf32>
          %squeeze3A_402 = vector.extract %slice3A_401[0] : f32 from vector<1xf32>
          %broadcast_in_dim3A_403 = vector.broadcast %squeeze3A_402 : f32 to vector<16xf32>
          %swap3A_404 = arith.constant 720 : index
          %swap3A_405 = tpu.vector_load %arg11[%swap3A_404] {strides = array<i32>} : memref<1024xf32, #tpu.memory_space<vmem>>, vector<16xf32>,
          tpu.vector_store %arg11[%swap3A_404], %broadcast_in_dim3A_403 {strides = array<i32>} : memref<1024xf32, #tpu.memory_space<vmem>>, vector<16xf32>,
          %slice3A_406 = vector.extract_strided_slice %get3A_335 {offsets = [14], sizes = [1], strides = [1]} : vector<16xf32> to vector<1xf32>
          %squeeze3A_407 = vector.extract %slice3A_406[0] : f32 from vector<1xf32>
          %broadcast_in_dim3A_408 = vector.broadcast %squeeze3A_407 : f32 to vector<16xf32>
          %swap3A_409 = arith.constant 736 : index
          %swap3A_410 = tpu.vector_load %arg11[%swap3A_409] {strides = array<i32>} : memref<1024xf32, #tpu.memory_space<vmem>>, vector<16xf32>,
          tpu.vector_store %arg11[%swap3A_409], %broadcast_in_dim3A_408 {strides = array<i32>} : memref<1024xf32, #tpu.memory_space<vmem>>, vector<16xf32>,
          %slice3A_411 = vector.extract_strided_slice %get3A_335 {offsets = [15], sizes = [1], strides = [1]} : vector<16xf32> to vector<1xf32>
          %squeeze3A_412 = vector.extract %slice3A_411[0] : f32 from vector<1xf32>
          %broadcast_in_dim3A_413 = vector.broadcast %squeeze3A_412 : f32 to vector<16xf32>
          %swap3A_414 = arith.constant 752 : index
          %swap3A_415 = tpu.vector_load %arg11[%swap3A_414] {strides = array<i32>} : memref<1024xf32, #tpu.memory_space<vmem>>, vector<16xf32>,
          tpu.vector_store %arg11[%swap3A_414], %broadcast_in_dim3A_413 {strides = array<i32>} : memref<1024xf32, #tpu.memory_space<vmem>>, vector<16xf32>,
          %mul3A_416 = arith.constant 64 : i32
          %mul3A_417 = arith.muli %while3A_129, %mul3A_416 : i32
          %add3A_418 = arith.constant 48 : i32
          %add3A_419 = arith.addi %mul3A_417, %add3A_418 : i32
          %get3A_420 = arith.index_cast %add3A_419 : i32 to index
          %get3A_421 = tpu.vector_load %arg10[%get3A_420] {strides = array<i32>} : memref<20480xf32, #tpu.memory_space<vmem>>, vector<16xf32>,
          %slice3A_422 = vector.extract_strided_slice %get3A_421 {offsets = [0], sizes = [1], strides = [1]} : vector<16xf32> to vector<1xf32>
          %squeeze3A_423 = vector.extract %slice3A_422[0] : f32 from vector<1xf32>
          %broadcast_in_dim3A_424 = vector.broadcast %squeeze3A_423 : f32 to vector<16xf32>
          %swap3A_425 = arith.constant 768 : index
          %swap3A_426 = tpu.vector_load %arg11[%swap3A_425] {strides = array<i32>} : memref<1024xf32, #tpu.memory_space<vmem>>, vector<16xf32>,
          tpu.vector_store %arg11[%swap3A_425], %broadcast_in_dim3A_424 {strides = array<i32>} : memref<1024xf32, #tpu.memory_space<vmem>>, vector<16xf32>,
          %slice3A_427 = vector.extract_strided_slice %get3A_421 {offsets = [1], sizes = [1], strides = [1]} : vector<16xf32> to vector<1xf32>
          %squeeze3A_428 = vector.extract %slice3A_427[0] : f32 from vector<1xf32>
          %broadcast_in_dim3A_429 = vector.broadcast %squeeze3A_428 : f32 to vector<16xf32>
          %swap3A_430 = arith.constant 784 : index
          %swap3A_431 = tpu.vector_load %arg11[%swap3A_430] {strides = array<i32>} : memref<1024xf32, #tpu.memory_space<vmem>>, vector<16xf32>,
          tpu.vector_store %arg11[%swap3A_430], %broadcast_in_dim3A_429 {strides = array<i32>} : memref<1024xf32, #tpu.memory_space<vmem>>, vector<16xf32>,
          %slice3A_432 = vector.extract_strided_slice %get3A_421 {offsets = [2], sizes = [1], strides = [1]} : vector<16xf32> to vector<1xf32>
          %squeeze3A_433 = vector.extract %slice3A_432[0] : f32 from vector<1xf32>
          %broadcast_in_dim3A_434 = vector.broadcast %squeeze3A_433 : f32 to vector<16xf32>
          %swap3A_435 = arith.constant 800 : index
          %swap3A_436 = tpu.vector_load %arg11[%swap3A_435] {strides = array<i32>} : memref<1024xf32, #tpu.memory_space<vmem>>, vector<16xf32>,
          tpu.vector_store %arg11[%swap3A_435], %broadcast_in_dim3A_434 {strides = array<i32>} : memref<1024xf32, #tpu.memory_space<vmem>>, vector<16xf32>,
          %slice3A_437 = vector.extract_strided_slice %get3A_421 {offsets = [3], sizes = [1], strides = [1]} : vector<16xf32> to vector<1xf32>
          %squeeze3A_438 = vector.extract %slice3A_437[0] : f32 from vector<1xf32>
          %broadcast_in_dim3A_439 = vector.broadcast %squeeze3A_438 : f32 to vector<16xf32>
          %swap3A_440 = arith.constant 816 : index
          %swap3A_441 = tpu.vector_load %arg11[%swap3A_440] {strides = array<i32>} : memref<1024xf32, #tpu.memory_space<vmem>>, vector<16xf32>,
          tpu.vector_store %arg11[%swap3A_440], %broadcast_in_dim3A_439 {strides = array<i32>} : memref<1024xf32, #tpu.memory_space<vmem>>, vector<16xf32>,
          %slice3A_442 = vector.extract_strided_slice %get3A_421 {offsets = [4], sizes = [1], strides = [1]} : vector<16xf32> to vector<1xf32>
          %squeeze3A_443 = vector.extract %slice3A_442[0] : f32 from vector<1xf32>
          %broadcast_in_dim3A_444 = vector.broadcast %squeeze3A_443 : f32 to vector<16xf32>
          %swap3A_445 = arith.constant 832 : index
          %swap3A_446 = tpu.vector_load %arg11[%swap3A_445] {strides = array<i32>} : memref<1024xf32, #tpu.memory_space<vmem>>, vector<16xf32>,
          tpu.vector_store %arg11[%swap3A_445], %broadcast_in_dim3A_444 {strides = array<i32>} : memref<1024xf32, #tpu.memory_space<vmem>>, vector<16xf32>,
          %slice3A_447 = vector.extract_strided_slice %get3A_421 {offsets = [5], sizes = [1], strides = [1]} : vector<16xf32> to vector<1xf32>
          %squeeze3A_448 = vector.extract %slice3A_447[0] : f32 from vector<1xf32>
          %broadcast_in_dim3A_449 = vector.broadcast %squeeze3A_448 : f32 to vector<16xf32>
          %swap3A_450 = arith.constant 848 : index
          %swap3A_451 = tpu.vector_load %arg11[%swap3A_450] {strides = array<i32>} : memref<1024xf32, #tpu.memory_space<vmem>>, vector<16xf32>,
          tpu.vector_store %arg11[%swap3A_450], %broadcast_in_dim3A_449 {strides = array<i32>} : memref<1024xf32, #tpu.memory_space<vmem>>, vector<16xf32>,
          %slice3A_452 = vector.extract_strided_slice %get3A_421 {offsets = [6], sizes = [1], strides = [1]} : vector<16xf32> to vector<1xf32>
          %squeeze3A_453 = vector.extract %slice3A_452[0] : f32 from vector<1xf32>
          %broadcast_in_dim3A_454 = vector.broadcast %squeeze3A_453 : f32 to vector<16xf32>
          %swap3A_455 = arith.constant 864 : index
          %swap3A_456 = tpu.vector_load %arg11[%swap3A_455] {strides = array<i32>} : memref<1024xf32, #tpu.memory_space<vmem>>, vector<16xf32>,
          tpu.vector_store %arg11[%swap3A_455], %broadcast_in_dim3A_454 {strides = array<i32>} : memref<1024xf32, #tpu.memory_space<vmem>>, vector<16xf32>,
          %slice3A_457 = vector.extract_strided_slice %get3A_421 {offsets = [7], sizes = [1], strides = [1]} : vector<16xf32> to vector<1xf32>
          %squeeze3A_458 = vector.extract %slice3A_457[0] : f32 from vector<1xf32>
          %broadcast_in_dim3A_459 = vector.broadcast %squeeze3A_458 : f32 to vector<16xf32>
          %swap3A_460 = arith.constant 880 : index
          %swap3A_461 = tpu.vector_load %arg11[%swap3A_460] {strides = array<i32>} : memref<1024xf32, #tpu.memory_space<vmem>>, vector<16xf32>,
          tpu.vector_store %arg11[%swap3A_460], %broadcast_in_dim3A_459 {strides = array<i32>} : memref<1024xf32, #tpu.memory_space<vmem>>, vector<16xf32>,
          %slice3A_462 = vector.extract_strided_slice %get3A_421 {offsets = [8], sizes = [1], strides = [1]} : vector<16xf32> to vector<1xf32>
          %squeeze3A_463 = vector.extract %slice3A_462[0] : f32 from vector<1xf32>
          %broadcast_in_dim3A_464 = vector.broadcast %squeeze3A_463 : f32 to vector<16xf32>
          %swap3A_465 = arith.constant 896 : index
          %swap3A_466 = tpu.vector_load %arg11[%swap3A_465] {strides = array<i32>} : memref<1024xf32, #tpu.memory_space<vmem>>, vector<16xf32>,
          tpu.vector_store %arg11[%swap3A_465], %broadcast_in_dim3A_464 {strides = array<i32>} : memref<1024xf32, #tpu.memory_space<vmem>>, vector<16xf32>,
          %slice3A_467 = vector.extract_strided_slice %get3A_421 {offsets = [9], sizes = [1], strides = [1]} : vector<16xf32> to vector<1xf32>
          %squeeze3A_468 = vector.extract %slice3A_467[0] : f32 from vector<1xf32>
          %broadcast_in_dim3A_469 = vector.broadcast %squeeze3A_468 : f32 to vector<16xf32>
          %swap3A_470 = arith.constant 912 : index
          %swap3A_471 = tpu.vector_load %arg11[%swap3A_470] {strides = array<i32>} : memref<1024xf32, #tpu.memory_space<vmem>>, vector<16xf32>,
          tpu.vector_store %arg11[%swap3A_470], %broadcast_in_dim3A_469 {strides = array<i32>} : memref<1024xf32, #tpu.memory_space<vmem>>, vector<16xf32>,
          %slice3A_472 = vector.extract_strided_slice %get3A_421 {offsets = [10], sizes = [1], strides = [1]} : vector<16xf32> to vector<1xf32>
          %squeeze3A_473 = vector.extract %slice3A_472[0] : f32 from vector<1xf32>
          %broadcast_in_dim3A_474 = vector.broadcast %squeeze3A_473 : f32 to vector<16xf32>
          %swap3A_475 = arith.constant 928 : index
          %swap3A_476 = tpu.vector_load %arg11[%swap3A_475] {strides = array<i32>} : memref<1024xf32, #tpu.memory_space<vmem>>, vector<16xf32>,
          tpu.vector_store %arg11[%swap3A_475], %broadcast_in_dim3A_474 {strides = array<i32>} : memref<1024xf32, #tpu.memory_space<vmem>>, vector<16xf32>,
          %slice3A_477 = vector.extract_strided_slice %get3A_421 {offsets = [11], sizes = [1], strides = [1]} : vector<16xf32> to vector<1xf32>
          %squeeze3A_478 = vector.extract %slice3A_477[0] : f32 from vector<1xf32>
          %broadcast_in_dim3A_479 = vector.broadcast %squeeze3A_478 : f32 to vector<16xf32>
          %swap3A_480 = arith.constant 944 : index
          %swap3A_481 = tpu.vector_load %arg11[%swap3A_480] {strides = array<i32>} : memref<1024xf32, #tpu.memory_space<vmem>>, vector<16xf32>,
          tpu.vector_store %arg11[%swap3A_480], %broadcast_in_dim3A_479 {strides = array<i32>} : memref<1024xf32, #tpu.memory_space<vmem>>, vector<16xf32>,
          %slice3A_482 = vector.extract_strided_slice %get3A_421 {offsets = [12], sizes = [1], strides = [1]} : vector<16xf32> to vector<1xf32>
          %squeeze3A_483 = vector.extract %slice3A_482[0] : f32 from vector<1xf32>
          %broadcast_in_dim3A_484 = vector.broadcast %squeeze3A_483 : f32 to vector<16xf32>
          %swap3A_485 = arith.constant 960 : index
          %swap3A_486 = tpu.vector_load %arg11[%swap3A_485] {strides = array<i32>} : memref<1024xf32, #tpu.memory_space<vmem>>, vector<16xf32>,
          tpu.vector_store %arg11[%swap3A_485], %broadcast_in_dim3A_484 {strides = array<i32>} : memref<1024xf32, #tpu.memory_space<vmem>>, vector<16xf32>,
          %slice3A_487 = vector.extract_strided_slice %get3A_421 {offsets = [13], sizes = [1], strides = [1]} : vector<16xf32> to vector<1xf32>
          %squeeze3A_488 = vector.extract %slice3A_487[0] : f32 from vector<1xf32>
          %broadcast_in_dim3A_489 = vector.broadcast %squeeze3A_488 : f32 to vector<16xf32>
          %swap3A_490 = arith.constant 976 : index
          %swap3A_491 = tpu.vector_load %arg11[%swap3A_490] {strides = array<i32>} : memref<1024xf32, #tpu.memory_space<vmem>>, vector<16xf32>,
          tpu.vector_store %arg11[%swap3A_490], %broadcast_in_dim3A_489 {strides = array<i32>} : memref<1024xf32, #tpu.memory_space<vmem>>, vector<16xf32>,
          %slice3A_492 = vector.extract_strided_slice %get3A_421 {offsets = [14], sizes = [1], strides = [1]} : vector<16xf32> to vector<1xf32>
          %squeeze3A_493 = vector.extract %slice3A_492[0] : f32 from vector<1xf32>
          %broadcast_in_dim3A_494 = vector.broadcast %squeeze3A_493 : f32 to vector<16xf32>
          %swap3A_495 = arith.constant 992 : index
          %swap3A_496 = tpu.vector_load %arg11[%swap3A_495] {strides = array<i32>} : memref<1024xf32, #tpu.memory_space<vmem>>, vector<16xf32>,
          tpu.vector_store %arg11[%swap3A_495], %broadcast_in_dim3A_494 {strides = array<i32>} : memref<1024xf32, #tpu.memory_space<vmem>>, vector<16xf32>,
          %slice3A_497 = vector.extract_strided_slice %get3A_421 {offsets = [15], sizes = [1], strides = [1]} : vector<16xf32> to vector<1xf32>
          %squeeze3A_498 = vector.extract %slice3A_497[0] : f32 from vector<1xf32>
          %broadcast_in_dim3A_499 = vector.broadcast %squeeze3A_498 : f32 to vector<16xf32>
          %swap3A_500 = arith.constant 1008 : index
          %swap3A_501 = tpu.vector_load %arg11[%swap3A_500] {strides = array<i32>} : memref<1024xf32, #tpu.memory_space<vmem>>, vector<16xf32>,
          tpu.vector_store %arg11[%swap3A_500], %broadcast_in_dim3A_499 {strides = array<i32>} : memref<1024xf32, #tpu.memory_space<vmem>>, vector<16xf32>,
          %broadcast_in_dim3A_502 = vector.broadcast %sub3A_138 : i32 to vector<16xi32>
          %broadcast_in_dim3A_503 = vector.broadcast %sub3A_139 : i32 to vector<16xi32>
          %jit3A_504 = arith.constant 16 : i32
          %div3A_505 = arith.divsi %sub3A_138, %jit3A_504 : i32
          %sign3A_506 = arith.constant 0 : i32
          %sign3A_507 = arith.cmpi sgt, %sub3A_138, %sign3A_506 : i32
          %sign3A_508 = arith.extui %sign3A_507 : i1 to i32
          %sign3A_509 = arith.constant 0 : i32
          %sign3A_510 = arith.cmpi slt, %sub3A_138, %sign3A_509 : i32
          %sign3A_511 = arith.extui %sign3A_510 : i1 to i32
          %sign3A_512 = arith.subi %sign3A_508, %sign3A_511 : i32
          %sign3A_513 = arith.constant 0 : i32
          %sign3A_514 = arith.cmpi sgt, %jit3A_504, %sign3A_513 : i32
          %sign3A_515 = arith.extui %sign3A_514 : i1 to i32
          %sign3A_516 = arith.constant 0 : i32
          %sign3A_517 = arith.cmpi slt, %jit3A_504, %sign3A_516 : i32
          %sign3A_518 = arith.extui %sign3A_517 : i1 to i32
          %sign3A_519 = arith.subi %sign3A_515, %sign3A_518 : i32
          %ne3A_520 = arith.cmpi ne, %sign3A_512, %sign3A_519 : i32
          %rem3A_521 = arith.remsi %sub3A_138, %jit3A_504 : i32
          %ne3A_522 = arith.constant 0 : i32
          %ne3A_523 = arith.cmpi ne, %rem3A_521, %ne3A_522 : i32
          %and3A_524 = arith.andi %ne3A_520, %ne3A_523 : i1
          %sub3A_525 = arith.constant 1 : i32
          %sub3A_526 = arith.subi %div3A_505, %sub3A_525 : i32
          %select_n3A_527 = arith.select %and3A_524, %sub3A_526, %div3A_505 : i32
          %add3A_528 = arith.constant 15 : i32
          %add3A_529 = arith.addi %sub3A_139, %add3A_528 : i32
          %jit3A_530 = arith.constant 16 : i32
          %div3A_531 = arith.divsi %add3A_529, %jit3A_530 : i32
          %sign3A_532 = arith.constant 0 : i32
          %sign3A_533 = arith.cmpi sgt, %add3A_529, %sign3A_532 : i32
          %sign3A_534 = arith.extui %sign3A_533 : i1 to i32
          %sign3A_535 = arith.constant 0 : i32
          %sign3A_536 = arith.cmpi slt, %add3A_529, %sign3A_535 : i32
          %sign3A_537 = arith.extui %sign3A_536 : i1 to i32
          %sign3A_538 = arith.subi %sign3A_534, %sign3A_537 : i32
          %sign3A_539 = arith.constant 0 : i32
          %sign3A_540 = arith.cmpi sgt, %jit3A_530, %sign3A_539 : i32
          %sign3A_541 = arith.extui %sign3A_540 : i1 to i32
          %sign3A_542 = arith.constant 0 : i32
          %sign3A_543 = arith.cmpi slt, %jit3A_530, %sign3A_542 : i32
          %sign3A_544 = arith.extui %sign3A_543 : i1 to i32
          %sign3A_545 = arith.subi %sign3A_541, %sign3A_544 : i32
          %ne3A_546 = arith.cmpi ne, %sign3A_538, %sign3A_545 : i32
          %rem3A_547 = arith.remsi %add3A_529, %jit3A_530 : i32
          %ne3A_548 = arith.constant 0 : i32
          %ne3A_549 = arith.cmpi ne, %rem3A_547, %ne3A_548 : i32
          %and3A_550 = arith.andi %ne3A_546, %ne3A_549 : i1
          %sub3A_551 = arith.constant 1 : i32
          %sub3A_552 = arith.subi %div3A_531, %sub3A_551 : i32
          %select_n3A_553 = arith.select %and3A_550, %sub3A_552, %div3A_531 : i32
          %while3A_554 = arith.constant 0 : i32
          %while3A_555 = arith.subi %select_n3A_553, %select_n3A_527 : i32
          %while3A_556 = arith.addi %select_n3A_527, %while3A_555 : i32
          %while3A_557 = arith.constant 1 : i32
          %while3A_558 = arith.divsi %while3A_555, %while3A_557 : i32
          %while3A_559 = arith.muli %while3A_558, %while3A_557 : i32
          %while3A_560 = arith.addi %select_n3A_527, %while3A_559 : i32
          %while3A_561 = arith.constant 1 : i32
          scf.for %while3A_563 = %select_n3A_527 to %while3A_560 step %while3A_561  : i32 {
            %mul3A_564 = arith.constant 16 : i32
            %mul3A_565 = arith.muli %while3A_563, %mul3A_564 : i32
            %add3A_566 = vector.broadcast %mul3A_565 : i32 to vector<16xi32>
            %add3A_567 = arith.addi %iota3A, %add3A_566 : vector<16xi32>
            %ge3A = arith.cmpi sge, %add3A_567, %broadcast_in_dim3A_502 : vector<16xi32>
            %lt3A_568 = arith.cmpi slt, %add3A_567, %broadcast_in_dim3A_503 : vector<16xi32>
            %and3A_569 = arith.andi %ge3A, %lt3A_568 : vector<16xi1>
            %add3A_570 = arith.constant 0 : i32
            %add3A_571 = arith.addi %mul3A_124, %add3A_570 : i32
            %add3A_572 = arith.addi %add3A_571, %mul3A_565 : i32
            %get3A_573 = arith.index_cast %add3A_572 : i32 to index
            %get3A_574 = tpu.vector_load %arg12[%get3A_573] {strides = array<i32>} : memref<8192xf32, #tpu.memory_space<vmem>>, vector<16xf32>,
            %get3A_575 = arith.constant 0 : index
            %get3A_576 = tpu.vector_load %arg11[%get3A_575] {strides = array<i32>} : memref<1024xf32, #tpu.memory_space<vmem>>, vector<16xf32>,
            %mul3A_577 = arith.mulf %get3A_574, %get3A_576 : vector<16xf32>
            %add3A_578 = arith.addf %broadcast_in_dim3A_5, %mul3A_577 : vector<16xf32>
            %add3A_579 = arith.constant 64 : i32
            %add3A_580 = arith.addi %mul3A_124, %add3A_579 : i32
            %add3A_581 = arith.addi %add3A_580, %mul3A_565 : i32
            %get3A_582 = arith.index_cast %add3A_581 : i32 to index
            %get3A_583 = tpu.vector_load %arg12[%get3A_582] {strides = array<i32>} : memref<8192xf32, #tpu.memory_space<vmem>>, vector<16xf32>,
            %get3A_584 = arith.constant 16 : index
            %get3A_585 = tpu.vector_load %arg11[%get3A_584] {strides = array<i32>} : memref<1024xf32, #tpu.memory_space<vmem>>, vector<16xf32>,
            %mul3A_586 = arith.mulf %get3A_583, %get3A_585 : vector<16xf32>
            %add3A_587 = arith.addf %broadcast_in_dim3A_5, %mul3A_586 : vector<16xf32>
            %add3A_588 = arith.constant 128 : i32
            %add3A_589 = arith.addi %mul3A_124, %add3A_588 : i32
            %add3A_590 = arith.addi %add3A_589, %mul3A_565 : i32
            %get3A_591 = arith.index_cast %add3A_590 : i32 to index
            %get3A_592 = tpu.vector_load %arg12[%get3A_591] {strides = array<i32>} : memref<8192xf32, #tpu.memory_space<vmem>>, vector<16xf32>,
            %get3A_593 = arith.constant 32 : index
            %get3A_594 = tpu.vector_load %arg11[%get3A_593] {strides = array<i32>} : memref<1024xf32, #tpu.memory_space<vmem>>, vector<16xf32>,
            %mul3A_595 = arith.mulf %get3A_592, %get3A_594 : vector<16xf32>
            %add3A_596 = arith.addf %broadcast_in_dim3A_5, %mul3A_595 : vector<16xf32>
            %add3A_597 = arith.constant 192 : i32
            %add3A_598 = arith.addi %mul3A_124, %add3A_597 : i32
            %add3A_599 = arith.addi %add3A_598, %mul3A_565 : i32
            %get3A_600 = arith.index_cast %add3A_599 : i32 to index
            %get3A_601 = tpu.vector_load %arg12[%get3A_600] {strides = array<i32>} : memref<8192xf32, #tpu.memory_space<vmem>>, vector<16xf32>,
            %get3A_602 = arith.constant 48 : index
            %get3A_603 = tpu.vector_load %arg11[%get3A_602] {strides = array<i32>} : memref<1024xf32, #tpu.memory_space<vmem>>, vector<16xf32>,
            %mul3A_604 = arith.mulf %get3A_601, %get3A_603 : vector<16xf32>
            %add3A_605 = arith.addf %broadcast_in_dim3A_5, %mul3A_604 : vector<16xf32>
            %add3A_606 = arith.constant 256 : i32
            %add3A_607 = arith.addi %mul3A_124, %add3A_606 : i32
            %add3A_608 = arith.addi %add3A_607, %mul3A_565 : i32
            %get3A_609 = arith.index_cast %add3A_608 : i32 to index
            %get3A_610 = tpu.vector_load %arg12[%get3A_609] {strides = array<i32>} : memref<8192xf32, #tpu.memory_space<vmem>>, vector<16xf32>,
            %get3A_611 = arith.constant 64 : index
            %get3A_612 = tpu.vector_load %arg11[%get3A_611] {strides = array<i32>} : memref<1024xf32, #tpu.memory_space<vmem>>, vector<16xf32>,
            %mul3A_613 = arith.mulf %get3A_610, %get3A_612 : vector<16xf32>
            %add3A_614 = arith.addf %add3A_578, %mul3A_613 : vector<16xf32>
            %add3A_615 = arith.constant 320 : i32
            %add3A_616 = arith.addi %mul3A_124, %add3A_615 : i32
            %add3A_617 = arith.addi %add3A_616, %mul3A_565 : i32
            %get3A_618 = arith.index_cast %add3A_617 : i32 to index
            %get3A_619 = tpu.vector_load %arg12[%get3A_618] {strides = array<i32>} : memref<8192xf32, #tpu.memory_space<vmem>>, vector<16xf32>,
            %get3A_620 = arith.constant 80 : index
            %get3A_621 = tpu.vector_load %arg11[%get3A_620] {strides = array<i32>} : memref<1024xf32, #tpu.memory_space<vmem>>, vector<16xf32>,
            %mul3A_622 = arith.mulf %get3A_619, %get3A_621 : vector<16xf32>
            %add3A_623 = arith.addf %add3A_587, %mul3A_622 : vector<16xf32>
            %add3A_624 = arith.constant 384 : i32
            %add3A_625 = arith.addi %mul3A_124, %add3A_624 : i32
            %add3A_626 = arith.addi %add3A_625, %mul3A_565 : i32
            %get3A_627 = arith.index_cast %add3A_626 : i32 to index
            %get3A_628 = tpu.vector_load %arg12[%get3A_627] {strides = array<i32>} : memref<8192xf32, #tpu.memory_space<vmem>>, vector<16xf32>,
            %get3A_629 = arith.constant 96 : index
            %get3A_630 = tpu.vector_load %arg11[%get3A_629] {strides = array<i32>} : memref<1024xf32, #tpu.memory_space<vmem>>, vector<16xf32>,
            %mul3A_631 = arith.mulf %get3A_628, %get3A_630 : vector<16xf32>
            %add3A_632 = arith.addf %add3A_596, %mul3A_631 : vector<16xf32>
            %add3A_633 = arith.constant 448 : i32
            %add3A_634 = arith.addi %mul3A_124, %add3A_633 : i32
            %add3A_635 = arith.addi %add3A_634, %mul3A_565 : i32
            %get3A_636 = arith.index_cast %add3A_635 : i32 to index
            %get3A_637 = tpu.vector_load %arg12[%get3A_636] {strides = array<i32>} : memref<8192xf32, #tpu.memory_space<vmem>>, vector<16xf32>,
            %get3A_638 = arith.constant 112 : index
            %get3A_639 = tpu.vector_load %arg11[%get3A_638] {strides = array<i32>} : memref<1024xf32, #tpu.memory_space<vmem>>, vector<16xf32>,
            %mul3A_640 = arith.mulf %get3A_637, %get3A_639 : vector<16xf32>
            %add3A_641 = arith.addf %add3A_605, %mul3A_640 : vector<16xf32>
            %add3A_642 = arith.constant 512 : i32
            %add3A_643 = arith.addi %mul3A_124, %add3A_642 : i32
            %add3A_644 = arith.addi %add3A_643, %mul3A_565 : i32
            %get3A_645 = arith.index_cast %add3A_644 : i32 to index
            %get3A_646 = tpu.vector_load %arg12[%get3A_645] {strides = array<i32>} : memref<8192xf32, #tpu.memory_space<vmem>>, vector<16xf32>,
            %get3A_647 = arith.constant 128 : index
            %get3A_648 = tpu.vector_load %arg11[%get3A_647] {strides = array<i32>} : memref<1024xf32, #tpu.memory_space<vmem>>, vector<16xf32>,
            %mul3A_649 = arith.mulf %get3A_646, %get3A_648 : vector<16xf32>
            %add3A_650 = arith.addf %add3A_614, %mul3A_649 : vector<16xf32>
            %add3A_651 = arith.constant 576 : i32
            %add3A_652 = arith.addi %mul3A_124, %add3A_651 : i32
            %add3A_653 = arith.addi %add3A_652, %mul3A_565 : i32
            %get3A_654 = arith.index_cast %add3A_653 : i32 to index
            %get3A_655 = tpu.vector_load %arg12[%get3A_654] {strides = array<i32>} : memref<8192xf32, #tpu.memory_space<vmem>>, vector<16xf32>,
            %get3A_656 = arith.constant 144 : index
            %get3A_657 = tpu.vector_load %arg11[%get3A_656] {strides = array<i32>} : memref<1024xf32, #tpu.memory_space<vmem>>, vector<16xf32>,
            %mul3A_658 = arith.mulf %get3A_655, %get3A_657 : vector<16xf32>
            %add3A_659 = arith.addf %add3A_623, %mul3A_658 : vector<16xf32>
            %add3A_660 = arith.constant 640 : i32
            %add3A_661 = arith.addi %mul3A_124, %add3A_660 : i32
            %add3A_662 = arith.addi %add3A_661, %mul3A_565 : i32
            %get3A_663 = arith.index_cast %add3A_662 : i32 to index
            %get3A_664 = tpu.vector_load %arg12[%get3A_663] {strides = array<i32>} : memref<8192xf32, #tpu.memory_space<vmem>>, vector<16xf32>,
            %get3A_665 = arith.constant 160 : index
            %get3A_666 = tpu.vector_load %arg11[%get3A_665] {strides = array<i32>} : memref<1024xf32, #tpu.memory_space<vmem>>, vector<16xf32>,
            %mul3A_667 = arith.mulf %get3A_664, %get3A_666 : vector<16xf32>
            %add3A_668 = arith.addf %add3A_632, %mul3A_667 : vector<16xf32>
            %add3A_669 = arith.constant 704 : i32
            %add3A_670 = arith.addi %mul3A_124, %add3A_669 : i32
            %add3A_671 = arith.addi %add3A_670, %mul3A_565 : i32
            %get3A_672 = arith.index_cast %add3A_671 : i32 to index
            %get3A_673 = tpu.vector_load %arg12[%get3A_672] {strides = array<i32>} : memref<8192xf32, #tpu.memory_space<vmem>>, vector<16xf32>,
            %get3A_674 = arith.constant 176 : index
            %get3A_675 = tpu.vector_load %arg11[%get3A_674] {strides = array<i32>} : memref<1024xf32, #tpu.memory_space<vmem>>, vector<16xf32>,
            %mul3A_676 = arith.mulf %get3A_673, %get3A_675 : vector<16xf32>
            %add3A_677 = arith.addf %add3A_641, %mul3A_676 : vector<16xf32>
            %add3A_678 = arith.constant 768 : i32
            %add3A_679 = arith.addi %mul3A_124, %add3A_678 : i32
            %add3A_680 = arith.addi %add3A_679, %mul3A_565 : i32
            %get3A_681 = arith.index_cast %add3A_680 : i32 to index
            %get3A_682 = tpu.vector_load %arg12[%get3A_681] {strides = array<i32>} : memref<8192xf32, #tpu.memory_space<vmem>>, vector<16xf32>,
            %get3A_683 = arith.constant 192 : index
            %get3A_684 = tpu.vector_load %arg11[%get3A_683] {strides = array<i32>} : memref<1024xf32, #tpu.memory_space<vmem>>, vector<16xf32>,
            %mul3A_685 = arith.mulf %get3A_682, %get3A_684 : vector<16xf32>
            %add3A_686 = arith.addf %add3A_650, %mul3A_685 : vector<16xf32>
            %add3A_687 = arith.constant 832 : i32
            %add3A_688 = arith.addi %mul3A_124, %add3A_687 : i32
            %add3A_689 = arith.addi %add3A_688, %mul3A_565 : i32
            %get3A_690 = arith.index_cast %add3A_689 : i32 to index
            %get3A_691 = tpu.vector_load %arg12[%get3A_690] {strides = array<i32>} : memref<8192xf32, #tpu.memory_space<vmem>>, vector<16xf32>,
            %get3A_692 = arith.constant 208 : index
            %get3A_693 = tpu.vector_load %arg11[%get3A_692] {strides = array<i32>} : memref<1024xf32, #tpu.memory_space<vmem>>, vector<16xf32>,
            %mul3A_694 = arith.mulf %get3A_691, %get3A_693 : vector<16xf32>
            %add3A_695 = arith.addf %add3A_659, %mul3A_694 : vector<16xf32>
            %add3A_696 = arith.constant 896 : i32
            %add3A_697 = arith.addi %mul3A_124, %add3A_696 : i32
            %add3A_698 = arith.addi %add3A_697, %mul3A_565 : i32
            %get3A_699 = arith.index_cast %add3A_698 : i32 to index
            %get3A_700 = tpu.vector_load %arg12[%get3A_699] {strides = array<i32>} : memref<8192xf32, #tpu.memory_space<vmem>>, vector<16xf32>,
            %get3A_701 = arith.constant 224 : index
            %get3A_702 = tpu.vector_load %arg11[%get3A_701] {strides = array<i32>} : memref<1024xf32, #tpu.memory_space<vmem>>, vector<16xf32>,
            %mul3A_703 = arith.mulf %get3A_700, %get3A_702 : vector<16xf32>
            %add3A_704 = arith.addf %add3A_668, %mul3A_703 : vector<16xf32>
            %add3A_705 = arith.constant 960 : i32
            %add3A_706 = arith.addi %mul3A_124, %add3A_705 : i32
            %add3A_707 = arith.addi %add3A_706, %mul3A_565 : i32
            %get3A_708 = arith.index_cast %add3A_707 : i32 to index
            %get3A_709 = tpu.vector_load %arg12[%get3A_708] {strides = array<i32>} : memref<8192xf32, #tpu.memory_space<vmem>>, vector<16xf32>,
            %get3A_710 = arith.constant 240 : index
            %get3A_711 = tpu.vector_load %arg11[%get3A_710] {strides = array<i32>} : memref<1024xf32, #tpu.memory_space<vmem>>, vector<16xf32>,
            %mul3A_712 = arith.mulf %get3A_709, %get3A_711 : vector<16xf32>
            %add3A_713 = arith.addf %add3A_677, %mul3A_712 : vector<16xf32>
            %add3A_714 = arith.constant 1024 : i32
            %add3A_715 = arith.addi %mul3A_124, %add3A_714 : i32
            %add3A_716 = arith.addi %add3A_715, %mul3A_565 : i32
            %get3A_717 = arith.index_cast %add3A_716 : i32 to index
            %get3A_718 = tpu.vector_load %arg12[%get3A_717] {strides = array<i32>} : memref<8192xf32, #tpu.memory_space<vmem>>, vector<16xf32>,
            %get3A_719 = arith.constant 256 : index
            %get3A_720 = tpu.vector_load %arg11[%get3A_719] {strides = array<i32>} : memref<1024xf32, #tpu.memory_space<vmem>>, vector<16xf32>,
            %mul3A_721 = arith.mulf %get3A_718, %get3A_720 : vector<16xf32>
            %add3A_722 = arith.addf %add3A_686, %mul3A_721 : vector<16xf32>
            %add3A_723 = arith.constant 1088 : i32
            %add3A_724 = arith.addi %mul3A_124, %add3A_723 : i32
            %add3A_725 = arith.addi %add3A_724, %mul3A_565 : i32
            %get3A_726 = arith.index_cast %add3A_725 : i32 to index
            %get3A_727 = tpu.vector_load %arg12[%get3A_726] {strides = array<i32>} : memref<8192xf32, #tpu.memory_space<vmem>>, vector<16xf32>,
            %get3A_728 = arith.constant 272 : index
            %get3A_729 = tpu.vector_load %arg11[%get3A_728] {strides = array<i32>} : memref<1024xf32, #tpu.memory_space<vmem>>, vector<16xf32>,
            %mul3A_730 = arith.mulf %get3A_727, %get3A_729 : vector<16xf32>
            %add3A_731 = arith.addf %add3A_695, %mul3A_730 : vector<16xf32>
            %add3A_732 = arith.constant 1152 : i32
            %add3A_733 = arith.addi %mul3A_124, %add3A_732 : i32
            %add3A_734 = arith.addi %add3A_733, %mul3A_565 : i32
            %get3A_735 = arith.index_cast %add3A_734 : i32 to index
            %get3A_736 = tpu.vector_load %arg12[%get3A_735] {strides = array<i32>} : memref<8192xf32, #tpu.memory_space<vmem>>, vector<16xf32>,
            %get3A_737 = arith.constant 288 : index
            %get3A_738 = tpu.vector_load %arg11[%get3A_737] {strides = array<i32>} : memref<1024xf32, #tpu.memory_space<vmem>>, vector<16xf32>,
            %mul3A_739 = arith.mulf %get3A_736, %get3A_738 : vector<16xf32>
            %add3A_740 = arith.addf %add3A_704, %mul3A_739 : vector<16xf32>
            %add3A_741 = arith.constant 1216 : i32
            %add3A_742 = arith.addi %mul3A_124, %add3A_741 : i32
            %add3A_743 = arith.addi %add3A_742, %mul3A_565 : i32
            %get3A_744 = arith.index_cast %add3A_743 : i32 to index
            %get3A_745 = tpu.vector_load %arg12[%get3A_744] {strides = array<i32>} : memref<8192xf32, #tpu.memory_space<vmem>>, vector<16xf32>,
            %get3A_746 = arith.constant 304 : index
            %get3A_747 = tpu.vector_load %arg11[%get3A_746] {strides = array<i32>} : memref<1024xf32, #tpu.memory_space<vmem>>, vector<16xf32>,
            %mul3A_748 = arith.mulf %get3A_745, %get3A_747 : vector<16xf32>
            %add3A_749 = arith.addf %add3A_713, %mul3A_748 : vector<16xf32>
            %add3A_750 = arith.constant 1280 : i32
            %add3A_751 = arith.addi %mul3A_124, %add3A_750 : i32
            %add3A_752 = arith.addi %add3A_751, %mul3A_565 : i32
            %get3A_753 = arith.index_cast %add3A_752 : i32 to index
            %get3A_754 = tpu.vector_load %arg12[%get3A_753] {strides = array<i32>} : memref<8192xf32, #tpu.memory_space<vmem>>, vector<16xf32>,
            %get3A_755 = arith.constant 320 : index
            %get3A_756 = tpu.vector_load %arg11[%get3A_755] {strides = array<i32>} : memref<1024xf32, #tpu.memory_space<vmem>>, vector<16xf32>,
            %mul3A_757 = arith.mulf %get3A_754, %get3A_756 : vector<16xf32>
            %add3A_758 = arith.addf %add3A_722, %mul3A_757 : vector<16xf32>
            %add3A_759 = arith.constant 1344 : i32
            %add3A_760 = arith.addi %mul3A_124, %add3A_759 : i32
            %add3A_761 = arith.addi %add3A_760, %mul3A_565 : i32
            %get3A_762 = arith.index_cast %add3A_761 : i32 to index
            %get3A_763 = tpu.vector_load %arg12[%get3A_762] {strides = array<i32>} : memref<8192xf32, #tpu.memory_space<vmem>>, vector<16xf32>,
            %get3A_764 = arith.constant 336 : index
            %get3A_765 = tpu.vector_load %arg11[%get3A_764] {strides = array<i32>} : memref<1024xf32, #tpu.memory_space<vmem>>, vector<16xf32>,
            %mul3A_766 = arith.mulf %get3A_763, %get3A_765 : vector<16xf32>
            %add3A_767 = arith.addf %add3A_731, %mul3A_766 : vector<16xf32>
            %add3A_768 = arith.constant 1408 : i32
            %add3A_769 = arith.addi %mul3A_124, %add3A_768 : i32
            %add3A_770 = arith.addi %add3A_769, %mul3A_565 : i32
            %get3A_771 = arith.index_cast %add3A_770 : i32 to index
            %get3A_772 = tpu.vector_load %arg12[%get3A_771] {strides = array<i32>} : memref<8192xf32, #tpu.memory_space<vmem>>, vector<16xf32>,
            %get3A_773 = arith.constant 352 : index
            %get3A_774 = tpu.vector_load %arg11[%get3A_773] {strides = array<i32>} : memref<1024xf32, #tpu.memory_space<vmem>>, vector<16xf32>,
            %mul3A_775 = arith.mulf %get3A_772, %get3A_774 : vector<16xf32>
            %add3A_776 = arith.addf %add3A_740, %mul3A_775 : vector<16xf32>
            %add3A_777 = arith.constant 1472 : i32
            %add3A_778 = arith.addi %mul3A_124, %add3A_777 : i32
            %add3A_779 = arith.addi %add3A_778, %mul3A_565 : i32
            %get3A_780 = arith.index_cast %add3A_779 : i32 to index
            %get3A_781 = tpu.vector_load %arg12[%get3A_780] {strides = array<i32>} : memref<8192xf32, #tpu.memory_space<vmem>>, vector<16xf32>,
            %get3A_782 = arith.constant 368 : index
            %get3A_783 = tpu.vector_load %arg11[%get3A_782] {strides = array<i32>} : memref<1024xf32, #tpu.memory_space<vmem>>, vector<16xf32>,
            %mul3A_784 = arith.mulf %get3A_781, %get3A_783 : vector<16xf32>
            %add3A_785 = arith.addf %add3A_749, %mul3A_784 : vector<16xf32>
            %add3A_786 = arith.constant 1536 : i32
            %add3A_787 = arith.addi %mul3A_124, %add3A_786 : i32
            %add3A_788 = arith.addi %add3A_787, %mul3A_565 : i32
            %get3A_789 = arith.index_cast %add3A_788 : i32 to index
            %get3A_790 = tpu.vector_load %arg12[%get3A_789] {strides = array<i32>} : memref<8192xf32, #tpu.memory_space<vmem>>, vector<16xf32>,
            %get3A_791 = arith.constant 384 : index
            %get3A_792 = tpu.vector_load %arg11[%get3A_791] {strides = array<i32>} : memref<1024xf32, #tpu.memory_space<vmem>>, vector<16xf32>,
            %mul3A_793 = arith.mulf %get3A_790, %get3A_792 : vector<16xf32>
            %add3A_794 = arith.addf %add3A_758, %mul3A_793 : vector<16xf32>
            %add3A_795 = arith.constant 1600 : i32
            %add3A_796 = arith.addi %mul3A_124, %add3A_795 : i32
            %add3A_797 = arith.addi %add3A_796, %mul3A_565 : i32
            %get3A_798 = arith.index_cast %add3A_797 : i32 to index
            %get3A_799 = tpu.vector_load %arg12[%get3A_798] {strides = array<i32>} : memref<8192xf32, #tpu.memory_space<vmem>>, vector<16xf32>,
            %get3A_800 = arith.constant 400 : index
            %get3A_801 = tpu.vector_load %arg11[%get3A_800] {strides = array<i32>} : memref<1024xf32, #tpu.memory_space<vmem>>, vector<16xf32>,
            %mul3A_802 = arith.mulf %get3A_799, %get3A_801 : vector<16xf32>
            %add3A_803 = arith.addf %add3A_767, %mul3A_802 : vector<16xf32>
            %add3A_804 = arith.constant 1664 : i32
            %add3A_805 = arith.addi %mul3A_124, %add3A_804 : i32
            %add3A_806 = arith.addi %add3A_805, %mul3A_565 : i32
            %get3A_807 = arith.index_cast %add3A_806 : i32 to index
            %get3A_808 = tpu.vector_load %arg12[%get3A_807] {strides = array<i32>} : memref<8192xf32, #tpu.memory_space<vmem>>, vector<16xf32>,
            %get3A_809 = arith.constant 416 : index
            %get3A_810 = tpu.vector_load %arg11[%get3A_809] {strides = array<i32>} : memref<1024xf32, #tpu.memory_space<vmem>>, vector<16xf32>,
            %mul3A_811 = arith.mulf %get3A_808, %get3A_810 : vector<16xf32>
            %add3A_812 = arith.addf %add3A_776, %mul3A_811 : vector<16xf32>
            %add3A_813 = arith.constant 1728 : i32
            %add3A_814 = arith.addi %mul3A_124, %add3A_813 : i32
            %add3A_815 = arith.addi %add3A_814, %mul3A_565 : i32
            %get3A_816 = arith.index_cast %add3A_815 : i32 to index
            %get3A_817 = tpu.vector_load %arg12[%get3A_816] {strides = array<i32>} : memref<8192xf32, #tpu.memory_space<vmem>>, vector<16xf32>,
            %get3A_818 = arith.constant 432 : index
            %get3A_819 = tpu.vector_load %arg11[%get3A_818] {strides = array<i32>} : memref<1024xf32, #tpu.memory_space<vmem>>, vector<16xf32>,
            %mul3A_820 = arith.mulf %get3A_817, %get3A_819 : vector<16xf32>
            %add3A_821 = arith.addf %add3A_785, %mul3A_820 : vector<16xf32>
            %add3A_822 = arith.constant 1792 : i32
            %add3A_823 = arith.addi %mul3A_124, %add3A_822 : i32
            %add3A_824 = arith.addi %add3A_823, %mul3A_565 : i32
            %get3A_825 = arith.index_cast %add3A_824 : i32 to index
            %get3A_826 = tpu.vector_load %arg12[%get3A_825] {strides = array<i32>} : memref<8192xf32, #tpu.memory_space<vmem>>, vector<16xf32>,
            %get3A_827 = arith.constant 448 : index
            %get3A_828 = tpu.vector_load %arg11[%get3A_827] {strides = array<i32>} : memref<1024xf32, #tpu.memory_space<vmem>>, vector<16xf32>,
            %mul3A_829 = arith.mulf %get3A_826, %get3A_828 : vector<16xf32>
            %add3A_830 = arith.addf %add3A_794, %mul3A_829 : vector<16xf32>
            %add3A_831 = arith.constant 1856 : i32
            %add3A_832 = arith.addi %mul3A_124, %add3A_831 : i32
            %add3A_833 = arith.addi %add3A_832, %mul3A_565 : i32
            %get3A_834 = arith.index_cast %add3A_833 : i32 to index
            %get3A_835 = tpu.vector_load %arg12[%get3A_834] {strides = array<i32>} : memref<8192xf32, #tpu.memory_space<vmem>>, vector<16xf32>,
            %get3A_836 = arith.constant 464 : index
            %get3A_837 = tpu.vector_load %arg11[%get3A_836] {strides = array<i32>} : memref<1024xf32, #tpu.memory_space<vmem>>, vector<16xf32>,
            %mul3A_838 = arith.mulf %get3A_835, %get3A_837 : vector<16xf32>
            %add3A_839 = arith.addf %add3A_803, %mul3A_838 : vector<16xf32>
            %add3A_840 = arith.constant 1920 : i32
            %add3A_841 = arith.addi %mul3A_124, %add3A_840 : i32
            %add3A_842 = arith.addi %add3A_841, %mul3A_565 : i32
            %get3A_843 = arith.index_cast %add3A_842 : i32 to index
            %get3A_844 = tpu.vector_load %arg12[%get3A_843] {strides = array<i32>} : memref<8192xf32, #tpu.memory_space<vmem>>, vector<16xf32>,
            %get3A_845 = arith.constant 480 : index
            %get3A_846 = tpu.vector_load %arg11[%get3A_845] {strides = array<i32>} : memref<1024xf32, #tpu.memory_space<vmem>>, vector<16xf32>,
            %mul3A_847 = arith.mulf %get3A_844, %get3A_846 : vector<16xf32>
            %add3A_848 = arith.addf %add3A_812, %mul3A_847 : vector<16xf32>
            %add3A_849 = arith.constant 1984 : i32
            %add3A_850 = arith.addi %mul3A_124, %add3A_849 : i32
            %add3A_851 = arith.addi %add3A_850, %mul3A_565 : i32
            %get3A_852 = arith.index_cast %add3A_851 : i32 to index
            %get3A_853 = tpu.vector_load %arg12[%get3A_852] {strides = array<i32>} : memref<8192xf32, #tpu.memory_space<vmem>>, vector<16xf32>,
            %get3A_854 = arith.constant 496 : index
            %get3A_855 = tpu.vector_load %arg11[%get3A_854] {strides = array<i32>} : memref<1024xf32, #tpu.memory_space<vmem>>, vector<16xf32>,
            %mul3A_856 = arith.mulf %get3A_853, %get3A_855 : vector<16xf32>
            %add3A_857 = arith.addf %add3A_821, %mul3A_856 : vector<16xf32>
            %add3A_858 = arith.constant 2048 : i32
            %add3A_859 = arith.addi %mul3A_124, %add3A_858 : i32
            %add3A_860 = arith.addi %add3A_859, %mul3A_565 : i32
            %get3A_861 = arith.index_cast %add3A_860 : i32 to index
            %get3A_862 = tpu.vector_load %arg12[%get3A_861] {strides = array<i32>} : memref<8192xf32, #tpu.memory_space<vmem>>, vector<16xf32>,
            %get3A_863 = arith.constant 512 : index
            %get3A_864 = tpu.vector_load %arg11[%get3A_863] {strides = array<i32>} : memref<1024xf32, #tpu.memory_space<vmem>>, vector<16xf32>,
            %mul3A_865 = arith.mulf %get3A_862, %get3A_864 : vector<16xf32>
            %add3A_866 = arith.addf %add3A_830, %mul3A_865 : vector<16xf32>
            %add3A_867 = arith.constant 2112 : i32
            %add3A_868 = arith.addi %mul3A_124, %add3A_867 : i32
            %add3A_869 = arith.addi %add3A_868, %mul3A_565 : i32
            %get3A_870 = arith.index_cast %add3A_869 : i32 to index
            %get3A_871 = tpu.vector_load %arg12[%get3A_870] {strides = array<i32>} : memref<8192xf32, #tpu.memory_space<vmem>>, vector<16xf32>,
            %get3A_872 = arith.constant 528 : index
            %get3A_873 = tpu.vector_load %arg11[%get3A_872] {strides = array<i32>} : memref<1024xf32, #tpu.memory_space<vmem>>, vector<16xf32>,
            %mul3A_874 = arith.mulf %get3A_871, %get3A_873 : vector<16xf32>
            %add3A_875 = arith.addf %add3A_839, %mul3A_874 : vector<16xf32>
            %add3A_876 = arith.constant 2176 : i32
            %add3A_877 = arith.addi %mul3A_124, %add3A_876 : i32
            %add3A_878 = arith.addi %add3A_877, %mul3A_565 : i32
            %get3A_879 = arith.index_cast %add3A_878 : i32 to index
            %get3A_880 = tpu.vector_load %arg12[%get3A_879] {strides = array<i32>} : memref<8192xf32, #tpu.memory_space<vmem>>, vector<16xf32>,
            %get3A_881 = arith.constant 544 : index
            %get3A_882 = tpu.vector_load %arg11[%get3A_881] {strides = array<i32>} : memref<1024xf32, #tpu.memory_space<vmem>>, vector<16xf32>,
            %mul3A_883 = arith.mulf %get3A_880, %get3A_882 : vector<16xf32>
            %add3A_884 = arith.addf %add3A_848, %mul3A_883 : vector<16xf32>
            %add3A_885 = arith.constant 2240 : i32
            %add3A_886 = arith.addi %mul3A_124, %add3A_885 : i32
            %add3A_887 = arith.addi %add3A_886, %mul3A_565 : i32
            %get3A_888 = arith.index_cast %add3A_887 : i32 to index
            %get3A_889 = tpu.vector_load %arg12[%get3A_888] {strides = array<i32>} : memref<8192xf32, #tpu.memory_space<vmem>>, vector<16xf32>,
            %get3A_890 = arith.constant 560 : index
            %get3A_891 = tpu.vector_load %arg11[%get3A_890] {strides = array<i32>} : memref<1024xf32, #tpu.memory_space<vmem>>, vector<16xf32>,
            %mul3A_892 = arith.mulf %get3A_889, %get3A_891 : vector<16xf32>
            %add3A_893 = arith.addf %add3A_857, %mul3A_892 : vector<16xf32>
            %add3A_894 = arith.constant 2304 : i32
            %add3A_895 = arith.addi %mul3A_124, %add3A_894 : i32
            %add3A_896 = arith.addi %add3A_895, %mul3A_565 : i32
            %get3A_897 = arith.index_cast %add3A_896 : i32 to index
            %get3A_898 = tpu.vector_load %arg12[%get3A_897] {strides = array<i32>} : memref<8192xf32, #tpu.memory_space<vmem>>, vector<16xf32>,
            %get3A_899 = arith.constant 576 : index
            %get3A_900 = tpu.vector_load %arg11[%get3A_899] {strides = array<i32>} : memref<1024xf32, #tpu.memory_space<vmem>>, vector<16xf32>,
            %mul3A_901 = arith.mulf %get3A_898, %get3A_900 : vector<16xf32>
            %add3A_902 = arith.addf %add3A_866, %mul3A_901 : vector<16xf32>
            %add3A_903 = arith.constant 2368 : i32
            %add3A_904 = arith.addi %mul3A_124, %add3A_903 : i32
            %add3A_905 = arith.addi %add3A_904, %mul3A_565 : i32
            %get3A_906 = arith.index_cast %add3A_905 : i32 to index
            %get3A_907 = tpu.vector_load %arg12[%get3A_906] {strides = array<i32>} : memref<8192xf32, #tpu.memory_space<vmem>>, vector<16xf32>,
            %get3A_908 = arith.constant 592 : index
            %get3A_909 = tpu.vector_load %arg11[%get3A_908] {strides = array<i32>} : memref<1024xf32, #tpu.memory_space<vmem>>, vector<16xf32>,
            %mul3A_910 = arith.mulf %get3A_907, %get3A_909 : vector<16xf32>
            %add3A_911 = arith.addf %add3A_875, %mul3A_910 : vector<16xf32>
            %add3A_912 = arith.constant 2432 : i32
            %add3A_913 = arith.addi %mul3A_124, %add3A_912 : i32
            %add3A_914 = arith.addi %add3A_913, %mul3A_565 : i32
            %get3A_915 = arith.index_cast %add3A_914 : i32 to index
            %get3A_916 = tpu.vector_load %arg12[%get3A_915] {strides = array<i32>} : memref<8192xf32, #tpu.memory_space<vmem>>, vector<16xf32>,
            %get3A_917 = arith.constant 608 : index
            %get3A_918 = tpu.vector_load %arg11[%get3A_917] {strides = array<i32>} : memref<1024xf32, #tpu.memory_space<vmem>>, vector<16xf32>,
            %mul3A_919 = arith.mulf %get3A_916, %get3A_918 : vector<16xf32>
            %add3A_920 = arith.addf %add3A_884, %mul3A_919 : vector<16xf32>
            %add3A_921 = arith.constant 2496 : i32
            %add3A_922 = arith.addi %mul3A_124, %add3A_921 : i32
            %add3A_923 = arith.addi %add3A_922, %mul3A_565 : i32
            %get3A_924 = arith.index_cast %add3A_923 : i32 to index
            %get3A_925 = tpu.vector_load %arg12[%get3A_924] {strides = array<i32>} : memref<8192xf32, #tpu.memory_space<vmem>>, vector<16xf32>,
            %get3A_926 = arith.constant 624 : index
            %get3A_927 = tpu.vector_load %arg11[%get3A_926] {strides = array<i32>} : memref<1024xf32, #tpu.memory_space<vmem>>, vector<16xf32>,
            %mul3A_928 = arith.mulf %get3A_925, %get3A_927 : vector<16xf32>
            %add3A_929 = arith.addf %add3A_893, %mul3A_928 : vector<16xf32>
            %add3A_930 = arith.constant 2560 : i32
            %add3A_931 = arith.addi %mul3A_124, %add3A_930 : i32
            %add3A_932 = arith.addi %add3A_931, %mul3A_565 : i32
            %get3A_933 = arith.index_cast %add3A_932 : i32 to index
            %get3A_934 = tpu.vector_load %arg12[%get3A_933] {strides = array<i32>} : memref<8192xf32, #tpu.memory_space<vmem>>, vector<16xf32>,
            %get3A_935 = arith.constant 640 : index
            %get3A_936 = tpu.vector_load %arg11[%get3A_935] {strides = array<i32>} : memref<1024xf32, #tpu.memory_space<vmem>>, vector<16xf32>,
            %mul3A_937 = arith.mulf %get3A_934, %get3A_936 : vector<16xf32>
            %add3A_938 = arith.addf %add3A_902, %mul3A_937 : vector<16xf32>
            %add3A_939 = arith.constant 2624 : i32
            %add3A_940 = arith.addi %mul3A_124, %add3A_939 : i32
            %add3A_941 = arith.addi %add3A_940, %mul3A_565 : i32
            %get3A_942 = arith.index_cast %add3A_941 : i32 to index
            %get3A_943 = tpu.vector_load %arg12[%get3A_942] {strides = array<i32>} : memref<8192xf32, #tpu.memory_space<vmem>>, vector<16xf32>,
            %get3A_944 = arith.constant 656 : index
            %get3A_945 = tpu.vector_load %arg11[%get3A_944] {strides = array<i32>} : memref<1024xf32, #tpu.memory_space<vmem>>, vector<16xf32>,
            %mul3A_946 = arith.mulf %get3A_943, %get3A_945 : vector<16xf32>
            %add3A_947 = arith.addf %add3A_911, %mul3A_946 : vector<16xf32>
            %add3A_948 = arith.constant 2688 : i32
            %add3A_949 = arith.addi %mul3A_124, %add3A_948 : i32
            %add3A_950 = arith.addi %add3A_949, %mul3A_565 : i32
            %get3A_951 = arith.index_cast %add3A_950 : i32 to index
            %get3A_952 = tpu.vector_load %arg12[%get3A_951] {strides = array<i32>} : memref<8192xf32, #tpu.memory_space<vmem>>, vector<16xf32>,
            %get3A_953 = arith.constant 672 : index
            %get3A_954 = tpu.vector_load %arg11[%get3A_953] {strides = array<i32>} : memref<1024xf32, #tpu.memory_space<vmem>>, vector<16xf32>,
            %mul3A_955 = arith.mulf %get3A_952, %get3A_954 : vector<16xf32>
            %add3A_956 = arith.addf %add3A_920, %mul3A_955 : vector<16xf32>
            %add3A_957 = arith.constant 2752 : i32
            %add3A_958 = arith.addi %mul3A_124, %add3A_957 : i32
            %add3A_959 = arith.addi %add3A_958, %mul3A_565 : i32
            %get3A_960 = arith.index_cast %add3A_959 : i32 to index
            %get3A_961 = tpu.vector_load %arg12[%get3A_960] {strides = array<i32>} : memref<8192xf32, #tpu.memory_space<vmem>>, vector<16xf32>,
            %get3A_962 = arith.constant 688 : index
            %get3A_963 = tpu.vector_load %arg11[%get3A_962] {strides = array<i32>} : memref<1024xf32, #tpu.memory_space<vmem>>, vector<16xf32>,
            %mul3A_964 = arith.mulf %get3A_961, %get3A_963 : vector<16xf32>
            %add3A_965 = arith.addf %add3A_929, %mul3A_964 : vector<16xf32>
            %add3A_966 = arith.constant 2816 : i32
            %add3A_967 = arith.addi %mul3A_124, %add3A_966 : i32
            %add3A_968 = arith.addi %add3A_967, %mul3A_565 : i32
            %get3A_969 = arith.index_cast %add3A_968 : i32 to index
            %get3A_970 = tpu.vector_load %arg12[%get3A_969] {strides = array<i32>} : memref<8192xf32, #tpu.memory_space<vmem>>, vector<16xf32>,
            %get3A_971 = arith.constant 704 : index
            %get3A_972 = tpu.vector_load %arg11[%get3A_971] {strides = array<i32>} : memref<1024xf32, #tpu.memory_space<vmem>>, vector<16xf32>,
            %mul3A_973 = arith.mulf %get3A_970, %get3A_972 : vector<16xf32>
            %add3A_974 = arith.addf %add3A_938, %mul3A_973 : vector<16xf32>
            %add3A_975 = arith.constant 2880 : i32
            %add3A_976 = arith.addi %mul3A_124, %add3A_975 : i32
            %add3A_977 = arith.addi %add3A_976, %mul3A_565 : i32
            %get3A_978 = arith.index_cast %add3A_977 : i32 to index
            %get3A_979 = tpu.vector_load %arg12[%get3A_978] {strides = array<i32>} : memref<8192xf32, #tpu.memory_space<vmem>>, vector<16xf32>,
            %get3A_980 = arith.constant 720 : index
            %get3A_981 = tpu.vector_load %arg11[%get3A_980] {strides = array<i32>} : memref<1024xf32, #tpu.memory_space<vmem>>, vector<16xf32>,
            %mul3A_982 = arith.mulf %get3A_979, %get3A_981 : vector<16xf32>
            %add3A_983 = arith.addf %add3A_947, %mul3A_982 : vector<16xf32>
            %add3A_984 = arith.constant 2944 : i32
            %add3A_985 = arith.addi %mul3A_124, %add3A_984 : i32
            %add3A_986 = arith.addi %add3A_985, %mul3A_565 : i32
            %get3A_987 = arith.index_cast %add3A_986 : i32 to index
            %get3A_988 = tpu.vector_load %arg12[%get3A_987] {strides = array<i32>} : memref<8192xf32, #tpu.memory_space<vmem>>, vector<16xf32>,
            %get3A_989 = arith.constant 736 : index
            %get3A_990 = tpu.vector_load %arg11[%get3A_989] {strides = array<i32>} : memref<1024xf32, #tpu.memory_space<vmem>>, vector<16xf32>,
            %mul3A_991 = arith.mulf %get3A_988, %get3A_990 : vector<16xf32>
            %add3A_992 = arith.addf %add3A_956, %mul3A_991 : vector<16xf32>
            %add3A_993 = arith.constant 3008 : i32
            %add3A_994 = arith.addi %mul3A_124, %add3A_993 : i32
            %add3A_995 = arith.addi %add3A_994, %mul3A_565 : i32
            %get3A_996 = arith.index_cast %add3A_995 : i32 to index
            %get3A_997 = tpu.vector_load %arg12[%get3A_996] {strides = array<i32>} : memref<8192xf32, #tpu.memory_space<vmem>>, vector<16xf32>,
            %get3A_998 = arith.constant 752 : index
            %get3A_999 = tpu.vector_load %arg11[%get3A_998] {strides = array<i32>} : memref<1024xf32, #tpu.memory_space<vmem>>, vector<16xf32>,
            %mul3A_1000 = arith.mulf %get3A_997, %get3A_999 : vector<16xf32>
            %add3A_1001 = arith.addf %add3A_965, %mul3A_1000 : vector<16xf32>
            %add3A_1002 = arith.constant 3072 : i32
            %add3A_1003 = arith.addi %mul3A_124, %add3A_1002 : i32
            %add3A_1004 = arith.addi %add3A_1003, %mul3A_565 : i32
            %get3A_1005 = arith.index_cast %add3A_1004 : i32 to index
            %get3A_1006 = tpu.vector_load %arg12[%get3A_1005] {strides = array<i32>} : memref<8192xf32, #tpu.memory_space<vmem>>, vector<16xf32>,
            %get3A_1007 = arith.constant 768 : index
            %get3A_1008 = tpu.vector_load %arg11[%get3A_1007] {strides = array<i32>} : memref<1024xf32, #tpu.memory_space<vmem>>, vector<16xf32>,
            %mul3A_1009 = arith.mulf %get3A_1006, %get3A_1008 : vector<16xf32>
            %add3A_1010 = arith.addf %add3A_974, %mul3A_1009 : vector<16xf32>
            %add3A_1011 = arith.constant 3136 : i32
            %add3A_1012 = arith.addi %mul3A_124, %add3A_1011 : i32
            %add3A_1013 = arith.addi %add3A_1012, %mul3A_565 : i32
            %get3A_1014 = arith.index_cast %add3A_1013 : i32 to index
            %get3A_1015 = tpu.vector_load %arg12[%get3A_1014] {strides = array<i32>} : memref<8192xf32, #tpu.memory_space<vmem>>, vector<16xf32>,
            %get3A_1016 = arith.constant 784 : index
            %get3A_1017 = tpu.vector_load %arg11[%get3A_1016] {strides = array<i32>} : memref<1024xf32, #tpu.memory_space<vmem>>, vector<16xf32>,
            %mul3A_1018 = arith.mulf %get3A_1015, %get3A_1017 : vector<16xf32>
            %add3A_1019 = arith.addf %add3A_983, %mul3A_1018 : vector<16xf32>
            %add3A_1020 = arith.constant 3200 : i32
            %add3A_1021 = arith.addi %mul3A_124, %add3A_1020 : i32
            %add3A_1022 = arith.addi %add3A_1021, %mul3A_565 : i32
            %get3A_1023 = arith.index_cast %add3A_1022 : i32 to index
            %get3A_1024 = tpu.vector_load %arg12[%get3A_1023] {strides = array<i32>} : memref<8192xf32, #tpu.memory_space<vmem>>, vector<16xf32>,
            %get3A_1025 = arith.constant 800 : index
            %get3A_1026 = tpu.vector_load %arg11[%get3A_1025] {strides = array<i32>} : memref<1024xf32, #tpu.memory_space<vmem>>, vector<16xf32>,
            %mul3A_1027 = arith.mulf %get3A_1024, %get3A_1026 : vector<16xf32>
            %add3A_1028 = arith.addf %add3A_992, %mul3A_1027 : vector<16xf32>
            %add3A_1029 = arith.constant 3264 : i32
            %add3A_1030 = arith.addi %mul3A_124, %add3A_1029 : i32
            %add3A_1031 = arith.addi %add3A_1030, %mul3A_565 : i32
            %get3A_1032 = arith.index_cast %add3A_1031 : i32 to index
            %get3A_1033 = tpu.vector_load %arg12[%get3A_1032] {strides = array<i32>} : memref<8192xf32, #tpu.memory_space<vmem>>, vector<16xf32>,
            %get3A_1034 = arith.constant 816 : index
            %get3A_1035 = tpu.vector_load %arg11[%get3A_1034] {strides = array<i32>} : memref<1024xf32, #tpu.memory_space<vmem>>, vector<16xf32>,
            %mul3A_1036 = arith.mulf %get3A_1033, %get3A_1035 : vector<16xf32>
            %add3A_1037 = arith.addf %add3A_1001, %mul3A_1036 : vector<16xf32>
            %add3A_1038 = arith.constant 3328 : i32
            %add3A_1039 = arith.addi %mul3A_124, %add3A_1038 : i32
            %add3A_1040 = arith.addi %add3A_1039, %mul3A_565 : i32
            %get3A_1041 = arith.index_cast %add3A_1040 : i32 to index
            %get3A_1042 = tpu.vector_load %arg12[%get3A_1041] {strides = array<i32>} : memref<8192xf32, #tpu.memory_space<vmem>>, vector<16xf32>,
            %get3A_1043 = arith.constant 832 : index
            %get3A_1044 = tpu.vector_load %arg11[%get3A_1043] {strides = array<i32>} : memref<1024xf32, #tpu.memory_space<vmem>>, vector<16xf32>,
            %mul3A_1045 = arith.mulf %get3A_1042, %get3A_1044 : vector<16xf32>
            %add3A_1046 = arith.addf %add3A_1010, %mul3A_1045 : vector<16xf32>
            %add3A_1047 = arith.constant 3392 : i32
            %add3A_1048 = arith.addi %mul3A_124, %add3A_1047 : i32
            %add3A_1049 = arith.addi %add3A_1048, %mul3A_565 : i32
            %get3A_1050 = arith.index_cast %add3A_1049 : i32 to index
            %get3A_1051 = tpu.vector_load %arg12[%get3A_1050] {strides = array<i32>} : memref<8192xf32, #tpu.memory_space<vmem>>, vector<16xf32>,
            %get3A_1052 = arith.constant 848 : index
            %get3A_1053 = tpu.vector_load %arg11[%get3A_1052] {strides = array<i32>} : memref<1024xf32, #tpu.memory_space<vmem>>, vector<16xf32>,
            %mul3A_1054 = arith.mulf %get3A_1051, %get3A_1053 : vector<16xf32>
            %add3A_1055 = arith.addf %add3A_1019, %mul3A_1054 : vector<16xf32>
            %add3A_1056 = arith.constant 3456 : i32
            %add3A_1057 = arith.addi %mul3A_124, %add3A_1056 : i32
            %add3A_1058 = arith.addi %add3A_1057, %mul3A_565 : i32
            %get3A_1059 = arith.index_cast %add3A_1058 : i32 to index
            %get3A_1060 = tpu.vector_load %arg12[%get3A_1059] {strides = array<i32>} : memref<8192xf32, #tpu.memory_space<vmem>>, vector<16xf32>,
            %get3A_1061 = arith.constant 864 : index
            %get3A_1062 = tpu.vector_load %arg11[%get3A_1061] {strides = array<i32>} : memref<1024xf32, #tpu.memory_space<vmem>>, vector<16xf32>,
            %mul3A_1063 = arith.mulf %get3A_1060, %get3A_1062 : vector<16xf32>
            %add3A_1064 = arith.addf %add3A_1028, %mul3A_1063 : vector<16xf32>
            %add3A_1065 = arith.constant 3520 : i32
            %add3A_1066 = arith.addi %mul3A_124, %add3A_1065 : i32
            %add3A_1067 = arith.addi %add3A_1066, %mul3A_565 : i32
            %get3A_1068 = arith.index_cast %add3A_1067 : i32 to index
            %get3A_1069 = tpu.vector_load %arg12[%get3A_1068] {strides = array<i32>} : memref<8192xf32, #tpu.memory_space<vmem>>, vector<16xf32>,
            %get3A_1070 = arith.constant 880 : index
            %get3A_1071 = tpu.vector_load %arg11[%get3A_1070] {strides = array<i32>} : memref<1024xf32, #tpu.memory_space<vmem>>, vector<16xf32>,
            %mul3A_1072 = arith.mulf %get3A_1069, %get3A_1071 : vector<16xf32>
            %add3A_1073 = arith.addf %add3A_1037, %mul3A_1072 : vector<16xf32>
            %add3A_1074 = arith.constant 3584 : i32
            %add3A_1075 = arith.addi %mul3A_124, %add3A_1074 : i32
            %add3A_1076 = arith.addi %add3A_1075, %mul3A_565 : i32
            %get3A_1077 = arith.index_cast %add3A_1076 : i32 to index
            %get3A_1078 = tpu.vector_load %arg12[%get3A_1077] {strides = array<i32>} : memref<8192xf32, #tpu.memory_space<vmem>>, vector<16xf32>,
            %get3A_1079 = arith.constant 896 : index
            %get3A_1080 = tpu.vector_load %arg11[%get3A_1079] {strides = array<i32>} : memref<1024xf32, #tpu.memory_space<vmem>>, vector<16xf32>,
            %mul3A_1081 = arith.mulf %get3A_1078, %get3A_1080 : vector<16xf32>
            %add3A_1082 = arith.addf %add3A_1046, %mul3A_1081 : vector<16xf32>
            %add3A_1083 = arith.constant 3648 : i32
            %add3A_1084 = arith.addi %mul3A_124, %add3A_1083 : i32
            %add3A_1085 = arith.addi %add3A_1084, %mul3A_565 : i32
            %get3A_1086 = arith.index_cast %add3A_1085 : i32 to index
            %get3A_1087 = tpu.vector_load %arg12[%get3A_1086] {strides = array<i32>} : memref<8192xf32, #tpu.memory_space<vmem>>, vector<16xf32>,
            %get3A_1088 = arith.constant 912 : index
            %get3A_1089 = tpu.vector_load %arg11[%get3A_1088] {strides = array<i32>} : memref<1024xf32, #tpu.memory_space<vmem>>, vector<16xf32>,
            %mul3A_1090 = arith.mulf %get3A_1087, %get3A_1089 : vector<16xf32>
            %add3A_1091 = arith.addf %add3A_1055, %mul3A_1090 : vector<16xf32>
            %add3A_1092 = arith.constant 3712 : i32
            %add3A_1093 = arith.addi %mul3A_124, %add3A_1092 : i32
            %add3A_1094 = arith.addi %add3A_1093, %mul3A_565 : i32
            %get3A_1095 = arith.index_cast %add3A_1094 : i32 to index
            %get3A_1096 = tpu.vector_load %arg12[%get3A_1095] {strides = array<i32>} : memref<8192xf32, #tpu.memory_space<vmem>>, vector<16xf32>,
            %get3A_1097 = arith.constant 928 : index
            %get3A_1098 = tpu.vector_load %arg11[%get3A_1097] {strides = array<i32>} : memref<1024xf32, #tpu.memory_space<vmem>>, vector<16xf32>,
            %mul3A_1099 = arith.mulf %get3A_1096, %get3A_1098 : vector<16xf32>
            %add3A_1100 = arith.addf %add3A_1064, %mul3A_1099 : vector<16xf32>
            %add3A_1101 = arith.constant 3776 : i32
            %add3A_1102 = arith.addi %mul3A_124, %add3A_1101 : i32
            %add3A_1103 = arith.addi %add3A_1102, %mul3A_565 : i32
            %get3A_1104 = arith.index_cast %add3A_1103 : i32 to index
            %get3A_1105 = tpu.vector_load %arg12[%get3A_1104] {strides = array<i32>} : memref<8192xf32, #tpu.memory_space<vmem>>, vector<16xf32>,
            %get3A_1106 = arith.constant 944 : index
            %get3A_1107 = tpu.vector_load %arg11[%get3A_1106] {strides = array<i32>} : memref<1024xf32, #tpu.memory_space<vmem>>, vector<16xf32>,
            %mul3A_1108 = arith.mulf %get3A_1105, %get3A_1107 : vector<16xf32>
            %add3A_1109 = arith.addf %add3A_1073, %mul3A_1108 : vector<16xf32>
            %add3A_1110 = arith.constant 3840 : i32
            %add3A_1111 = arith.addi %mul3A_124, %add3A_1110 : i32
            %add3A_1112 = arith.addi %add3A_1111, %mul3A_565 : i32
            %get3A_1113 = arith.index_cast %add3A_1112 : i32 to index
            %get3A_1114 = tpu.vector_load %arg12[%get3A_1113] {strides = array<i32>} : memref<8192xf32, #tpu.memory_space<vmem>>, vector<16xf32>,
            %get3A_1115 = arith.constant 960 : index
            %get3A_1116 = tpu.vector_load %arg11[%get3A_1115] {strides = array<i32>} : memref<1024xf32, #tpu.memory_space<vmem>>, vector<16xf32>,
            %mul3A_1117 = arith.mulf %get3A_1114, %get3A_1116 : vector<16xf32>
            %add3A_1118 = arith.addf %add3A_1082, %mul3A_1117 : vector<16xf32>
            %add3A_1119 = arith.constant 3904 : i32
            %add3A_1120 = arith.addi %mul3A_124, %add3A_1119 : i32
            %add3A_1121 = arith.addi %add3A_1120, %mul3A_565 : i32
            %get3A_1122 = arith.index_cast %add3A_1121 : i32 to index
            %get3A_1123 = tpu.vector_load %arg12[%get3A_1122] {strides = array<i32>} : memref<8192xf32, #tpu.memory_space<vmem>>, vector<16xf32>,
            %get3A_1124 = arith.constant 976 : index
            %get3A_1125 = tpu.vector_load %arg11[%get3A_1124] {strides = array<i32>} : memref<1024xf32, #tpu.memory_space<vmem>>, vector<16xf32>,
            %mul3A_1126 = arith.mulf %get3A_1123, %get3A_1125 : vector<16xf32>
            %add3A_1127 = arith.addf %add3A_1091, %mul3A_1126 : vector<16xf32>
            %add3A_1128 = arith.constant 3968 : i32
            %add3A_1129 = arith.addi %mul3A_124, %add3A_1128 : i32
            %add3A_1130 = arith.addi %add3A_1129, %mul3A_565 : i32
            %get3A_1131 = arith.index_cast %add3A_1130 : i32 to index
            %get3A_1132 = tpu.vector_load %arg12[%get3A_1131] {strides = array<i32>} : memref<8192xf32, #tpu.memory_space<vmem>>, vector<16xf32>,
            %get3A_1133 = arith.constant 992 : index
            %get3A_1134 = tpu.vector_load %arg11[%get3A_1133] {strides = array<i32>} : memref<1024xf32, #tpu.memory_space<vmem>>, vector<16xf32>,
            %mul3A_1135 = arith.mulf %get3A_1132, %get3A_1134 : vector<16xf32>
            %add3A_1136 = arith.addf %add3A_1100, %mul3A_1135 : vector<16xf32>
            %add3A_1137 = arith.constant 4032 : i32
            %add3A_1138 = arith.addi %mul3A_124, %add3A_1137 : i32
            %add3A_1139 = arith.addi %add3A_1138, %mul3A_565 : i32
            %get3A_1140 = arith.index_cast %add3A_1139 : i32 to index
            %get3A_1141 = tpu.vector_load %arg12[%get3A_1140] {strides = array<i32>} : memref<8192xf32, #tpu.memory_space<vmem>>, vector<16xf32>,
            %get3A_1142 = arith.constant 1008 : index
            %get3A_1143 = tpu.vector_load %arg11[%get3A_1142] {strides = array<i32>} : memref<1024xf32, #tpu.memory_space<vmem>>, vector<16xf32>,
            %mul3A_1144 = arith.mulf %get3A_1141, %get3A_1143 : vector<16xf32>
            %add3A_1145 = arith.addf %add3A_1109, %mul3A_1144 : vector<16xf32>
            %add3A_1146 = arith.addf %add3A_1118, %add3A_1127 : vector<16xf32>
            %add3A_1147 = arith.addf %add3A_1136, %add3A_1145 : vector<16xf32>
            %add3A_1148 = arith.addf %add3A_1146, %add3A_1147 : vector<16xf32>
            %select_n3A_1149 = arith.select %and3A_569, %add3A_1148, %broadcast_in_dim3A_9 : vector<16xi1>, vector<16xf32>
            %reduce_max3A = arith.constant true
            %reduce_max3A_1150 = vector.broadcast %reduce_max3A : i1 to vector<16xi1>
            %reduce_max3A_1151 = tpu.scan <max>, %select_n3A_1149 masked %reduce_max3A_1150 : vector<16xf32>, vector<16xi1> -> vector<16xf32>
            %reduce_max3A_1152 = vector.extract %reduce_max3A_1151[15] : f32 from vector<16xf32>
            %broadcast_in_dim3A_1153 = vector.broadcast %reduce_max3A_1152 : f32 to vector<16xf32>
            %get3A_1154 = arith.constant 0 : index
            %get3A_1155 = tpu.vector_load %arg15[%get3A_1154] {strides = array<i32>} : memref<16xf32, #tpu.memory_space<vmem>>, vector<16xf32>,
            %max3A_1156 = arith.maximumf %get3A_1155, %broadcast_in_dim3A_1153 : vector<16xf32>
            %sub3A_1157 = arith.subf %get3A_1155, %max3A_1156 : vector<16xf32>
            %mul3A_1158 = arith.mulf %sub3A_1157, %broadcast_in_dim3A_144 : vector<16xf32>
            %exp3A = math.exp %mul3A_1158 : vector<16xf32>
            %lt3A_1159 = arith.constant -9.99999968E+37 : f32
            %lt3A_1160 = vector.broadcast %lt3A_1159 : f32 to vector<16xf32>
            %lt3A_1161 = arith.cmpf olt, %get3A_1155, %lt3A_1160 : vector<16xf32>
            %select_n3A_1162 = arith.select %lt3A_1161, %broadcast_in_dim3A_7, %exp3A : vector<16xi1>, vector<16xf32>
            %sub3A_1163 = arith.subf %add3A_1148, %max3A_1156 : vector<16xf32>
            %mul3A_1164 = arith.mulf %sub3A_1163, %broadcast_in_dim3A_144 : vector<16xf32>
            %exp3A_1165 = math.exp %mul3A_1164 : vector<16xf32>
            %select_n3A_1166 = arith.select %and3A_569, %exp3A_1165, %broadcast_in_dim3A_5 : vector<16xi1>, vector<16xf32>
            %get3A_1167 = arith.constant 0 : index
            %get3A_1168 = tpu.vector_load %arg16[%get3A_1167] {strides = array<i32>} : memref<16xf32, #tpu.memory_space<vmem>>, vector<16xf32>,
            %mul3A_1169 = arith.mulf %get3A_1168, %select_n3A_1162 : vector<16xf32>
            %reduce_sum3A = arith.constant true
            %reduce_sum3A_1170 = vector.broadcast %reduce_sum3A : i1 to vector<16xi1>
            %reduce_sum3A_1171 = tpu.scan <sum>, %select_n3A_1166 masked %reduce_sum3A_1170 : vector<16xf32>, vector<16xi1> -> vector<16xf32>
            %reduce_sum3A_1172 = vector.extract %reduce_sum3A_1171[15] : f32 from vector<16xf32>
            %broadcast_in_dim3A_1173 = vector.broadcast %reduce_sum3A_1172 : f32 to vector<16xf32>
            %add3A_1174 = arith.addf %mul3A_1169, %broadcast_in_dim3A_1173 : vector<16xf32>
            %swap3A_1175 = arith.constant 0 : index
            %swap3A_1176 = tpu.vector_load %arg16[%swap3A_1175] {strides = array<i32>} : memref<16xf32, #tpu.memory_space<vmem>>, vector<16xf32>,
            tpu.vector_store %arg16[%swap3A_1175], %add3A_1174 {strides = array<i32>} : memref<16xf32, #tpu.memory_space<vmem>>, vector<16xf32>,
            %swap3A_1177 = arith.constant 0 : index
            %swap3A_1178 = tpu.vector_load %arg15[%swap3A_1177] {strides = array<i32>} : memref<16xf32, #tpu.memory_space<vmem>>, vector<16xf32>,
            tpu.vector_store %arg15[%swap3A_1177], %max3A_1156 {strides = array<i32>} : memref<16xf32, #tpu.memory_space<vmem>>, vector<16xf32>,
            %swap3A_1179 = arith.constant 0 : index
            %swap3A_1180 = tpu.vector_load %arg18[%swap3A_1179] {strides = array<i32>} : memref<16xf32, #tpu.memory_space<vmem>>, vector<16xf32>,
            tpu.vector_store %arg18[%swap3A_1179], %select_n3A_1166 {strides = array<i32>} : memref<16xf32, #tpu.memory_space<vmem>>, vector<16xf32>,
            %max3A_1181 = arith.maxsi %sub3A_138, %mul3A_565 : i32
            %add3A_1182 = arith.constant 16 : i32
            %add3A_1183 = arith.addi %mul3A_565, %add3A_1182 : i32
            %min3A_1184 = arith.minsi %sub3A_139, %add3A_1183 : i32
            %get3A_1185 = arith.constant 0 : index
            %get3A_1186 = tpu.vector_load %arg17[%get3A_1185] {strides = array<i32>} : memref<128xf32, #tpu.memory_space<vmem>>, vector<16xf32>,
            %mul3A_1187 = arith.mulf %get3A_1186, %select_n3A_1162 : vector<16xf32>
            %get3A_1188 = arith.constant 16 : index
            %get3A_1189 = tpu.vector_load %arg17[%get3A_1188] {strides = array<i32>} : memref<128xf32, #tpu.memory_space<vmem>>, vector<16xf32>,
            %mul3A_1190 = arith.mulf %get3A_1189, %select_n3A_1162 : vector<16xf32>
            %get3A_1191 = arith.constant 32 : index
            %get3A_1192 = tpu.vector_load %arg17[%get3A_1191] {strides = array<i32>} : memref<128xf32, #tpu.memory_space<vmem>>, vector<16xf32>,
            %mul3A_1193 = arith.mulf %get3A_1192, %select_n3A_1162 : vector<16xf32>
            %get3A_1194 = arith.constant 48 : index
            %get3A_1195 = tpu.vector_load %arg17[%get3A_1194] {strides = array<i32>} : memref<128xf32, #tpu.memory_space<vmem>>, vector<16xf32>,
            %mul3A_1196 = arith.mulf %get3A_1195, %select_n3A_1162 : vector<16xf32>
            %get3A_1197 = arith.constant 64 : index
            %get3A_1198 = tpu.vector_load %arg17[%get3A_1197] {strides = array<i32>} : memref<128xf32, #tpu.memory_space<vmem>>, vector<16xf32>,
            %mul3A_1199 = arith.mulf %get3A_1198, %select_n3A_1162 : vector<16xf32>
            %get3A_1200 = arith.constant 80 : index
            %get3A_1201 = tpu.vector_load %arg17[%get3A_1200] {strides = array<i32>} : memref<128xf32, #tpu.memory_space<vmem>>, vector<16xf32>,
            %mul3A_1202 = arith.mulf %get3A_1201, %select_n3A_1162 : vector<16xf32>
            %get3A_1203 = arith.constant 96 : index
            %get3A_1204 = tpu.vector_load %arg17[%get3A_1203] {strides = array<i32>} : memref<128xf32, #tpu.memory_space<vmem>>, vector<16xf32>,
            %mul3A_1205 = arith.mulf %get3A_1204, %select_n3A_1162 : vector<16xf32>
            %get3A_1206 = arith.constant 112 : index
            %get3A_1207 = tpu.vector_load %arg17[%get3A_1206] {strides = array<i32>} : memref<128xf32, #tpu.memory_space<vmem>>, vector<16xf32>,
            %mul3A_1208 = arith.mulf %get3A_1207, %select_n3A_1162 : vector<16xf32>
            %while3A_1209 = arith.subi %min3A_1184, %max3A_1181 : i32
            %while3A_1210 = arith.addi %max3A_1181, %while3A_1209 : i32
            %while3A_1211 = arith.constant 1 : i32
            %while3A_1212 = arith.divsi %while3A_1209, %while3A_1211 : i32
            %while3A_1213 = arith.muli %while3A_1212, %while3A_1211 : i32
            %while3A_1214 = arith.addi %max3A_1181, %while3A_1213 : i32
            %while3A_1215 = arith.constant 1 : i32
            %while3A_1216:8 = scf.for %while3A_1235 = %max3A_1181 to %while3A_1214 step %while3A_1215 iter_args(%while3A_1236 = %mul3A_1187, %while3A_1237 = %mul3A_1190, %while3A_1238 = %mul3A_1193, %while3A_1239 = %mul3A_1196, %while3A_1240 = %mul3A_1199, %while3A_1241 = %mul3A_1202, %while3A_1242 = %mul3A_1205, %while3A_1243 = %mul3A_1208) -> (vector<16xf32>, vector<16xf32>, vector<16xf32>, vector<16xf32>, vector<16xf32>, vector<16xf32>, vector<16xf32>, vector<16xf32>)  : i32 {
              %sub3A_1244 = arith.subi %while3A_1235, %mul3A_565 : i32
              %broadcast_in_dim3A_1245 = vector.broadcast %sub3A_1244 : i32 to vector<16xi32>
              %gather3A = tpu.vector_load_idx %arg18[%broadcast_in_dim3A_1245] : memref<16xf32, #tpu.memory_space<vmem>>[vector<16xi32>], vector<16xf32>,
              %mul3A_1246 = arith.constant 128 : i32
              %mul3A_1247 = arith.muli %while3A_1235, %mul3A_1246 : i32
              %add3A_1248 = arith.addi %mul3A_126, %mul3A_1247 : i32
              %add3A_1249 = arith.constant 0 : i32
              %add3A_1250 = arith.addi %add3A_1248, %add3A_1249 : i32
              %get3A_1251 = arith.index_cast %add3A_1250 : i32 to index
              %get3A_1252 = tpu.vector_load %arg13[%get3A_1251] {strides = array<i32>} : memref<16384xf32, #tpu.memory_space<vmem>>, vector<16xf32>,
              %mul3A_1253 = arith.mulf %get3A_1252, %gather3A : vector<16xf32>
              %max3A_1254 = arith.maximumf %while3A_1236, %mul3A_1253 : vector<16xf32>
              %add3A_1255 = arith.constant 16 : i32
              %add3A_1256 = arith.addi %add3A_1248, %add3A_1255 : i32
              %get3A_1257 = arith.index_cast %add3A_1256 : i32 to index
              %get3A_1258 = tpu.vector_load %arg13[%get3A_1257] {strides = array<i32>} : memref<16384xf32, #tpu.memory_space<vmem>>, vector<16xf32>,
              %mul3A_1259 = arith.mulf %get3A_1258, %gather3A : vector<16xf32>
              %max3A_1260 = arith.maximumf %while3A_1237, %mul3A_1259 : vector<16xf32>
              %add3A_1261 = arith.constant 32 : i32
              %add3A_1262 = arith.addi %add3A_1248, %add3A_1261 : i32
              %get3A_1263 = arith.index_cast %add3A_1262 : i32 to index
              %get3A_1264 = tpu.vector_load %arg13[%get3A_1263] {strides = array<i32>} : memref<16384xf32, #tpu.memory_space<vmem>>, vector<16xf32>,
              %mul3A_1265 = arith.mulf %get3A_1264, %gather3A : vector<16xf32>
              %max3A_1266 = arith.maximumf %while3A_1238, %mul3A_1265 : vector<16xf32>
              %add3A_1267 = arith.constant 48 : i32
              %add3A_1268 = arith.addi %add3A_1248, %add3A_1267 : i32
              %get3A_1269 = arith.index_cast %add3A_1268 : i32 to index
              %get3A_1270 = tpu.vector_load %arg13[%get3A_1269] {strides = array<i32>} : memref<16384xf32, #tpu.memory_space<vmem>>, vector<16xf32>,
              %mul3A_1271 = arith.mulf %get3A_1270, %gather3A : vector<16xf32>
              %max3A_1272 = arith.maximumf %while3A_1239, %mul3A_1271 : vector<16xf32>
              %add3A_1273 = arith.constant 64 : i32
              %add3A_1274 = arith.addi %add3A_1248, %add3A_1273 : i32
              %get3A_1275 = arith.index_cast %add3A_1274 : i32 to index
              %get3A_1276 = tpu.vector_load %arg13[%get3A_1275] {strides = array<i32>} : memref<16384xf32, #tpu.memory_space<vmem>>, vector<16xf32>,
              %mul3A_1277 = arith.mulf %get3A_1276, %gather3A : vector<16xf32>
              %max3A_1278 = arith.maximumf %while3A_1240, %mul3A_1277 : vector<16xf32>
              %add3A_1279 = arith.constant 80 : i32
              %add3A_1280 = arith.addi %add3A_1248, %add3A_1279 : i32
              %get3A_1281 = arith.index_cast %add3A_1280 : i32 to index
              %get3A_1282 = tpu.vector_load %arg13[%get3A_1281] {strides = array<i32>} : memref<16384xf32, #tpu.memory_space<vmem>>, vector<16xf32>,
              %mul3A_1283 = arith.mulf %get3A_1282, %gather3A : vector<16xf32>
              %max3A_1284 = arith.maximumf %while3A_1241, %mul3A_1283 : vector<16xf32>
              %add3A_1285 = arith.constant 96 : i32
              %add3A_1286 = arith.addi %add3A_1248, %add3A_1285 : i32
              %get3A_1287 = arith.index_cast %add3A_1286 : i32 to index
              %get3A_1288 = tpu.vector_load %arg13[%get3A_1287] {strides = array<i32>} : memref<16384xf32, #tpu.memory_space<vmem>>, vector<16xf32>,
              %mul3A_1289 = arith.mulf %get3A_1288, %gather3A : vector<16xf32>
              %max3A_1290 = arith.maximumf %while3A_1242, %mul3A_1289 : vector<16xf32>
              %add3A_1291 = arith.constant 112 : i32
              %add3A_1292 = arith.addi %add3A_1248, %add3A_1291 : i32
              %get3A_1293 = arith.index_cast %add3A_1292 : i32 to index
              %get3A_1294 = tpu.vector_load %arg13[%get3A_1293] {strides = array<i32>} : memref<16384xf32, #tpu.memory_space<vmem>>, vector<16xf32>,
              %mul3A_1295 = arith.mulf %get3A_1294, %gather3A : vector<16xf32>
              %max3A_1296 = arith.maximumf %while3A_1243, %mul3A_1295 : vector<16xf32>
              scf.yield %max3A_1254, %max3A_1260, %max3A_1266, %max3A_1272, %max3A_1278, %max3A_1284, %max3A_1290, %max3A_1296 : vector<16xf32>, vector<16xf32>, vector<16xf32>, vector<16xf32>, vector<16xf32>, vector<16xf32>, vector<16xf32>, vector<16xf32>
            }
            %while3A_1217 = arith.constant 1 : i32
            %while3A_1218:8 = scf.for %while3A_1235 = %while3A_1214 to %while3A_1210 step %while3A_1217 iter_args(%while3A_1236 = %while3A_1216#0, %while3A_1237 = %while3A_1216#1, %while3A_1238 = %while3A_1216#2, %while3A_1239 = %while3A_1216#3, %while3A_1240 = %while3A_1216#4, %while3A_1241 = %while3A_1216#5, %while3A_1242 = %while3A_1216#6, %while3A_1243 = %while3A_1216#7) -> (vector<16xf32>, vector<16xf32>, vector<16xf32>, vector<16xf32>, vector<16xf32>, vector<16xf32>, vector<16xf32>, vector<16xf32>)  : i32 {
              %sub3A_1244 = arith.subi %while3A_1235, %mul3A_565 : i32
              %broadcast_in_dim3A_1245 = vector.broadcast %sub3A_1244 : i32 to vector<16xi32>
              %gather3A = tpu.vector_load_idx %arg18[%broadcast_in_dim3A_1245] : memref<16xf32, #tpu.memory_space<vmem>>[vector<16xi32>], vector<16xf32>,
              %mul3A_1246 = arith.constant 128 : i32
              %mul3A_1247 = arith.muli %while3A_1235, %mul3A_1246 : i32
              %add3A_1248 = arith.addi %mul3A_126, %mul3A_1247 : i32
              %add3A_1249 = arith.constant 0 : i32
              %add3A_1250 = arith.addi %add3A_1248, %add3A_1249 : i32
              %get3A_1251 = arith.index_cast %add3A_1250 : i32 to index
              %get3A_1252 = tpu.vector_load %arg13[%get3A_1251] {strides = array<i32>} : memref<16384xf32, #tpu.memory_space<vmem>>, vector<16xf32>,
              %mul3A_1253 = arith.mulf %get3A_1252, %gather3A : vector<16xf32>
              %max3A_1254 = arith.maximumf %while3A_1236, %mul3A_1253 : vector<16xf32>
              %add3A_1255 = arith.constant 16 : i32
              %add3A_1256 = arith.addi %add3A_1248, %add3A_1255 : i32
              %get3A_1257 = arith.index_cast %add3A_1256 : i32 to index
              %get3A_1258 = tpu.vector_load %arg13[%get3A_1257] {strides = array<i32>} : memref<16384xf32, #tpu.memory_space<vmem>>, vector<16xf32>,
              %mul3A_1259 = arith.mulf %get3A_1258, %gather3A : vector<16xf32>
              %max3A_1260 = arith.maximumf %while3A_1237, %mul3A_1259 : vector<16xf32>
              %add3A_1261 = arith.constant 32 : i32
              %add3A_1262 = arith.addi %add3A_1248, %add3A_1261 : i32
              %get3A_1263 = arith.index_cast %add3A_1262 : i32 to index
              %get3A_1264 = tpu.vector_load %arg13[%get3A_1263] {strides = array<i32>} : memref<16384xf32, #tpu.memory_space<vmem>>, vector<16xf32>,
              %mul3A_1265 = arith.mulf %get3A_1264, %gather3A : vector<16xf32>
              %max3A_1266 = arith.maximumf %while3A_1238, %mul3A_1265 : vector<16xf32>
              %add3A_1267 = arith.constant 48 : i32
              %add3A_1268 = arith.addi %add3A_1248, %add3A_1267 : i32
              %get3A_1269 = arith.index_cast %add3A_1268 : i32 to index
              %get3A_1270 = tpu.vector_load %arg13[%get3A_1269] {strides = array<i32>} : memref<16384xf32, #tpu.memory_space<vmem>>, vector<16xf32>,
              %mul3A_1271 = arith.mulf %get3A_1270, %gather3A : vector<16xf32>
              %max3A_1272 = arith.maximumf %while3A_1239, %mul3A_1271 : vector<16xf32>
              %add3A_1273 = arith.constant 64 : i32
              %add3A_1274 = arith.addi %add3A_1248, %add3A_1273 : i32
              %get3A_1275 = arith.index_cast %add3A_1274 : i32 to index
              %get3A_1276 = tpu.vector_load %arg13[%get3A_1275] {strides = array<i32>} : memref<16384xf32, #tpu.memory_space<vmem>>, vector<16xf32>,
              %mul3A_1277 = arith.mulf %get3A_1276, %gather3A : vector<16xf32>
              %max3A_1278 = arith.maximumf %while3A_1240, %mul3A_1277 : vector<16xf32>
              %add3A_1279 = arith.constant 80 : i32
              %add3A_1280 = arith.addi %add3A_1248, %add3A_1279 : i32
              %get3A_1281 = arith.index_cast %add3A_1280 : i32 to index
              %get3A_1282 = tpu.vector_load %arg13[%get3A_1281] {strides = array<i32>} : memref<16384xf32, #tpu.memory_space<vmem>>, vector<16xf32>,
              %mul3A_1283 = arith.mulf %get3A_1282, %gather3A : vector<16xf32>
              %max3A_1284 = arith.maximumf %while3A_1241, %mul3A_1283 : vector<16xf32>
              %add3A_1285 = arith.constant 96 : i32
              %add3A_1286 = arith.addi %add3A_1248, %add3A_1285 : i32
              %get3A_1287 = arith.index_cast %add3A_1286 : i32 to index
              %get3A_1288 = tpu.vector_load %arg13[%get3A_1287] {strides = array<i32>} : memref<16384xf32, #tpu.memory_space<vmem>>, vector<16xf32>,
              %mul3A_1289 = arith.mulf %get3A_1288, %gather3A : vector<16xf32>
              %max3A_1290 = arith.maximumf %while3A_1242, %mul3A_1289 : vector<16xf32>
              %add3A_1291 = arith.constant 112 : i32
              %add3A_1292 = arith.addi %add3A_1248, %add3A_1291 : i32
              %get3A_1293 = arith.index_cast %add3A_1292 : i32 to index
              %get3A_1294 = tpu.vector_load %arg13[%get3A_1293] {strides = array<i32>} : memref<16384xf32, #tpu.memory_space<vmem>>, vector<16xf32>,
              %mul3A_1295 = arith.mulf %get3A_1294, %gather3A : vector<16xf32>
              %max3A_1296 = arith.maximumf %while3A_1243, %mul3A_1295 : vector<16xf32>
              scf.yield %max3A_1254, %max3A_1260, %max3A_1266, %max3A_1272, %max3A_1278, %max3A_1284, %max3A_1290, %max3A_1296 : vector<16xf32>, vector<16xf32>, vector<16xf32>, vector<16xf32>, vector<16xf32>, vector<16xf32>, vector<16xf32>, vector<16xf32>
            }
            %swap3A_1219 = arith.constant 0 : index
            %swap3A_1220 = tpu.vector_load %arg17[%swap3A_1219] {strides = array<i32>} : memref<128xf32, #tpu.memory_space<vmem>>, vector<16xf32>,
            tpu.vector_store %arg17[%swap3A_1219], %while3A_1218#0 {strides = array<i32>} : memref<128xf32, #tpu.memory_space<vmem>>, vector<16xf32>,
            %swap3A_1221 = arith.constant 16 : index
            %swap3A_1222 = tpu.vector_load %arg17[%swap3A_1221] {strides = array<i32>} : memref<128xf32, #tpu.memory_space<vmem>>, vector<16xf32>,
            tpu.vector_store %arg17[%swap3A_1221], %while3A_1218#1 {strides = array<i32>} : memref<128xf32, #tpu.memory_space<vmem>>, vector<16xf32>,
            %swap3A_1223 = arith.constant 32 : index
            %swap3A_1224 = tpu.vector_load %arg17[%swap3A_1223] {strides = array<i32>} : memref<128xf32, #tpu.memory_space<vmem>>, vector<16xf32>,
            tpu.vector_store %arg17[%swap3A_1223], %while3A_1218#2 {strides = array<i32>} : memref<128xf32, #tpu.memory_space<vmem>>, vector<16xf32>,
            %swap3A_1225 = arith.constant 48 : index
            %swap3A_1226 = tpu.vector_load %arg17[%swap3A_1225] {strides = array<i32>} : memref<128xf32, #tpu.memory_space<vmem>>, vector<16xf32>,
            tpu.vector_store %arg17[%swap3A_1225], %while3A_1218#3 {strides = array<i32>} : memref<128xf32, #tpu.memory_space<vmem>>, vector<16xf32>,
            %swap3A_1227 = arith.constant 64 : index
            %swap3A_1228 = tpu.vector_load %arg17[%swap3A_1227] {strides = array<i32>} : memref<128xf32, #tpu.memory_space<vmem>>, vector<16xf32>,
            tpu.vector_store %arg17[%swap3A_1227], %while3A_1218#4 {strides = array<i32>} : memref<128xf32, #tpu.memory_space<vmem>>, vector<16xf32>,
            %swap3A_1229 = arith.constant 80 : index
            %swap3A_1230 = tpu.vector_load %arg17[%swap3A_1229] {strides = array<i32>} : memref<128xf32, #tpu.memory_space<vmem>>, vector<16xf32>,
            tpu.vector_store %arg17[%swap3A_1229], %while3A_1218#5 {strides = array<i32>} : memref<128xf32, #tpu.memory_space<vmem>>, vector<16xf32>,
            %swap3A_1231 = arith.constant 96 : index
            %swap3A_1232 = tpu.vector_load %arg17[%swap3A_1231] {strides = array<i32>} : memref<128xf32, #tpu.memory_space<vmem>>, vector<16xf32>,
            tpu.vector_store %arg17[%swap3A_1231], %while3A_1218#6 {strides = array<i32>} : memref<128xf32, #tpu.memory_space<vmem>>, vector<16xf32>,
            %swap3A_1233 = arith.constant 112 : index
            %swap3A_1234 = tpu.vector_load %arg17[%swap3A_1233] {strides = array<i32>} : memref<128xf32, #tpu.memory_space<vmem>>, vector<16xf32>,
            tpu.vector_store %arg17[%swap3A_1233], %while3A_1218#7 {strides = array<i32>} : memref<128xf32, #tpu.memory_space<vmem>>, vector<16xf32>,
          }
          %while3A_562 = arith.constant 1 : i32
          scf.for %while3A_563 = %while3A_560 to %while3A_556 step %while3A_562  : i32 {
            %mul3A_564 = arith.constant 16 : i32
            %mul3A_565 = arith.muli %while3A_563, %mul3A_564 : i32
            %add3A_566 = vector.broadcast %mul3A_565 : i32 to vector<16xi32>
            %add3A_567 = arith.addi %iota3A, %add3A_566 : vector<16xi32>
            %ge3A = arith.cmpi sge, %add3A_567, %broadcast_in_dim3A_502 : vector<16xi32>
            %lt3A_568 = arith.cmpi slt, %add3A_567, %broadcast_in_dim3A_503 : vector<16xi32>
            %and3A_569 = arith.andi %ge3A, %lt3A_568 : vector<16xi1>
            %add3A_570 = arith.constant 0 : i32
            %add3A_571 = arith.addi %mul3A_124, %add3A_570 : i32
            %add3A_572 = arith.addi %add3A_571, %mul3A_565 : i32
            %get3A_573 = arith.index_cast %add3A_572 : i32 to index
            %get3A_574 = tpu.vector_load %arg12[%get3A_573] {strides = array<i32>} : memref<8192xf32, #tpu.memory_space<vmem>>, vector<16xf32>,
            %get3A_575 = arith.constant 0 : index
            %get3A_576 = tpu.vector_load %arg11[%get3A_575] {strides = array<i32>} : memref<1024xf32, #tpu.memory_space<vmem>>, vector<16xf32>,
            %mul3A_577 = arith.mulf %get3A_574, %get3A_576 : vector<16xf32>
            %add3A_578 = arith.addf %broadcast_in_dim3A_5, %mul3A_577 : vector<16xf32>
            %add3A_579 = arith.constant 64 : i32
            %add3A_580 = arith.addi %mul3A_124, %add3A_579 : i32
            %add3A_581 = arith.addi %add3A_580, %mul3A_565 : i32
            %get3A_582 = arith.index_cast %add3A_581 : i32 to index
            %get3A_583 = tpu.vector_load %arg12[%get3A_582] {strides = array<i32>} : memref<8192xf32, #tpu.memory_space<vmem>>, vector<16xf32>,
            %get3A_584 = arith.constant 16 : index
            %get3A_585 = tpu.vector_load %arg11[%get3A_584] {strides = array<i32>} : memref<1024xf32, #tpu.memory_space<vmem>>, vector<16xf32>,
            %mul3A_586 = arith.mulf %get3A_583, %get3A_585 : vector<16xf32>
            %add3A_587 = arith.addf %broadcast_in_dim3A_5, %mul3A_586 : vector<16xf32>
            %add3A_588 = arith.constant 128 : i32
            %add3A_589 = arith.addi %mul3A_124, %add3A_588 : i32
            %add3A_590 = arith.addi %add3A_589, %mul3A_565 : i32
            %get3A_591 = arith.index_cast %add3A_590 : i32 to index
            %get3A_592 = tpu.vector_load %arg12[%get3A_591] {strides = array<i32>} : memref<8192xf32, #tpu.memory_space<vmem>>, vector<16xf32>,
            %get3A_593 = arith.constant 32 : index
            %get3A_594 = tpu.vector_load %arg11[%get3A_593] {strides = array<i32>} : memref<1024xf32, #tpu.memory_space<vmem>>, vector<16xf32>,
            %mul3A_595 = arith.mulf %get3A_592, %get3A_594 : vector<16xf32>
            %add3A_596 = arith.addf %broadcast_in_dim3A_5, %mul3A_595 : vector<16xf32>
            %add3A_597 = arith.constant 192 : i32
            %add3A_598 = arith.addi %mul3A_124, %add3A_597 : i32
            %add3A_599 = arith.addi %add3A_598, %mul3A_565 : i32
            %get3A_600 = arith.index_cast %add3A_599 : i32 to index
            %get3A_601 = tpu.vector_load %arg12[%get3A_600] {strides = array<i32>} : memref<8192xf32, #tpu.memory_space<vmem>>, vector<16xf32>,
            %get3A_602 = arith.constant 48 : index
            %get3A_603 = tpu.vector_load %arg11[%get3A_602] {strides = array<i32>} : memref<1024xf32, #tpu.memory_space<vmem>>, vector<16xf32>,
            %mul3A_604 = arith.mulf %get3A_601, %get3A_603 : vector<16xf32>
            %add3A_605 = arith.addf %broadcast_in_dim3A_5, %mul3A_604 : vector<16xf32>
            %add3A_606 = arith.constant 256 : i32
            %add3A_607 = arith.addi %mul3A_124, %add3A_606 : i32
            %add3A_608 = arith.addi %add3A_607, %mul3A_565 : i32
            %get3A_609 = arith.index_cast %add3A_608 : i32 to index
            %get3A_610 = tpu.vector_load %arg12[%get3A_609] {strides = array<i32>} : memref<8192xf32, #tpu.memory_space<vmem>>, vector<16xf32>,
            %get3A_611 = arith.constant 64 : index
            %get3A_612 = tpu.vector_load %arg11[%get3A_611] {strides = array<i32>} : memref<1024xf32, #tpu.memory_space<vmem>>, vector<16xf32>,
            %mul3A_613 = arith.mulf %get3A_610, %get3A_612 : vector<16xf32>
            %add3A_614 = arith.addf %add3A_578, %mul3A_613 : vector<16xf32>
            %add3A_615 = arith.constant 320 : i32
            %add3A_616 = arith.addi %mul3A_124, %add3A_615 : i32
            %add3A_617 = arith.addi %add3A_616, %mul3A_565 : i32
            %get3A_618 = arith.index_cast %add3A_617 : i32 to index
            %get3A_619 = tpu.vector_load %arg12[%get3A_618] {strides = array<i32>} : memref<8192xf32, #tpu.memory_space<vmem>>, vector<16xf32>,
            %get3A_620 = arith.constant 80 : index
            %get3A_621 = tpu.vector_load %arg11[%get3A_620] {strides = array<i32>} : memref<1024xf32, #tpu.memory_space<vmem>>, vector<16xf32>,
            %mul3A_622 = arith.mulf %get3A_619, %get3A_621 : vector<16xf32>
            %add3A_623 = arith.addf %add3A_587, %mul3A_622 : vector<16xf32>
            %add3A_624 = arith.constant 384 : i32
            %add3A_625 = arith.addi %mul3A_124, %add3A_624 : i32
            %add3A_626 = arith.addi %add3A_625, %mul3A_565 : i32
            %get3A_627 = arith.index_cast %add3A_626 : i32 to index
            %get3A_628 = tpu.vector_load %arg12[%get3A_627] {strides = array<i32>} : memref<8192xf32, #tpu.memory_space<vmem>>, vector<16xf32>,
            %get3A_629 = arith.constant 96 : index
            %get3A_630 = tpu.vector_load %arg11[%get3A_629] {strides = array<i32>} : memref<1024xf32, #tpu.memory_space<vmem>>, vector<16xf32>,
            %mul3A_631 = arith.mulf %get3A_628, %get3A_630 : vector<16xf32>
            %add3A_632 = arith.addf %add3A_596, %mul3A_631 : vector<16xf32>
            %add3A_633 = arith.constant 448 : i32
            %add3A_634 = arith.addi %mul3A_124, %add3A_633 : i32
            %add3A_635 = arith.addi %add3A_634, %mul3A_565 : i32
            %get3A_636 = arith.index_cast %add3A_635 : i32 to index
            %get3A_637 = tpu.vector_load %arg12[%get3A_636] {strides = array<i32>} : memref<8192xf32, #tpu.memory_space<vmem>>, vector<16xf32>,
            %get3A_638 = arith.constant 112 : index
            %get3A_639 = tpu.vector_load %arg11[%get3A_638] {strides = array<i32>} : memref<1024xf32, #tpu.memory_space<vmem>>, vector<16xf32>,
            %mul3A_640 = arith.mulf %get3A_637, %get3A_639 : vector<16xf32>
            %add3A_641 = arith.addf %add3A_605, %mul3A_640 : vector<16xf32>
            %add3A_642 = arith.constant 512 : i32
            %add3A_643 = arith.addi %mul3A_124, %add3A_642 : i32
            %add3A_644 = arith.addi %add3A_643, %mul3A_565 : i32
            %get3A_645 = arith.index_cast %add3A_644 : i32 to index
            %get3A_646 = tpu.vector_load %arg12[%get3A_645] {strides = array<i32>} : memref<8192xf32, #tpu.memory_space<vmem>>, vector<16xf32>,
            %get3A_647 = arith.constant 128 : index
            %get3A_648 = tpu.vector_load %arg11[%get3A_647] {strides = array<i32>} : memref<1024xf32, #tpu.memory_space<vmem>>, vector<16xf32>,
            %mul3A_649 = arith.mulf %get3A_646, %get3A_648 : vector<16xf32>
            %add3A_650 = arith.addf %add3A_614, %mul3A_649 : vector<16xf32>
            %add3A_651 = arith.constant 576 : i32
            %add3A_652 = arith.addi %mul3A_124, %add3A_651 : i32
            %add3A_653 = arith.addi %add3A_652, %mul3A_565 : i32
            %get3A_654 = arith.index_cast %add3A_653 : i32 to index
            %get3A_655 = tpu.vector_load %arg12[%get3A_654] {strides = array<i32>} : memref<8192xf32, #tpu.memory_space<vmem>>, vector<16xf32>,
            %get3A_656 = arith.constant 144 : index
            %get3A_657 = tpu.vector_load %arg11[%get3A_656] {strides = array<i32>} : memref<1024xf32, #tpu.memory_space<vmem>>, vector<16xf32>,
            %mul3A_658 = arith.mulf %get3A_655, %get3A_657 : vector<16xf32>
            %add3A_659 = arith.addf %add3A_623, %mul3A_658 : vector<16xf32>
            %add3A_660 = arith.constant 640 : i32
            %add3A_661 = arith.addi %mul3A_124, %add3A_660 : i32
            %add3A_662 = arith.addi %add3A_661, %mul3A_565 : i32
            %get3A_663 = arith.index_cast %add3A_662 : i32 to index
            %get3A_664 = tpu.vector_load %arg12[%get3A_663] {strides = array<i32>} : memref<8192xf32, #tpu.memory_space<vmem>>, vector<16xf32>,
            %get3A_665 = arith.constant 160 : index
            %get3A_666 = tpu.vector_load %arg11[%get3A_665] {strides = array<i32>} : memref<1024xf32, #tpu.memory_space<vmem>>, vector<16xf32>,
            %mul3A_667 = arith.mulf %get3A_664, %get3A_666 : vector<16xf32>
            %add3A_668 = arith.addf %add3A_632, %mul3A_667 : vector<16xf32>
            %add3A_669 = arith.constant 704 : i32
            %add3A_670 = arith.addi %mul3A_124, %add3A_669 : i32
            %add3A_671 = arith.addi %add3A_670, %mul3A_565 : i32
            %get3A_672 = arith.index_cast %add3A_671 : i32 to index
            %get3A_673 = tpu.vector_load %arg12[%get3A_672] {strides = array<i32>} : memref<8192xf32, #tpu.memory_space<vmem>>, vector<16xf32>,
            %get3A_674 = arith.constant 176 : index
            %get3A_675 = tpu.vector_load %arg11[%get3A_674] {strides = array<i32>} : memref<1024xf32, #tpu.memory_space<vmem>>, vector<16xf32>,
            %mul3A_676 = arith.mulf %get3A_673, %get3A_675 : vector<16xf32>
            %add3A_677 = arith.addf %add3A_641, %mul3A_676 : vector<16xf32>
            %add3A_678 = arith.constant 768 : i32
            %add3A_679 = arith.addi %mul3A_124, %add3A_678 : i32
            %add3A_680 = arith.addi %add3A_679, %mul3A_565 : i32
            %get3A_681 = arith.index_cast %add3A_680 : i32 to index
            %get3A_682 = tpu.vector_load %arg12[%get3A_681] {strides = array<i32>} : memref<8192xf32, #tpu.memory_space<vmem>>, vector<16xf32>,
            %get3A_683 = arith.constant 192 : index
            %get3A_684 = tpu.vector_load %arg11[%get3A_683] {strides = array<i32>} : memref<1024xf32, #tpu.memory_space<vmem>>, vector<16xf32>,
            %mul3A_685 = arith.mulf %get3A_682, %get3A_684 : vector<16xf32>
            %add3A_686 = arith.addf %add3A_650, %mul3A_685 : vector<16xf32>
            %add3A_687 = arith.constant 832 : i32
            %add3A_688 = arith.addi %mul3A_124, %add3A_687 : i32
            %add3A_689 = arith.addi %add3A_688, %mul3A_565 : i32
            %get3A_690 = arith.index_cast %add3A_689 : i32 to index
            %get3A_691 = tpu.vector_load %arg12[%get3A_690] {strides = array<i32>} : memref<8192xf32, #tpu.memory_space<vmem>>, vector<16xf32>,
            %get3A_692 = arith.constant 208 : index
            %get3A_693 = tpu.vector_load %arg11[%get3A_692] {strides = array<i32>} : memref<1024xf32, #tpu.memory_space<vmem>>, vector<16xf32>,
            %mul3A_694 = arith.mulf %get3A_691, %get3A_693 : vector<16xf32>
            %add3A_695 = arith.addf %add3A_659, %mul3A_694 : vector<16xf32>
            %add3A_696 = arith.constant 896 : i32
            %add3A_697 = arith.addi %mul3A_124, %add3A_696 : i32
            %add3A_698 = arith.addi %add3A_697, %mul3A_565 : i32
            %get3A_699 = arith.index_cast %add3A_698 : i32 to index
            %get3A_700 = tpu.vector_load %arg12[%get3A_699] {strides = array<i32>} : memref<8192xf32, #tpu.memory_space<vmem>>, vector<16xf32>,
            %get3A_701 = arith.constant 224 : index
            %get3A_702 = tpu.vector_load %arg11[%get3A_701] {strides = array<i32>} : memref<1024xf32, #tpu.memory_space<vmem>>, vector<16xf32>,
            %mul3A_703 = arith.mulf %get3A_700, %get3A_702 : vector<16xf32>
            %add3A_704 = arith.addf %add3A_668, %mul3A_703 : vector<16xf32>
            %add3A_705 = arith.constant 960 : i32
            %add3A_706 = arith.addi %mul3A_124, %add3A_705 : i32
            %add3A_707 = arith.addi %add3A_706, %mul3A_565 : i32
            %get3A_708 = arith.index_cast %add3A_707 : i32 to index
            %get3A_709 = tpu.vector_load %arg12[%get3A_708] {strides = array<i32>} : memref<8192xf32, #tpu.memory_space<vmem>>, vector<16xf32>,
            %get3A_710 = arith.constant 240 : index
            %get3A_711 = tpu.vector_load %arg11[%get3A_710] {strides = array<i32>} : memref<1024xf32, #tpu.memory_space<vmem>>, vector<16xf32>,
            %mul3A_712 = arith.mulf %get3A_709, %get3A_711 : vector<16xf32>
            %add3A_713 = arith.addf %add3A_677, %mul3A_712 : vector<16xf32>
            %add3A_714 = arith.constant 1024 : i32
            %add3A_715 = arith.addi %mul3A_124, %add3A_714 : i32
            %add3A_716 = arith.addi %add3A_715, %mul3A_565 : i32
            %get3A_717 = arith.index_cast %add3A_716 : i32 to index
            %get3A_718 = tpu.vector_load %arg12[%get3A_717] {strides = array<i32>} : memref<8192xf32, #tpu.memory_space<vmem>>, vector<16xf32>,
            %get3A_719 = arith.constant 256 : index
            %get3A_720 = tpu.vector_load %arg11[%get3A_719] {strides = array<i32>} : memref<1024xf32, #tpu.memory_space<vmem>>, vector<16xf32>,
            %mul3A_721 = arith.mulf %get3A_718, %get3A_720 : vector<16xf32>
            %add3A_722 = arith.addf %add3A_686, %mul3A_721 : vector<16xf32>
            %add3A_723 = arith.constant 1088 : i32
            %add3A_724 = arith.addi %mul3A_124, %add3A_723 : i32
            %add3A_725 = arith.addi %add3A_724, %mul3A_565 : i32
            %get3A_726 = arith.index_cast %add3A_725 : i32 to index
            %get3A_727 = tpu.vector_load %arg12[%get3A_726] {strides = array<i32>} : memref<8192xf32, #tpu.memory_space<vmem>>, vector<16xf32>,
            %get3A_728 = arith.constant 272 : index
            %get3A_729 = tpu.vector_load %arg11[%get3A_728] {strides = array<i32>} : memref<1024xf32, #tpu.memory_space<vmem>>, vector<16xf32>,
            %mul3A_730 = arith.mulf %get3A_727, %get3A_729 : vector<16xf32>
            %add3A_731 = arith.addf %add3A_695, %mul3A_730 : vector<16xf32>
            %add3A_732 = arith.constant 1152 : i32
            %add3A_733 = arith.addi %mul3A_124, %add3A_732 : i32
            %add3A_734 = arith.addi %add3A_733, %mul3A_565 : i32
            %get3A_735 = arith.index_cast %add3A_734 : i32 to index
            %get3A_736 = tpu.vector_load %arg12[%get3A_735] {strides = array<i32>} : memref<8192xf32, #tpu.memory_space<vmem>>, vector<16xf32>,
            %get3A_737 = arith.constant 288 : index
            %get3A_738 = tpu.vector_load %arg11[%get3A_737] {strides = array<i32>} : memref<1024xf32, #tpu.memory_space<vmem>>, vector<16xf32>,
            %mul3A_739 = arith.mulf %get3A_736, %get3A_738 : vector<16xf32>
            %add3A_740 = arith.addf %add3A_704, %mul3A_739 : vector<16xf32>
            %add3A_741 = arith.constant 1216 : i32
            %add3A_742 = arith.addi %mul3A_124, %add3A_741 : i32
            %add3A_743 = arith.addi %add3A_742, %mul3A_565 : i32
            %get3A_744 = arith.index_cast %add3A_743 : i32 to index
            %get3A_745 = tpu.vector_load %arg12[%get3A_744] {strides = array<i32>} : memref<8192xf32, #tpu.memory_space<vmem>>, vector<16xf32>,
            %get3A_746 = arith.constant 304 : index
            %get3A_747 = tpu.vector_load %arg11[%get3A_746] {strides = array<i32>} : memref<1024xf32, #tpu.memory_space<vmem>>, vector<16xf32>,
            %mul3A_748 = arith.mulf %get3A_745, %get3A_747 : vector<16xf32>
            %add3A_749 = arith.addf %add3A_713, %mul3A_748 : vector<16xf32>
            %add3A_750 = arith.constant 1280 : i32
            %add3A_751 = arith.addi %mul3A_124, %add3A_750 : i32
            %add3A_752 = arith.addi %add3A_751, %mul3A_565 : i32
            %get3A_753 = arith.index_cast %add3A_752 : i32 to index
            %get3A_754 = tpu.vector_load %arg12[%get3A_753] {strides = array<i32>} : memref<8192xf32, #tpu.memory_space<vmem>>, vector<16xf32>,
            %get3A_755 = arith.constant 320 : index
            %get3A_756 = tpu.vector_load %arg11[%get3A_755] {strides = array<i32>} : memref<1024xf32, #tpu.memory_space<vmem>>, vector<16xf32>,
            %mul3A_757 = arith.mulf %get3A_754, %get3A_756 : vector<16xf32>
            %add3A_758 = arith.addf %add3A_722, %mul3A_757 : vector<16xf32>
            %add3A_759 = arith.constant 1344 : i32
            %add3A_760 = arith.addi %mul3A_124, %add3A_759 : i32
            %add3A_761 = arith.addi %add3A_760, %mul3A_565 : i32
            %get3A_762 = arith.index_cast %add3A_761 : i32 to index
            %get3A_763 = tpu.vector_load %arg12[%get3A_762] {strides = array<i32>} : memref<8192xf32, #tpu.memory_space<vmem>>, vector<16xf32>,
            %get3A_764 = arith.constant 336 : index
            %get3A_765 = tpu.vector_load %arg11[%get3A_764] {strides = array<i32>} : memref<1024xf32, #tpu.memory_space<vmem>>, vector<16xf32>,
            %mul3A_766 = arith.mulf %get3A_763, %get3A_765 : vector<16xf32>
            %add3A_767 = arith.addf %add3A_731, %mul3A_766 : vector<16xf32>
            %add3A_768 = arith.constant 1408 : i32
            %add3A_769 = arith.addi %mul3A_124, %add3A_768 : i32
            %add3A_770 = arith.addi %add3A_769, %mul3A_565 : i32
            %get3A_771 = arith.index_cast %add3A_770 : i32 to index
            %get3A_772 = tpu.vector_load %arg12[%get3A_771] {strides = array<i32>} : memref<8192xf32, #tpu.memory_space<vmem>>, vector<16xf32>,
            %get3A_773 = arith.constant 352 : index
            %get3A_774 = tpu.vector_load %arg11[%get3A_773] {strides = array<i32>} : memref<1024xf32, #tpu.memory_space<vmem>>, vector<16xf32>,
            %mul3A_775 = arith.mulf %get3A_772, %get3A_774 : vector<16xf32>
            %add3A_776 = arith.addf %add3A_740, %mul3A_775 : vector<16xf32>
            %add3A_777 = arith.constant 1472 : i32
            %add3A_778 = arith.addi %mul3A_124, %add3A_777 : i32
            %add3A_779 = arith.addi %add3A_778, %mul3A_565 : i32
            %get3A_780 = arith.index_cast %add3A_779 : i32 to index
            %get3A_781 = tpu.vector_load %arg12[%get3A_780] {strides = array<i32>} : memref<8192xf32, #tpu.memory_space<vmem>>, vector<16xf32>,
            %get3A_782 = arith.constant 368 : index
            %get3A_783 = tpu.vector_load %arg11[%get3A_782] {strides = array<i32>} : memref<1024xf32, #tpu.memory_space<vmem>>, vector<16xf32>,
            %mul3A_784 = arith.mulf %get3A_781, %get3A_783 : vector<16xf32>
            %add3A_785 = arith.addf %add3A_749, %mul3A_784 : vector<16xf32>
            %add3A_786 = arith.constant 1536 : i32
            %add3A_787 = arith.addi %mul3A_124, %add3A_786 : i32
            %add3A_788 = arith.addi %add3A_787, %mul3A_565 : i32
            %get3A_789 = arith.index_cast %add3A_788 : i32 to index
            %get3A_790 = tpu.vector_load %arg12[%get3A_789] {strides = array<i32>} : memref<8192xf32, #tpu.memory_space<vmem>>, vector<16xf32>,
            %get3A_791 = arith.constant 384 : index
            %get3A_792 = tpu.vector_load %arg11[%get3A_791] {strides = array<i32>} : memref<1024xf32, #tpu.memory_space<vmem>>, vector<16xf32>,
            %mul3A_793 = arith.mulf %get3A_790, %get3A_792 : vector<16xf32>
            %add3A_794 = arith.addf %add3A_758, %mul3A_793 : vector<16xf32>
            %add3A_795 = arith.constant 1600 : i32
            %add3A_796 = arith.addi %mul3A_124, %add3A_795 : i32
            %add3A_797 = arith.addi %add3A_796, %mul3A_565 : i32
            %get3A_798 = arith.index_cast %add3A_797 : i32 to index
            %get3A_799 = tpu.vector_load %arg12[%get3A_798] {strides = array<i32>} : memref<8192xf32, #tpu.memory_space<vmem>>, vector<16xf32>,
            %get3A_800 = arith.constant 400 : index
            %get3A_801 = tpu.vector_load %arg11[%get3A_800] {strides = array<i32>} : memref<1024xf32, #tpu.memory_space<vmem>>, vector<16xf32>,
            %mul3A_802 = arith.mulf %get3A_799, %get3A_801 : vector<16xf32>
            %add3A_803 = arith.addf %add3A_767, %mul3A_802 : vector<16xf32>
            %add3A_804 = arith.constant 1664 : i32
            %add3A_805 = arith.addi %mul3A_124, %add3A_804 : i32
            %add3A_806 = arith.addi %add3A_805, %mul3A_565 : i32
            %get3A_807 = arith.index_cast %add3A_806 : i32 to index
            %get3A_808 = tpu.vector_load %arg12[%get3A_807] {strides = array<i32>} : memref<8192xf32, #tpu.memory_space<vmem>>, vector<16xf32>,
            %get3A_809 = arith.constant 416 : index
            %get3A_810 = tpu.vector_load %arg11[%get3A_809] {strides = array<i32>} : memref<1024xf32, #tpu.memory_space<vmem>>, vector<16xf32>,
            %mul3A_811 = arith.mulf %get3A_808, %get3A_810 : vector<16xf32>
            %add3A_812 = arith.addf %add3A_776, %mul3A_811 : vector<16xf32>
            %add3A_813 = arith.constant 1728 : i32
            %add3A_814 = arith.addi %mul3A_124, %add3A_813 : i32
            %add3A_815 = arith.addi %add3A_814, %mul3A_565 : i32
            %get3A_816 = arith.index_cast %add3A_815 : i32 to index
            %get3A_817 = tpu.vector_load %arg12[%get3A_816] {strides = array<i32>} : memref<8192xf32, #tpu.memory_space<vmem>>, vector<16xf32>,
            %get3A_818 = arith.constant 432 : index
            %get3A_819 = tpu.vector_load %arg11[%get3A_818] {strides = array<i32>} : memref<1024xf32, #tpu.memory_space<vmem>>, vector<16xf32>,
            %mul3A_820 = arith.mulf %get3A_817, %get3A_819 : vector<16xf32>
            %add3A_821 = arith.addf %add3A_785, %mul3A_820 : vector<16xf32>
            %add3A_822 = arith.constant 1792 : i32
            %add3A_823 = arith.addi %mul3A_124, %add3A_822 : i32
            %add3A_824 = arith.addi %add3A_823, %mul3A_565 : i32
            %get3A_825 = arith.index_cast %add3A_824 : i32 to index
            %get3A_826 = tpu.vector_load %arg12[%get3A_825] {strides = array<i32>} : memref<8192xf32, #tpu.memory_space<vmem>>, vector<16xf32>,
            %get3A_827 = arith.constant 448 : index
            %get3A_828 = tpu.vector_load %arg11[%get3A_827] {strides = array<i32>} : memref<1024xf32, #tpu.memory_space<vmem>>, vector<16xf32>,
            %mul3A_829 = arith.mulf %get3A_826, %get3A_828 : vector<16xf32>
            %add3A_830 = arith.addf %add3A_794, %mul3A_829 : vector<16xf32>
            %add3A_831 = arith.constant 1856 : i32
            %add3A_832 = arith.addi %mul3A_124, %add3A_831 : i32
            %add3A_833 = arith.addi %add3A_832, %mul3A_565 : i32
            %get3A_834 = arith.index_cast %add3A_833 : i32 to index
            %get3A_835 = tpu.vector_load %arg12[%get3A_834] {strides = array<i32>} : memref<8192xf32, #tpu.memory_space<vmem>>, vector<16xf32>,
            %get3A_836 = arith.constant 464 : index
            %get3A_837 = tpu.vector_load %arg11[%get3A_836] {strides = array<i32>} : memref<1024xf32, #tpu.memory_space<vmem>>, vector<16xf32>,
            %mul3A_838 = arith.mulf %get3A_835, %get3A_837 : vector<16xf32>
            %add3A_839 = arith.addf %add3A_803, %mul3A_838 : vector<16xf32>
            %add3A_840 = arith.constant 1920 : i32
            %add3A_841 = arith.addi %mul3A_124, %add3A_840 : i32
            %add3A_842 = arith.addi %add3A_841, %mul3A_565 : i32
            %get3A_843 = arith.index_cast %add3A_842 : i32 to index
            %get3A_844 = tpu.vector_load %arg12[%get3A_843] {strides = array<i32>} : memref<8192xf32, #tpu.memory_space<vmem>>, vector<16xf32>,
            %get3A_845 = arith.constant 480 : index
            %get3A_846 = tpu.vector_load %arg11[%get3A_845] {strides = array<i32>} : memref<1024xf32, #tpu.memory_space<vmem>>, vector<16xf32>,
            %mul3A_847 = arith.mulf %get3A_844, %get3A_846 : vector<16xf32>
            %add3A_848 = arith.addf %add3A_812, %mul3A_847 : vector<16xf32>
            %add3A_849 = arith.constant 1984 : i32
            %add3A_850 = arith.addi %mul3A_124, %add3A_849 : i32
            %add3A_851 = arith.addi %add3A_850, %mul3A_565 : i32
            %get3A_852 = arith.index_cast %add3A_851 : i32 to index
            %get3A_853 = tpu.vector_load %arg12[%get3A_852] {strides = array<i32>} : memref<8192xf32, #tpu.memory_space<vmem>>, vector<16xf32>,
            %get3A_854 = arith.constant 496 : index
            %get3A_855 = tpu.vector_load %arg11[%get3A_854] {strides = array<i32>} : memref<1024xf32, #tpu.memory_space<vmem>>, vector<16xf32>,
            %mul3A_856 = arith.mulf %get3A_853, %get3A_855 : vector<16xf32>
            %add3A_857 = arith.addf %add3A_821, %mul3A_856 : vector<16xf32>
            %add3A_858 = arith.constant 2048 : i32
            %add3A_859 = arith.addi %mul3A_124, %add3A_858 : i32
            %add3A_860 = arith.addi %add3A_859, %mul3A_565 : i32
            %get3A_861 = arith.index_cast %add3A_860 : i32 to index
            %get3A_862 = tpu.vector_load %arg12[%get3A_861] {strides = array<i32>} : memref<8192xf32, #tpu.memory_space<vmem>>, vector<16xf32>,
            %get3A_863 = arith.constant 512 : index
            %get3A_864 = tpu.vector_load %arg11[%get3A_863] {strides = array<i32>} : memref<1024xf32, #tpu.memory_space<vmem>>, vector<16xf32>,
            %mul3A_865 = arith.mulf %get3A_862, %get3A_864 : vector<16xf32>
            %add3A_866 = arith.addf %add3A_830, %mul3A_865 : vector<16xf32>
            %add3A_867 = arith.constant 2112 : i32
            %add3A_868 = arith.addi %mul3A_124, %add3A_867 : i32
            %add3A_869 = arith.addi %add3A_868, %mul3A_565 : i32
            %get3A_870 = arith.index_cast %add3A_869 : i32 to index
            %get3A_871 = tpu.vector_load %arg12[%get3A_870] {strides = array<i32>} : memref<8192xf32, #tpu.memory_space<vmem>>, vector<16xf32>,
            %get3A_872 = arith.constant 528 : index
            %get3A_873 = tpu.vector_load %arg11[%get3A_872] {strides = array<i32>} : memref<1024xf32, #tpu.memory_space<vmem>>, vector<16xf32>,
            %mul3A_874 = arith.mulf %get3A_871, %get3A_873 : vector<16xf32>
            %add3A_875 = arith.addf %add3A_839, %mul3A_874 : vector<16xf32>
            %add3A_876 = arith.constant 2176 : i32
            %add3A_877 = arith.addi %mul3A_124, %add3A_876 : i32
            %add3A_878 = arith.addi %add3A_877, %mul3A_565 : i32
            %get3A_879 = arith.index_cast %add3A_878 : i32 to index
            %get3A_880 = tpu.vector_load %arg12[%get3A_879] {strides = array<i32>} : memref<8192xf32, #tpu.memory_space<vmem>>, vector<16xf32>,
            %get3A_881 = arith.constant 544 : index
            %get3A_882 = tpu.vector_load %arg11[%get3A_881] {strides = array<i32>} : memref<1024xf32, #tpu.memory_space<vmem>>, vector<16xf32>,
            %mul3A_883 = arith.mulf %get3A_880, %get3A_882 : vector<16xf32>
            %add3A_884 = arith.addf %add3A_848, %mul3A_883 : vector<16xf32>
            %add3A_885 = arith.constant 2240 : i32
            %add3A_886 = arith.addi %mul3A_124, %add3A_885 : i32
            %add3A_887 = arith.addi %add3A_886, %mul3A_565 : i32
            %get3A_888 = arith.index_cast %add3A_887 : i32 to index
            %get3A_889 = tpu.vector_load %arg12[%get3A_888] {strides = array<i32>} : memref<8192xf32, #tpu.memory_space<vmem>>, vector<16xf32>,
            %get3A_890 = arith.constant 560 : index
            %get3A_891 = tpu.vector_load %arg11[%get3A_890] {strides = array<i32>} : memref<1024xf32, #tpu.memory_space<vmem>>, vector<16xf32>,
            %mul3A_892 = arith.mulf %get3A_889, %get3A_891 : vector<16xf32>
            %add3A_893 = arith.addf %add3A_857, %mul3A_892 : vector<16xf32>
            %add3A_894 = arith.constant 2304 : i32
            %add3A_895 = arith.addi %mul3A_124, %add3A_894 : i32
            %add3A_896 = arith.addi %add3A_895, %mul3A_565 : i32
            %get3A_897 = arith.index_cast %add3A_896 : i32 to index
            %get3A_898 = tpu.vector_load %arg12[%get3A_897] {strides = array<i32>} : memref<8192xf32, #tpu.memory_space<vmem>>, vector<16xf32>,
            %get3A_899 = arith.constant 576 : index
            %get3A_900 = tpu.vector_load %arg11[%get3A_899] {strides = array<i32>} : memref<1024xf32, #tpu.memory_space<vmem>>, vector<16xf32>,
            %mul3A_901 = arith.mulf %get3A_898, %get3A_900 : vector<16xf32>
            %add3A_902 = arith.addf %add3A_866, %mul3A_901 : vector<16xf32>
            %add3A_903 = arith.constant 2368 : i32
            %add3A_904 = arith.addi %mul3A_124, %add3A_903 : i32
            %add3A_905 = arith.addi %add3A_904, %mul3A_565 : i32
            %get3A_906 = arith.index_cast %add3A_905 : i32 to index
            %get3A_907 = tpu.vector_load %arg12[%get3A_906] {strides = array<i32>} : memref<8192xf32, #tpu.memory_space<vmem>>, vector<16xf32>,
            %get3A_908 = arith.constant 592 : index
            %get3A_909 = tpu.vector_load %arg11[%get3A_908] {strides = array<i32>} : memref<1024xf32, #tpu.memory_space<vmem>>, vector<16xf32>,
            %mul3A_910 = arith.mulf %get3A_907, %get3A_909 : vector<16xf32>
            %add3A_911 = arith.addf %add3A_875, %mul3A_910 : vector<16xf32>
            %add3A_912 = arith.constant 2432 : i32
            %add3A_913 = arith.addi %mul3A_124, %add3A_912 : i32
            %add3A_914 = arith.addi %add3A_913, %mul3A_565 : i32
            %get3A_915 = arith.index_cast %add3A_914 : i32 to index
            %get3A_916 = tpu.vector_load %arg12[%get3A_915] {strides = array<i32>} : memref<8192xf32, #tpu.memory_space<vmem>>, vector<16xf32>,
            %get3A_917 = arith.constant 608 : index
            %get3A_918 = tpu.vector_load %arg11[%get3A_917] {strides = array<i32>} : memref<1024xf32, #tpu.memory_space<vmem>>, vector<16xf32>,
            %mul3A_919 = arith.mulf %get3A_916, %get3A_918 : vector<16xf32>
            %add3A_920 = arith.addf %add3A_884, %mul3A_919 : vector<16xf32>
            %add3A_921 = arith.constant 2496 : i32
            %add3A_922 = arith.addi %mul3A_124, %add3A_921 : i32
            %add3A_923 = arith.addi %add3A_922, %mul3A_565 : i32
            %get3A_924 = arith.index_cast %add3A_923 : i32 to index
            %get3A_925 = tpu.vector_load %arg12[%get3A_924] {strides = array<i32>} : memref<8192xf32, #tpu.memory_space<vmem>>, vector<16xf32>,
            %get3A_926 = arith.constant 624 : index
            %get3A_927 = tpu.vector_load %arg11[%get3A_926] {strides = array<i32>} : memref<1024xf32, #tpu.memory_space<vmem>>, vector<16xf32>,
            %mul3A_928 = arith.mulf %get3A_925, %get3A_927 : vector<16xf32>
            %add3A_929 = arith.addf %add3A_893, %mul3A_928 : vector<16xf32>
            %add3A_930 = arith.constant 2560 : i32
            %add3A_931 = arith.addi %mul3A_124, %add3A_930 : i32
            %add3A_932 = arith.addi %add3A_931, %mul3A_565 : i32
            %get3A_933 = arith.index_cast %add3A_932 : i32 to index
            %get3A_934 = tpu.vector_load %arg12[%get3A_933] {strides = array<i32>} : memref<8192xf32, #tpu.memory_space<vmem>>, vector<16xf32>,
            %get3A_935 = arith.constant 640 : index
            %get3A_936 = tpu.vector_load %arg11[%get3A_935] {strides = array<i32>} : memref<1024xf32, #tpu.memory_space<vmem>>, vector<16xf32>,
            %mul3A_937 = arith.mulf %get3A_934, %get3A_936 : vector<16xf32>
            %add3A_938 = arith.addf %add3A_902, %mul3A_937 : vector<16xf32>
            %add3A_939 = arith.constant 2624 : i32
            %add3A_940 = arith.addi %mul3A_124, %add3A_939 : i32
            %add3A_941 = arith.addi %add3A_940, %mul3A_565 : i32
            %get3A_942 = arith.index_cast %add3A_941 : i32 to index
            %get3A_943 = tpu.vector_load %arg12[%get3A_942] {strides = array<i32>} : memref<8192xf32, #tpu.memory_space<vmem>>, vector<16xf32>,
            %get3A_944 = arith.constant 656 : index
            %get3A_945 = tpu.vector_load %arg11[%get3A_944] {strides = array<i32>} : memref<1024xf32, #tpu.memory_space<vmem>>, vector<16xf32>,
            %mul3A_946 = arith.mulf %get3A_943, %get3A_945 : vector<16xf32>
            %add3A_947 = arith.addf %add3A_911, %mul3A_946 : vector<16xf32>
            %add3A_948 = arith.constant 2688 : i32
            %add3A_949 = arith.addi %mul3A_124, %add3A_948 : i32
            %add3A_950 = arith.addi %add3A_949, %mul3A_565 : i32
            %get3A_951 = arith.index_cast %add3A_950 : i32 to index
            %get3A_952 = tpu.vector_load %arg12[%get3A_951] {strides = array<i32>} : memref<8192xf32, #tpu.memory_space<vmem>>, vector<16xf32>,
            %get3A_953 = arith.constant 672 : index
            %get3A_954 = tpu.vector_load %arg11[%get3A_953] {strides = array<i32>} : memref<1024xf32, #tpu.memory_space<vmem>>, vector<16xf32>,
            %mul3A_955 = arith.mulf %get3A_952, %get3A_954 : vector<16xf32>
            %add3A_956 = arith.addf %add3A_920, %mul3A_955 : vector<16xf32>
            %add3A_957 = arith.constant 2752 : i32
            %add3A_958 = arith.addi %mul3A_124, %add3A_957 : i32
            %add3A_959 = arith.addi %add3A_958, %mul3A_565 : i32
            %get3A_960 = arith.index_cast %add3A_959 : i32 to index
            %get3A_961 = tpu.vector_load %arg12[%get3A_960] {strides = array<i32>} : memref<8192xf32, #tpu.memory_space<vmem>>, vector<16xf32>,
            %get3A_962 = arith.constant 688 : index
            %get3A_963 = tpu.vector_load %arg11[%get3A_962] {strides = array<i32>} : memref<1024xf32, #tpu.memory_space<vmem>>, vector<16xf32>,
            %mul3A_964 = arith.mulf %get3A_961, %get3A_963 : vector<16xf32>
            %add3A_965 = arith.addf %add3A_929, %mul3A_964 : vector<16xf32>
            %add3A_966 = arith.constant 2816 : i32
            %add3A_967 = arith.addi %mul3A_124, %add3A_966 : i32
            %add3A_968 = arith.addi %add3A_967, %mul3A_565 : i32
            %get3A_969 = arith.index_cast %add3A_968 : i32 to index
            %get3A_970 = tpu.vector_load %arg12[%get3A_969] {strides = array<i32>} : memref<8192xf32, #tpu.memory_space<vmem>>, vector<16xf32>,
            %get3A_971 = arith.constant 704 : index
            %get3A_972 = tpu.vector_load %arg11[%get3A_971] {strides = array<i32>} : memref<1024xf32, #tpu.memory_space<vmem>>, vector<16xf32>,
            %mul3A_973 = arith.mulf %get3A_970, %get3A_972 : vector<16xf32>
            %add3A_974 = arith.addf %add3A_938, %mul3A_973 : vector<16xf32>
            %add3A_975 = arith.constant 2880 : i32
            %add3A_976 = arith.addi %mul3A_124, %add3A_975 : i32
            %add3A_977 = arith.addi %add3A_976, %mul3A_565 : i32
            %get3A_978 = arith.index_cast %add3A_977 : i32 to index
            %get3A_979 = tpu.vector_load %arg12[%get3A_978] {strides = array<i32>} : memref<8192xf32, #tpu.memory_space<vmem>>, vector<16xf32>,
            %get3A_980 = arith.constant 720 : index
            %get3A_981 = tpu.vector_load %arg11[%get3A_980] {strides = array<i32>} : memref<1024xf32, #tpu.memory_space<vmem>>, vector<16xf32>,
            %mul3A_982 = arith.mulf %get3A_979, %get3A_981 : vector<16xf32>
            %add3A_983 = arith.addf %add3A_947, %mul3A_982 : vector<16xf32>
            %add3A_984 = arith.constant 2944 : i32
            %add3A_985 = arith.addi %mul3A_124, %add3A_984 : i32
            %add3A_986 = arith.addi %add3A_985, %mul3A_565 : i32
            %get3A_987 = arith.index_cast %add3A_986 : i32 to index
            %get3A_988 = tpu.vector_load %arg12[%get3A_987] {strides = array<i32>} : memref<8192xf32, #tpu.memory_space<vmem>>, vector<16xf32>,
            %get3A_989 = arith.constant 736 : index
            %get3A_990 = tpu.vector_load %arg11[%get3A_989] {strides = array<i32>} : memref<1024xf32, #tpu.memory_space<vmem>>, vector<16xf32>,
            %mul3A_991 = arith.mulf %get3A_988, %get3A_990 : vector<16xf32>
            %add3A_992 = arith.addf %add3A_956, %mul3A_991 : vector<16xf32>
            %add3A_993 = arith.constant 3008 : i32
            %add3A_994 = arith.addi %mul3A_124, %add3A_993 : i32
            %add3A_995 = arith.addi %add3A_994, %mul3A_565 : i32
            %get3A_996 = arith.index_cast %add3A_995 : i32 to index
            %get3A_997 = tpu.vector_load %arg12[%get3A_996] {strides = array<i32>} : memref<8192xf32, #tpu.memory_space<vmem>>, vector<16xf32>,
            %get3A_998 = arith.constant 752 : index
            %get3A_999 = tpu.vector_load %arg11[%get3A_998] {strides = array<i32>} : memref<1024xf32, #tpu.memory_space<vmem>>, vector<16xf32>,
            %mul3A_1000 = arith.mulf %get3A_997, %get3A_999 : vector<16xf32>
            %add3A_1001 = arith.addf %add3A_965, %mul3A_1000 : vector<16xf32>
            %add3A_1002 = arith.constant 3072 : i32
            %add3A_1003 = arith.addi %mul3A_124, %add3A_1002 : i32
            %add3A_1004 = arith.addi %add3A_1003, %mul3A_565 : i32
            %get3A_1005 = arith.index_cast %add3A_1004 : i32 to index
            %get3A_1006 = tpu.vector_load %arg12[%get3A_1005] {strides = array<i32>} : memref<8192xf32, #tpu.memory_space<vmem>>, vector<16xf32>,
            %get3A_1007 = arith.constant 768 : index
            %get3A_1008 = tpu.vector_load %arg11[%get3A_1007] {strides = array<i32>} : memref<1024xf32, #tpu.memory_space<vmem>>, vector<16xf32>,
            %mul3A_1009 = arith.mulf %get3A_1006, %get3A_1008 : vector<16xf32>
            %add3A_1010 = arith.addf %add3A_974, %mul3A_1009 : vector<16xf32>
            %add3A_1011 = arith.constant 3136 : i32
            %add3A_1012 = arith.addi %mul3A_124, %add3A_1011 : i32
            %add3A_1013 = arith.addi %add3A_1012, %mul3A_565 : i32
            %get3A_1014 = arith.index_cast %add3A_1013 : i32 to index
            %get3A_1015 = tpu.vector_load %arg12[%get3A_1014] {strides = array<i32>} : memref<8192xf32, #tpu.memory_space<vmem>>, vector<16xf32>,
            %get3A_1016 = arith.constant 784 : index
            %get3A_1017 = tpu.vector_load %arg11[%get3A_1016] {strides = array<i32>} : memref<1024xf32, #tpu.memory_space<vmem>>, vector<16xf32>,
            %mul3A_1018 = arith.mulf %get3A_1015, %get3A_1017 : vector<16xf32>
            %add3A_1019 = arith.addf %add3A_983, %mul3A_1018 : vector<16xf32>
            %add3A_1020 = arith.constant 3200 : i32
            %add3A_1021 = arith.addi %mul3A_124, %add3A_1020 : i32
            %add3A_1022 = arith.addi %add3A_1021, %mul3A_565 : i32
            %get3A_1023 = arith.index_cast %add3A_1022 : i32 to index
            %get3A_1024 = tpu.vector_load %arg12[%get3A_1023] {strides = array<i32>} : memref<8192xf32, #tpu.memory_space<vmem>>, vector<16xf32>,
            %get3A_1025 = arith.constant 800 : index
            %get3A_1026 = tpu.vector_load %arg11[%get3A_1025] {strides = array<i32>} : memref<1024xf32, #tpu.memory_space<vmem>>, vector<16xf32>,
            %mul3A_1027 = arith.mulf %get3A_1024, %get3A_1026 : vector<16xf32>
            %add3A_1028 = arith.addf %add3A_992, %mul3A_1027 : vector<16xf32>
            %add3A_1029 = arith.constant 3264 : i32
            %add3A_1030 = arith.addi %mul3A_124, %add3A_1029 : i32
            %add3A_1031 = arith.addi %add3A_1030, %mul3A_565 : i32
            %get3A_1032 = arith.index_cast %add3A_1031 : i32 to index
            %get3A_1033 = tpu.vector_load %arg12[%get3A_1032] {strides = array<i32>} : memref<8192xf32, #tpu.memory_space<vmem>>, vector<16xf32>,
            %get3A_1034 = arith.constant 816 : index
            %get3A_1035 = tpu.vector_load %arg11[%get3A_1034] {strides = array<i32>} : memref<1024xf32, #tpu.memory_space<vmem>>, vector<16xf32>,
            %mul3A_1036 = arith.mulf %get3A_1033, %get3A_1035 : vector<16xf32>
            %add3A_1037 = arith.addf %add3A_1001, %mul3A_1036 : vector<16xf32>
            %add3A_1038 = arith.constant 3328 : i32
            %add3A_1039 = arith.addi %mul3A_124, %add3A_1038 : i32
            %add3A_1040 = arith.addi %add3A_1039, %mul3A_565 : i32
            %get3A_1041 = arith.index_cast %add3A_1040 : i32 to index
            %get3A_1042 = tpu.vector_load %arg12[%get3A_1041] {strides = array<i32>} : memref<8192xf32, #tpu.memory_space<vmem>>, vector<16xf32>,
            %get3A_1043 = arith.constant 832 : index
            %get3A_1044 = tpu.vector_load %arg11[%get3A_1043] {strides = array<i32>} : memref<1024xf32, #tpu.memory_space<vmem>>, vector<16xf32>,
            %mul3A_1045 = arith.mulf %get3A_1042, %get3A_1044 : vector<16xf32>
            %add3A_1046 = arith.addf %add3A_1010, %mul3A_1045 : vector<16xf32>
            %add3A_1047 = arith.constant 3392 : i32
            %add3A_1048 = arith.addi %mul3A_124, %add3A_1047 : i32
            %add3A_1049 = arith.addi %add3A_1048, %mul3A_565 : i32
            %get3A_1050 = arith.index_cast %add3A_1049 : i32 to index
            %get3A_1051 = tpu.vector_load %arg12[%get3A_1050] {strides = array<i32>} : memref<8192xf32, #tpu.memory_space<vmem>>, vector<16xf32>,
            %get3A_1052 = arith.constant 848 : index
            %get3A_1053 = tpu.vector_load %arg11[%get3A_1052] {strides = array<i32>} : memref<1024xf32, #tpu.memory_space<vmem>>, vector<16xf32>,
            %mul3A_1054 = arith.mulf %get3A_1051, %get3A_1053 : vector<16xf32>
            %add3A_1055 = arith.addf %add3A_1019, %mul3A_1054 : vector<16xf32>
            %add3A_1056 = arith.constant 3456 : i32
            %add3A_1057 = arith.addi %mul3A_124, %add3A_1056 : i32
            %add3A_1058 = arith.addi %add3A_1057, %mul3A_565 : i32
            %get3A_1059 = arith.index_cast %add3A_1058 : i32 to index
            %get3A_1060 = tpu.vector_load %arg12[%get3A_1059] {strides = array<i32>} : memref<8192xf32, #tpu.memory_space<vmem>>, vector<16xf32>,
            %get3A_1061 = arith.constant 864 : index
            %get3A_1062 = tpu.vector_load %arg11[%get3A_1061] {strides = array<i32>} : memref<1024xf32, #tpu.memory_space<vmem>>, vector<16xf32>,
            %mul3A_1063 = arith.mulf %get3A_1060, %get3A_1062 : vector<16xf32>
            %add3A_1064 = arith.addf %add3A_1028, %mul3A_1063 : vector<16xf32>
            %add3A_1065 = arith.constant 3520 : i32
            %add3A_1066 = arith.addi %mul3A_124, %add3A_1065 : i32
            %add3A_1067 = arith.addi %add3A_1066, %mul3A_565 : i32
            %get3A_1068 = arith.index_cast %add3A_1067 : i32 to index
            %get3A_1069 = tpu.vector_load %arg12[%get3A_1068] {strides = array<i32>} : memref<8192xf32, #tpu.memory_space<vmem>>, vector<16xf32>,
            %get3A_1070 = arith.constant 880 : index
            %get3A_1071 = tpu.vector_load %arg11[%get3A_1070] {strides = array<i32>} : memref<1024xf32, #tpu.memory_space<vmem>>, vector<16xf32>,
            %mul3A_1072 = arith.mulf %get3A_1069, %get3A_1071 : vector<16xf32>
            %add3A_1073 = arith.addf %add3A_1037, %mul3A_1072 : vector<16xf32>
            %add3A_1074 = arith.constant 3584 : i32
            %add3A_1075 = arith.addi %mul3A_124, %add3A_1074 : i32
            %add3A_1076 = arith.addi %add3A_1075, %mul3A_565 : i32
            %get3A_1077 = arith.index_cast %add3A_1076 : i32 to index
            %get3A_1078 = tpu.vector_load %arg12[%get3A_1077] {strides = array<i32>} : memref<8192xf32, #tpu.memory_space<vmem>>, vector<16xf32>,
            %get3A_1079 = arith.constant 896 : index
            %get3A_1080 = tpu.vector_load %arg11[%get3A_1079] {strides = array<i32>} : memref<1024xf32, #tpu.memory_space<vmem>>, vector<16xf32>,
            %mul3A_1081 = arith.mulf %get3A_1078, %get3A_1080 : vector<16xf32>
            %add3A_1082 = arith.addf %add3A_1046, %mul3A_1081 : vector<16xf32>
            %add3A_1083 = arith.constant 3648 : i32
            %add3A_1084 = arith.addi %mul3A_124, %add3A_1083 : i32
            %add3A_1085 = arith.addi %add3A_1084, %mul3A_565 : i32
            %get3A_1086 = arith.index_cast %add3A_1085 : i32 to index
            %get3A_1087 = tpu.vector_load %arg12[%get3A_1086] {strides = array<i32>} : memref<8192xf32, #tpu.memory_space<vmem>>, vector<16xf32>,
            %get3A_1088 = arith.constant 912 : index
            %get3A_1089 = tpu.vector_load %arg11[%get3A_1088] {strides = array<i32>} : memref<1024xf32, #tpu.memory_space<vmem>>, vector<16xf32>,
            %mul3A_1090 = arith.mulf %get3A_1087, %get3A_1089 : vector<16xf32>
            %add3A_1091 = arith.addf %add3A_1055, %mul3A_1090 : vector<16xf32>
            %add3A_1092 = arith.constant 3712 : i32
            %add3A_1093 = arith.addi %mul3A_124, %add3A_1092 : i32
            %add3A_1094 = arith.addi %add3A_1093, %mul3A_565 : i32
            %get3A_1095 = arith.index_cast %add3A_1094 : i32 to index
            %get3A_1096 = tpu.vector_load %arg12[%get3A_1095] {strides = array<i32>} : memref<8192xf32, #tpu.memory_space<vmem>>, vector<16xf32>,
            %get3A_1097 = arith.constant 928 : index
            %get3A_1098 = tpu.vector_load %arg11[%get3A_1097] {strides = array<i32>} : memref<1024xf32, #tpu.memory_space<vmem>>, vector<16xf32>,
            %mul3A_1099 = arith.mulf %get3A_1096, %get3A_1098 : vector<16xf32>
            %add3A_1100 = arith.addf %add3A_1064, %mul3A_1099 : vector<16xf32>
            %add3A_1101 = arith.constant 3776 : i32
            %add3A_1102 = arith.addi %mul3A_124, %add3A_1101 : i32
            %add3A_1103 = arith.addi %add3A_1102, %mul3A_565 : i32
            %get3A_1104 = arith.index_cast %add3A_1103 : i32 to index
            %get3A_1105 = tpu.vector_load %arg12[%get3A_1104] {strides = array<i32>} : memref<8192xf32, #tpu.memory_space<vmem>>, vector<16xf32>,
            %get3A_1106 = arith.constant 944 : index
            %get3A_1107 = tpu.vector_load %arg11[%get3A_1106] {strides = array<i32>} : memref<1024xf32, #tpu.memory_space<vmem>>, vector<16xf32>,
            %mul3A_1108 = arith.mulf %get3A_1105, %get3A_1107 : vector<16xf32>
            %add3A_1109 = arith.addf %add3A_1073, %mul3A_1108 : vector<16xf32>
            %add3A_1110 = arith.constant 3840 : i32
            %add3A_1111 = arith.addi %mul3A_124, %add3A_1110 : i32
            %add3A_1112 = arith.addi %add3A_1111, %mul3A_565 : i32
            %get3A_1113 = arith.index_cast %add3A_1112 : i32 to index
            %get3A_1114 = tpu.vector_load %arg12[%get3A_1113] {strides = array<i32>} : memref<8192xf32, #tpu.memory_space<vmem>>, vector<16xf32>,
            %get3A_1115 = arith.constant 960 : index
            %get3A_1116 = tpu.vector_load %arg11[%get3A_1115] {strides = array<i32>} : memref<1024xf32, #tpu.memory_space<vmem>>, vector<16xf32>,
            %mul3A_1117 = arith.mulf %get3A_1114, %get3A_1116 : vector<16xf32>
            %add3A_1118 = arith.addf %add3A_1082, %mul3A_1117 : vector<16xf32>
            %add3A_1119 = arith.constant 3904 : i32
            %add3A_1120 = arith.addi %mul3A_124, %add3A_1119 : i32
            %add3A_1121 = arith.addi %add3A_1120, %mul3A_565 : i32
            %get3A_1122 = arith.index_cast %add3A_1121 : i32 to index
            %get3A_1123 = tpu.vector_load %arg12[%get3A_1122] {strides = array<i32>} : memref<8192xf32, #tpu.memory_space<vmem>>, vector<16xf32>,
            %get3A_1124 = arith.constant 976 : index
            %get3A_1125 = tpu.vector_load %arg11[%get3A_1124] {strides = array<i32>} : memref<1024xf32, #tpu.memory_space<vmem>>, vector<16xf32>,
            %mul3A_1126 = arith.mulf %get3A_1123, %get3A_1125 : vector<16xf32>
            %add3A_1127 = arith.addf %add3A_1091, %mul3A_1126 : vector<16xf32>
            %add3A_1128 = arith.constant 3968 : i32
            %add3A_1129 = arith.addi %mul3A_124, %add3A_1128 : i32
            %add3A_1130 = arith.addi %add3A_1129, %mul3A_565 : i32
            %get3A_1131 = arith.index_cast %add3A_1130 : i32 to index
            %get3A_1132 = tpu.vector_load %arg12[%get3A_1131] {strides = array<i32>} : memref<8192xf32, #tpu.memory_space<vmem>>, vector<16xf32>,
            %get3A_1133 = arith.constant 992 : index
            %get3A_1134 = tpu.vector_load %arg11[%get3A_1133] {strides = array<i32>} : memref<1024xf32, #tpu.memory_space<vmem>>, vector<16xf32>,
            %mul3A_1135 = arith.mulf %get3A_1132, %get3A_1134 : vector<16xf32>
            %add3A_1136 = arith.addf %add3A_1100, %mul3A_1135 : vector<16xf32>
            %add3A_1137 = arith.constant 4032 : i32
            %add3A_1138 = arith.addi %mul3A_124, %add3A_1137 : i32
            %add3A_1139 = arith.addi %add3A_1138, %mul3A_565 : i32
            %get3A_1140 = arith.index_cast %add3A_1139 : i32 to index
            %get3A_1141 = tpu.vector_load %arg12[%get3A_1140] {strides = array<i32>} : memref<8192xf32, #tpu.memory_space<vmem>>, vector<16xf32>,
            %get3A_1142 = arith.constant 1008 : index
            %get3A_1143 = tpu.vector_load %arg11[%get3A_1142] {strides = array<i32>} : memref<1024xf32, #tpu.memory_space<vmem>>, vector<16xf32>,
            %mul3A_1144 = arith.mulf %get3A_1141, %get3A_1143 : vector<16xf32>
            %add3A_1145 = arith.addf %add3A_1109, %mul3A_1144 : vector<16xf32>
            %add3A_1146 = arith.addf %add3A_1118, %add3A_1127 : vector<16xf32>
            %add3A_1147 = arith.addf %add3A_1136, %add3A_1145 : vector<16xf32>
            %add3A_1148 = arith.addf %add3A_1146, %add3A_1147 : vector<16xf32>
            %select_n3A_1149 = arith.select %and3A_569, %add3A_1148, %broadcast_in_dim3A_9 : vector<16xi1>, vector<16xf32>
            %reduce_max3A = arith.constant true
            %reduce_max3A_1150 = vector.broadcast %reduce_max3A : i1 to vector<16xi1>
            %reduce_max3A_1151 = tpu.scan <max>, %select_n3A_1149 masked %reduce_max3A_1150 : vector<16xf32>, vector<16xi1> -> vector<16xf32>
            %reduce_max3A_1152 = vector.extract %reduce_max3A_1151[15] : f32 from vector<16xf32>
            %broadcast_in_dim3A_1153 = vector.broadcast %reduce_max3A_1152 : f32 to vector<16xf32>
            %get3A_1154 = arith.constant 0 : index
            %get3A_1155 = tpu.vector_load %arg15[%get3A_1154] {strides = array<i32>} : memref<16xf32, #tpu.memory_space<vmem>>, vector<16xf32>,
            %max3A_1156 = arith.maximumf %get3A_1155, %broadcast_in_dim3A_1153 : vector<16xf32>
            %sub3A_1157 = arith.subf %get3A_1155, %max3A_1156 : vector<16xf32>
            %mul3A_1158 = arith.mulf %sub3A_1157, %broadcast_in_dim3A_144 : vector<16xf32>
            %exp3A = math.exp %mul3A_1158 : vector<16xf32>
            %lt3A_1159 = arith.constant -9.99999968E+37 : f32
            %lt3A_1160 = vector.broadcast %lt3A_1159 : f32 to vector<16xf32>
            %lt3A_1161 = arith.cmpf olt, %get3A_1155, %lt3A_1160 : vector<16xf32>
            %select_n3A_1162 = arith.select %lt3A_1161, %broadcast_in_dim3A_7, %exp3A : vector<16xi1>, vector<16xf32>
            %sub3A_1163 = arith.subf %add3A_1148, %max3A_1156 : vector<16xf32>
            %mul3A_1164 = arith.mulf %sub3A_1163, %broadcast_in_dim3A_144 : vector<16xf32>
            %exp3A_1165 = math.exp %mul3A_1164 : vector<16xf32>
            %select_n3A_1166 = arith.select %and3A_569, %exp3A_1165, %broadcast_in_dim3A_5 : vector<16xi1>, vector<16xf32>
            %get3A_1167 = arith.constant 0 : index
            %get3A_1168 = tpu.vector_load %arg16[%get3A_1167] {strides = array<i32>} : memref<16xf32, #tpu.memory_space<vmem>>, vector<16xf32>,
            %mul3A_1169 = arith.mulf %get3A_1168, %select_n3A_1162 : vector<16xf32>
            %reduce_sum3A = arith.constant true
            %reduce_sum3A_1170 = vector.broadcast %reduce_sum3A : i1 to vector<16xi1>
            %reduce_sum3A_1171 = tpu.scan <sum>, %select_n3A_1166 masked %reduce_sum3A_1170 : vector<16xf32>, vector<16xi1> -> vector<16xf32>
            %reduce_sum3A_1172 = vector.extract %reduce_sum3A_1171[15] : f32 from vector<16xf32>
            %broadcast_in_dim3A_1173 = vector.broadcast %reduce_sum3A_1172 : f32 to vector<16xf32>
            %add3A_1174 = arith.addf %mul3A_1169, %broadcast_in_dim3A_1173 : vector<16xf32>
            %swap3A_1175 = arith.constant 0 : index
            %swap3A_1176 = tpu.vector_load %arg16[%swap3A_1175] {strides = array<i32>} : memref<16xf32, #tpu.memory_space<vmem>>, vector<16xf32>,
            tpu.vector_store %arg16[%swap3A_1175], %add3A_1174 {strides = array<i32>} : memref<16xf32, #tpu.memory_space<vmem>>, vector<16xf32>,
            %swap3A_1177 = arith.constant 0 : index
            %swap3A_1178 = tpu.vector_load %arg15[%swap3A_1177] {strides = array<i32>} : memref<16xf32, #tpu.memory_space<vmem>>, vector<16xf32>,
            tpu.vector_store %arg15[%swap3A_1177], %max3A_1156 {strides = array<i32>} : memref<16xf32, #tpu.memory_space<vmem>>, vector<16xf32>,
            %swap3A_1179 = arith.constant 0 : index
            %swap3A_1180 = tpu.vector_load %arg18[%swap3A_1179] {strides = array<i32>} : memref<16xf32, #tpu.memory_space<vmem>>, vector<16xf32>,
            tpu.vector_store %arg18[%swap3A_1179], %select_n3A_1166 {strides = array<i32>} : memref<16xf32, #tpu.memory_space<vmem>>, vector<16xf32>,
            %max3A_1181 = arith.maxsi %sub3A_138, %mul3A_565 : i32
            %add3A_1182 = arith.constant 16 : i32
            %add3A_1183 = arith.addi %mul3A_565, %add3A_1182 : i32
            %min3A_1184 = arith.minsi %sub3A_139, %add3A_1183 : i32
            %get3A_1185 = arith.constant 0 : index
            %get3A_1186 = tpu.vector_load %arg17[%get3A_1185] {strides = array<i32>} : memref<128xf32, #tpu.memory_space<vmem>>, vector<16xf32>,
            %mul3A_1187 = arith.mulf %get3A_1186, %select_n3A_1162 : vector<16xf32>
            %get3A_1188 = arith.constant 16 : index
            %get3A_1189 = tpu.vector_load %arg17[%get3A_1188] {strides = array<i32>} : memref<128xf32, #tpu.memory_space<vmem>>, vector<16xf32>,
            %mul3A_1190 = arith.mulf %get3A_1189, %select_n3A_1162 : vector<16xf32>
            %get3A_1191 = arith.constant 32 : index
            %get3A_1192 = tpu.vector_load %arg17[%get3A_1191] {strides = array<i32>} : memref<128xf32, #tpu.memory_space<vmem>>, vector<16xf32>,
            %mul3A_1193 = arith.mulf %get3A_1192, %select_n3A_1162 : vector<16xf32>
            %get3A_1194 = arith.constant 48 : index
            %get3A_1195 = tpu.vector_load %arg17[%get3A_1194] {strides = array<i32>} : memref<128xf32, #tpu.memory_space<vmem>>, vector<16xf32>,
            %mul3A_1196 = arith.mulf %get3A_1195, %select_n3A_1162 : vector<16xf32>
            %get3A_1197 = arith.constant 64 : index
            %get3A_1198 = tpu.vector_load %arg17[%get3A_1197] {strides = array<i32>} : memref<128xf32, #tpu.memory_space<vmem>>, vector<16xf32>,
            %mul3A_1199 = arith.mulf %get3A_1198, %select_n3A_1162 : vector<16xf32>
            %get3A_1200 = arith.constant 80 : index
            %get3A_1201 = tpu.vector_load %arg17[%get3A_1200] {strides = array<i32>} : memref<128xf32, #tpu.memory_space<vmem>>, vector<16xf32>,
            %mul3A_1202 = arith.mulf %get3A_1201, %select_n3A_1162 : vector<16xf32>
            %get3A_1203 = arith.constant 96 : index
            %get3A_1204 = tpu.vector_load %arg17[%get3A_1203] {strides = array<i32>} : memref<128xf32, #tpu.memory_space<vmem>>, vector<16xf32>,
            %mul3A_1205 = arith.mulf %get3A_1204, %select_n3A_1162 : vector<16xf32>
            %get3A_1206 = arith.constant 112 : index
            %get3A_1207 = tpu.vector_load %arg17[%get3A_1206] {strides = array<i32>} : memref<128xf32, #tpu.memory_space<vmem>>, vector<16xf32>,
            %mul3A_1208 = arith.mulf %get3A_1207, %select_n3A_1162 : vector<16xf32>
            %while3A_1209 = arith.subi %min3A_1184, %max3A_1181 : i32
            %while3A_1210 = arith.addi %max3A_1181, %while3A_1209 : i32
            %while3A_1211 = arith.constant 1 : i32
            %while3A_1212 = arith.divsi %while3A_1209, %while3A_1211 : i32
            %while3A_1213 = arith.muli %while3A_1212, %while3A_1211 : i32
            %while3A_1214 = arith.addi %max3A_1181, %while3A_1213 : i32
            %while3A_1215 = arith.constant 1 : i32
            %while3A_1216:8 = scf.for %while3A_1235 = %max3A_1181 to %while3A_1214 step %while3A_1215 iter_args(%while3A_1236 = %mul3A_1187, %while3A_1237 = %mul3A_1190, %while3A_1238 = %mul3A_1193, %while3A_1239 = %mul3A_1196, %while3A_1240 = %mul3A_1199, %while3A_1241 = %mul3A_1202, %while3A_1242 = %mul3A_1205, %while3A_1243 = %mul3A_1208) -> (vector<16xf32>, vector<16xf32>, vector<16xf32>, vector<16xf32>, vector<16xf32>, vector<16xf32>, vector<16xf32>, vector<16xf32>)  : i32 {
              %sub3A_1244 = arith.subi %while3A_1235, %mul3A_565 : i32
              %broadcast_in_dim3A_1245 = vector.broadcast %sub3A_1244 : i32 to vector<16xi32>
              %gather3A = tpu.vector_load_idx %arg18[%broadcast_in_dim3A_1245] : memref<16xf32, #tpu.memory_space<vmem>>[vector<16xi32>], vector<16xf32>,
              %mul3A_1246 = arith.constant 128 : i32
              %mul3A_1247 = arith.muli %while3A_1235, %mul3A_1246 : i32
              %add3A_1248 = arith.addi %mul3A_126, %mul3A_1247 : i32
              %add3A_1249 = arith.constant 0 : i32
              %add3A_1250 = arith.addi %add3A_1248, %add3A_1249 : i32
              %get3A_1251 = arith.index_cast %add3A_1250 : i32 to index
              %get3A_1252 = tpu.vector_load %arg13[%get3A_1251] {strides = array<i32>} : memref<16384xf32, #tpu.memory_space<vmem>>, vector<16xf32>,
              %mul3A_1253 = arith.mulf %get3A_1252, %gather3A : vector<16xf32>
              %max3A_1254 = arith.maximumf %while3A_1236, %mul3A_1253 : vector<16xf32>
              %add3A_1255 = arith.constant 16 : i32
              %add3A_1256 = arith.addi %add3A_1248, %add3A_1255 : i32
              %get3A_1257 = arith.index_cast %add3A_1256 : i32 to index
              %get3A_1258 = tpu.vector_load %arg13[%get3A_1257] {strides = array<i32>} : memref<16384xf32, #tpu.memory_space<vmem>>, vector<16xf32>,
              %mul3A_1259 = arith.mulf %get3A_1258, %gather3A : vector<16xf32>
              %max3A_1260 = arith.maximumf %while3A_1237, %mul3A_1259 : vector<16xf32>
              %add3A_1261 = arith.constant 32 : i32
              %add3A_1262 = arith.addi %add3A_1248, %add3A_1261 : i32
              %get3A_1263 = arith.index_cast %add3A_1262 : i32 to index
              %get3A_1264 = tpu.vector_load %arg13[%get3A_1263] {strides = array<i32>} : memref<16384xf32, #tpu.memory_space<vmem>>, vector<16xf32>,
              %mul3A_1265 = arith.mulf %get3A_1264, %gather3A : vector<16xf32>
              %max3A_1266 = arith.maximumf %while3A_1238, %mul3A_1265 : vector<16xf32>
              %add3A_1267 = arith.constant 48 : i32
              %add3A_1268 = arith.addi %add3A_1248, %add3A_1267 : i32
              %get3A_1269 = arith.index_cast %add3A_1268 : i32 to index
              %get3A_1270 = tpu.vector_load %arg13[%get3A_1269] {strides = array<i32>} : memref<16384xf32, #tpu.memory_space<vmem>>, vector<16xf32>,
              %mul3A_1271 = arith.mulf %get3A_1270, %gather3A : vector<16xf32>
              %max3A_1272 = arith.maximumf %while3A_1239, %mul3A_1271 : vector<16xf32>
              %add3A_1273 = arith.constant 64 : i32
              %add3A_1274 = arith.addi %add3A_1248, %add3A_1273 : i32
              %get3A_1275 = arith.index_cast %add3A_1274 : i32 to index
              %get3A_1276 = tpu.vector_load %arg13[%get3A_1275] {strides = array<i32>} : memref<16384xf32, #tpu.memory_space<vmem>>, vector<16xf32>,
              %mul3A_1277 = arith.mulf %get3A_1276, %gather3A : vector<16xf32>
              %max3A_1278 = arith.maximumf %while3A_1240, %mul3A_1277 : vector<16xf32>
              %add3A_1279 = arith.constant 80 : i32
              %add3A_1280 = arith.addi %add3A_1248, %add3A_1279 : i32
              %get3A_1281 = arith.index_cast %add3A_1280 : i32 to index
              %get3A_1282 = tpu.vector_load %arg13[%get3A_1281] {strides = array<i32>} : memref<16384xf32, #tpu.memory_space<vmem>>, vector<16xf32>,
              %mul3A_1283 = arith.mulf %get3A_1282, %gather3A : vector<16xf32>
              %max3A_1284 = arith.maximumf %while3A_1241, %mul3A_1283 : vector<16xf32>
              %add3A_1285 = arith.constant 96 : i32
              %add3A_1286 = arith.addi %add3A_1248, %add3A_1285 : i32
              %get3A_1287 = arith.index_cast %add3A_1286 : i32 to index
              %get3A_1288 = tpu.vector_load %arg13[%get3A_1287] {strides = array<i32>} : memref<16384xf32, #tpu.memory_space<vmem>>, vector<16xf32>,
              %mul3A_1289 = arith.mulf %get3A_1288, %gather3A : vector<16xf32>
              %max3A_1290 = arith.maximumf %while3A_1242, %mul3A_1289 : vector<16xf32>
              %add3A_1291 = arith.constant 112 : i32
              %add3A_1292 = arith.addi %add3A_1248, %add3A_1291 : i32
              %get3A_1293 = arith.index_cast %add3A_1292 : i32 to index
              %get3A_1294 = tpu.vector_load %arg13[%get3A_1293] {strides = array<i32>} : memref<16384xf32, #tpu.memory_space<vmem>>, vector<16xf32>,
              %mul3A_1295 = arith.mulf %get3A_1294, %gather3A : vector<16xf32>
              %max3A_1296 = arith.maximumf %while3A_1243, %mul3A_1295 : vector<16xf32>
              scf.yield %max3A_1254, %max3A_1260, %max3A_1266, %max3A_1272, %max3A_1278, %max3A_1284, %max3A_1290, %max3A_1296 : vector<16xf32>, vector<16xf32>, vector<16xf32>, vector<16xf32>, vector<16xf32>, vector<16xf32>, vector<16xf32>, vector<16xf32>
            }
            %while3A_1217 = arith.constant 1 : i32
            %while3A_1218:8 = scf.for %while3A_1235 = %while3A_1214 to %while3A_1210 step %while3A_1217 iter_args(%while3A_1236 = %while3A_1216#0, %while3A_1237 = %while3A_1216#1, %while3A_1238 = %while3A_1216#2, %while3A_1239 = %while3A_1216#3, %while3A_1240 = %while3A_1216#4, %while3A_1241 = %while3A_1216#5, %while3A_1242 = %while3A_1216#6, %while3A_1243 = %while3A_1216#7) -> (vector<16xf32>, vector<16xf32>, vector<16xf32>, vector<16xf32>, vector<16xf32>, vector<16xf32>, vector<16xf32>, vector<16xf32>)  : i32 {
              %sub3A_1244 = arith.subi %while3A_1235, %mul3A_565 : i32
              %broadcast_in_dim3A_1245 = vector.broadcast %sub3A_1244 : i32 to vector<16xi32>
              %gather3A = tpu.vector_load_idx %arg18[%broadcast_in_dim3A_1245] : memref<16xf32, #tpu.memory_space<vmem>>[vector<16xi32>], vector<16xf32>,
              %mul3A_1246 = arith.constant 128 : i32
              %mul3A_1247 = arith.muli %while3A_1235, %mul3A_1246 : i32
              %add3A_1248 = arith.addi %mul3A_126, %mul3A_1247 : i32
              %add3A_1249 = arith.constant 0 : i32
              %add3A_1250 = arith.addi %add3A_1248, %add3A_1249 : i32
              %get3A_1251 = arith.index_cast %add3A_1250 : i32 to index
              %get3A_1252 = tpu.vector_load %arg13[%get3A_1251] {strides = array<i32>} : memref<16384xf32, #tpu.memory_space<vmem>>, vector<16xf32>,
              %mul3A_1253 = arith.mulf %get3A_1252, %gather3A : vector<16xf32>
              %max3A_1254 = arith.maximumf %while3A_1236, %mul3A_1253 : vector<16xf32>
              %add3A_1255 = arith.constant 16 : i32
              %add3A_1256 = arith.addi %add3A_1248, %add3A_1255 : i32
              %get3A_1257 = arith.index_cast %add3A_1256 : i32 to index
              %get3A_1258 = tpu.vector_load %arg13[%get3A_1257] {strides = array<i32>} : memref<16384xf32, #tpu.memory_space<vmem>>, vector<16xf32>,
              %mul3A_1259 = arith.mulf %get3A_1258, %gather3A : vector<16xf32>
              %max3A_1260 = arith.maximumf %while3A_1237, %mul3A_1259 : vector<16xf32>
              %add3A_1261 = arith.constant 32 : i32
              %add3A_1262 = arith.addi %add3A_1248, %add3A_1261 : i32
              %get3A_1263 = arith.index_cast %add3A_1262 : i32 to index
              %get3A_1264 = tpu.vector_load %arg13[%get3A_1263] {strides = array<i32>} : memref<16384xf32, #tpu.memory_space<vmem>>, vector<16xf32>,
              %mul3A_1265 = arith.mulf %get3A_1264, %gather3A : vector<16xf32>
              %max3A_1266 = arith.maximumf %while3A_1238, %mul3A_1265 : vector<16xf32>
              %add3A_1267 = arith.constant 48 : i32
              %add3A_1268 = arith.addi %add3A_1248, %add3A_1267 : i32
              %get3A_1269 = arith.index_cast %add3A_1268 : i32 to index
              %get3A_1270 = tpu.vector_load %arg13[%get3A_1269] {strides = array<i32>} : memref<16384xf32, #tpu.memory_space<vmem>>, vector<16xf32>,
              %mul3A_1271 = arith.mulf %get3A_1270, %gather3A : vector<16xf32>
              %max3A_1272 = arith.maximumf %while3A_1239, %mul3A_1271 : vector<16xf32>
              %add3A_1273 = arith.constant 64 : i32
              %add3A_1274 = arith.addi %add3A_1248, %add3A_1273 : i32
              %get3A_1275 = arith.index_cast %add3A_1274 : i32 to index
              %get3A_1276 = tpu.vector_load %arg13[%get3A_1275] {strides = array<i32>} : memref<16384xf32, #tpu.memory_space<vmem>>, vector<16xf32>,
              %mul3A_1277 = arith.mulf %get3A_1276, %gather3A : vector<16xf32>
              %max3A_1278 = arith.maximumf %while3A_1240, %mul3A_1277 : vector<16xf32>
              %add3A_1279 = arith.constant 80 : i32
              %add3A_1280 = arith.addi %add3A_1248, %add3A_1279 : i32
              %get3A_1281 = arith.index_cast %add3A_1280 : i32 to index
              %get3A_1282 = tpu.vector_load %arg13[%get3A_1281] {strides = array<i32>} : memref<16384xf32, #tpu.memory_space<vmem>>, vector<16xf32>,
              %mul3A_1283 = arith.mulf %get3A_1282, %gather3A : vector<16xf32>
              %max3A_1284 = arith.maximumf %while3A_1241, %mul3A_1283 : vector<16xf32>
              %add3A_1285 = arith.constant 96 : i32
              %add3A_1286 = arith.addi %add3A_1248, %add3A_1285 : i32
              %get3A_1287 = arith.index_cast %add3A_1286 : i32 to index
              %get3A_1288 = tpu.vector_load %arg13[%get3A_1287] {strides = array<i32>} : memref<16384xf32, #tpu.memory_space<vmem>>, vector<16xf32>,
              %mul3A_1289 = arith.mulf %get3A_1288, %gather3A : vector<16xf32>
              %max3A_1290 = arith.maximumf %while3A_1242, %mul3A_1289 : vector<16xf32>
              %add3A_1291 = arith.constant 112 : i32
              %add3A_1292 = arith.addi %add3A_1248, %add3A_1291 : i32
              %get3A_1293 = arith.index_cast %add3A_1292 : i32 to index
              %get3A_1294 = tpu.vector_load %arg13[%get3A_1293] {strides = array<i32>} : memref<16384xf32, #tpu.memory_space<vmem>>, vector<16xf32>,
              %mul3A_1295 = arith.mulf %get3A_1294, %gather3A : vector<16xf32>
              %max3A_1296 = arith.maximumf %while3A_1243, %mul3A_1295 : vector<16xf32>
              scf.yield %max3A_1254, %max3A_1260, %max3A_1266, %max3A_1272, %max3A_1278, %max3A_1284, %max3A_1290, %max3A_1296 : vector<16xf32>, vector<16xf32>, vector<16xf32>, vector<16xf32>, vector<16xf32>, vector<16xf32>, vector<16xf32>, vector<16xf32>
            }
            %swap3A_1219 = arith.constant 0 : index
            %swap3A_1220 = tpu.vector_load %arg17[%swap3A_1219] {strides = array<i32>} : memref<128xf32, #tpu.memory_space<vmem>>, vector<16xf32>,
            tpu.vector_store %arg17[%swap3A_1219], %while3A_1218#0 {strides = array<i32>} : memref<128xf32, #tpu.memory_space<vmem>>, vector<16xf32>,
            %swap3A_1221 = arith.constant 16 : index
            %swap3A_1222 = tpu.vector_load %arg17[%swap3A_1221] {strides = array<i32>} : memref<128xf32, #tpu.memory_space<vmem>>, vector<16xf32>,
            tpu.vector_store %arg17[%swap3A_1221], %while3A_1218#1 {strides = array<i32>} : memref<128xf32, #tpu.memory_space<vmem>>, vector<16xf32>,
            %swap3A_1223 = arith.constant 32 : index
            %swap3A_1224 = tpu.vector_load %arg17[%swap3A_1223] {strides = array<i32>} : memref<128xf32, #tpu.memory_space<vmem>>, vector<16xf32>,
            tpu.vector_store %arg17[%swap3A_1223], %while3A_1218#2 {strides = array<i32>} : memref<128xf32, #tpu.memory_space<vmem>>, vector<16xf32>,
            %swap3A_1225 = arith.constant 48 : index
            %swap3A_1226 = tpu.vector_load %arg17[%swap3A_1225] {strides = array<i32>} : memref<128xf32, #tpu.memory_space<vmem>>, vector<16xf32>,
            tpu.vector_store %arg17[%swap3A_1225], %while3A_1218#3 {strides = array<i32>} : memref<128xf32, #tpu.memory_space<vmem>>, vector<16xf32>,
            %swap3A_1227 = arith.constant 64 : index
            %swap3A_1228 = tpu.vector_load %arg17[%swap3A_1227] {strides = array<i32>} : memref<128xf32, #tpu.memory_space<vmem>>, vector<16xf32>,
            tpu.vector_store %arg17[%swap3A_1227], %while3A_1218#4 {strides = array<i32>} : memref<128xf32, #tpu.memory_space<vmem>>, vector<16xf32>,
            %swap3A_1229 = arith.constant 80 : index
            %swap3A_1230 = tpu.vector_load %arg17[%swap3A_1229] {strides = array<i32>} : memref<128xf32, #tpu.memory_space<vmem>>, vector<16xf32>,
            tpu.vector_store %arg17[%swap3A_1229], %while3A_1218#5 {strides = array<i32>} : memref<128xf32, #tpu.memory_space<vmem>>, vector<16xf32>,
            %swap3A_1231 = arith.constant 96 : index
            %swap3A_1232 = tpu.vector_load %arg17[%swap3A_1231] {strides = array<i32>} : memref<128xf32, #tpu.memory_space<vmem>>, vector<16xf32>,
            tpu.vector_store %arg17[%swap3A_1231], %while3A_1218#6 {strides = array<i32>} : memref<128xf32, #tpu.memory_space<vmem>>, vector<16xf32>,
            %swap3A_1233 = arith.constant 112 : index
            %swap3A_1234 = tpu.vector_load %arg17[%swap3A_1233] {strides = array<i32>} : memref<128xf32, #tpu.memory_space<vmem>>, vector<16xf32>,
            tpu.vector_store %arg17[%swap3A_1233], %while3A_1218#7 {strides = array<i32>} : memref<128xf32, #tpu.memory_space<vmem>>, vector<16xf32>,
          }
        } else {
        }
        %le3A = arith.cmpi sle, %squeeze3A_136, %add3A_122 : i32
        %convert_element_type3A_149 = arith.extui %le3A : i1 to i32
        %cond3A_150 = arith.constant 0 : i32
        %cond3A_151 = arith.cmpi ne, %convert_element_type3A_149, %cond3A_150 : i32
        scf.if %cond3A_151 {
          %get3A_158 = arith.constant 0 : index
          %get3A_159 = tpu.vector_load %arg15[%get3A_158] {strides = array<i32>} : memref<16xf32, #tpu.memory_space<vmem>>, vector<16xf32>,
          %max3A_160 = arith.maximumf %get3A_159, %broadcast_in_dim3A_5 : vector<16xf32>
          %mul3A_161 = arith.constant -2.000000e+00 : f32
          %mul3A_162 = vector.broadcast %mul3A_161 : f32 to vector<16xf32>
          %mul3A_163 = arith.mulf %mul3A_162, %max3A_160 : vector<16xf32>
          %exp3A = math.exp %mul3A_163 : vector<16xf32>
          %sub3A_164 = arith.subf %broadcast_in_dim3A_7, %exp3A : vector<16xf32>
          %add3A_165 = arith.addf %broadcast_in_dim3A_7, %exp3A : vector<16xf32>
          %div3A_166 = arith.divf %sub3A_164, %add3A_165 : vector<16xf32>
          %get3A_167 = arith.constant 0 : index
          %get3A_168 = tpu.vector_load %arg16[%get3A_167] {strides = array<i32>} : memref<16xf32, #tpu.memory_space<vmem>>, vector<16xf32>,
          %add3A_169 = arith.constant 9.99999996E-13 : f32
          %add3A_170 = vector.broadcast %add3A_169 : f32 to vector<16xf32>
          %add3A_171 = arith.addf %get3A_168, %add3A_170 : vector<16xf32>
          %div3A_172 = arith.divf %div3A_166, %add3A_171 : vector<16xf32>
          %mul3A_173 = arith.constant 128 : i32
          %mul3A_174 = arith.muli %while3A_129, %mul3A_173 : i32
          %get3A_175 = arith.constant 0 : index
          %get3A_176 = tpu.vector_load %arg17[%get3A_175] {strides = array<i32>} : memref<128xf32, #tpu.memory_space<vmem>>, vector<16xf32>,
          %mul3A_177 = arith.mulf %get3A_176, %div3A_172 : vector<16xf32>
          %add3A_178 = arith.constant 0 : i32
          %add3A_179 = arith.addi %mul3A_174, %add3A_178 : i32
          %swap3A_180 = arith.index_cast %add3A_179 : i32 to index
          %swap3A_181 = tpu.vector_load %arg14[%swap3A_180] {strides = array<i32>} : memref<40960xf32, #tpu.memory_space<vmem>>, vector<16xf32>,
          tpu.vector_store %arg14[%swap3A_180], %mul3A_177 {strides = array<i32>} : memref<40960xf32, #tpu.memory_space<vmem>>, vector<16xf32>,
          %get3A_182 = arith.constant 16 : index
          %get3A_183 = tpu.vector_load %arg17[%get3A_182] {strides = array<i32>} : memref<128xf32, #tpu.memory_space<vmem>>, vector<16xf32>,
          %mul3A_184 = arith.mulf %get3A_183, %div3A_172 : vector<16xf32>
          %add3A_185 = arith.constant 16 : i32
          %add3A_186 = arith.addi %mul3A_174, %add3A_185 : i32
          %swap3A_187 = arith.index_cast %add3A_186 : i32 to index
          %swap3A_188 = tpu.vector_load %arg14[%swap3A_187] {strides = array<i32>} : memref<40960xf32, #tpu.memory_space<vmem>>, vector<16xf32>,
          tpu.vector_store %arg14[%swap3A_187], %mul3A_184 {strides = array<i32>} : memref<40960xf32, #tpu.memory_space<vmem>>, vector<16xf32>,
          %get3A_189 = arith.constant 32 : index
          %get3A_190 = tpu.vector_load %arg17[%get3A_189] {strides = array<i32>} : memref<128xf32, #tpu.memory_space<vmem>>, vector<16xf32>,
          %mul3A_191 = arith.mulf %get3A_190, %div3A_172 : vector<16xf32>
          %add3A_192 = arith.constant 32 : i32
          %add3A_193 = arith.addi %mul3A_174, %add3A_192 : i32
          %swap3A_194 = arith.index_cast %add3A_193 : i32 to index
          %swap3A_195 = tpu.vector_load %arg14[%swap3A_194] {strides = array<i32>} : memref<40960xf32, #tpu.memory_space<vmem>>, vector<16xf32>,
          tpu.vector_store %arg14[%swap3A_194], %mul3A_191 {strides = array<i32>} : memref<40960xf32, #tpu.memory_space<vmem>>, vector<16xf32>,
          %get3A_196 = arith.constant 48 : index
          %get3A_197 = tpu.vector_load %arg17[%get3A_196] {strides = array<i32>} : memref<128xf32, #tpu.memory_space<vmem>>, vector<16xf32>,
          %mul3A_198 = arith.mulf %get3A_197, %div3A_172 : vector<16xf32>
          %add3A_199 = arith.constant 48 : i32
          %add3A_200 = arith.addi %mul3A_174, %add3A_199 : i32
          %swap3A_201 = arith.index_cast %add3A_200 : i32 to index
          %swap3A_202 = tpu.vector_load %arg14[%swap3A_201] {strides = array<i32>} : memref<40960xf32, #tpu.memory_space<vmem>>, vector<16xf32>,
          tpu.vector_store %arg14[%swap3A_201], %mul3A_198 {strides = array<i32>} : memref<40960xf32, #tpu.memory_space<vmem>>, vector<16xf32>,
          %get3A_203 = arith.constant 64 : index
          %get3A_204 = tpu.vector_load %arg17[%get3A_203] {strides = array<i32>} : memref<128xf32, #tpu.memory_space<vmem>>, vector<16xf32>,
          %mul3A_205 = arith.mulf %get3A_204, %div3A_172 : vector<16xf32>
          %add3A_206 = arith.constant 64 : i32
          %add3A_207 = arith.addi %mul3A_174, %add3A_206 : i32
          %swap3A_208 = arith.index_cast %add3A_207 : i32 to index
          %swap3A_209 = tpu.vector_load %arg14[%swap3A_208] {strides = array<i32>} : memref<40960xf32, #tpu.memory_space<vmem>>, vector<16xf32>,
          tpu.vector_store %arg14[%swap3A_208], %mul3A_205 {strides = array<i32>} : memref<40960xf32, #tpu.memory_space<vmem>>, vector<16xf32>,
          %get3A_210 = arith.constant 80 : index
          %get3A_211 = tpu.vector_load %arg17[%get3A_210] {strides = array<i32>} : memref<128xf32, #tpu.memory_space<vmem>>, vector<16xf32>,
          %mul3A_212 = arith.mulf %get3A_211, %div3A_172 : vector<16xf32>
          %add3A_213 = arith.constant 80 : i32
          %add3A_214 = arith.addi %mul3A_174, %add3A_213 : i32
          %swap3A_215 = arith.index_cast %add3A_214 : i32 to index
          %swap3A_216 = tpu.vector_load %arg14[%swap3A_215] {strides = array<i32>} : memref<40960xf32, #tpu.memory_space<vmem>>, vector<16xf32>,
          tpu.vector_store %arg14[%swap3A_215], %mul3A_212 {strides = array<i32>} : memref<40960xf32, #tpu.memory_space<vmem>>, vector<16xf32>,
          %get3A_217 = arith.constant 96 : index
          %get3A_218 = tpu.vector_load %arg17[%get3A_217] {strides = array<i32>} : memref<128xf32, #tpu.memory_space<vmem>>, vector<16xf32>,
          %mul3A_219 = arith.mulf %get3A_218, %div3A_172 : vector<16xf32>
          %add3A_220 = arith.constant 96 : i32
          %add3A_221 = arith.addi %mul3A_174, %add3A_220 : i32
          %swap3A_222 = arith.index_cast %add3A_221 : i32 to index
          %swap3A_223 = tpu.vector_load %arg14[%swap3A_222] {strides = array<i32>} : memref<40960xf32, #tpu.memory_space<vmem>>, vector<16xf32>,
          tpu.vector_store %arg14[%swap3A_222], %mul3A_219 {strides = array<i32>} : memref<40960xf32, #tpu.memory_space<vmem>>, vector<16xf32>,
          %get3A_224 = arith.constant 112 : index
          %get3A_225 = tpu.vector_load %arg17[%get3A_224] {strides = array<i32>} : memref<128xf32, #tpu.memory_space<vmem>>, vector<16xf32>,
          %mul3A_226 = arith.mulf %get3A_225, %div3A_172 : vector<16xf32>
          %add3A_227 = arith.constant 112 : i32
          %add3A_228 = arith.addi %mul3A_174, %add3A_227 : i32
          %swap3A_229 = arith.index_cast %add3A_228 : i32 to index
          %swap3A_230 = tpu.vector_load %arg14[%swap3A_229] {strides = array<i32>} : memref<40960xf32, #tpu.memory_space<vmem>>, vector<16xf32>,
          tpu.vector_store %arg14[%swap3A_229], %mul3A_226 {strides = array<i32>} : memref<40960xf32, #tpu.memory_space<vmem>>, vector<16xf32>,
          %swap3A_231 = arith.constant 0 : index
          %swap3A_232 = tpu.vector_load %arg15[%swap3A_231] {strides = array<i32>} : memref<16xf32, #tpu.memory_space<vmem>>, vector<16xf32>,
          tpu.vector_store %arg15[%swap3A_231], %broadcast_in_dim3A_9 {strides = array<i32>} : memref<16xf32, #tpu.memory_space<vmem>>, vector<16xf32>,
          %swap3A_233 = arith.constant 0 : index
          %swap3A_234 = tpu.vector_load %arg16[%swap3A_233] {strides = array<i32>} : memref<16xf32, #tpu.memory_space<vmem>>, vector<16xf32>,
          tpu.vector_store %arg16[%swap3A_233], %broadcast_in_dim3A_5 {strides = array<i32>} : memref<16xf32, #tpu.memory_space<vmem>>, vector<16xf32>,
          %swap3A_235 = arith.constant 0 : index
          %swap3A_236 = tpu.vector_load %arg17[%swap3A_235] {strides = array<i32>} : memref<128xf32, #tpu.memory_space<vmem>>, vector<16xf32>,
          tpu.vector_store %arg17[%swap3A_235], %broadcast_in_dim3A_9 {strides = array<i32>} : memref<128xf32, #tpu.memory_space<vmem>>, vector<16xf32>,
          %swap3A_237 = arith.constant 16 : index
          %swap3A_238 = tpu.vector_load %arg17[%swap3A_237] {strides = array<i32>} : memref<128xf32, #tpu.memory_space<vmem>>, vector<16xf32>,
          tpu.vector_store %arg17[%swap3A_237], %broadcast_in_dim3A_9 {strides = array<i32>} : memref<128xf32, #tpu.memory_space<vmem>>, vector<16xf32>,
          %swap3A_239 = arith.constant 32 : index
          %swap3A_240 = tpu.vector_load %arg17[%swap3A_239] {strides = array<i32>} : memref<128xf32, #tpu.memory_space<vmem>>, vector<16xf32>,
          tpu.vector_store %arg17[%swap3A_239], %broadcast_in_dim3A_9 {strides = array<i32>} : memref<128xf32, #tpu.memory_space<vmem>>, vector<16xf32>,
          %swap3A_241 = arith.constant 48 : index
          %swap3A_242 = tpu.vector_load %arg17[%swap3A_241] {strides = array<i32>} : memref<128xf32, #tpu.memory_space<vmem>>, vector<16xf32>,
          tpu.vector_store %arg17[%swap3A_241], %broadcast_in_dim3A_9 {strides = array<i32>} : memref<128xf32, #tpu.memory_space<vmem>>, vector<16xf32>,
          %swap3A_243 = arith.constant 64 : index
          %swap3A_244 = tpu.vector_load %arg17[%swap3A_243] {strides = array<i32>} : memref<128xf32, #tpu.memory_space<vmem>>, vector<16xf32>,
          tpu.vector_store %arg17[%swap3A_243], %broadcast_in_dim3A_9 {strides = array<i32>} : memref<128xf32, #tpu.memory_space<vmem>>, vector<16xf32>,
          %swap3A_245 = arith.constant 80 : index
          %swap3A_246 = tpu.vector_load %arg17[%swap3A_245] {strides = array<i32>} : memref<128xf32, #tpu.memory_space<vmem>>, vector<16xf32>,
          tpu.vector_store %arg17[%swap3A_245], %broadcast_in_dim3A_9 {strides = array<i32>} : memref<128xf32, #tpu.memory_space<vmem>>, vector<16xf32>,
          %swap3A_247 = arith.constant 96 : index
          %swap3A_248 = tpu.vector_load %arg17[%swap3A_247] {strides = array<i32>} : memref<128xf32, #tpu.memory_space<vmem>>, vector<16xf32>,
          tpu.vector_store %arg17[%swap3A_247], %broadcast_in_dim3A_9 {strides = array<i32>} : memref<128xf32, #tpu.memory_space<vmem>>, vector<16xf32>,
          %swap3A_249 = arith.constant 112 : index
          %swap3A_250 = tpu.vector_load %arg17[%swap3A_249] {strides = array<i32>} : memref<128xf32, #tpu.memory_space<vmem>>, vector<16xf32>,
          tpu.vector_store %arg17[%swap3A_249], %broadcast_in_dim3A_9 {strides = array<i32>} : memref<128xf32, #tpu.memory_space<vmem>>, vector<16xf32>,
        } else {
        }
        %add3A_152 = arith.constant 1 : i32
        %add3A_153 = arith.addi %while3A_129, %add3A_152 : i32
        %select_n3A_154 = arith.select %le3A, %add3A_153, %while3A_129 : i32
        %jit3A_155 = arith.constant 0 : i32
        %jit3A_156 = arith.constant 1 : i32
        %select_n3A_157 = arith.select %le3A, %jit3A_155, %jit3A_156 : i32
        scf.yield %select_n3A_154, %select_n3A_157 : i32, i32
      }
      scf.yield %while3A_128#0 : i32
    }
    %mul3A_98 = arith.constant 128 : i32
    %mul3A_99 = arith.muli %mul3A_2, %mul3A_98 : i32
    "tpu.region"() ({
      %run_scoped3A = tpu.sem_alloc : memref<!tpu.dma_semaphore, #tpu.memory_space<semaphore_mem>>
      %dma_start3A = tpu.memref_slice %arg7[%mul3A_99] : memref<1310720xf32, #tpu.memory_space<hbm>> -> memref<40960xf32, #tpu.memory_space<hbm>>
      %dma_start3A_100 = tpu.memref_slice %arg7[%mul3A_99] : memref<1310720xf32, #tpu.memory_space<hbm>> -> memref<40960xf32, #tpu.memory_space<hbm>>
      tpu.enqueue_dma source(%arg14 : memref<40960xf32, #tpu.memory_space<vmem>>) target(%dma_start3A_100 : memref<40960xf32, #tpu.memory_space<hbm>>) target_semaphore(%run_scoped3A : memref<!tpu.dma_semaphore, #tpu.memory_space<semaphore_mem>>)
      %dma_wait3A = tpu.memref_slice %arg7[%mul3A_99] : memref<1310720xf32, #tpu.memory_space<hbm>> -> memref<40960xf32, #tpu.memory_space<hbm>>
      %dma_wait3A_101 = tpu.memref_slice %arg7[%mul3A_99] : memref<1310720xf32, #tpu.memory_space<hbm>> -> memref<40960xf32, #tpu.memory_space<hbm>>
      tpu.wait_dma2 semaphore(%run_scoped3A : memref<!tpu.dma_semaphore, #tpu.memory_space<semaphore_mem>>) src(%arg14 : memref<40960xf32, #tpu.memory_space<vmem>>) dst(%dma_wait3A_101 : memref<40960xf32, #tpu.memory_space<hbm>>)
      tpu.yield
    }) : () -> ()
    return
  }
}

module attributes {stable_mosaic.version = 14 : i64} {
  func.func @_k_y1(%arg0: i32, %arg1: memref<2560x128xf32, #tpu.memory_space<vmem>>, %arg2: memref<128x128xf32, #tpu.memory_space<vmem>>, %arg3: memref<1x128xf32, #tpu.memory_space<vmem>>, %arg4: memref<2560x128xf32, #tpu.memory_space<vmem>>, %arg5: memref<8x128xf32, #tpu.memory_space<vmem>>) attributes {dimension_semantics = [#tpu.dimension_semantics<arbitrary>], iteration_bounds = array<i64: 125>, scalar_prefetch = 0 : i64, scratch_operands = 0 : i64, tpu.core_type = #tpu.core_type<tc>, window_params = [{transform_indices = @transform_0, window_bounds = array<i64: 2560, 128>}, {pipeline_mode = #tpu.pipeline_mode<synchronous>, transform_indices = @transform_1, window_bounds = array<i64: 128, 128>}, {pipeline_mode = #tpu.pipeline_mode<synchronous>, transform_indices = @transform_2, window_bounds = array<i64: 1, 128>}, {transform_indices = @transform_3, window_bounds = array<i64: 2560, 128>}, {pipeline_mode = #tpu.pipeline_mode<synchronous>, transform_indices = @transform_4, window_bounds = array<i64: 8, 128>}]} {
    %get3A = arith.constant 0 : index
    %get3A_0 = arith.constant 0 : index
    %get3A_1 = vector.load %arg1[%get3A, %get3A_0] : memref<2560x128xf32, #tpu.memory_space<vmem>>, vector<2560x128xf32>
    %get3A_2 = arith.constant 0 : index
    %get3A_3 = arith.constant 0 : index
    %get3A_4 = vector.load %arg2[%get3A_2, %get3A_3] : memref<128x128xf32, #tpu.memory_space<vmem>>, vector<128x128xf32>
    %dot_general3A = arith.constant dense<0.000000e+00> : vector<2560x128xf32>
    %dot_general3A_5 = tpu.matmul %get3A_1, %get3A_4, %dot_general3A {dimension_numbers = #tpu.dot_dimension_numbers<[1], [0], [0], [1], [0, 0, 1, 1], [], []>, transpose_lhs_hint = false} : vector<2560x128xf32>, vector<128x128xf32>, vector<2560x128xf32> -> vector<2560x128xf32>
    %get3A_6 = arith.constant 0 : index
    %get3A_7 = arith.constant 0 : index
    %get3A_8 = vector.load %arg3[%get3A_6, %get3A_7] : memref<1x128xf32, #tpu.memory_space<vmem>>, vector<1x128xf32>
    %add3A = vector.broadcast %get3A_8 : vector<1x128xf32> to vector<2560x128xf32>
    %add3A_9 = arith.addf %dot_general3A_5, %add3A : vector<2560x128xf32>
    %swap3A = arith.constant 0 : index
    %swap3A_10 = arith.constant 0 : index
    %swap3A_11 = vector.load %arg4[%swap3A, %swap3A_10] : memref<2560x128xf32, #tpu.memory_space<vmem>>, vector<2560x128xf32>
    tpu.vector_store %arg4[%swap3A, %swap3A_10], %add3A_9 {strides = array<i32>} : memref<2560x128xf32, #tpu.memory_space<vmem>>, vector<2560x128xf32>,
    %eq3A = arith.constant 0 : i32
    %eq3A_12 = arith.cmpi eq, %arg0, %eq3A : i32
    %convert_element_type3A = arith.extui %eq3A_12 : i1 to i32
    %cond3A = arith.constant 0 : i32
    %cond3A_13 = arith.cmpi ne, %convert_element_type3A, %cond3A : i32
    scf.if %cond3A_13 {
      %broadcast_in_dim3A_27 = arith.constant 0.000000e+00 : f32
      %broadcast_in_dim3A_28 = vector.broadcast %broadcast_in_dim3A_27 : f32 to vector<8x128xf32>
      %swap3A_29 = arith.constant 0 : index
      %swap3A_30 = arith.constant 0 : index
      %swap3A_31 = vector.load %arg5[%swap3A_29, %swap3A_30] : memref<8x128xf32, #tpu.memory_space<vmem>>, vector<8x128xf32>
      tpu.vector_store %arg5[%swap3A_29, %swap3A_30], %broadcast_in_dim3A_28 {strides = array<i32>} : memref<8x128xf32, #tpu.memory_space<vmem>>, vector<8x128xf32>,
    } else {
    }
    %reduce_sum3A = arith.constant dense<0.000000e+00> : vector<128xf32>
    %reduce_sum3A_14 = vector.multi_reduction <add>, %add3A_9, %reduce_sum3A [0] : vector<2560x128xf32> to vector<128xf32>
    %broadcast_in_dim3A = vector.shape_cast %reduce_sum3A_14 : vector<128xf32> to vector<1x128xf32>
    %mul3A = arith.mulf %add3A_9, %add3A_9 : vector<2560x128xf32>
    %reduce_sum3A_15 = arith.constant dense<0.000000e+00> : vector<128xf32>
    %reduce_sum3A_16 = vector.multi_reduction <add>, %mul3A, %reduce_sum3A_15 [0] : vector<2560x128xf32> to vector<128xf32>
    %broadcast_in_dim3A_17 = vector.shape_cast %reduce_sum3A_16 : vector<128xf32> to vector<1x128xf32>
    %broadcast_in_dim3A_18 = arith.constant 0.000000e+00 : f32
    %broadcast_in_dim3A_19 = vector.broadcast %broadcast_in_dim3A_18 : f32 to vector<6x128xf32>
    %get3A_20 = arith.constant 0 : index
    %get3A_21 = arith.constant 0 : index
    %get3A_22 = vector.load %arg5[%get3A_20, %get3A_21] : memref<8x128xf32, #tpu.memory_space<vmem>>, vector<8x128xf32>
    %concatenate3A = tpu.concatenate %broadcast_in_dim3A, %broadcast_in_dim3A_17, %broadcast_in_dim3A_19 in 0 : vector<1x128xf32>, vector<1x128xf32>, vector<6x128xf32> -> vector<8x128xf32>
    %add3A_23 = arith.addf %get3A_22, %concatenate3A : vector<8x128xf32>
    %swap3A_24 = arith.constant 0 : index
    %swap3A_25 = arith.constant 0 : index
    %swap3A_26 = vector.load %arg5[%swap3A_24, %swap3A_25] : memref<8x128xf32, #tpu.memory_space<vmem>>, vector<8x128xf32>
    tpu.vector_store %arg5[%swap3A_24, %swap3A_25], %add3A_23 {strides = array<i32>} : memref<8x128xf32, #tpu.memory_space<vmem>>, vector<8x128xf32>,
    return
  }
  func.func @transform_0(%arg0: i32) -> (i32, i32) {
    %c0_i32 = arith.constant 0 : i32
    %c0_i32_0 = arith.constant 0 : i32
    return %arg0, %c0_i32 : i32, i32
  }
  func.func @transform_1(%arg0: i32) -> (i32, i32) {
    %c0_i32 = arith.constant 0 : i32
    %c0_i32_0 = arith.constant 0 : i32
    %c0_i32_1 = arith.constant 0 : i32
    return %c0_i32, %c0_i32_0 : i32, i32
  }
  func.func @transform_2(%arg0: i32) -> (i32, i32) {
    %c0_i32 = arith.constant 0 : i32
    %c0_i32_0 = arith.constant 0 : i32
    %c0_i32_1 = arith.constant 0 : i32
    return %c0_i32, %c0_i32_0 : i32, i32
  }
  func.func @transform_3(%arg0: i32) -> (i32, i32) {
    %c0_i32 = arith.constant 0 : i32
    %c0_i32_0 = arith.constant 0 : i32
    return %arg0, %c0_i32 : i32, i32
  }
  func.func @transform_4(%arg0: i32) -> (i32, i32) {
    %c0_i32 = arith.constant 0 : i32
    %c0_i32_0 = arith.constant 0 : i32
    %c0_i32_1 = arith.constant 0 : i32
    return %c0_i32, %c0_i32_0 : i32, i32
  }
}

module attributes {stable_mosaic.version = 14 : i64} {
  func.func @_k_y2(%arg0: i32, %arg1: memref<2560x128xf32, #tpu.memory_space<vmem>>, %arg2: memref<8x128xf32, #tpu.memory_space<vmem>>, %arg3: memref<1x128xf32, #tpu.memory_space<vmem>>, %arg4: memref<1x128xf32, #tpu.memory_space<vmem>>, %arg5: memref<128x64xf32, #tpu.memory_space<vmem>>, %arg6: memref<1x64xf32, #tpu.memory_space<vmem>>, %arg7: memref<2560x64xf32, #tpu.memory_space<vmem>>, %arg8: memref<8x64xf32, #tpu.memory_space<vmem>>) attributes {dimension_semantics = [#tpu.dimension_semantics<arbitrary>], iteration_bounds = array<i64: 125>, scalar_prefetch = 0 : i64, scratch_operands = 0 : i64, tpu.core_type = #tpu.core_type<tc>, window_params = [{transform_indices = @transform_0, window_bounds = array<i64: 2560, 128>}, {pipeline_mode = #tpu.pipeline_mode<synchronous>, transform_indices = @transform_1, window_bounds = array<i64: 8, 128>}, {pipeline_mode = #tpu.pipeline_mode<synchronous>, transform_indices = @transform_2, window_bounds = array<i64: 1, 128>}, {pipeline_mode = #tpu.pipeline_mode<synchronous>, transform_indices = @transform_3, window_bounds = array<i64: 1, 128>}, {pipeline_mode = #tpu.pipeline_mode<synchronous>, transform_indices = @transform_4, window_bounds = array<i64: 128, 64>}, {pipeline_mode = #tpu.pipeline_mode<synchronous>, transform_indices = @transform_5, window_bounds = array<i64: 1, 64>}, {transform_indices = @transform_6, window_bounds = array<i64: 2560, 64>}, {pipeline_mode = #tpu.pipeline_mode<synchronous>, transform_indices = @transform_7, window_bounds = array<i64: 8, 64>}]} {
    %get3A = arith.constant 0 : index
    %get3A_0 = arith.constant 0 : index
    %get3A_1 = vector.load %arg2[%get3A, %get3A_0] : memref<8x128xf32, #tpu.memory_space<vmem>>, vector<1x128xf32>
    %mul3A = arith.constant 3.125000e-06 : f32
    %mul3A_2 = vector.broadcast %mul3A : f32 to vector<1x128xf32>
    %mul3A_3 = arith.mulf %get3A_1, %mul3A_2 : vector<1x128xf32>
    %get3A_4 = arith.constant 1 : index
    %get3A_5 = arith.constant 0 : index
    %get3A_6 = vector.load %arg2[%get3A_4, %get3A_5] : memref<8x128xf32, #tpu.memory_space<vmem>>, vector<1x128xf32>
    %mul3A_7 = arith.constant 3.125000e-06 : f32
    %mul3A_8 = vector.broadcast %mul3A_7 : f32 to vector<1x128xf32>
    %mul3A_9 = arith.mulf %get3A_6, %mul3A_8 : vector<1x128xf32>
    %mul3A_10 = arith.mulf %mul3A_3, %mul3A_3 : vector<1x128xf32>
    %sub3A = arith.subf %mul3A_9, %mul3A_10 : vector<1x128xf32>
    %get3A_11 = arith.constant 0 : index
    %get3A_12 = arith.constant 0 : index
    %get3A_13 = vector.load %arg3[%get3A_11, %get3A_12] : memref<1x128xf32, #tpu.memory_space<vmem>>, vector<1x128xf32>
    %add3A = arith.constant 9.99999974E-6 : f32
    %add3A_14 = vector.broadcast %add3A : f32 to vector<1x128xf32>
    %add3A_15 = arith.addf %sub3A, %add3A_14 : vector<1x128xf32>
    %rsqrt3A = math.rsqrt %add3A_15 : vector<1x128xf32>
    %mul3A_16 = arith.mulf %get3A_13, %rsqrt3A : vector<1x128xf32>
    %get3A_17 = arith.constant 0 : index
    %get3A_18 = arith.constant 0 : index
    %get3A_19 = vector.load %arg4[%get3A_17, %get3A_18] : memref<1x128xf32, #tpu.memory_space<vmem>>, vector<1x128xf32>
    %mul3A_20 = arith.mulf %mul3A_3, %mul3A_16 : vector<1x128xf32>
    %sub3A_21 = arith.subf %get3A_19, %mul3A_20 : vector<1x128xf32>
    %get3A_22 = arith.constant 0 : index
    %get3A_23 = arith.constant 0 : index
    %get3A_24 = vector.load %arg1[%get3A_22, %get3A_23] : memref<2560x128xf32, #tpu.memory_space<vmem>>, vector<2560x128xf32>
    %mul3A_25 = vector.broadcast %mul3A_16 : vector<1x128xf32> to vector<2560x128xf32>
    %mul3A_26 = arith.mulf %get3A_24, %mul3A_25 : vector<2560x128xf32>
    %add3A_27 = vector.broadcast %sub3A_21 : vector<1x128xf32> to vector<2560x128xf32>
    %add3A_28 = arith.addf %mul3A_26, %add3A_27 : vector<2560x128xf32>
    %max3A = arith.constant 0.000000e+00 : f32
    %max3A_29 = vector.broadcast %max3A : f32 to vector<2560x128xf32>
    %max3A_30 = arith.maximumf %add3A_28, %max3A_29 : vector<2560x128xf32>
    %get3A_31 = arith.constant 0 : index
    %get3A_32 = arith.constant 0 : index
    %get3A_33 = vector.load %arg5[%get3A_31, %get3A_32] : memref<128x64xf32, #tpu.memory_space<vmem>>, vector<128x64xf32>
    %dot_general3A = arith.constant dense<0.000000e+00> : vector<2560x64xf32>
    %dot_general3A_34 = tpu.matmul %max3A_30, %get3A_33, %dot_general3A {dimension_numbers = #tpu.dot_dimension_numbers<[1], [0], [0], [1], [0, 0, 1, 1], [], []>, transpose_lhs_hint = false} : vector<2560x128xf32>, vector<128x64xf32>, vector<2560x64xf32> -> vector<2560x64xf32>
    %get3A_35 = arith.constant 0 : index
    %get3A_36 = arith.constant 0 : index
    %get3A_37 = vector.load %arg6[%get3A_35, %get3A_36] : memref<1x64xf32, #tpu.memory_space<vmem>>, vector<1x64xf32>
    %add3A_38 = vector.broadcast %get3A_37 : vector<1x64xf32> to vector<2560x64xf32>
    %add3A_39 = arith.addf %dot_general3A_34, %add3A_38 : vector<2560x64xf32>
    %swap3A = arith.constant 0 : index
    %swap3A_40 = arith.constant 0 : index
    %swap3A_41 = vector.load %arg7[%swap3A, %swap3A_40] : memref<2560x64xf32, #tpu.memory_space<vmem>>, vector<2560x64xf32>
    tpu.vector_store %arg7[%swap3A, %swap3A_40], %add3A_39 {strides = array<i32>} : memref<2560x64xf32, #tpu.memory_space<vmem>>, vector<2560x64xf32>,
    %eq3A = arith.constant 0 : i32
    %eq3A_42 = arith.cmpi eq, %arg0, %eq3A : i32
    %convert_element_type3A = arith.extui %eq3A_42 : i1 to i32
    %cond3A = arith.constant 0 : i32
    %cond3A_43 = arith.cmpi ne, %convert_element_type3A, %cond3A : i32
    scf.if %cond3A_43 {
      %broadcast_in_dim3A_58 = arith.constant 0.000000e+00 : f32
      %broadcast_in_dim3A_59 = vector.broadcast %broadcast_in_dim3A_58 : f32 to vector<8x64xf32>
      %swap3A_60 = arith.constant 0 : index
      %swap3A_61 = arith.constant 0 : index
      %swap3A_62 = vector.load %arg8[%swap3A_60, %swap3A_61] : memref<8x64xf32, #tpu.memory_space<vmem>>, vector<8x64xf32>
      tpu.vector_store %arg8[%swap3A_60, %swap3A_61], %broadcast_in_dim3A_59 {strides = array<i32>} : memref<8x64xf32, #tpu.memory_space<vmem>>, vector<8x64xf32>,
    } else {
    }
    %reduce_sum3A = arith.constant dense<0.000000e+00> : vector<64xf32>
    %reduce_sum3A_44 = vector.multi_reduction <add>, %add3A_39, %reduce_sum3A [0] : vector<2560x64xf32> to vector<64xf32>
    %broadcast_in_dim3A = vector.shape_cast %reduce_sum3A_44 : vector<64xf32> to vector<1x64xf32>
    %mul3A_45 = arith.mulf %add3A_39, %add3A_39 : vector<2560x64xf32>
    %reduce_sum3A_46 = arith.constant dense<0.000000e+00> : vector<64xf32>
    %reduce_sum3A_47 = vector.multi_reduction <add>, %mul3A_45, %reduce_sum3A_46 [0] : vector<2560x64xf32> to vector<64xf32>
    %broadcast_in_dim3A_48 = vector.shape_cast %reduce_sum3A_47 : vector<64xf32> to vector<1x64xf32>
    %broadcast_in_dim3A_49 = arith.constant 0.000000e+00 : f32
    %broadcast_in_dim3A_50 = vector.broadcast %broadcast_in_dim3A_49 : f32 to vector<6x64xf32>
    %get3A_51 = arith.constant 0 : index
    %get3A_52 = arith.constant 0 : index
    %get3A_53 = vector.load %arg8[%get3A_51, %get3A_52] : memref<8x64xf32, #tpu.memory_space<vmem>>, vector<8x64xf32>
    %concatenate3A = tpu.concatenate %broadcast_in_dim3A, %broadcast_in_dim3A_48, %broadcast_in_dim3A_50 in 0 : vector<1x64xf32>, vector<1x64xf32>, vector<6x64xf32> -> vector<8x64xf32>
    %add3A_54 = arith.addf %get3A_53, %concatenate3A : vector<8x64xf32>
    %swap3A_55 = arith.constant 0 : index
    %swap3A_56 = arith.constant 0 : index
    %swap3A_57 = vector.load %arg8[%swap3A_55, %swap3A_56] : memref<8x64xf32, #tpu.memory_space<vmem>>, vector<8x64xf32>
    tpu.vector_store %arg8[%swap3A_55, %swap3A_56], %add3A_54 {strides = array<i32>} : memref<8x64xf32, #tpu.memory_space<vmem>>, vector<8x64xf32>,
    return
  }
  func.func @transform_0(%arg0: i32) -> (i32, i32) {
    %c0_i32 = arith.constant 0 : i32
    %c0_i32_0 = arith.constant 0 : i32
    return %arg0, %c0_i32 : i32, i32
  }
  func.func @transform_1(%arg0: i32) -> (i32, i32) {
    %c0_i32 = arith.constant 0 : i32
    %c0_i32_0 = arith.constant 0 : i32
    %c0_i32_1 = arith.constant 0 : i32
    return %c0_i32, %c0_i32_0 : i32, i32
  }
  func.func @transform_2(%arg0: i32) -> (i32, i32) {
    %c0_i32 = arith.constant 0 : i32
    %c0_i32_0 = arith.constant 0 : i32
    %c0_i32_1 = arith.constant 0 : i32
    return %c0_i32, %c0_i32_0 : i32, i32
  }
  func.func @transform_3(%arg0: i32) -> (i32, i32) {
    %c0_i32 = arith.constant 0 : i32
    %c0_i32_0 = arith.constant 0 : i32
    %c0_i32_1 = arith.constant 0 : i32
    return %c0_i32, %c0_i32_0 : i32, i32
  }
  func.func @transform_4(%arg0: i32) -> (i32, i32) {
    %c0_i32 = arith.constant 0 : i32
    %c0_i32_0 = arith.constant 0 : i32
    %c0_i32_1 = arith.constant 0 : i32
    return %c0_i32, %c0_i32_0 : i32, i32
  }
  func.func @transform_5(%arg0: i32) -> (i32, i32) {
    %c0_i32 = arith.constant 0 : i32
    %c0_i32_0 = arith.constant 0 : i32
    %c0_i32_1 = arith.constant 0 : i32
    return %c0_i32, %c0_i32_0 : i32, i32
  }
  func.func @transform_6(%arg0: i32) -> (i32, i32) {
    %c0_i32 = arith.constant 0 : i32
    %c0_i32_0 = arith.constant 0 : i32
    return %arg0, %c0_i32 : i32, i32
  }
  func.func @transform_7(%arg0: i32) -> (i32, i32) {
    %c0_i32 = arith.constant 0 : i32
    %c0_i32_0 = arith.constant 0 : i32
    %c0_i32_1 = arith.constant 0 : i32
    return %c0_i32, %c0_i32_0 : i32, i32
  }
}

module attributes {stable_mosaic.version = 14 : i64} {
  func.func @_k_kf(%arg0: i32, %arg1: memref<2560x64xf32, #tpu.memory_space<vmem>>, %arg2: memref<8x64xf32, #tpu.memory_space<vmem>>, %arg3: memref<1x64xf32, #tpu.memory_space<vmem>>, %arg4: memref<1x64xf32, #tpu.memory_space<vmem>>, %arg5: memref<2560x128xf32, #tpu.memory_space<vmem>>, %arg6: memref<64x64xf32, #tpu.memory_space<vmem>>, %arg7: memref<128x64xf32, #tpu.memory_space<vmem>>, %arg8: memref<1x64xf32, #tpu.memory_space<vmem>>, %arg9: memref<40x64x64xf32, #tpu.memory_space<vmem>>) attributes {dimension_semantics = [#tpu.dimension_semantics<arbitrary>], iteration_bounds = array<i64: 125>, scalar_prefetch = 0 : i64, scratch_operands = 0 : i64, tpu.core_type = #tpu.core_type<tc>, window_params = [{transform_indices = @transform_0, window_bounds = array<i64: 2560, 64>}, {pipeline_mode = #tpu.pipeline_mode<synchronous>, transform_indices = @transform_1, window_bounds = array<i64: 8, 64>}, {pipeline_mode = #tpu.pipeline_mode<synchronous>, transform_indices = @transform_2, window_bounds = array<i64: 1, 64>}, {pipeline_mode = #tpu.pipeline_mode<synchronous>, transform_indices = @transform_3, window_bounds = array<i64: 1, 64>}, {transform_indices = @transform_4, window_bounds = array<i64: 2560, 128>}, {pipeline_mode = #tpu.pipeline_mode<synchronous>, transform_indices = @transform_5, window_bounds = array<i64: 64, 64>}, {pipeline_mode = #tpu.pipeline_mode<synchronous>, transform_indices = @transform_6, window_bounds = array<i64: 128, 64>}, {pipeline_mode = #tpu.pipeline_mode<synchronous>, transform_indices = @transform_7, window_bounds = array<i64: 1, 64>}, {transform_indices = @transform_8, window_bounds = array<i64: 40, 64, 64>}]} {
    %get3A = arith.constant 0 : index
    %get3A_0 = arith.constant 0 : index
    %get3A_1 = vector.load %arg2[%get3A, %get3A_0] : memref<8x64xf32, #tpu.memory_space<vmem>>, vector<1x64xf32>
    %mul3A = arith.constant 3.125000e-06 : f32
    %mul3A_2 = vector.broadcast %mul3A : f32 to vector<1x64xf32>
    %mul3A_3 = arith.mulf %get3A_1, %mul3A_2 : vector<1x64xf32>
    %get3A_4 = arith.constant 1 : index
    %get3A_5 = arith.constant 0 : index
    %get3A_6 = vector.load %arg2[%get3A_4, %get3A_5] : memref<8x64xf32, #tpu.memory_space<vmem>>, vector<1x64xf32>
    %mul3A_7 = arith.constant 3.125000e-06 : f32
    %mul3A_8 = vector.broadcast %mul3A_7 : f32 to vector<1x64xf32>
    %mul3A_9 = arith.mulf %get3A_6, %mul3A_8 : vector<1x64xf32>
    %mul3A_10 = arith.mulf %mul3A_3, %mul3A_3 : vector<1x64xf32>
    %sub3A = arith.subf %mul3A_9, %mul3A_10 : vector<1x64xf32>
    %get3A_11 = arith.constant 0 : index
    %get3A_12 = arith.constant 0 : index
    %get3A_13 = vector.load %arg3[%get3A_11, %get3A_12] : memref<1x64xf32, #tpu.memory_space<vmem>>, vector<1x64xf32>
    %add3A = arith.constant 9.99999974E-6 : f32
    %add3A_14 = vector.broadcast %add3A : f32 to vector<1x64xf32>
    %add3A_15 = arith.addf %sub3A, %add3A_14 : vector<1x64xf32>
    %rsqrt3A = math.rsqrt %add3A_15 : vector<1x64xf32>
    %mul3A_16 = arith.mulf %get3A_13, %rsqrt3A : vector<1x64xf32>
    %get3A_17 = arith.constant 0 : index
    %get3A_18 = arith.constant 0 : index
    %get3A_19 = vector.load %arg4[%get3A_17, %get3A_18] : memref<1x64xf32, #tpu.memory_space<vmem>>, vector<1x64xf32>
    %mul3A_20 = arith.mulf %mul3A_3, %mul3A_16 : vector<1x64xf32>
    %sub3A_21 = arith.subf %get3A_19, %mul3A_20 : vector<1x64xf32>
    %get3A_22 = arith.constant 0 : index
    %get3A_23 = arith.constant 0 : index
    %get3A_24 = vector.load %arg1[%get3A_22, %get3A_23] : memref<2560x64xf32, #tpu.memory_space<vmem>>, vector<2560x64xf32>
    %mul3A_25 = vector.broadcast %mul3A_16 : vector<1x64xf32> to vector<2560x64xf32>
    %mul3A_26 = arith.mulf %get3A_24, %mul3A_25 : vector<2560x64xf32>
    %add3A_27 = vector.broadcast %sub3A_21 : vector<1x64xf32> to vector<2560x64xf32>
    %add3A_28 = arith.addf %mul3A_26, %add3A_27 : vector<2560x64xf32>
    %max3A = arith.constant 0.000000e+00 : f32
    %max3A_29 = vector.broadcast %max3A : f32 to vector<2560x64xf32>
    %max3A_30 = arith.maximumf %add3A_28, %max3A_29 : vector<2560x64xf32>
    %get3A_31 = arith.constant 0 : index
    %get3A_32 = arith.constant 0 : index
    %get3A_33 = vector.load %arg6[%get3A_31, %get3A_32] : memref<64x64xf32, #tpu.memory_space<vmem>>, vector<64x64xf32>
    %dot_general3A = arith.constant dense<0.000000e+00> : vector<2560x64xf32>
    %dot_general3A_34 = tpu.matmul %max3A_30, %get3A_33, %dot_general3A {dimension_numbers = #tpu.dot_dimension_numbers<[1], [0], [0], [1], [0, 0, 1, 1], [], []>, transpose_lhs_hint = false} : vector<2560x64xf32>, vector<64x64xf32>, vector<2560x64xf32> -> vector<2560x64xf32>
    %get3A_35 = arith.constant 0 : index
    %get3A_36 = arith.constant 0 : index
    %get3A_37 = vector.load %arg5[%get3A_35, %get3A_36] : memref<2560x128xf32, #tpu.memory_space<vmem>>, vector<2560x128xf32>
    %get3A_38 = arith.constant 0 : index
    %get3A_39 = arith.constant 0 : index
    %get3A_40 = vector.load %arg7[%get3A_38, %get3A_39] : memref<128x64xf32, #tpu.memory_space<vmem>>, vector<128x64xf32>
    %dot_general3A_41 = arith.constant dense<0.000000e+00> : vector<2560x64xf32>
    %dot_general3A_42 = tpu.matmul %get3A_37, %get3A_40, %dot_general3A_41 {dimension_numbers = #tpu.dot_dimension_numbers<[1], [0], [0], [1], [0, 0, 1, 1], [], []>, transpose_lhs_hint = false} : vector<2560x128xf32>, vector<128x64xf32>, vector<2560x64xf32> -> vector<2560x64xf32>
    %add3A_43 = arith.addf %dot_general3A_34, %dot_general3A_42 : vector<2560x64xf32>
    %get3A_44 = arith.constant 0 : index
    %get3A_45 = arith.constant 0 : index
    %get3A_46 = vector.load %arg8[%get3A_44, %get3A_45] : memref<1x64xf32, #tpu.memory_space<vmem>>, vector<1x64xf32>
    %add3A_47 = vector.broadcast %get3A_46 : vector<1x64xf32> to vector<2560x64xf32>
    %add3A_48 = arith.addf %add3A_43, %add3A_47 : vector<2560x64xf32>
    %reshape3A = vector.shape_cast %add3A_48 : vector<2560x64xf32> to vector<40x64x64xf32>
    %transpose3A = tpu.transpose %reshape3A, [0, 2, 1] : vector<40x64x64xf32> -> vector<40x64x64xf32>
    %swap3A = arith.constant 0 : index
    %swap3A_49 = arith.constant 0 : index
    %swap3A_50 = arith.constant 0 : index
    %swap3A_51 = vector.load %arg9[%swap3A, %swap3A_49, %swap3A_50] : memref<40x64x64xf32, #tpu.memory_space<vmem>>, vector<40x64x64xf32>
    tpu.vector_store %arg9[%swap3A, %swap3A_49, %swap3A_50], %transpose3A {strides = array<i32>} : memref<40x64x64xf32, #tpu.memory_space<vmem>>, vector<40x64x64xf32>,
    return
  }
  func.func @transform_0(%arg0: i32) -> (i32, i32) {
    %c0_i32 = arith.constant 0 : i32
    %c0_i32_0 = arith.constant 0 : i32
    return %arg0, %c0_i32 : i32, i32
  }
  func.func @transform_1(%arg0: i32) -> (i32, i32) {
    %c0_i32 = arith.constant 0 : i32
    %c0_i32_0 = arith.constant 0 : i32
    %c0_i32_1 = arith.constant 0 : i32
    return %c0_i32, %c0_i32_0 : i32, i32
  }
  func.func @transform_2(%arg0: i32) -> (i32, i32) {
    %c0_i32 = arith.constant 0 : i32
    %c0_i32_0 = arith.constant 0 : i32
    %c0_i32_1 = arith.constant 0 : i32
    return %c0_i32, %c0_i32_0 : i32, i32
  }
  func.func @transform_3(%arg0: i32) -> (i32, i32) {
    %c0_i32 = arith.constant 0 : i32
    %c0_i32_0 = arith.constant 0 : i32
    %c0_i32_1 = arith.constant 0 : i32
    return %c0_i32, %c0_i32_0 : i32, i32
  }
  func.func @transform_4(%arg0: i32) -> (i32, i32) {
    %c0_i32 = arith.constant 0 : i32
    %c0_i32_0 = arith.constant 0 : i32
    return %arg0, %c0_i32 : i32, i32
  }
  func.func @transform_5(%arg0: i32) -> (i32, i32) {
    %c0_i32 = arith.constant 0 : i32
    %c0_i32_0 = arith.constant 0 : i32
    %c0_i32_1 = arith.constant 0 : i32
    return %c0_i32, %c0_i32_0 : i32, i32
  }
  func.func @transform_6(%arg0: i32) -> (i32, i32) {
    %c0_i32 = arith.constant 0 : i32
    %c0_i32_0 = arith.constant 0 : i32
    %c0_i32_1 = arith.constant 0 : i32
    return %c0_i32, %c0_i32_0 : i32, i32
  }
  func.func @transform_7(%arg0: i32) -> (i32, i32) {
    %c0_i32 = arith.constant 0 : i32
    %c0_i32_0 = arith.constant 0 : i32
    %c0_i32_1 = arith.constant 0 : i32
    return %c0_i32, %c0_i32_0 : i32, i32
  }
  func.func @transform_8(%arg0: i32) -> (i32, i32, i32) {
    %c0_i32 = arith.constant 0 : i32
    %c0_i32_0 = arith.constant 0 : i32
    %c0_i32_1 = arith.constant 0 : i32
    return %arg0, %c0_i32, %c0_i32_0 : i32, i32, i32
  }
}

module attributes {stable_mosaic.version = 14 : i64} {
  func.func @_k_q(%arg0: i32, %arg1: memref<10000x128xf32, #tpu.memory_space<vmem>>, %arg2: memref<128x64xf32, #tpu.memory_space<vmem>>, %arg3: memref<1x64xf32, #tpu.memory_space<vmem>>, %arg4: memref<10000x64xf32, #tpu.memory_space<vmem>>) attributes {dimension_semantics = [#tpu.dimension_semantics<arbitrary>], iteration_bounds = array<i64: 1>, scalar_prefetch = 0 : i64, scratch_operands = 0 : i64, tpu.core_type = #tpu.core_type<tc>, window_params = [{pipeline_mode = #tpu.pipeline_mode<synchronous>, transform_indices = @transform_0, window_bounds = array<i64: 10000, 128>}, {pipeline_mode = #tpu.pipeline_mode<synchronous>, transform_indices = @transform_1, window_bounds = array<i64: 128, 64>}, {pipeline_mode = #tpu.pipeline_mode<synchronous>, transform_indices = @transform_2, window_bounds = array<i64: 1, 64>}, {pipeline_mode = #tpu.pipeline_mode<synchronous>, transform_indices = @transform_3, window_bounds = array<i64: 10000, 64>}]} {
    %get3A = arith.constant 0 : index
    %get3A_0 = arith.constant 0 : index
    %get3A_1 = vector.load %arg1[%get3A, %get3A_0] : memref<10000x128xf32, #tpu.memory_space<vmem>>, vector<10000x128xf32>
    %get3A_2 = arith.constant 0 : index
    %get3A_3 = arith.constant 0 : index
    %get3A_4 = vector.load %arg2[%get3A_2, %get3A_3] : memref<128x64xf32, #tpu.memory_space<vmem>>, vector<128x64xf32>
    %dot_general3A = arith.constant dense<0.000000e+00> : vector<10000x64xf32>
    %dot_general3A_5 = tpu.matmul %get3A_1, %get3A_4, %dot_general3A {dimension_numbers = #tpu.dot_dimension_numbers<[1], [0], [0], [1], [0, 0, 1, 1], [], []>, transpose_lhs_hint = false} : vector<10000x128xf32>, vector<128x64xf32>, vector<10000x64xf32> -> vector<10000x64xf32>
    %get3A_6 = arith.constant 0 : index
    %get3A_7 = arith.constant 0 : index
    %get3A_8 = vector.load %arg3[%get3A_6, %get3A_7] : memref<1x64xf32, #tpu.memory_space<vmem>>, vector<1x64xf32>
    %add3A = vector.broadcast %get3A_8 : vector<1x64xf32> to vector<10000x64xf32>
    %add3A_9 = arith.addf %dot_general3A_5, %add3A : vector<10000x64xf32>
    %swap3A = arith.constant 0 : index
    %swap3A_10 = arith.constant 0 : index
    %swap3A_11 = vector.load %arg4[%swap3A, %swap3A_10] : memref<10000x64xf32, #tpu.memory_space<vmem>>, vector<10000x64xf32>
    tpu.vector_store %arg4[%swap3A, %swap3A_10], %add3A_9 {strides = array<i32>} : memref<10000x64xf32, #tpu.memory_space<vmem>>, vector<10000x64xf32>,
    return
  }
  func.func @transform_0(%arg0: i32) -> (i32, i32) {
    %c0_i32 = arith.constant 0 : i32
    %c0_i32_0 = arith.constant 0 : i32
    %c0_i32_1 = arith.constant 0 : i32
    return %c0_i32, %c0_i32_0 : i32, i32
  }
  func.func @transform_1(%arg0: i32) -> (i32, i32) {
    %c0_i32 = arith.constant 0 : i32
    %c0_i32_0 = arith.constant 0 : i32
    %c0_i32_1 = arith.constant 0 : i32
    return %c0_i32, %c0_i32_0 : i32, i32
  }
  func.func @transform_2(%arg0: i32) -> (i32, i32) {
    %c0_i32 = arith.constant 0 : i32
    %c0_i32_0 = arith.constant 0 : i32
    %c0_i32_1 = arith.constant 0 : i32
    return %c0_i32, %c0_i32_0 : i32, i32
  }
  func.func @transform_3(%arg0: i32) -> (i32, i32) {
    %c0_i32 = arith.constant 0 : i32
    %c0_i32_0 = arith.constant 0 : i32
    %c0_i32_1 = arith.constant 0 : i32
    return %c0_i32, %c0_i32_0 : i32, i32
  }
}

</mosaic_0001>

<sc_bundles>
// kernel: kernel.7.cloned.1.call-start
scs
__scs_entry_jumppad:
0x0: {  	(pc) =	sbr.rel $0x88, $3  }
0x1: {  	(tag) =	ssettag $0x0;
	lr =	simm.s32 $0x1  }
0x2: {  	[smem:$0x3F91] =	sst lr;
	_ =	strace $0xD0000000  }
0x3: {  	_ = 	snop  }
0x4: {  	_ = 	snop  }
0x5: {  	_ = 	snop  }
0x6: {  	_ = 	snop  }
0x7: {  	_ = 	snop  }
__scs_overlays_trampoline_lowered:
0x8: {  	[smem:$0x3FA0] =	sst s0  }
0x9: {  	[smem:$0x3FA1] =	sst s1  }
0xa: {  	[smem:$0x3FA2] =	sst s2  }
0xb: {  	[smem:$0x3FA3] =	sst s3  }
0xc: {  	[smem:$0x3FA4] =	sst s4  }
0xd: {  	[smem:$0x3FA5] =	sst s5  }
0xe: {  	[smem:$0x3FA6] =	sst s6  }
0xf: {  	[smem:$0x3FA7] =	sst s7  }
0x10: {  	[smem:$0x3FA8] =	sst s8  }
0x11: {  	[smem:$0x3FA9] =	sst s9;
	s0 =	simm.s32 @!p0 $0x0  }
0x12: {  	s1 =	sld [smem:$0x3F8F];
	s0 =	simm.s32 @p0 $0x1  }
0x13: {  	[smem:$0x3FAA] =	sst s0;
	s0 =	simm.s32 @!p1 $0x0  }
0x14: {  	s2 =	sld [smem:$0x3F8E];
	s0 =	simm.s32 @p1 $0x1  }
0x15: {  	[smem:$0x3FAB] =	sst s0;
	s0 =	simm.s32 @!p2 $0x0  }
0x16: {  	s3 =	sld [smem:$0x3FDB];
	s0 =	simm.s32 @p2 $0x1  }
0x17: {  	s4 =	simm.s32 $0x1BF5;
	[smem:$0x3FAD] =	sst s0  }
0x18: {  	s0 =	sld [smem:$0x3F90];
	_ =	swait.ge [sflag:s4], $0x0  }
0x19: {  	s7 =	sld [smem:$0x3F91]  }
0x1a: {  	s8 =	sadd.s32 $0xFFFFE003, lr  }
0x1b: {  	s9 =	sadd.s32 $0xFFFFFEF7, lr;
	s5 =	simm.s32 $0xFFFFFFFF;
	p2 =	slt.u32 s8, $0xFFFFF086  }
0x1c: {  	p1 =	slt.u32 s9, $0xF7A;
	s5 =	simm.s32 @!p2 $0x0  }
0x1d: {  	s5 =	simm.s32 @p1 $0x1;
	p0 =	seq.s32 s7, s2  }
0x1e: {  	s7 =	smul.u32 @!p0 $0xF7A, s2;
	p2 =	seq.s32 @!p0 s5, $0x0  }
0x1f: {  	s9 =	smul.u32 $0xF7A, s1;
	s8 =	simm.s32 @!p0 $0x1BF5;
	p2 =	por !p2, p0  }
0x20: {  	[sflag:s8] =	ssyncset.s32 @!p0 $0xFFFFF086;
	s6 =	sadd.s32 @!p0 s3, s7;
	s7 =	simm.s32 @!p0 $0x108  }
0x21: {  	s3 =	sadd.s32 s3, s9;
	s6 =	sadd.s32 @!p0 $0x88, s6;
	s7 =	simm.s32 @p2 $0x1082  }
0x22: {  	[simem:s7], [sflag:s8] =	dma.local @!p0 [hbm:s6], $0xF7A  }
0x23: {  	s9 =	sor.u32 $0xD0000000, s2;
	s6 =	simm.s32 $0x108;
	_ =	swait.ge @!p0 [sflag:s8], $0x0  }
0x24: {  	s3 =	sadd.s32 $0x88, s3;
	s6 =	simm.s32 @!p1 $0x1082;
	[sflag:s4] =	ssyncset.s32 $0xFFFFF086  }
0x25: {  	[simem:s6], [sflag:s4] =	dma.local [hbm:s3], $0xF7A  }
0x26: {  	[smem:$0x3F91] =	sst s1;
	(tag) =	ssettag s2;
	_ =	strace s9  }
0x27: {  	s1 =	sld [smem:$0x3FA1]  }
0x28: {  	s2 =	sld [smem:$0x3FA2]  }
0x29: {  	s4 =	sld [smem:$0x3FA4]  }
0x2a: {  	p0 =	seq.s32 s5, $0x0;
	s5 =	sld [smem:$0x3FA5]  }
0x2b: {  	s6 =	sld [smem:$0x3FA6]  }
0x2c: {  	s7 =	sld [smem:$0x3FA7]  }
0x2d: {  	s3 =	simm.s32 $0x108;
	s8 =	sld [smem:$0x3FA8]  }
0x2e: {  	s3 =	simm.s32 @!p0 $0x1082;
	s9 =	sld [smem:$0x3FA9]  }
0x2f: {  	lr =	sadd.s32 s0, s3;
	s0 =	sld [smem:$0x3FA0]  }
0x30: {  	s3 =	sld [smem:$0x3FA3]  }
0x31: {  	[smem:$0x3FAC] =	sst s10  }
0x32: {  	s10 =	sld [smem:$0x3FAA];
	_ =	sdelay $0x3  }
0x33: {  	p0 =	seq.s32 s10, $0x1;
	s10 =	sld [smem:$0x3FAC];
	_ =	sdelay $0x3  }
0x34: {  	[smem:$0x3FAC] =	sst s10  }
0x35: {  	s10 =	sld [smem:$0x3FAB];
	_ =	sdelay $0x3  }
0x36: {  	p1 =	seq.s32 s10, $0x1;
	s10 =	sld [smem:$0x3FAC];
	_ =	sdelay $0x3  }
0x37: {  	[smem:$0x3FAC] =	sst s10  }
0x38: {  	s10 =	sld [smem:$0x3FAD]  }
0x39: {  	_ = 	snop;
	(pc) =	sbr.ind lr, $3  }
0x3a: {  	_ = 	snop  }
0x3b: {  	_ = 	snop  }
0x3c: {  	p2 =	seq.s32 s10, $0x1;
	s10 =	sld [smem:$0x3FAC]  }
0x3d: {  	_ =	shalt  }
0x3e: {  	_ =	shalt  }
0x3f: {  	_ =	shalt  }
0x40: {  	_ =	shalt  }
0x41: {  	_ =	shalt  }
0x42: {  	_ =	shalt  }
0x43: {  	_ =	shalt  }
0x44: {  	_ =	shalt  }
0x45: {  	_ =	shalt  }
0x46: {  	_ =	shalt  }
0x47: {  	_ =	shalt  }
0x48: {  	_ =	shalt  }
0x49: {  	_ =	shalt  }
0x4a: {  	_ =	shalt  }
0x4b: {  	_ =	shalt  }
0x4c: {  	_ =	shalt  }
0x4d: {  	_ =	shalt  }
0x4e: {  	_ =	shalt  }
0x4f: {  	_ =	shalt  }
0x50: {  	_ =	shalt  }
0x51: {  	_ =	shalt  }
0x52: {  	_ =	shalt  }
0x53: {  	_ =	shalt  }
0x54: {  	_ =	shalt  }
0x55: {  	_ =	shalt  }
0x56: {  	_ =	shalt  }
0x57: {  	_ =	shalt  }
0x58: {  	_ =	shalt  }
0x59: {  	_ =	shalt  }
0x5a: {  	_ =	shalt  }
0x5b: {  	_ =	shalt  }
0x5c: {  	_ =	shalt  }
0x5d: {  	_ =	shalt  }
0x5e: {  	_ =	shalt  }
0x5f: {  	_ =	shalt  }
0x60: {  	_ =	shalt  }
0x61: {  	_ =	shalt  }
0x62: {  	_ =	shalt  }
0x63: {  	_ =	shalt  }
0x64: {  	_ =	shalt  }
0x65: {  	_ =	shalt  }
0x66: {  	_ =	shalt  }
0x67: {  	_ =	shalt  }
0x68: {  	_ =	shalt  }
0x69: {  	_ =	shalt  }
0x6a: {  	_ =	shalt  }
0x6b: {  	_ =	shalt  }
0x6c: {  	_ =	shalt  }
0x6d: {  	_ =	shalt  }
0x6e: {  	_ =	shalt  }
0x6f: {  	_ =	shalt  }
0x70: {  	_ =	shalt  }
0x71: {  	_ =	shalt  }
0x72: {  	_ =	shalt  }
0x73: {  	_ =	shalt  }
0x74: {  	_ =	shalt  }
0x75: {  	_ =	shalt  }
0x76: {  	_ =	shalt  }
0x77: {  	_ =	shalt  }
0x78: {  	_ =	shalt  }
0x79: {  	_ =	shalt  }
0x7a: {  	_ =	shalt  }
0x7b: {  	_ =	shalt  }
0x7c: {  	_ =	shalt  }
0x7d: {  	_ =	shalt  }
0x7e: {  	_ =	shalt  }
0x7f: {  	_ =	shalt  }
0x80: {  	_ =	shalt  }
0x81: {  	_ =	shalt  }
0x82: {  	_ =	shalt  }
0x83: {  	_ =	shalt  }
0x84: {  	_ =	shalt  }
0x85: {  	_ =	shalt  }
0x86: {  	_ =	shalt  }
0x87: {  	_ =	shalt  }
.Lfunc_end0:
.L_simem_size_0:
called_computation_lowered:
.L_overlay_start_0:
0x88: {  	s2 =	sld [smem:$0x3FD9]  }
0x89: {  	s3 =	sld [smem:$0x3FFE];
	_ =	sdelay $0x1  }
0x8a: {  	s1 =	srdreg.scid  }
0x8b: {  	s0 =	sand.u32 $0x1, s1  }
0x8c: {  	s14 =	sshll.u32 s0, $0xA;
	s2 =	sadd.s32 s3, s2  }
0x8d: {  	s2 =	sadd.s32 s2, s14  }
0x8e: {  	[smem:$0x3FB8] =	sst s2  }
0x8f: {  	_ = 	snop  }
0x90: {  	s2 =	sld [smem:$0x3FD0];
	_ =	sdelay $0x2  }
0x91: {  	s4 =	simm.s32 $0xA;
	s5 =	simm.s32 $0x10;
	s15 =	sld [smem:$0x3FC8]  }
0x92: {  	[smem:s5], [sflag:s4] =	dma.local [hbm:s2], $0x1  }
0x93: {  	_ =	swait.eq [sflag:s4], $0x1  }
0x94: {  	[sflag:s4] =	ssyncset.done $0x0  }
0x95: {  	[sflag:s4] =	ssyncadd.s32 $0xFFFFFFFF  }
0x96: {  	s16 =	sld [smem:$0x10];
	(tm) =	ssettm $0x1  }
0x97: {  	s17 =	sld [smem:$0x3FFB];
	_ =	sdelay $0x3  }
0x98: {  	_ =	strace s17  }
0x99: {  	s4 =	sld [smem:$0x3FFC];
	_ =	sdelay $0x3  }
0x9a: {  	_ =	strace s4  }
0x9b: {  	s4 =	sld [smem:$0x3FFD];
	_ =	sdelay $0x3  }
0x9c: {  	_ =	strace s4  }
0x9d: {  	_ =	strace $0x8FFFFFFF  }
0x9e: {  	s18 =	sld [smem:$0x3FDB];
	_ =	sdelay $0x1  }
0x9f: {  	s19 =	simm.s32 $_scs_section_size  }
0xa0: {  	s6 =	simm.s32 $_size__tile_overlayer_lowered;
	s7 =	simm.s32 $_tile_overlayer_lowered  }
0xa1: {  	s22 =	simm.s32 $0x1BFF;
	s21 =	sshll.u32 s7, $0x1;
	s4 =	sadd.s32 s19, s18  }
0xa2: {  	s8 =	simm.s32 $0x0;
	s20 =	sshll.u32 s6, $0x1;
	s6 =	sadd.s32 s21, s4  }
0xa3: {  	[timem:s8], [sflag:s22] =	dma.local [hbm:s6], s20  }
0xa4: {  	_ =	swait.ge [sflag:s22], s20  }
0xa5: {  	s5 =	ssub.s32 $0x0, s20;
	[sflag:s22] =	ssyncset.done $0x0  }
0xa6: {  	[sflag:s22] =	ssyncadd.s32 s5;
	_ =	sdelay $0x1  }
0xa7: {  	s23 =	simm.s32 $0x1B8B  }
0xa8: {  	_ =	swait.ge [sflag:s23], $0x1  }
0xa9: {  	[sflag:s23] =	ssyncset.done $0x0  }
0xaa: {  	s25 =	simm.s32 $0x1B8E;
	s24 =	sld [smem:$0x3FFE];
	[sflag:s23] =	ssyncadd.s32 $0xFFFFFFFF  }
0xab: {  	s26 =	simm.s32 $execute0_lowered;
	[smem:$0x3FD2] =	sst s25  }
0xac: {  	s6 =	sshll.u32 s26, $0x1;
	_ =	strace $0x80000046;
	[dreg:$0x1] =	wrdreg $0xFFFFFFFF  }
0xad: {  	s28 =	simm.s32 $_size_execute0_lowered;
	s4 =	sadd.s32 s4, s6;
	[dreg:$0x0] =	wrdreg $0x0  }
0xae: {  	s6 =	sshll.u32 s28, $0x1;
	[dreg:$0x2] =	wrdreg s4  }
0xaf: {  	[dreg:$0x3] =	wrdreg s6  }
0xb0: {  	[dreg:$0x4] =	wrdreg $0xC0  }
0xb1: {  	_ =	task [dreg:s8], $0x5FFFF  }
0xb2: {  	[dreg:$0x1] =	wrdreg $0xFFFFFFFF  }
0xb3: {  	[dreg:$0x0] =	wrdreg $0x60  }
0xb4: {  	[dreg:$0x2] =	wrdreg s24  }
0xb5: {  	[dreg:$0x3] =	wrdreg s15  }
0xb6: {  	[dreg:$0x4] =	wrdreg s16  }
0xb7: {  	[dreg:$0x5] =	wrdreg $0x9  }
0xb8: {  	_ =	task.clear_ibuf [dreg:s8], $0x6FFFF;
	_ =	strace $0x90000046  }
0xb9: {  	s29 =	simm.s32 $0x9;
	_ =	strace $0x80000048  }
0xba: {  	_ =	swait.ge [sflag:s29], $0x1  }
0xbb: {  	[sflag:s29] =	ssyncadd.s32 $0xFFFFFFFF  }
0xbc: {  	_ =	strace $0x90000048  }
0xbd: {  	_ =	sfence  }
0xbe: {  	s30 =	sld [smem:$0x0];
	_ =	sdelay $0x2  }
0xbf: {  	s31 =	sshll.u32 s1, $0xD;
	s1 =	sshrl.u32 s1, $0x2  }
0xc0: {  	s3 =	sand.u32 $0x4000, s31;
	s1 =	sadd.s32 s1, s30  }
0xc1: {  	s0 =	sor.u32 s3, s0;
	s1 =	sshll.u32 s1, $0x11  }
0xc2: {  	s0 =	sor.u32 s1, s0  }
0xc3: {  	s0 =	sadd.s32 $0x8F2B, s0  }
0xc4: {  	[sflag:s0] =	ssyncadd.remote.s32 $0x1  }
0xc5: {  	_ =	sfence.sel $0xFFFF  }
0xc6: {  	[dreg:$0x0] =	wrdreg $0xFFFFFFFF;
	(pc) =	sbr.abs _section_cstart, $3  }
0xc7: {  	[dreg:$0x1] =	wrdreg $0xFFFFFFFF  }
0xc8: {  	_ =	task.clear_ibuf [dreg:s8], $0x2FFFF;
	_ =	strace $0x9FFFFFFF  }
0xc9: {  	(tm) =	ssettm $0x7FFFFFFF  }
tec
execute0_lowered:
.L_overlay_start_1:
0x0: {  	(tag) =	ssettag $0x1  }
0x1: {  	s2 =	srdreg.scid;
	s3 =	stileid.u32  }
0x2: {  	s2 =	sand.u32 $0x1, s2;
	s3 =	sshll.u32 s3, $0x1  }
0x3: {  	s0 =	rddreg [dreg:$0x0];
	s3 =	sor.u32 s2, s3  }
0x4: {  	s1 =	rddreg [dreg:$0x2];
	s4 =	simm.s32 $0x0;
	s28 =	smul.u32 $0x28, s3  }
0x5: {  	[smem:$0x7FF] =	sst s4;
	s29 =	smul.u32 $0x1400, s3  }
0x6: {  	s5 =	sadd.s32 $0x4E4000, s0;
	s2 =	ssub.s32 $0x2, s2;
	s3 =	smul.u32 $0xA00, s3  }
0x7: {  	_ =	strace $0x80000047;
	[dreg:$0x4] =	wrdreg s5;
	s6 =	sshrl.u32 s2, $0x1  }
0x8: {  	s2 =	ssub.s32 s2, s6;
	s4 =	sadd.s32 s28, s0;
	s1 =	sadd.s32 s1, s3  }
.Ltmp0:
0x9: {  	s31 =	smax.u32 s2, $0x1;
	[dreg:$0x7] =	wrdreg s1;
	(pc) =	sbr.rel .LBB2_1-.Ltmp0, $4  }
0xa: {  	s15 =	simm.s32 $0x15880;
	s30 =	sadd.s32 $0x2000, s4;
	[dreg:$0x9] =	wrdreg s31  }
0xb: {  	s0 =	sadd.s32 s29, s0;
	s4 =	sadd.s32 $0x2600, s4;
	[dreg:$0x5] =	wrdreg s30  }
0xc: {  	s2 =	simm.s32 $0x5;
	s0 =	sadd.s32 $0x2C00, s0;
	[dreg:$0x6] =	wrdreg s4  }
0xd: {  	v0 =	vimm.f32 $0.0e+00;
	s3 =	simm.s32 $0x0;
	[dreg:$0x8] =	wrdreg s0;
	s0 =	simm.s32 $0x0  }
.LBB2_22:
0xe: {  	s0 =	simm.s32 $0x0;
	s1 =	rddreg [dreg:$0x8];
	s2 =	simm.s32 $0xB700  }
0xf: {  	[hbm4b:s1+s0] =	stream.linear.scatter [tilespmem:s2], [sflag:$0x5], $0xA000, $0x38;
	[tilespmem:$0x15900] =	vst v63  }
0x10: {  	s2 =	simm.s32 $0x5  }
0x11: {  	_ =	swait.ge [sflag:s2], $0xA000  }
0x12: {  	s3 =	rddreg [dreg:$0xa]  }
0x13: {  	s31 =	rddreg [dreg:$0x9];
	s3 =	sadd.s32 $0x1, s3  }
0x14: {  	p0 =	sne.s32 s3, s31  }
.Ltmp1:
0x15: {  	_ = 	snop;
	(pc) =	sbr.rel @!p0 .LBB2_23-.Ltmp1, $3  }
0x16: {  	_ =	sdelay $0x1  }
0x17: {  	[sflag:s2] =	ssyncset.done $0x0  }
0x18: {  	v0 =	vimm.f32 $0.0e+00;
	[sflag:s2] =	ssyncadd.s32 $0xFFFF6000  }
.LBB2_1:
0x19: {  	[dreg:$0xa] =	wrdreg s3  }
0x1a: {  	s1 =	rddreg [dreg:$0x5]  }
0x1b: {  	[tilespmem:s0], [sflag:$0x5] =	stream.linear.gather [hbm4b:s1+s0], $0x150, $0x38;
	[tilespmem:$0x15900] =	vst v63  }
0x1c: {  	_ =	swait.ge [sflag:s2], $0x150  }
0x1d: {  	[sflag:s2] =	ssyncset.done $0x0  }
0x1e: {  	s29 =	simm.s32 $0x180;
	s28 =	rddreg [dreg:$0x6];
	[sflag:s2] =	ssyncadd.s32 $0xFFFFFEB0  }
0x1f: {  	[tilespmem:s29], [sflag:$0x5] =	stream.linear.gather [hbm4b:s28+s0], $0x150, $0x38;
	[tilespmem:$0x15900] =	vst v63  }
0x20: {  	_ =	swait.ge [sflag:s2], $0x150  }
0x21: {  	[sflag:s2] =	ssyncset.done $0x0  }
0x22: {  	s31 =	simm.s32 $0x300;
	s30 =	rddreg [dreg:$0x7];
	[sflag:s2] =	ssyncadd.s32 $0xFFFFFEB0  }
0x23: {  	[tilespmem:s31], [sflag:$0x5] =	stream.linear.gather [hbm4b:s30+s0], $0x5000, $0x38;
	[tilespmem:$0x15900] =	vst v63  }
0x24: {  	_ =	swait.ge [sflag:s2], $0x5000  }
0x25: {  	[sflag:s2] =	ssyncset.done $0x0  }
0x26: {  	s1 =	simm.s32 $0x0;
	s0 =	simm.s32 $0x40;
	[sflag:s2] =	ssyncadd.s32 $0xFFFFB000  }
.LBB2_2:
0x27: {  	p0 =	sne.s32 s0, $0x27FC0;
	[tilespmem:s1+$0xB700] =	vst v0;
	s1 =	smov.u32 s0;
	s0 =	sadd.s32 $0x40, s0  }
.Ltmp2:
0x28: {  	(pc) =	sbr.rel @p0 .LBB2_2-.Ltmp2, $2  }
0x29: {  	_ =	sdelay $0x2  }
0x2a: {  	s1 =	sshra.s32 s1, $0x2  }
0x2b: {  	[tilespmem:s1+$0xB700] =	vst v0  }
0x2c: {  	v0 =	vld [tilespmem:$0x0]  }
0x2d: {  	v1 =	vld [tilespmem:$0x140];
	_ =	sdelay $0x3  }
0x2e: {  	(v2sf) =	vpush v0, $0x0  }
0x2f: {  	(v2sf) =	vpush v1, $0x0;
	_ =	sdelay $0xd  }
0x30: {  	s0 =	spop (v2sf)  }
0x31: {  	s28 =	spop (v2sf);
	s2 =	sshra.s32 s0, $0x1F;
	s3 =	sand.u32 $0x3F, s0  }
0x32: {  	p0 =	slt.s32 s0, $0x1;
	s2 =	sshrl.u32 s2, $0x1A;
	p1 =	sne.s32 s3, $0x0  }
0x33: {  	s1 =	sadd.s32 $0xFFFFFFFF, s28;
	s3 =	simm.s32 $0x1;
	s0 =	sadd.s32 s2, s0  }
0x34: {  	p0 =	por !p0, !p1;
	s29 =	sand.u32 $0x3F, s1;
	s30 =	sshra.s32 s1, $0x1F  }
0x35: {  	p6 =	slt.s32 s1, $0x1;
	s0 =	sshra.s32 s0, $0x6;
	p0 =	por !p0, !p0  }
0x36: {  	v63 =	vimm.f32 $-3.399999950e+38;
	p5 =	sne.s32 s29, $0x0;
	s2 =	sshrl.u32 s30, $0x1A;
	s3 =	simm.s32 @!p0 $0x0  }
0x37: {  	v2 =	vimm.f32 $0.0e+00;
	[tilespmem:$0x15700] =	vst v63;
	s31 =	sadd.s32 s2, s1;
	p0 =	por !p6, !p5;
	s1 =	simm.s32 $0x1  }
0x38: {  	[tilespmem:$0x15780] =	vst v2;
	s3 =	ssub.s32 s0, s3;
	s0 =	sshra.s32 s31, $0x6;
	p0 =	por !p0, !p0  }
0x39: {  	[tilespmem:$0x15800] =	vst v63;
	s0 =	ssub.s32 s0, s3;
	s1 =	simm.s32 @!p0 $0x0  }
0x3a: {  	[tilespmem:$0x15810] =	vst v63;
	s0 =	ssub.s32 s0, s1  }
0x3b: {  	[tilespmem:$0x15820] =	vst v63;
	p0 =	slt.s32 s0, $0x0  }
.Ltmp3:
0x3c: {  	[tilespmem:$0x15830] =	vst v63;
	(pc) =	sbr.rel @p0 .LBB2_22-.Ltmp3, $4  }
0x3d: {  	[tilespmem:$0x15840] =	vst v63  }
0x3e: {  	[tilespmem:$0x15850] =	vst v63  }
0x3f: {  	[tilespmem:$0x15860] =	vst v63;
	[dreg:$0xb] =	wrdreg s3  }
0x40: {  	[tilespmem:$0x15870] =	vst v63;
	[dreg:$0xc] =	wrdreg s0  }
0x41: {  	s2 =	rddreg [dreg:$0xb]  }
0x42: {  	s1 =	rddreg [dreg:$0x4];
	s12 =	simm.s32 $0x0;
	s0 =	sshll.u32 s2, $0x9  }
0x43: {  	s24 =	simm.s32 $0x5700;
	s26 =	rddreg [dreg:$0x1];
	s0 =	sand.u32 $0x1FFFFE00, s0  }
0x44: {  	s28 =	simm.s32 $0x7700;
	s25 =	sshll.u32 s2, $0xA;
	s0 =	sadd.s32 s1, s0  }
0x45: {  	[tilespmem:s24], [sflag:$0x1] =	stream.linear.gather [hbm4b:s0+s12], $0x1000, $0x38;
	[tilespmem:$0x15900] =	vst v63  }
.Ltmp4:
0x46: {  	s29 =	rddreg [dreg:$0xc];
	s0 =	sand.u32 $0x1FFFFC00, s25;
	(pc) =	sbr.rel .LBB2_6-.Ltmp4, $4  }
0x47: {  	s30 =	sshra.s32 s29, $0x1F;
	s31 =	sadd.s32 $0x1, s2;
	s0 =	sadd.s32 s26, s0  }
0x48: {  	[tilespmem:s28], [sflag:$0x3] =	stream.linear.gather [hbm4b:s0+s12], $0x2000, $0x38;
	[tilespmem:$0x15900] =	vst v63  }
0x49: {  	[dreg:$0xf] =	wrdreg s31;
	s0 =	sor.u32 s30, s29  }
0x4a: {  	s9 =	simm.s32 $0x0;
	[dreg:$0xe] =	wrdreg s0  }
.LBB2_21:
0x4b: {  	s0 =	smov.u32 s12  }
0x4c: {  	s0 =	smov.u32 @p1 s12  }
0x4d: {  	s9 =	rddreg [dreg:$0x10];
	s12 =	smov.u32 @p2 s0  }
.LBB2_5:
0x4e: {  	s0 =	sor.u32 @p0 $0x1, s9;
	s9 =	sadd.s32 @!p0 $0x1, s9  }
0x4f: {  	s31 =	rddreg [dreg:$0xc];
	s9 =	smov.u32 @p0 s0  }
0x50: {  	p0 =	slt.s32 s31, s9  }
.Ltmp5:
0x51: {  	_ = 	snop;
	(pc) =	sbr.rel @p0 .LBB2_22-.Ltmp5, $1  }
0x52: {  	_ =	sdelay $0x3  }
.LBB2_6:
0x53: {  	s1 =	sand.u32 $0x1, s9  }
0x54: {  	p0 =	seq.s32 s1, $0x0  }
0x55: {  	s0 =	simm.s32 @p0 $0x1  }
0x56: {  	_ =	swait.ge @p0 [sflag:s0], $0x1000  }
0x57: {  	[sflag:s0] =	ssyncset.done @p0 $0x0  }
0x58: {  	s7 =	rddreg [dreg:$0xe];
	[sflag:s0] =	ssyncadd.s32 @p0 $0xFFFFF000;
	s0 =	simm.s32 @p0 $0x3  }
0x59: {  	p1 =	slt.s32 @p0 s9, s7;
	_ =	swait.ge @p0 [sflag:s0], $0x2000  }
0x5a: {  	p1 =	por !p1, !p0;
	s8 =	rddreg [dreg:$0xf]  }
0x5b: {  	s2 =	sadd.s32 @!p1 s9, s8  }
0x5c: {  	[sflag:s0] =	ssyncset.done @p0 $0x0;
	s3 =	sshll.u32 @!p1 s2, $0x9  }
0x5d: {  	s6 =	rddreg [dreg:$0x4];
	[sflag:s0] =	ssyncadd.s32 @p0 $0xFFFFE000;
	s0 =	sand.u32 @!p1 $0x1FFFFE00, s3  }
0x5e: {  	s4 =	simm.s32 @!p1 $0x6700;
	s3 =	simm.s32 @!p1 $0x0;
	s0 =	sadd.s32 @!p1 s6, s0  }
0x5f: {  	[tilespmem:s4], [sflag:$0x2] =	stream.linear.gather @!p1 [hbm4b:s0+s3], $0x1000, $0x38;
	[tilespmem:$0x15900] =	vst v63  }
0x60: {  	s0 =	sshll.u32 @!p1 s2, $0xA  }
0x61: {  	s5 =	rddreg [dreg:$0x1];
	s0 =	sand.u32 @!p1 $0x1FFFFC00, s0  }
0x62: {  	s2 =	simm.s32 @!p1 $0x9700;
	s0 =	sadd.s32 @!p1 s5, s0  }
0x63: {  	[tilespmem:s2], [sflag:$0x4] =	stream.linear.gather @!p1 [hbm4b:s0+s3], $0x2000, $0x38;
	[tilespmem:$0x15900] =	vst v63  }
0x64: {  	s0 =	simm.s32 @!p0 $0x2  }
0x65: {  	_ =	swait.ge @!p0 [sflag:s0], $0x1000  }
0x66: {  	p1 =	slt.s32 @!p0 s9, s7;
	[sflag:s0] =	ssyncset.done @!p0 $0x0  }
0x67: {  	p1 =	por !p1, p0;
	[sflag:s0] =	ssyncadd.s32 @!p0 $0xFFFFF000;
	s0 =	simm.s32 @!p0 $0x4  }
0x68: {  	s2 =	sadd.s32 @!p1 s9, s8;
	_ =	swait.ge @!p0 [sflag:s0], $0x2000  }
0x69: {  	s3 =	sshll.u32 @!p1 s2, $0x9;
	[sflag:s0] =	ssyncset.done @!p0 $0x0  }
0x6a: {  	[sflag:s0] =	ssyncadd.s32 @!p0 $0xFFFFE000;
	s0 =	sand.u32 @!p1 $0x1FFFFE00, s3  }
0x6b: {  	s4 =	simm.s32 @!p1 $0x5700;
	s3 =	simm.s32 @!p1 $0x0;
	s0 =	sadd.s32 @!p1 s6, s0  }
0x6c: {  	[tilespmem:s4], [sflag:$0x1] =	stream.linear.gather @!p1 [hbm4b:s0+s3], $0x1000, $0x38;
	[tilespmem:$0x15900] =	vst v63  }
0x6d: {  	s0 =	sshll.u32 @!p1 s2, $0xA  }
0x6e: {  	s0 =	sand.u32 @!p1 $0x1FFFFC00, s0  }
0x6f: {  	s2 =	simm.s32 @!p1 $0x7700;
	s0 =	sadd.s32 @!p1 s5, s0  }
0x70: {  	[tilespmem:s2], [sflag:$0x3] =	stream.linear.gather @!p1 [hbm4b:s0+s3], $0x2000, $0x38;
	[tilespmem:$0x15900] =	vst v63  }
0x71: {  	v0 =	vld [tilespmem:s12+$0x0];
	_ =	sdelay $0x4  }
0x72: {  	(v2sf) =	vpush v0, $0x0;
	_ =	sdelay $0xb  }
0x73: {  	s31 =	rddreg [dreg:$0xb]  }
0x74: {  	s0 =	sadd.s32 s31, s9  }
0x75: {  	p1 =	sgt.s32 s12, $0x13F;
	s0 =	sshll.u32 s0, $0x6  }
0x76: {  	[dreg:$0x11] =	wrdreg s0;
	s30 =	sadd.s32 $0x40, s0;
	s0 =	spop (v2sf)  }
0x77: {  	p2 =	sge.s32 @!p1 s0, s30  }
0x78: {  	p2 =	por p1, p2  }
.Ltmp6:
0x79: {  	_ = 	snop;
	(pc) =	sbr.rel @p2 .LBB2_7-.Ltmp6, $1  }
0x7a: {  	_ =	sdelay $0x3  }
0x7b: {  	s26 =	sshll.u32 s1, $0xC  }
0x7c: {  	s2 =	sadd.s32 $0x5740, s26;
	s3 =	sor.u32 $0x80, s26  }
0x7d: {  	[dreg:$0x13] =	wrdreg s3;
	s3 =	sadd.s32 $0x57C0, s26;
	v1 =	vmov s2  }
0x7e: {  	s17 =	sadd.s32 $0x5840, s26;
	[tilespmem:$0x1FE00] =	vst v1;
	v1 =	vmov s3  }
0x7f: {  	s6 =	sadd.s32 $0x58C0, s26;
	[tilespmem:$0x1FE10] =	vst v1;
	v1 =	vmov s17  }
0x80: {  	s10 =	sadd.s32 $0x5940, s26;
	[tilespmem:$0x1FE20] =	vst v1;
	v1 =	vmov s6  }
0x81: {  	s11 =	sadd.s32 $0x59C0, s26;
	[tilespmem:$0x1FE30] =	vst v1;
	v1 =	vmov s10  }
0x82: {  	s31 =	sadd.s32 $0x5A40, s26;
	[tilespmem:$0x1FE40] =	vst v1;
	v1 =	vmov s11  }
0x83: {  	s13 =	sadd.s32 $0x5AC0, s26;
	[tilespmem:$0x1FE50] =	vst v1;
	v1 =	vmov s31  }
0x84: {  	s23 =	sor.u32 $0x200, s26;
	s14 =	sadd.s32 $0x5B40, s26;
	[tilespmem:$0x1FE60] =	vst v1;
	v1 =	vmov s13  }
0x85: {  	s24 =	sor.u32 $0x280, s26;
	s16 =	sadd.s32 $0x5BC0, s26;
	[dreg:$0x16] =	wrdreg s23;
	[tilespmem:$0x1FE70] =	vst v1;
	v1 =	vmov s14  }
0x86: {  	s20 =	sor.u32 $0x480, s26;
	s18 =	sadd.s32 $0x5C40, s26;
	[dreg:$0x17] =	wrdreg s24;
	[tilespmem:$0x1FE80] =	vst v1;
	v1 =	vmov s16  }
0x87: {  	s25 =	sor.u32 $0x300, s26;
	[dreg:$0x1b] =	wrdreg s20;
	s20 =	sadd.s32 $0x5CC0, s26;
	[tilespmem:$0x1FE90] =	vst v1;
	v1 =	vmov s18  }
0x88: {  	s21 =	sor.u32 $0x500, s26;
	[dreg:$0x18] =	wrdreg s25;
	s25 =	sadd.s32 $0x5D40, s26;
	[tilespmem:$0x1FEA0] =	vst v1;
	v1 =	vmov s20  }
0x89: {  	s22 =	sor.u32 $0x580, s26;
	[dreg:$0x1c] =	wrdreg s21;
	s21 =	sadd.s32 $0x5DC0, s26;
	[tilespmem:$0x1FEB0] =	vst v1;
	v1 =	vmov s25  }
0x8a: {  	[dreg:$0x1d] =	wrdreg s22;
	s23 =	sshll.u32 s1, $0xD;
	s22 =	sadd.s32 $0x5E40, s26;
	[tilespmem:$0x1FEC0] =	vst v1;
	v1 =	vmov s21  }
0x8b: {  	s24 =	sor.u32 $0x600, s26;
	s1 =	sadd.s32 $0x7740, s23;
	s23 =	sadd.s32 $0x5EC0, s26;
	[tilespmem:$0x1FED0] =	vst v1;
	v1 =	vmov s22  }
0x8c: {  	[dreg:$0x1e] =	wrdreg s24;
	s24 =	sadd.s32 $0x5F40, s26;
	[tilespmem:$0x1FEE0] =	vst v1;
	v1 =	vmov s23  }
0x8d: {  	s5 =	sor.u32 $0x180, s26;
	s6 =	sadd.s32 $0x5FC0, s26;
	[tilespmem:$0x1FEF0] =	vst v1;
	v1 =	vmov s24  }
0x8e: {  	[dreg:$0x15] =	wrdreg s5;
	s5 =	smov.u32 s12;
	s12 =	sadd.s32 $0x6040, s26;
	[tilespmem:$0x1FF00] =	vst v1;
	v1 =	vmov s6  }
0x8f: {  	[dreg:$0x10] =	wrdreg s9;
	s31 =	sadd.s32 $0x60C0, s26;
	[tilespmem:$0x1FF10] =	vst v1;
	v1 =	vmov s12  }
0x90: {  	[dreg:$0x12] =	wrdreg s30;
	s13 =	sadd.s32 $0x6140, s26;
	[tilespmem:$0x1FF20] =	vst v1;
	v1 =	vmov s31  }
0x91: {  	s4 =	sor.u32 $0x100, s26;
	s7 =	sor.u32 $0x380, s26;
	s14 =	sadd.s32 $0x61C0, s26;
	[tilespmem:$0x1FF30] =	vst v1;
	v1 =	vmov s13  }
0x92: {  	s19 =	sor.u32 $0x400, s26;
	s8 =	sor.u32 $0x700, s26;
	s25 =	sadd.s32 $0x6240, s26;
	[tilespmem:$0x1FF40] =	vst v1;
	v1 =	vmov s14  }
0x93: {  	s9 =	sor.u32 $0x780, s26;
	[dreg:$0x14] =	wrdreg s4;
	s16 =	sadd.s32 $0x62C0, s26;
	[tilespmem:$0x1FF50] =	vst v1;
	v1 =	vmov s25  }
0x94: {  	s28 =	sor.u32 $0xF00, s26;
	[dreg:$0x19] =	wrdreg s7;
	s20 =	sadd.s32 $0x6340, s26;
	[tilespmem:$0x1FF60] =	vst v1;
	v1 =	vmov s16  }
0x95: {  	s29 =	sor.u32 $0xF80, s26;
	[dreg:$0x1a] =	wrdreg s19;
	s31 =	sadd.s32 $0x63C0, s26;
	[tilespmem:$0x1FF70] =	vst v1;
	v1 =	vmov s20  }
0x96: {  	s7 =	sor.u32 $0x680, s26;
	s2 =	sor.u32 $0x980, s26;
	s12 =	sadd.s32 $0x6440, s26;
	[tilespmem:$0x1FF80] =	vst v1;
	v1 =	vmov s31  }
0x97: {  	s19 =	sor.u32 $0xA00, s26;
	s4 =	sor.u32 $0xB00, s26;
	s13 =	sadd.s32 $0x64C0, s26;
	[tilespmem:$0x1FF90] =	vst v1;
	v1 =	vmov s12  }
0x98: {  	s3 =	sor.u32 $0x800, s26;
	[dreg:$0x1f] =	wrdreg s1;
	s14 =	sadd.s32 $0x6540, s26;
	[tilespmem:$0x1FFA0] =	vst v1;
	v1 =	vmov s13  }
.Ltmp7:
0x99: {  	s17 =	sor.u32 $0x900, s26;
	s16 =	sadd.s32 $0x65C0, s26;
	[tilespmem:$0x1FFB0] =	vst v1;
	v1 =	vmov s14;
	(pc) =	sbr.rel .LBB2_9-.Ltmp7, $4  }
0x9a: {  	s10 =	sor.u32 $0x880, s26;
	s18 =	sor.u32 $0xA80, s26;
	s20 =	sadd.s32 $0x6640, s26;
	[tilespmem:$0x1FFC0] =	vst v1;
	v1 =	vmov s16  }
0x9b: {  	s21 =	sor.u32 $0xB80, s26;
	s22 =	sor.u32 $0xC00, s26;
	s31 =	sadd.s32 $0x66C0, s26;
	[tilespmem:$0x1FFD0] =	vst v1;
	v1 =	vmov s20  }
0x9c: {  	s23 =	sor.u32 $0xC80, s26;
	s24 =	sor.u32 $0xD00, s26;
	s6 =	sor.u32 $0xE00, s26;
	[tilespmem:$0x1FFE0] =	vst v1;
	v1 =	vmov s31  }
0x9d: {  	s25 =	sor.u32 $0xD80, s26;
	s12 =	smov.u32 s5;
	s20 =	sor.u32 $0xE80, s26;
	[tilespmem:$0x1FFF0] =	vst v1  }
.LBB2_20:
0x9e: {  	s1 =	sld [smem:$0x7FD];
	_ =	sdelay $0x1  }
0x9f: {  	s30 =	rddreg [dreg:$0x12]  }
0xa0: {  	p1 =	sgt.s32 s1, s30  }
0xa1: {  	v0 =	vld @!p1 [tilespmem:$0x15700];
	_ =	sdelay $0x4  }
0xa2: {  	v0 =	vmax.f32 @!p1 v0, $0.0e+00  }
0xa3: {  	v0 =	vmul.f32 @!p1 $-2.000000000e+00, v0;
	_ =	sdelay $0x1  }
0xa4: {  	v0 =	vmul.f32 @!p1 $1.442695020e+00, v0;
	_ =	sdelay $0x1  }
0xa5: {  	(erf) = vpow2.f32 @!p1 v0;
	_ =	sdelay $0x6  }
0xa6: {  	v0 =	vld @!p1 [tilespmem:$0x15780];
	_ =	sdelay $0x1  }
0xa7: {  	v1 =	vpop @!p1 (erf)  }
0xa8: {  	v2 =	vadd.f32 @!p1 $1.000000000e+00, v1;
	_ =	sdelay $0x1  }
0xa9: {  	v0 =	vadd.f32 @!p1 $9.999999960e-13, v0;
	(erf) = vrcp.f32 @!p1 v2;
	_ =	sdelay $0x1  }
0xaa: {  	(erf) = vrcp.f32 @!p1 v0;
	_ =	sdelay $0x5  }
0xab: {  	v0 =	vsub.f32 @!p1 $1.000000000e+00, v1  }
0xac: {  	v2 =	vld @!p1 [tilespmem:$0x15800];
	v1 =	vpop @!p1 (erf)  }
0xad: {  	v0 =	vmul.f32 @!p1 v1, v0  }
0xae: {  	v1 =	vpop @!p1 (erf)  }
0xaf: {  	v0 =	vmul.f32 @!p1 v0, v1  }
0xb0: {  	s12 =	rddreg [dreg:$0xd]  }
0xb1: {  	s0 =	sshll.u32 @!p1 s12, $0x9;
	v1 =	vmul.f32 @!p1 v0, v2  }
0xb2: {  	s0 =	sshra.s32 @!p1 s0, $0x2  }
0xb3: {  	[tilespmem:s0+$0xB700] =	vst @!p1 v1  }
0xb4: {  	v1 =	vld @!p1 [tilespmem:$0x15810];
	_ =	sdelay $0x4  }
0xb5: {  	v1 =	vmul.f32 @!p1 v0, v1;
	_ =	sdelay $0x1  }
0xb6: {  	[tilespmem:s0+$0xB710] =	vst @!p1 v1  }
0xb7: {  	v1 =	vld @!p1 [tilespmem:$0x15820];
	_ =	sdelay $0x4  }
0xb8: {  	v1 =	vmul.f32 @!p1 v0, v1;
	_ =	sdelay $0x1  }
0xb9: {  	[tilespmem:s0+$0xB720] =	vst @!p1 v1  }
0xba: {  	v1 =	vld @!p1 [tilespmem:$0x15830];
	_ =	sdelay $0x4  }
0xbb: {  	v1 =	vmul.f32 @!p1 v0, v1;
	_ =	sdelay $0x1  }
0xbc: {  	[tilespmem:s0+$0xB730] =	vst @!p1 v1  }
0xbd: {  	v1 =	vld @!p1 [tilespmem:$0x15840];
	_ =	sdelay $0x4  }
0xbe: {  	v1 =	vmul.f32 @!p1 v1, v0;
	_ =	sdelay $0x1  }
0xbf: {  	[tilespmem:s0+$0xB740] =	vst @!p1 v1  }
0xc0: {  	v1 =	vld @!p1 [tilespmem:$0x15850];
	_ =	sdelay $0x4  }
0xc1: {  	v1 =	vmul.f32 @!p1 v1, v0;
	_ =	sdelay $0x1  }
0xc2: {  	[tilespmem:s0+$0xB750] =	vst @!p1 v1  }
0xc3: {  	v1 =	vld @!p1 [tilespmem:$0x15860];
	_ =	sdelay $0x4  }
0xc4: {  	v1 =	vmul.f32 @!p1 v1, v0;
	_ =	sdelay $0x1  }
0xc5: {  	[tilespmem:s0+$0xB760] =	vst @!p1 v1  }
0xc6: {  	v1 =	vld @!p1 [tilespmem:$0x15870];
	_ =	sdelay $0x4  }
0xc7: {  	v0 =	vmul.f32 @!p1 v1, v0;
	_ =	sdelay $0x1  }
0xc8: {  	[tilespmem:s0+$0xB770] =	vst @!p1 v0;
	v0 =	vimm.f32 @!p1 $-3.399999950e+38  }
0xc9: {  	v1 =	vimm.f32 @!p1 $0.0e+00;
	[tilespmem:$0x15700] =	vst @!p1 v0  }
0xca: {  	[tilespmem:$0x15780] =	vst @!p1 v1  }
0xcb: {  	[tilespmem:$0x15800] =	vst @!p1 v0  }
0xcc: {  	[tilespmem:$0x15810] =	vst @!p1 v0  }
0xcd: {  	[tilespmem:$0x15820] =	vst @!p1 v0  }
0xce: {  	[tilespmem:$0x15830] =	vst @!p1 v0  }
0xcf: {  	[tilespmem:$0x15840] =	vst @!p1 v0  }
0xd0: {  	p2 =	sle.s32 s1, s30;
	s0 =	simm.s32 $0x1;
	[tilespmem:$0x15850] =	vst @!p1 v0  }
0xd1: {  	[tilespmem:$0x15860] =	vst @!p1 v0;
	s0 =	simm.s32 @!p2 $0x0  }
0xd2: {  	[tilespmem:$0x15870] =	vst @!p1 v0;
	s12 =	sadd.s32 s0, s12  }
0xd3: {  	v0 =	vld [tilespmem:s12+$0x0];
	_ =	sdelay $0x4  }
0xd4: {  	(v2sf) =	vpush v0, $0x0;
	_ =	sdelay $0xe  }
0xd5: {  	p1 =	sgt.s32 s12, $0x13F;
	s0 =	spop (v2sf)  }
0xd6: {  	p2 =	sge.s32 @!p1 s0, s30  }
0xd7: {  	p2 =	por p1, p2  }
0xd8: {  	p3 =	sle.s32 @!p2 s1, s30  }
0xd9: {  	p3 =	por p2, !p3  }
.Ltmp8:
0xda: {  	_ = 	snop;
	(pc) =	sbr.rel @p3 .LBB2_21-.Ltmp8, $1  }
0xdb: {  	_ =	sdelay $0x3  }
.LBB2_9:
0xdc: {  	(v2sf) =	vpush v0, $0x1;
	_ =	sdelay $0xe  }
0xdd: {  	s5 =	rddreg [dreg:$0x11];
	s11 =	smov.u32 s30;
	s13 =	spop (v2sf)  }
0xde: {  	p1 =	sgt.s32 s0, s5;
	s1 =	smov.u32 s5;
	p2 =	slt.s32 s13, s30  }
0xdf: {  	s1 =	smov.u32 @p1 s0;
	s11 =	smov.u32 @p2 s13  }
0xe0: {  	s30 =	ssub.s32 s1, s5;
	s31 =	ssub.s32 s11, s5  }
0xe1: {  	p1 =	sle.s32 s31, s30  }
0xe2: {  	s11 =	sshll.u32 @!p1 s12, $0x8  }
0xe3: {  	s11 =	sshra.s32 @!p1 s11, $0x2  }
0xe4: {  	v0 =	vld @!p1 [tilespmem:s11+$0x300]  }
0xe5: {  	v2 =	vld.msk [tilespmem:s12+$0x180 ss:$0x0], $0xffff;
	_ =	sdelay $0x3  }
0xe6: {  	v1 =	vbroadcast @!p1 v0, $0x0  }
0xe7: {  	[tilespmem:$0x1FDF0] =	vst v2;
	v2 =	vbroadcast @!p1 v0, $0x1  }
0xe8: {  	[tilespmem:$0x5300] =	vst @!p1 v1;
	v1 =	vbroadcast @!p1 v0, $0x2  }
0xe9: {  	[tilespmem:$0x5310] =	vst @!p1 v2;
	v2 =	vbroadcast @!p1 v0, $0x3  }
0xea: {  	[tilespmem:$0x5320] =	vst @!p1 v1;
	v1 =	vbroadcast @!p1 v0, $0x4  }
0xeb: {  	[tilespmem:$0x5330] =	vst @!p1 v2;
	v2 =	vbroadcast @!p1 v0, $0x5  }
0xec: {  	[tilespmem:$0x5340] =	vst @!p1 v1;
	v1 =	vbroadcast @!p1 v0, $0x6  }
0xed: {  	[tilespmem:$0x5350] =	vst @!p1 v2;
	v2 =	vbroadcast @!p1 v0, $0x7  }
0xee: {  	[tilespmem:$0x5360] =	vst @!p1 v1;
	v1 =	vbroadcast @!p1 v0, $0x8  }
0xef: {  	[tilespmem:$0x5370] =	vst @!p1 v2;
	v2 =	vbroadcast @!p1 v0, $0x9  }
0xf0: {  	[tilespmem:$0x5380] =	vst @!p1 v1;
	v1 =	vbroadcast @!p1 v0, $0xA  }
0xf1: {  	[tilespmem:$0x5390] =	vst @!p1 v2;
	v2 =	vbroadcast @!p1 v0, $0xB  }
0xf2: {  	[tilespmem:$0x53A0] =	vst @!p1 v1;
	v1 =	vbroadcast @!p1 v0, $0xC  }
0xf3: {  	[tilespmem:$0x53B0] =	vst @!p1 v2;
	v2 =	vbroadcast @!p1 v0, $0xD  }
0xf4: {  	[tilespmem:$0x53C0] =	vst @!p1 v1;
	v1 =	vbroadcast @!p1 v0, $0xE  }
0xf5: {  	[tilespmem:$0x53D0] =	vst @!p1 v2;
	v0 =	vbroadcast @!p1 v0, $0xF  }
0xf6: {  	[tilespmem:$0x53E0] =	vst @!p1 v1  }
0xf7: {  	[tilespmem:$0x53F0] =	vst @!p1 v0  }
0xf8: {  	v0 =	vld @!p1 [tilespmem:s11+$0x310];
	_ =	sdelay $0x4  }
0xf9: {  	v1 =	vbroadcast @!p1 v0, $0x0  }
0xfa: {  	v2 =	vbroadcast @!p1 v0, $0x1  }
0xfb: {  	[tilespmem:$0x5400] =	vst @!p1 v1;
	v1 =	vbroadcast @!p1 v0, $0x2  }
0xfc: {  	[tilespmem:$0x5410] =	vst @!p1 v2;
	v2 =	vbroadcast @!p1 v0, $0x3  }
0xfd: {  	[tilespmem:$0x5420] =	vst @!p1 v1;
	v1 =	vbroadcast @!p1 v0, $0x4  }
0xfe: {  	[tilespmem:$0x5430] =	vst @!p1 v2;
	v2 =	vbroadcast @!p1 v0, $0x5  }
0xff: {  	[tilespmem:$0x5440] =	vst @!p1 v1;
	v1 =	vbroadcast @!p1 v0, $0x6  }
0x100: {  	[tilespmem:$0x5450] =	vst @!p1 v2;
	v2 =	vbroadcast @!p1 v0, $0x7  }
0x101: {  	[tilespmem:$0x5460] =	vst @!p1 v1;
	v1 =	vbroadcast @!p1 v0, $0x8  }
0x102: {  	[tilespmem:$0x5470] =	vst @!p1 v2;
	v2 =	vbroadcast @!p1 v0, $0x9  }
0x103: {  	[tilespmem:$0x5480] =	vst @!p1 v1;
	v1 =	vbroadcast @!p1 v0, $0xA  }
0x104: {  	[tilespmem:$0x5490] =	vst @!p1 v2;
	v2 =	vbroadcast @!p1 v0, $0xB  }
0x105: {  	[tilespmem:$0x54A0] =	vst @!p1 v1;
	v1 =	vbroadcast @!p1 v0, $0xC  }
0x106: {  	[tilespmem:$0x54B0] =	vst @!p1 v2;
	v2 =	vbroadcast @!p1 v0, $0xD  }
0x107: {  	[tilespmem:$0x54C0] =	vst @!p1 v1;
	v1 =	vbroadcast @!p1 v0, $0xE  }
0x108: {  	[tilespmem:$0x54D0] =	vst @!p1 v2;
	v0 =	vbroadcast @!p1 v0, $0xF  }
0x109: {  	[tilespmem:$0x54E0] =	vst @!p1 v1  }
0x10a: {  	[tilespmem:$0x54F0] =	vst @!p1 v0  }
0x10b: {  	v0 =	vld @!p1 [tilespmem:s11+$0x320];
	_ =	sdelay $0x4  }
0x10c: {  	v1 =	vbroadcast @!p1 v0, $0x0  }
0x10d: {  	v2 =	vbroadcast @!p1 v0, $0x1  }
0x10e: {  	[tilespmem:$0x5500] =	vst @!p1 v1;
	v1 =	vbroadcast @!p1 v0, $0x2  }
0x10f: {  	[tilespmem:$0x5510] =	vst @!p1 v2;
	v2 =	vbroadcast @!p1 v0, $0x3  }
0x110: {  	[tilespmem:$0x5520] =	vst @!p1 v1;
	v1 =	vbroadcast @!p1 v0, $0x4  }
0x111: {  	[tilespmem:$0x5530] =	vst @!p1 v2;
	v2 =	vbroadcast @!p1 v0, $0x5  }
0x112: {  	[tilespmem:$0x5540] =	vst @!p1 v1;
	v1 =	vbroadcast @!p1 v0, $0x6  }
0x113: {  	[tilespmem:$0x5550] =	vst @!p1 v2;
	v2 =	vbroadcast @!p1 v0, $0x7  }
0x114: {  	[tilespmem:$0x5560] =	vst @!p1 v1;
	v1 =	vbroadcast @!p1 v0, $0x8  }
0x115: {  	[tilespmem:$0x5570] =	vst @!p1 v2;
	v2 =	vbroadcast @!p1 v0, $0x9  }
0x116: {  	[tilespmem:$0x5580] =	vst @!p1 v1;
	v1 =	vbroadcast @!p1 v0, $0xA  }
0x117: {  	[tilespmem:$0x5590] =	vst @!p1 v2;
	v2 =	vbroadcast @!p1 v0, $0xB  }
0x118: {  	[tilespmem:$0x55A0] =	vst @!p1 v1;
	v1 =	vbroadcast @!p1 v0, $0xC  }
0x119: {  	[tilespmem:$0x55B0] =	vst @!p1 v2;
	v2 =	vbroadcast @!p1 v0, $0xD  }
0x11a: {  	[tilespmem:$0x55C0] =	vst @!p1 v1;
	v1 =	vbroadcast @!p1 v0, $0xE  }
0x11b: {  	[tilespmem:$0x55D0] =	vst @!p1 v2;
	v0 =	vbroadcast @!p1 v0, $0xF  }
0x11c: {  	[tilespmem:$0x55E0] =	vst @!p1 v1  }
0x11d: {  	[tilespmem:$0x55F0] =	vst @!p1 v0  }
0x11e: {  	v0 =	vld @!p1 [tilespmem:s11+$0x330];
	_ =	sdelay $0x3  }
0x11f: {  	[dreg:$0xd] =	wrdreg s12;
	p2 =	slt.s32 @!p1 s5, s0  }
0x120: {  	s0 =	sshra.s32 @!p1 s30, $0x1F;
	p2 =	por !p2, p1;
	s11 =	simm.s32 @!p1 $0x1;
	v1 =	vbroadcast @!p1 v0, $0x0  }
0x121: {  	[smem:$0x7FD] =	sst s13;
	s12 =	sshrl.u32 @!p1 s0, $0x1C;
	s11 =	simm.s32 @p2 $0x0;
	v2 =	vbroadcast @!p1 v0, $0x1  }
0x122: {  	s13 =	simm.s32 @!p1 $0x1;
	s12 =	sadd.s32 @!p1 s12, s30;
	s0 =	sor.u32 @!p1 s11, s0;
	[tilespmem:$0x5600] =	vst @!p1 v1;
	v1 =	vbroadcast @!p1 v0, $0x2  }
0x123: {  	s11 =	sadd.s32 @!p1 $0xF, s31;
	p2 =	sne.s32 @!p1 s0, $0x1;
	s0 =	sand.u32 @!p1 $0xF, s1;
	[tilespmem:$0x5610] =	vst @!p1 v2;
	v2 =	vbroadcast @!p1 v0, $0x3  }
0x124: {  	s1 =	sand.u32 @!p1 $0xF, s11;
	p4 =	slt.s32 @!p1 s11, $0x1;
	p3 =	sne.s32 @!p1 s0, $0x0;
	[tilespmem:$0x5620] =	vst @!p1 v1;
	v1 =	vbroadcast @!p1 v0, $0x4  }
0x125: {  	p5 =	sne.s32 @!p1 s1, $0x0;
	s0 =	sshra.s32 @!p1 s12, $0x4;
	s1 =	simm.s32 @!p1 $0x1;
	[tilespmem:$0x5630] =	vst @!p1 v2;
	v2 =	vbroadcast @!p1 v0, $0x5  }
0x126: {  	s12 =	sshra.s32 @!p1 s11, $0x1F;
	p2 =	por @!p1 !p3, !p2;
	p3 =	por @!p1 !p4, !p5;
	[tilespmem:$0x5640] =	vst @!p1 v1;
	v1 =	vbroadcast @!p1 v0, $0x6  }
0x127: {  	s12 =	sshrl.u32 @!p1 s12, $0x1C;
	p2 =	por @!p1 !p2, !p2;
	p3 =	por @!p1 !p3, !p3;
	[tilespmem:$0x5650] =	vst @!p1 v2;
	v2 =	vbroadcast @!p1 v0, $0x7  }
0x128: {  	s11 =	sadd.s32 @!p1 s12, s11;
	p2 =	por !p2, p1;
	p3 =	por !p3, p1;
	[tilespmem:$0x5660] =	vst @!p1 v1;
	v1 =	vbroadcast @!p1 v0, $0x8  }
0x129: {  	s11 =	sshra.s32 @!p1 s11, $0x4;
	s13 =	simm.s32 @p2 $0x0;
	s1 =	simm.s32 @p3 $0x0;
	[tilespmem:$0x5670] =	vst @!p1 v2;
	v2 =	vbroadcast @!p1 v0, $0x9  }
0x12a: {  	s0 =	ssub.s32 @!p1 s0, s13;
	s1 =	ssub.s32 @!p1 s11, s1;
	[tilespmem:$0x5680] =	vst @!p1 v1;
	v1 =	vbroadcast @!p1 v0, $0xA  }
0x12b: {  	p2 =	sge.s32 @!p1 s0, s1;
	[tilespmem:$0x5690] =	vst @!p1 v2;
	v2 =	vbroadcast @!p1 v0, $0xB  }
0x12c: {  	p2 =	por p1, p2;
	[tilespmem:$0x56A0] =	vst @!p1 v1;
	v1 =	vbroadcast @!p1 v0, $0xC  }
.Ltmp9:
0x12d: {  	[tilespmem:$0x56B0] =	vst @!p1 v2;
	v2 =	vbroadcast @!p1 v0, $0xD;
	(pc) =	sbr.rel @p2 .LBB2_20-.Ltmp9, $4  }
0x12e: {  	[tilespmem:$0x56C0] =	vst @!p1 v1;
	v1 =	vbroadcast @!p1 v0, $0xE  }
0x12f: {  	[tilespmem:$0x56D0] =	vst @!p1 v2;
	v0 =	vbroadcast @!p1 v0, $0xF  }
0x130: {  	[tilespmem:$0x56E0] =	vst @!p1 v1  }
0x131: {  	[tilespmem:$0x56F0] =	vst @!p1 v0  }
.Ltmp10:
0x132: {  	(pc) =	sbr.rel .LBB2_11-.Ltmp10, $4  }
0x133: {  	_ = 	snop  }
0x134: {  	v0 =	vmov @!p1 s30  }
0x135: {  	s13 =	sshll.u32 s0, $0x4;
	[tilespmem:$0x1FDD0] =	vst v0;
	v0 =	vmov @!p1 s31  }
0x136: {  	s14 =	ssub.s32 $0x0, s13;
	[tilespmem:$0x1FDE0] =	vst v0  }
.LBB2_13:
0x137: {  	v5 =	vmovc v43;
	v6 =	vmov v45;
	v7 =	vmov v42;
	v8 =	vmov v44  }
.LBB2_18:
0x138: {  	v9 =	vld [tilespmem:s12+$0xFFFFFFD0]  }
0x139: {  	v13 =	vld [tilespmem:s12+$0xFFFFFFE0]  }
0x13a: {  	v14 =	vld [tilespmem:s12+$0xFFFFFFF0]  }
0x13b: {  	v15 =	vld [tilespmem:s12+$0x0]  }
0x13c: {  	v5 =	vmax.f32 @p1 v5, v10;
	v3 =	vmul.f32 @p1 v3, v12;
	v56 =	vld [tilespmem:s12+$0x10]  }
0x13d: {  	v6 =	vmax.f32 @p1 v6, v11;
	v4 =	vmul.f32 @p1 v4, v12;
	v57 =	vld [tilespmem:s12+$0x20];
	v5 =	vpsel p1, v5, v43  }
0x13e: {  	v6 =	vpsel p1, v6, v45;
	v2 =	vmul.f32 v2, v0;
	v3 =	vmax.f32 @p1 v7, v3  }
0x13f: {  	v4 =	vmax.f32 @p1 v8, v4;
	v1 =	vmul.f32 v1, v0;
	v3 =	vpsel p1, v3, v42  }
0x140: {  	v4 =	vpsel p1, v4, v44;
	v58 =	vmul.f32 v9, v0;
	v59 =	vmul.f32 v13, v0  }
0x141: {  	v41 =	vmax.f32 v41, v2;
	v60 =	vmul.f32 v14, v0;
	v61 =	vmul.f32 v15, v0  }
0x142: {  	v38 =	vmax.f32 v38, v1;
	v62 =	vmul.f32 v56, v0;
	v63 =	vmul.f32 v57, v0  }
0x143: {  	v39 =	vmax.f32 v39, v58;
	v40 =	vmax.f32 v40, v59;
	v43 =	vmax.f32 v5, v60  }
0x144: {  	v45 =	vmax.f32 v6, v61;
	v42 =	vmax.f32 v3, v62;
	v44 =	vmax.f32 v4, v63  }
.LBB2_19:
0x145: {  	[tilespmem:$0x15800] =	vst v38  }
0x146: {  	[tilespmem:$0x15810] =	vst v39;
	s0 =	sadd.s32 $0x1, s0  }
0x147: {  	[tilespmem:$0x15820] =	vst v40;
	p1 =	slt.s32 s0, s1  }
.Ltmp11:
0x148: {  	[tilespmem:$0x15830] =	vst v43;
	(pc) =	sbr.rel @!p1 .LBB2_20-.Ltmp11, $4  }
0x149: {  	[tilespmem:$0x15840] =	vst v45  }
0x14a: {  	[tilespmem:$0x15850] =	vst v42  }
0x14b: {  	[tilespmem:$0x15860] =	vst v44  }
0x14c: {  	[tilespmem:$0x15870] =	vst v41;
	s14 =	sadd.s32 $0xFFFFFFF0, s14;
	s13 =	sadd.s32 $0x10, s13  }
.LBB2_11:
0x14d: {  	v8 =	vld [tilespmem:$0x5300]  }
0x14e: {  	v0 =	vld [tilespmem:$0x1FE00]  }
0x14f: {  	v3 =	vld [tilespmem:$0x5310]  }
0x150: {  	v5 =	vld [tilespmem:$0x5320]  }
0x151: {  	v23 =	vld [tilespmem:$0x1FE10]  }
0x152: {  	v7 =	vld [tilespmem:$0x5330]  }
0x153: {  	v37 =	vld [tilespmem:$0x5340]  }
0x154: {  	v24 =	vld [tilespmem:$0x1FE20]  }
0x155: {  	v10 =	vld [tilespmem:$0x5350]  }
0x156: {  	v60 =	vld [tilespmem:$0x5360]  }
0x157: {  	v25 =	vld [tilespmem:$0x1FE30]  }
0x158: {  	v61 =	vld [tilespmem:$0x5370]  }
0x159: {  	v26 =	vld [tilespmem:$0x5380]  }
0x15a: {  	v28 =	vld [tilespmem:$0x1FE40]  }
0x15b: {  	v29 =	vld [tilespmem:$0x5390]  }
0x15c: {  	v31 =	vld [tilespmem:$0x53A0]  }
0x15d: {  	v32 =	vld [tilespmem:$0x1FE50]  }
0x15e: {  	v33 =	vld [tilespmem:$0x53B0]  }
0x15f: {  	v35 =	vld [tilespmem:$0x53C0]  }
0x160: {  	v36 =	vld [tilespmem:$0x1FE60]  }
0x161: {  	v38 =	vld [tilespmem:$0x53D0]  }
0x162: {  	v40 =	vld [tilespmem:$0x53E0]  }
0x163: {  	v41 =	vld [tilespmem:$0x1FE70]  }
0x164: {  	v56 =	vld [tilespmem:$0x53F0]  }
0x165: {  	v43 =	vld [tilespmem:$0x5400]  }
0x166: {  	v44 =	vld [tilespmem:$0x1FE80]  }
0x167: {  	v45 =	vld [tilespmem:$0x5410]  }
0x168: {  	v47 =	vld [tilespmem:$0x5420]  }
0x169: {  	v48 =	vld [tilespmem:$0x1FE90]  }
0x16a: {  	v57 =	vld [tilespmem:$0x5430]  }
0x16b: {  	v50 =	vld [tilespmem:$0x5440]  }
0x16c: {  	v51 =	vld [tilespmem:$0x1FEA0]  }
0x16d: {  	v53 =	vld [tilespmem:$0x5460]  }
0x16e: {  	v52 =	vld [tilespmem:$0x1FEB0]  }
0x16f: {  	v62 =	vld [tilespmem:$0x5470]  }
0x170: {  	v55 =	vld [tilespmem:$0x5480]  }
0x171: {  	v63 =	vld [tilespmem:$0x1FEC0]  }
0x172: {  	v14 =	vld [tilespmem:$0x1FED0]  }
0x173: {  	v15 =	vld [tilespmem:$0x1FEE0]  }
0x174: {  	v17 =	vld [tilespmem:$0x1FEF0]  }
0x175: {  	v18 =	vld [tilespmem:$0x1FF00]  }
0x176: {  	s11 =	sshll.u32 s0, $0x4;
	v20 =	vld [tilespmem:$0x5510]  }
0x177: {  	v19 =	vld [tilespmem:$0x1FF10];
	s12 =	sadd.s32 s26, s11  }
0x178: {  	v21 =	vld [tilespmem:$0x1FF20];
	s16 =	sand.u32 $0xFFFFFF80, s12;
	s12 =	sand.u32 $0x70, s11  }
0x179: {  	v22 =	vld [tilespmem:$0x1FF30];
	s16 =	sor.u32 s12, s16  }
0x17a: {  	v1 =	vld [tilespmem:s16+$0x5700]  }
0x17b: {  	[tilespmem:$0x1FD30] =	vst v47;
	v47 =	vld [tilespmem:$0x5490]  }
0x17c: {  	s5 =	rddreg [dreg:$0x13];
	[tilespmem:$0x1FD60] =	vst v50;
	v50 =	vld [tilespmem:$0x54D0]  }
0x17d: {  	s5 =	sadd.s32 s11, s5;
	[tilespmem:$0x1FCA0] =	vst v38;
	v38 =	vld [tilespmem:$0x54F0]  }
0x17e: {  	s16 =	sand.u32 $0xFFFFFF80, s5;
	[tilespmem:$0x1FC00] =	vst v26;
	v26 =	vld [tilespmem:$0x5560]  }
0x17f: {  	s16 =	sor.u32 s12, s16;
	[tilespmem:$0x1FC20] =	vst v29;
	v29 =	vld [tilespmem:$0x55A0]  }
0x180: {  	v4 =	vld [tilespmem:s16+$0x5700]  }
0x181: {  	v2 =	vld.idx.msk [tilespmem:v0+s11+$0x0 ss:$0x1], $0xffff  }
0x182: {  	v6 =	vld.idx.msk [tilespmem:v23+s11+$0x0 ss:$0x1], $0xffff  }
0x183: {  	v9 =	vld.idx.msk [tilespmem:v24+s11+$0x0 ss:$0x1], $0xffff  }
0x184: {  	v0 =	vld.idx.msk [tilespmem:v25+s11+$0x0 ss:$0x1], $0xffff  }
0x185: {  	v58 =	vld.idx.msk [tilespmem:v51+s11+$0x0 ss:$0x1], $0xffff  }
0x186: {  	v63 =	vld.idx.msk [tilespmem:v63+s11+$0x0 ss:$0x1], $0xffff  }
0x187: {  	s16 =	rddreg [dreg:$0x14];
	v51 =	vld.idx.msk [tilespmem:v17+s11+$0x0 ss:$0x1], $0xffff  }
0x188: {  	[tilespmem:$0x1FC60] =	vst v33;
	s5 =	sadd.s32 s11, s16;
	v33 =	vld.idx.msk [tilespmem:v18+s11+$0x0 ss:$0x1], $0xffff  }
0x189: {  	s16 =	sand.u32 $0xFFFFFF80, s5;
	v25 =	vld [tilespmem:$0x5520]  }
0x18a: {  	[tilespmem:$0x1FCF0] =	vst v43;
	v43 =	vld.idx.msk [tilespmem:v19+s11+$0x0 ss:$0x1], $0xffff;
	s16 =	sor.u32 s12, s16  }
0x18b: {  	v27 =	vld [tilespmem:s16+$0x5700];
	s16 =	rddreg [dreg:$0x15]  }
0x18c: {  	[tilespmem:$0x1FC40] =	vst v31;
	v31 =	vld.idx.msk [tilespmem:v21+s11+$0x0 ss:$0x1], $0xffff;
	s5 =	sadd.s32 s11, s16  }
0x18d: {  	v21 =	vld [tilespmem:$0x5550];
	s16 =	sand.u32 $0xFFFFFF80, s5  }
0x18e: {  	s16 =	sor.u32 s12, s16;
	[tilespmem:$0x1FBF0] =	vst v0;
	v0 =	vld.idx.msk [tilespmem:v28+s11+$0x0 ss:$0x1], $0xffff  }
0x18f: {  	v13 =	vld [tilespmem:s16+$0x5700];
	s16 =	rddreg [dreg:$0x16]  }
0x190: {  	v22 =	vld.idx.msk [tilespmem:v22+s11+$0x0 ss:$0x1], $0xffff;
	s5 =	sadd.s32 s11, s16  }
0x191: {  	v18 =	vld [tilespmem:$0x5580];
	s16 =	sand.u32 $0xFFFFFF80, s5  }
0x192: {  	v23 =	vld [tilespmem:$0x1FF40];
	s16 =	sor.u32 s12, s16  }
0x193: {  	v11 =	vld [tilespmem:s16+$0x5700]  }
0x194: {  	s16 =	rddreg [dreg:$0x17];
	[tilespmem:$0x1FC10] =	vst v0;
	v0 =	vld.idx.msk [tilespmem:v32+s11+$0x0 ss:$0x1], $0xffff  }
0x195: {  	v24 =	vld [tilespmem:$0x1FF50];
	s5 =	sadd.s32 s11, s16  }
0x196: {  	v17 =	vld [tilespmem:$0x55C0];
	s16 =	sand.u32 $0xFFFFFF80, s5  }
0x197: {  	[tilespmem:$0x1FD90] =	vst v55;
	v55 =	vmul.f32 v8, v1;
	v8 =	vld [tilespmem:$0x1FF60];
	s16 =	sor.u32 s12, s16  }
0x198: {  	v30 =	vld [tilespmem:s16+$0x5700];
	s16 =	rddreg [dreg:$0x18]  }
0x199: {  	v2 =	vmul.f32 v3, v2;
	s5 =	sadd.s32 s11, s16;
	[tilespmem:$0x1FC50] =	vst v0;
	v0 =	vld.idx.msk [tilespmem:v36+s11+$0x0 ss:$0x1], $0xffff  }
0x19a: {  	v3 =	vmul.f32 v5, v4;
	v4 =	vmul.f32 v7, v6;
	v7 =	vld [tilespmem:$0x1FF70];
	s16 =	sand.u32 $0xFFFFFF80, s5  }
0x19b: {  	v1 =	vmul.f32 v10, v9;
	v10 =	vld [tilespmem:$0x55F0];
	s16 =	sor.u32 s12, s16  }
0x19c: {  	v34 =	vld [tilespmem:s16+$0x5700];
	s16 =	rddreg [dreg:$0x19]  }
0x19d: {  	v9 =	vld [tilespmem:$0x1FC00];
	s5 =	sadd.s32 s11, s16  }
0x19e: {  	[tilespmem:$0x1FC90] =	vst v0;
	s16 =	sand.u32 $0xFFFFFF80, s5;
	v0 =	vld.idx.msk [tilespmem:v41+s11+$0x0 ss:$0x1], $0xffff  }
0x19f: {  	v6 =	vld [tilespmem:$0x5630];
	s16 =	sor.u32 s12, s16  }
0x1a0: {  	v39 =	vld [tilespmem:s16+$0x5700];
	s16 =	rddreg [dreg:$0x1a]  }
0x1a1: {  	v21 =	vmul.f32 v21, v31;
	v31 =	vld [tilespmem:$0x56E0];
	s5 =	sadd.s32 s11, s16  }
0x1a2: {  	v19 =	vld.idx.msk [tilespmem:v24+s11+$0x0 ss:$0x1], $0xffff;
	s16 =	sand.u32 $0xFFFFFF80, s5  }
0x1a3: {  	[tilespmem:$0x1FCD0] =	vst v0;
	s16 =	sor.u32 s12, s16;
	v0 =	vld.idx.msk [tilespmem:v44+s11+$0x0 ss:$0x1], $0xffff  }
0x1a4: {  	v42 =	vld [tilespmem:s16+$0x5700];
	s16 =	rddreg [dreg:$0x1b]  }
0x1a5: {  	v32 =	vld.idx.msk [tilespmem:v23+s11+$0x0 ss:$0x1], $0xffff;
	s5 =	sadd.s32 s11, s16  }
0x1a6: {  	v23 =	vld [tilespmem:$0x5590];
	s16 =	sand.u32 $0xFFFFFF80, s5  }
0x1a7: {  	v60 =	vmul.f32 v60, v13;
	v13 =	vld.idx.msk [tilespmem:v7+s11+$0x0 ss:$0x1], $0xffff;
	s16 =	sor.u32 s12, s16  }
0x1a8: {  	[tilespmem:$0x1FC80] =	vst v35;
	v3 =	vadd.f32 $0.0e+00, v3;
	v46 =	vld [tilespmem:s16+$0x5700]  }
0x1a9: {  	[tilespmem:$0x1FD00] =	vst v0;
	s16 =	rddreg [dreg:$0x1c];
	v0 =	vld.idx.msk [tilespmem:v48+s11+$0x0 ss:$0x1], $0xffff  }
0x1aa: {  	v3 =	vadd.f32 v60, v3;
	v60 =	vld [tilespmem:$0x1FC80];
	s5 =	sadd.s32 s11, s16  }
0x1ab: {  	v36 =	vld [tilespmem:$0x54B0];
	s16 =	sand.u32 $0xFFFFFF80, s5  }
0x1ac: {  	v48 =	vld.idx.msk [tilespmem:v14+s11+$0x0 ss:$0x1], $0xffff;
	s16 =	sor.u32 s12, s16  }
0x1ad: {  	v49 =	vld [tilespmem:s16+$0x5700]  }
0x1ae: {  	s16 =	rddreg [dreg:$0x1d];
	[tilespmem:$0x1FD40] =	vst v0;
	v0 =	vld.idx.msk [tilespmem:v52+s11+$0x0 ss:$0x1], $0xffff  }
0x1af: {  	v14 =	vld.idx.msk [tilespmem:v8+s11+$0x0 ss:$0x1], $0xffff;
	s5 =	sadd.s32 s11, s16  }
0x1b0: {  	v8 =	vld [tilespmem:$0x1FBF0];
	s16 =	sand.u32 $0xFFFFFF80, s5  }
0x1b1: {  	v38 =	vmul.f32 v38, v51;
	v51 =	vmul.f32 v23, v32;
	v23 =	vld [tilespmem:$0x1FFE0];
	s16 =	sor.u32 s12, s16  }
0x1b2: {  	v59 =	vld [tilespmem:s16+$0x5700]  }
0x1b3: {  	s16 =	rddreg [dreg:$0x1e];
	[tilespmem:$0x1FD70] =	vst v0;
	v0 =	vld.idx.msk [tilespmem:v15+s11+$0x0 ss:$0x1], $0xffff  }
0x1b4: {  	v7 =	vld [tilespmem:$0x1FC50];
	s5 =	sadd.s32 s11, s16  }
0x1b5: {  	v4 =	vadd.f32 $0.0e+00, v4;
	[tilespmem:$0x1FC30] =	vst v30;
	v30 =	vld [tilespmem:$0x5530];
	v61 =	vmul.f32 v61, v8;
	s16 =	sand.u32 $0xFFFFFF80, s5  }
0x1b6: {  	v41 =	vld [tilespmem:$0x5540];
	s5 =	sadd.s32 s11, s7;
	s16 =	sor.u32 s12, s16  }
0x1b7: {  	v4 =	vadd.f32 v61, v4;
	v54 =	vld [tilespmem:s16+$0x5700];
	s16 =	sand.u32 $0xFFFFFF80, s5  }
0x1b8: {  	v61 =	vld [tilespmem:$0x1FC30];
	s16 =	sor.u32 s12, s16;
	[tilespmem:$0x1FDB0] =	vst v0;
	v0 =	vadd.f32 $0.0e+00, v55;
	v55 =	vadd.f32 $0.0e+00, v2  }
0x1b9: {  	v12 =	vld [tilespmem:s16+$0x5700]  }
0x1ba: {  	v2 =	vadd.f32 v1, v55;
	v1 =	vmul.f32 v9, v11;
	v11 =	vld [tilespmem:$0x1FC10]  }
0x1bb: {  	v55 =	vld [tilespmem:$0x1FC20]  }
0x1bc: {  	[tilespmem:$0x1FCB0] =	vst v39;
	v9 =	vld [tilespmem:$0x1FC40]  }
0x1bd: {  	v39 =	vld [tilespmem:$0x5500];
	[tilespmem:$0x1FCE0] =	vst v42  }
0x1be: {  	v42 =	vld [tilespmem:$0x54C0];
	[tilespmem:$0x1FD20] =	vst v46  }
0x1bf: {  	v46 =	vld [tilespmem:$0x5450];
	[tilespmem:$0x1FDA0] =	vst v12;
	v12 =	vmul.f32 v37, v27  }
0x1c0: {  	v52 =	vld [tilespmem:$0x54E0]  }
0x1c1: {  	v8 =	vld [tilespmem:$0x1FC60];
	v5 =	vadd.f32 v12, v0;
	v0 =	vmul.f32 v55, v11;
	v55 =	vmul.f32 v9, v61  }
0x1c2: {  	[tilespmem:$0x1FC70] =	vst v34;
	v15 =	vld [tilespmem:$0x5570];
	s5 =	sadd.s32 s11, s8  }
0x1c3: {  	s16 =	sand.u32 $0xFFFFFF80, s5;
	v3 =	vadd.f32 v55, v3;
	v55 =	vld [tilespmem:$0x1FC70]  }
0x1c4: {  	v59 =	vmul.f32 v53, v59;
	v53 =	vld [tilespmem:$0x5640];
	s16 =	sor.u32 s12, s16  }
0x1c5: {  	[tilespmem:$0x1FD50] =	vst v49;
	v49 =	vld [tilespmem:s16+$0x5700]  }
0x1c6: {  	s5 =	sadd.s32 s11, s9;
	[tilespmem:$0x1FD80] =	vst v54;
	v54 =	vld [tilespmem:$0x54A0]  }
0x1c7: {  	s16 =	sand.u32 $0xFFFFFF80, s5;
	v1 =	vadd.f32 v1, v5;
	v5 =	vadd.f32 v0, v2;
	v0 =	vld [tilespmem:$0x1FC90]  }
0x1c8: {  	s5 =	sadd.s32 s11, s3;
	s16 =	sor.u32 s12, s16;
	v60 =	vmul.f32 v60, v55;
	v55 =	vld [tilespmem:$0x1FCA0]  }
0x1c9: {  	v16 =	vld [tilespmem:s16+$0x5700];
	s16 =	sand.u32 $0xFFFFFF80, s5  }
0x1ca: {  	s16 =	sor.u32 s12, s16;
	v37 =	vld [tilespmem:$0x55D0];
	v2 =	vmul.f32 v8, v7  }
0x1cb: {  	v44 =	vld [tilespmem:s16+$0x5700]  }
0x1cc: {  	[tilespmem:$0x1FCC0] =	vst v40;
	s5 =	sadd.s32 s11, s10;
	v2 =	vadd.f32 v2, v4;
	v4 =	vld [tilespmem:$0x1FCB0]  }
0x1cd: {  	s16 =	sand.u32 $0xFFFFFF80, s5;
	v0 =	vmul.f32 v55, v0;
	v55 =	vld [tilespmem:$0x1FCC0]  }
0x1ce: {  	v47 =	vmul.f32 v47, v63;
	s5 =	sadd.s32 s11, s17;
	v63 =	vld [tilespmem:$0x1FDA0];
	s16 =	sor.u32 s12, s16  }
0x1cf: {  	v40 =	vld [tilespmem:s16+$0x5700];
	s16 =	sand.u32 $0xFFFFFF80, s5  }
0x1d0: {  	v12 =	vld [tilespmem:$0x55E0];
	s5 =	sadd.s32 s11, s2;
	s16 =	sor.u32 s12, s16  }
0x1d1: {  	[tilespmem:$0x1FD10] =	vst v45;
	v45 =	vld [tilespmem:s16+$0x5700];
	s16 =	sand.u32 $0xFFFFFF80, s5  }
0x1d2: {  	s5 =	sadd.s32 s11, s19;
	s16 =	sor.u32 s12, s16;
	v4 =	vmul.f32 v55, v4;
	v55 =	vld [tilespmem:$0x1FCD0]  }
0x1d3: {  	v34 =	vld [tilespmem:s16+$0x5700];
	s16 =	sand.u32 $0xFFFFFF80, s5  }
0x1d4: {  	v49 =	vmul.f32 v42, v49;
	v42 =	vld [tilespmem:$0x5660];
	s16 =	sor.u32 s12, s16  }
0x1d5: {  	s5 =	sadd.s32 s11, s18;
	v28 =	vld [tilespmem:s16+$0x5700]  }
0x1d6: {  	s16 =	sand.u32 $0xFFFFFF80, s5;
	v1 =	vadd.f32 v60, v1;
	v60 =	vld [tilespmem:$0x1FCE0]  }
0x1d7: {  	s5 =	sadd.s32 s11, s4;
	s16 =	sor.u32 s12, s16;
	v56 =	vmul.f32 v56, v55;
	v55 =	vld [tilespmem:$0x1FCF0]  }
0x1d8: {  	v35 =	vld [tilespmem:s16+$0x5700];
	s16 =	sand.u32 $0xFFFFFF80, s5  }
0x1d9: {  	v61 =	vld [tilespmem:$0x5600];
	s16 =	sor.u32 s12, s16  }
0x1da: {  	s5 =	sadd.s32 s11, s21;
	v24 =	vld [tilespmem:s16+$0x5700]  }
0x1db: {  	s16 =	sand.u32 $0xFFFFFF80, s5;
	v2 =	vadd.f32 v56, v2;
	v56 =	vld [tilespmem:$0x1FD00]  }
0x1dc: {  	s5 =	sadd.s32 s11, s22;
	s16 =	sor.u32 s12, s16;
	v0 =	vadd.f32 v0, v5;
	v5 =	vmul.f32 v55, v60;
	v55 =	vld [tilespmem:$0x1FD10]  }
0x1dd: {  	v27 =	vld [tilespmem:s16+$0x5700];
	s16 =	sand.u32 $0xFFFFFF80, s5  }
0x1de: {  	v9 =	vld [tilespmem:$0x1FF80];
	s16 =	sor.u32 s12, s16  }
0x1df: {  	v11 =	vld [tilespmem:s16+$0x5700]  }
0x1e0: {  	s5 =	sadd.s32 s11, s23;
	v1 =	vadd.f32 v5, v1;
	v5 =	vld [tilespmem:$0x1FD20]  }
0x1e1: {  	s16 =	sand.u32 $0xFFFFFF80, s5;
	v3 =	vadd.f32 v4, v3;
	v4 =	vmul.f32 v55, v56;
	v55 =	vld [tilespmem:$0x1FD30]  }
0x1e2: {  	[tilespmem:$0x1FDC0] =	vst v16;
	v16 =	vld [tilespmem:$0x55B0];
	s5 =	sadd.s32 s11, s24;
	s16 =	sor.u32 s12, s16  }
0x1e3: {  	v7 =	vld [tilespmem:s16+$0x5700];
	s16 =	sand.u32 $0xFFFFFF80, s5  }
0x1e4: {  	v8 =	vld [tilespmem:$0x5610];
	s16 =	sor.u32 s12, s16  }
0x1e5: {  	v46 =	vmul.f32 v46, v58;
	s5 =	sadd.s32 s11, s25;
	v58 =	vld [tilespmem:s16+$0x5700]  }
0x1e6: {  	s16 =	sand.u32 $0xFFFFFF80, s5;
	v5 =	vmul.f32 v55, v5;
	v55 =	vld [tilespmem:$0x1FD40]  }
0x1e7: {  	v14 =	vmul.f32 v37, v14;
	v37 =	vld [tilespmem:$0x56F0];
	s16 =	sor.u32 s12, s16  }
0x1e8: {  	v36 =	vmul.f32 v36, v48;
	v48 =	vld [tilespmem:s16+$0x5700]  }
0x1e9: {  	v56 =	vld [tilespmem:$0x1FF90]  }
0x1ea: {  	s5 =	sadd.s32 s11, s6;
	v0 =	vadd.f32 v4, v0;
	v4 =	vld [tilespmem:$0x1FD50]  }
0x1eb: {  	s16 =	sand.u32 $0xFFFFFF80, s5;
	v57 =	vmul.f32 v57, v55;
	v55 =	vld [tilespmem:$0x1FD60]  }
0x1ec: {  	v9 =	vld.idx.msk [tilespmem:v9+s11+$0x0 ss:$0x1], $0xffff;
	s5 =	sadd.s32 s11, s20;
	s16 =	sor.u32 s12, s16  }
0x1ed: {  	v20 =	vmul.f32 v20, v33;
	v33 =	vld [tilespmem:s16+$0x5700];
	s16 =	sand.u32 $0xFFFFFF80, s5  }
0x1ee: {  	s16 =	sor.u32 s12, s16;
	v2 =	vadd.f32 v57, v2;
	v57 =	vld [tilespmem:$0x1FFA0]  }
0x1ef: {  	v41 =	vmul.f32 v41, v45;
	v45 =	vld [tilespmem:s16+$0x5700]  }
0x1f0: {  	v0 =	vadd.f32 v46, v0;
	v4 =	vmul.f32 v55, v4;
	v55 =	vld [tilespmem:$0x1FD70]  }
0x1f1: {  	v60 =	vld [tilespmem:$0x5620]  }
0x1f2: {  	v0 =	vadd.f32 v47, v0;
	v47 =	vld [tilespmem:$0x5670];
	v3 =	vadd.f32 v5, v3  }
0x1f3: {  	v56 =	vld.idx.msk [tilespmem:v56+s11+$0x0 ss:$0x1], $0xffff  }
0x1f4: {  	v3 =	vadd.f32 v59, v3;
	v59 =	vld [tilespmem:$0x1FD80]  }
0x1f5: {  	v1 =	vadd.f32 v4, v1;
	v4 =	vmul.f32 v62, v55;
	v62 =	vld [tilespmem:$0x1FD90]  }
0x1f6: {  	v46 =	vld.idx.msk [tilespmem:v57+s11+$0x0 ss:$0x1], $0xffff  }
0x1f7: {  	v57 =	vld [tilespmem:$0x5650]  }
0x1f8: {  	v15 =	vmul.f32 v15, v22;
	v55 =	vld [tilespmem:$0x1FFB0]  }
0x1f9: {  	v16 =	vmul.f32 v16, v19;
	v2 =	vadd.f32 v4, v2;
	v4 =	vmul.f32 v54, v63;
	v54 =	vld [tilespmem:$0x1FDB0]  }
0x1fa: {  	v8 =	vmul.f32 v8, v9;
	v5 =	vmul.f32 v62, v59;
	v59 =	vld [tilespmem:$0x1FDC0]  }
0x1fb: {  	v6 =	vmul.f32 v6, v56;
	v63 =	vmul.f32 v25, v40;
	v40 =	vld [tilespmem:$0x1FFC0]  }
0x1fc: {  	v62 =	vmul.f32 v39, v44;
	v39 =	vmul.f32 v30, v43;
	v43 =	vld [tilespmem:$0x5690]  }
0x1fd: {  	v3 =	vadd.f32 v4, v3;
	v2 =	vadd.f32 v36, v2;
	v44 =	vmul.f32 v26, v34;
	v26 =	vld [tilespmem:$0x56D0]  }
0x1fe: {  	v32 =	vmul.f32 v57, v46;
	v34 =	vld [tilespmem:$0x1FFF0];
	v1 =	vadd.f32 v5, v1;
	v4 =	vmul.f32 v50, v54  }
0x1ff: {  	v2 =	vadd.f32 v38, v2;
	v38 =	vld [tilespmem:$0x5680];
	v54 =	vmul.f32 v29, v35;
	v5 =	vmul.f32 v52, v59  }
0x200: {  	v29 =	vmul.f32 v53, v58;
	v1 =	vadd.f32 v49, v1;
	v0 =	vadd.f32 v4, v0;
	v52 =	vld [tilespmem:$0x1FFD0]  }
0x201: {  	v50 =	vld [tilespmem:$0x56A0];
	v35 =	vmul.f32 v42, v48;
	v2 =	vadd.f32 v39, v2;
	v3 =	vadd.f32 v5, v3  }
0x202: {  	s5 =	sadd.s32 s11, s28;
	v36 =	vld.idx.msk [tilespmem:v55+s11+$0x0 ss:$0x1], $0xffff;
	v49 =	vmul.f32 v18, v28;
	v1 =	vadd.f32 v62, v1;
	v0 =	vadd.f32 v20, v0  }
0x203: {  	s16 =	sand.u32 $0xFFFFFF80, s5;
	v55 =	vld [tilespmem:$0x56B0];
	v2 =	vadd.f32 v15, v2;
	v59 =	vmul.f32 v17, v24;
	v3 =	vadd.f32 v63, v3  }
0x204: {  	s16 =	sor.u32 s12, s16;
	v24 =	vmul.f32 v61, v11;
	v20 =	vld.idx.msk [tilespmem:v40+s11+$0x0 ss:$0x1], $0xffff;
	v1 =	vadd.f32 v41, v1;
	v0 =	vadd.f32 v21, v0  }
0x205: {  	v62 =	vld [tilespmem:s16+$0x5700];
	v2 =	vadd.f32 v16, v2;
	v21 =	vmul.f32 v10, v13;
	v3 =	vadd.f32 v44, v3  }
0x206: {  	s5 =	sadd.s32 s11, s29;
	v38 =	vmul.f32 v38, v33;
	v16 =	vld [tilespmem:$0x56C0];
	v1 =	vadd.f32 v49, v1;
	v0 =	vadd.f32 v51, v0  }
0x207: {  	s16 =	sand.u32 $0xFFFFFF80, s5;
	v10 =	vld.idx.msk [tilespmem:v23+s11+$0x0 ss:$0x1], $0xffff;
	v63 =	vmul.f32 v12, v27;
	v2 =	vadd.f32 v21, v2;
	v3 =	vadd.f32 v54, v3  }
0x208: {  	s12 =	sor.u32 s12, s16;
	v40 =	vmul.f32 v50, v45;
	v1 =	vadd.f32 v59, v1;
	v0 =	vadd.f32 v14, v0;
	v15 =	vld.idx.msk [tilespmem:v52+s11+$0x0 ss:$0x1], $0xffff  }
0x209: {  	v28 =	vld [tilespmem:s12+$0x5700];
	v27 =	vmul.f32 v60, v7;
	v2 =	vadd.f32 v6, v2;
	v3 =	vadd.f32 v63, v3  }
0x20a: {  	v36 =	vmul.f32 v47, v36;
	v6 =	vld.idx.msk [tilespmem:v34+s11+$0x0 ss:$0x1], $0xffff;
	v1 =	vadd.f32 v24, v1;
	v0 =	vadd.f32 v8, v0  }
0x20b: {  	v39 =	vmul.f32 v43, v20;
	v42 =	vmul.f32 v16, v62;
	v3 =	vadd.f32 v27, v3  }
0x20c: {  	v9 =	vmul.f32 v26, v10;
	v1 =	vadd.f32 v29, v1;
	v0 =	vadd.f32 v32, v0  }
0x20d: {  	v2 =	vadd.f32 v36, v2;
	v41 =	vmul.f32 v55, v15;
	v3 =	vadd.f32 v35, v3  }
0x20e: {  	v43 =	vmul.f32 v31, v28;
	v1 =	vadd.f32 v38, v1;
	v0 =	vadd.f32 v39, v0  }
0x20f: {  	v46 =	vld [tilespmem:$0x1FDD0];
	v6 =	vmul.f32 v37, v6;
	v2 =	vadd.f32 v41, v2;
	v3 =	vadd.f32 v40, v3  }
0x210: {  	v47 =	vld [tilespmem:$0x1FDE0];
	v1 =	vadd.f32 v42, v1;
	v0 =	vadd.f32 v9, v0  }
0x211: {  	v2 =	vadd.f32 v6, v2;
	v3 =	vadd.f32 v43, v3;
	_ =	sdelay $0x1  }
0x212: {  	v45 =	vlaneseq.u32;
	v0 =	vadd.f32 v0, v1;
	v44 =	vadd.f32 v2, v3  }
0x213: {  	v2 =	vor.u32 s11, v45  }
0x214: {  	vm0 =	vge.s32 v2, v46;
	vm1 =	vlt.s32 v2, v47;
	v0 =	vadd.f32 v44, v0  }
0x215: {  	vm0 =	vmand vm0, vm1  }
0x216: {  	v1 =	vnsel vm0, $0xFF7FC99E, v0  }
0x217: {  	(xrf0) =	vmax.scan.msk.f32 $0xffff, v1;
	_ =	sdelay $0x3  }
0x218: {  	v48 =	vld [tilespmem:$0x15700];
	_ =	sdelay $0x1  }
0x219: {  	v49, _, _ =	vpop (xrf0)  }
0x21a: {  	v51 =	vld [tilespmem:$0x1FDF0];
	v2 =	vbroadcast v49, $0xF;
	_ =	sdelay $0x1  }
0x21b: {  	v2 =	vmax.f32 v48, v2  }
0x21c: {  	v50 =	vsub.f32 v48, v2  }
0x21d: {  	v0 =	vsub.f32 v0, v2  }
0x21e: {  	v3 =	vmul.f32 v50, v51  }
0x21f: {  	v0 =	vmul.f32 v0, v51  }
0x220: {  	v3 =	vmul.f32 $1.442695020e+00, v3  }
0x221: {  	v0 =	vmul.f32 $1.442695020e+00, v0  }
0x222: {  	(erf) = vpow2.f32 v3  }
0x223: {  	(erf) = vpow2.f32 v0;
	_ =	sdelay $0x7  }
0x224: {  	v52 =	vpop (erf)  }
0x225: {  	v53 =	vpop (erf)  }
0x226: {  	v3 =	vnsel vm0, $0x0, v53  }
0x227: {  	(xrf2) =	vadd.scan.msk.f32 $0xffff, v3;
	_ =	sdelay $0x1  }
0x228: {  	v56 =	vld [tilespmem:$0x15810]  }
0x229: {  	v57 =	vld [tilespmem:$0x15820]  }
0x22a: {  	v58 =	vld [tilespmem:$0x15830]  }
0x22b: {  	v61 =	vld [tilespmem:$0x15850]  }
0x22c: {  	v54 =	vld [tilespmem:$0x15780]  }
0x22d: {  	s16 =	sadd.s32 $0x10, s11;
	v55 =	vld [tilespmem:$0x15800]  }
0x22e: {  	p1 =	sgt.s32 s30, s11;
	p2 =	slt.s32 s31, s16;
	v59 =	vld [tilespmem:$0x15840]  }
0x22f: {  	vm15 =	vlt.f32 v48, $-9.999999680e+37;
	s16 =	smov.u32 @p2 s31;
	v62 =	vld [tilespmem:$0x15860];
	s11 =	smov.u32 @p1 s30  }
0x230: {  	v63 =	vld [tilespmem:$0x15870];
	p1 =	sge.s32 s11, s16;
	v0 =	vsel vm15, $0x3F800000, v52;
	v60, _, _ =	vpop (xrf2)  }
.Ltmp12:
0x231: {  	v4 =	vmul.f32 v0, v54;
	v9 =	vbroadcast v60, $0xF;
	(pc) =	sbr.rel @p1 .LBB2_19-.Ltmp12, $4  }
0x232: {  	v38 =	vmul.f32 v0, v55;
	v39 =	vmul.f32 v0, v56  }
0x233: {  	[tilespmem:$0x15700] =	vst v2;
	v43 =	vmul.f32 v0, v58;
	v45 =	vmul.f32 v0, v59;
	v4 =	vadd.f32 v9, v4  }
0x234: {  	v42 =	vmul.f32 v0, v61;
	v44 =	vmul.f32 v0, v62;
	[tilespmem:$0x15880] =	vst v3  }
0x235: {  	v40 =	vmul.f32 v0, v57;
	v41 =	vmul.f32 v0, v63;
	[tilespmem:$0x15780] =	vst v4  }
0x236: {  	s12 =	sadd.s32 s11, s14  }
0x237: {  	v0 =	vmov s12;
	_ =	sdelay $0x2  }
0x238: {  	p1 =	sgt.s32 s13, s30;
	s11 =	sadd.s32 $0x1, s11;
	s12 =	smov.u32 s30  }
0x239: {  	p2 =	slt.s32 s11, s16;
	s12 =	smov.u32 @p1 s13  }
.Ltmp13:
0x23a: {  	s12 =	sshll.u32 s12, $0x9;
	v0 =	vld.idx.msk [tilespmem:v0+s15+$0x0], $0xffff;
	(pc) =	sbr.rel @!p2 .LBB2_13-.Ltmp13, $4  }
0x23b: {  	s5 =	rddreg [dreg:$0x1f];
	s12 =	sshra.s32 s12, $0x2  }
0x23c: {  	s12 =	sadd.s32 s12, s5  }
0x23d: {  	v2 =	vld [tilespmem:s12+$0x30]  }
0x23e: {  	p1 =	por $0x0, $0x0;
	v1 =	vld [tilespmem:s12+$0xFFFFFFC0]  }
0x23f: {  	s5 =	sadd.s32 s11, s14  }
0x240: {  	v6 =	vld [tilespmem:s12+$0xFFFFFFE0];
	v5 =	vmov s5  }
0x241: {  	v4 =	vld [tilespmem:s12+$0xFFFFFFD0]  }
0x242: {  	v7 =	vld [tilespmem:s12+$0xFFFFFFF0]  }
0x243: {  	v8 =	vld [tilespmem:s12+$0x0];
	s11 =	sadd.s32 $0x1, s11  }
0x244: {  	v3 =	vld [tilespmem:s12+$0x10];
	p2 =	slt.s32 s11, s16  }
.Ltmp14:
0x245: {  	v2 =	vmul.f32 v2, v0;
	v9 =	vld.idx.msk [tilespmem:v5+s15+$0x0], $0xffff;
	v5 =	vmul.f32 v6, v0;
	(pc) =	sbr.rel @!p2 .LBB2_15-.Ltmp14, $4  }
0x246: {  	v10 =	vmul.f32 v4, v0;
	v4 =	vld [tilespmem:s12+$0x20]  }
0x247: {  	v1 =	vmul.f32 v1, v0;
	s12 =	sadd.s32 $0x80, s12;
	v41 =	vmax.f32 v41, v2  }
0x248: {  	v11 =	vmul.f32 v8, v0;
	v8 =	vmovc v44;
	v2 =	vld [tilespmem:s12+$0x30];
	v39 =	vmax.f32 v39, v10;
	v10 =	vmul.f32 v7, v0  }
0x249: {  	p1 =	por $0x1, $0x1;
	v38 =	vmax.f32 v38, v1;
	v1 =	vld [tilespmem:s12+$0xFFFFFFC0];
	v6 =	vmovc v45;
	v7 =	vmovc v42;
	v40 =	vmax.f32 v40, v5;
	v5 =	vmov v43  }
.LBB2_16:
0x24a: {  	s5 =	sadd.s32 s11, s14;
	s11 =	sadd.s32 $0x1, s11;
	v12 =	vld [tilespmem:s12+$0xFFFFFFD0];
	v5 =	vmax.f32 v5, v10;
	v3 =	vmul.f32 v3, v0  }
0x24b: {  	v10 =	vmov s5;
	p2 =	slt.s32 s11, s16;
	v13 =	vld [tilespmem:s12+$0xFFFFFFE0];
	v6 =	vmax.f32 v6, v11;
	v4 =	vmul.f32 v4, v0  }
0x24c: {  	v11 =	vld [tilespmem:s12+$0xFFFFFFF0];
	v7 =	vmax.f32 v7, v3  }
0x24d: {  	v0 =	vmov v9;
	v14 =	vld [tilespmem:s12+$0x0];
	v2 =	vmul.f32 v2, v9;
	v8 =	vmax.f32 v8, v4  }
.Ltmp15:
0x24e: {  	v1 =	vmul.f32 v1, v0;
	v3 =	vld [tilespmem:s12+$0x10];
	(pc) =	sbr.rel @p2 .LBB2_16-.Ltmp15, $4  }
0x24f: {  	v12 =	vmul.f32 v12, v0;
	v4 =	vld [tilespmem:s12+$0x20];
	v41 =	vmax.f32 v41, v2  }
0x250: {  	s12 =	sadd.s32 $0x80, s12;
	v9 =	vld.idx.msk [tilespmem:v10+s15+$0x0], $0xffff;
	v38 =	vmax.f32 v38, v1;
	v13 =	vmul.f32 v13, v0  }
0x251: {  	v2 =	vld [tilespmem:s12+$0x30];
	v39 =	vmax.f32 v39, v12;
	v10 =	vmul.f32 v11, v0  }
0x252: {  	v1 =	vld [tilespmem:s12+$0xFFFFFFC0];
	v40 =	vmax.f32 v40, v13;
	v11 =	vmul.f32 v14, v0  }
.Ltmp16:
0x253: {  	(pc) =	sbr.rel .LBB2_18-.Ltmp16, $2  }
0x254: {  	_ =	sdelay $0x2  }
0x255: {  	v12 =	vmov v0;
	v0 =	vmov v9  }
.LBB2_15:
.Ltmp17:
0x256: {  	(pc) =	sbr.rel .LBB2_18-.Ltmp17, $3  }
0x257: {  	_ =	sdelay $0x1  }
0x258: {  	v12 =	vmov v0  }
0x259: {  	v5 =	vmovc v43;
	v6 =	vmovc v45;
	v7 =	vmov v42;
	v0 =	vmov v9;
	v8 =	vmov v44  }
.LBB2_7:
.Ltmp18:
0x25a: {  	(pc) =	sbr.rel .LBB2_5-.Ltmp18, $2  }
0x25b: {  	_ =	sdelay $0x2  }
0x25c: {  	s12 =	smov.u32 @p1 s12  }
.LBB2_23:
0x25d: {  	_ =	sfence.sel $0x180000  }
0x25e: {  	[bflag:$0x0] =	sbarrier.arrive $0xFFFF  }
0x25f: {  	_ =	strace $0x90000047  }
0x260: {  	s0 =	stileid.u32;
	[bflag:$0x2] =	sbarrier.arrive $0xFFFF  }
0x261: {  	p0 =	sne.s32 s0, $0x0;
	s0 =	rddreg [dreg:$0x3]  }
0x262: {  	s0 =	sadd.s32 @!p0 $0x100000, s0  }
0x263: {  	[sflag:s0] =	ssyncadd.tile.s32 @!p0 $0x1;
	_ =	shalt  }
.Lfunc_end2:
_tile_overlayer_lowered:
.L_overlay_start_2:
0x264: {  	(tag) =	ssettag $0x2  }
0x265: {  	s0 =	rddreg [dreg:$0x0];
	s2 =	stileid.u32  }
0x266: {  	s1 =	rddreg [dreg:$0x1];
	p0 =	sne.s32 s2, $0x0  }
0x267: {  	s3 =	rddreg [dreg:$0x2];
	[bflag:$0x3] =	sbarrier.arrive $0xFFFF;
	s2 =	simm.s32 @!p0 $0x1C05  }
0x268: {  	[timem:s3], [sflag:s2] =	dma.local @!p0 [hbm:s0], s1  }
0x269: {  	s0 =	simm.s32 @!p0 $0x5  }
0x26a: {  	_ =	swait.ge @!p0 [sflag:s0], s1  }
0x26b: {  	s1 =	ssub.s32 @!p0 $0x0, s1;
	[sflag:s0] =	ssyncset.done @!p0 $0x0  }
0x26c: {  	[sflag:s0] =	ssyncadd.s32 @!p0 s1  }
0x26d: {  	[bflag:$0x3] =	sbarrier.arrive $0xFFFF  }
0x26e: {  	_ =	shalt  }

</sc_bundles>
